<compile_context>
chip_gen: v7x
topology: tpu7x:2x2x1
jax: 0.10.2.dev20260603
libtpu: 0.0.44.dev20260713+nightly
codegen_flags: <defaults>
</compile_context>

<pallas_src>
import functools

import jax
import jax.numpy as jnp
from jax import lax
from jax.experimental import pallas as pl
from jax.experimental.pallas import tpu as pltpu
from jax.experimental.pallas import tpu_sc as plsc

F = 1024
BINS = 30
TOPK = 512
N = 32768
L = 16
NC = 2
NS = 16
NW = NC * NS
TROWS = N // NW

_MESH = plsc.VectorSubcoreMesh(core_axis_name="c", subcore_axis_name="s")
_NOLAYOUT = pltpu.CompilerParams(needs_layout_passes=False)


def _wid():
    return lax.axis_index("s") * NC + lax.axis_index("c")


RA = 32
NCH_A = TROWS // RA


def _mm_body(a_hbm, b_hbm, out_hbm, buf0, buf1, acc, sem0, sem1):
    wid = _wid()
    row0 = wid * TROWS
    inf = jnp.full((L,), jnp.inf, jnp.float32)
    ninf = jnp.full((L,), -jnp.inf, jnp.float32)

    def initg(g, _):
        for inp in range(2):
            acc[pl.ds(inp * 2 * F + g * L, L)] = inf
            acc[pl.ds(inp * 2 * F + F + g * L, L)] = ninf
        return 0

    lax.fori_loop(0, F // L, initg, 0)

    for inp, src in ((0, a_hbm), (1, b_hbm)):
        for b, (buf, sem) in enumerate(((buf0, sem0), (buf1, sem1))):
            pltpu.make_async_copy(
                src.at[pl.ds(row0 + b * RA, RA), :], buf, sem).start()

        def chunk(i, buf, sem):
            pltpu.make_async_copy(
                src.at[pl.ds(row0, RA), :], buf, sem).wait()

            def grp(g, _):
                col = g * L
                mnv = acc[pl.ds(inp * 2 * F + col, L)]
                mxv = acc[pl.ds(inp * 2 * F + F + col, L)]

                def rows(r, mm):
                    mn_, mx_ = mm
                    for u in range(8):
                        v = buf[r * 8 + u, pl.ds(col, L)]
                        mn_ = jnp.minimum(mn_, v)
                        mx_ = jnp.maximum(mx_, v)
                    return (mn_, mx_)

                mnv, mxv = lax.fori_loop(0, RA // 8, rows, (mnv, mxv))
                acc[pl.ds(inp * 2 * F + col, L)] = mnv
                acc[pl.ds(inp * 2 * F + F + col, L)] = mxv
                return 0

            lax.fori_loop(0, F // L, grp, 0)

            @pl.when(i + 2 < NCH_A)
            def _():
                pltpu.make_async_copy(
                    src.at[pl.ds(row0 + (i + 2) * RA, RA), :],
                    buf, sem).start()

        def outer(i2, _):
            chunk(2 * i2, buf0, sem0)
            chunk(2 * i2 + 1, buf1, sem1)
            return 0

        lax.fori_loop(0, NCH_A // 2, outer, 0)

    pltpu.sync_copy(acc, out_hbm.at[pl.ds(wid * 4 * F, 4 * F)])


_mm_call = functools.partial(
    pl.kernel,
    out_type=jax.ShapeDtypeStruct((NW * 4 * F,), jnp.float32),
    mesh=_MESH,
    scratch_types=[
        pltpu.VMEM((RA, F), jnp.float32),
        pltpu.VMEM((RA, F), jnp.float32),
        pltpu.VMEM((4 * F,), jnp.float32),
        pltpu.SemaphoreType.DMA,
        pltpu.SemaphoreType.DMA,
    ],
)(_mm_body)


RB = 32
NCH_B = TROWS // RB
NT = F * (BINS + 1)
NH = F * BINS


def _hist_body(a_hbm, b_hbm, mn_hbm, r30_hbm, thr_hbm, out_hbm,
               thrbuf, hist, mnbuf, r30buf, buf0, buf1, sem0, sem1):
    wid = _wid()
    row0 = wid * TROWS
    iotav = lax.iota(jnp.int32, L)
    ones = jnp.full((L,), 1.0, jnp.float32)
    zeros = jnp.full((L,), 0.0, jnp.float32)

    for inp, src in ((0, a_hbm), (1, b_hbm)):
        pltpu.sync_copy(mn_hbm.at[pl.ds(inp * F, F)], mnbuf)
        pltpu.sync_copy(r30_hbm.at[pl.ds(inp * F, F)], r30buf)
        pltpu.sync_copy(thr_hbm.at[pl.ds(inp * NT, NT)], thrbuf)

        def zg(z, _):
            hist[pl.ds(z * L, L)] = zeros
            return 0

        lax.fori_loop(0, NH // L, zg, 0)

        for b, (buf, sem) in enumerate(((buf0, sem0), (buf1, sem1))):
            pltpu.make_async_copy(
                src.at[pl.ds(row0 + b * RB, RB), :], buf, sem).start()

        def chunk(i, buf, sem):
            pltpu.make_async_copy(
                src.at[pl.ds(row0, RB), :], buf, sem).wait()

            @plsc.parallel_loop(0, F // L, step=1, unroll=2)
            def grp(g):
                col = g * L
                mnv = mnbuf[pl.ds(col, L)]
                rv = r30buf[pl.ds(col, L)]
                cb31p1 = (iotav + col) * (BINS + 1) + 1
                cb30 = (iotav + col) * BINS

                @plsc.parallel_loop(0, RB, step=1, unroll=16)
                def _(r):
                    v = buf[r, pl.ds(col, L)]
                    kg = ((v - mnv) * rv).astype(jnp.int32)
                    kg = jnp.minimum(kg, jnp.int32(BINS - 1))
                    thi = plsc.load_gather(thrbuf, [cb31p1 + kg])
                    ind = (v >= thi).astype(jnp.int32)
                    plsc.addupdate_scatter(hist, [cb30 + kg + ind], ones)

            @pl.when(i + 2 < NCH_B)
            def _():
                pltpu.make_async_copy(
                    src.at[pl.ds(row0 + (i + 2) * RB, RB), :],
                    buf, sem).start()

        def outer(i2, _):
            chunk(2 * i2, buf0, sem0)
            chunk(2 * i2 + 1, buf1, sem1)
            return 0

        lax.fori_loop(0, NCH_B // 2, outer, 0)

        pltpu.sync_copy(hist, out_hbm.at[pl.ds((wid * 2 + inp) * NH, NH)])


_hist_call = functools.partial(
    pl.kernel,
    out_type=jax.ShapeDtypeStruct((NW * 2 * NH,), jnp.float32),
    mesh=_MESH,
    compiler_params=_NOLAYOUT,
    scratch_types=[
        pltpu.VMEM((NT,), jnp.float32),
        pltpu.VMEM((NH,), jnp.float32),
        pltpu.VMEM((F,), jnp.float32),
        pltpu.VMEM((F,), jnp.float32),
        pltpu.VMEM((RB, F), jnp.float32),
        pltpu.VMEM((RB, F), jnp.float32),
        pltpu.SemaphoreType.DMA,
        pltpu.SemaphoreType.DMA,
    ],
)(_hist_body)


RC = 16
NCH_C = TROWS // RC


def _fuse_body(a_hbm, b_hbm, sel_hbm, out_hbm, selbuf,
               ab0, ab1, bb0, bb1, ob0, ob1,
               sa0, sa1, sb0, sb1, so0, so1):
    wid = _wid()
    row0 = wid * TROWS
    pltpu.sync_copy(sel_hbm, selbuf)

    obufs = ((ob0, so0), (ob1, so1))

    for b, (abuf, asem) in enumerate(((ab0, sa0), (ab1, sa1))):
        pltpu.make_async_copy(
            a_hbm.at[pl.ds(row0 + b * RC, RC), :], abuf, asem).start()
    for b, (bbuf, bsem) in enumerate(((bb0, sb0), (bb1, sb1))):
        pltpu.make_async_copy(
            b_hbm.at[pl.ds(row0 + b * RC, RC), :], bbuf, bsem).start()

    def chunk(i, ab, sa, bb, sb, ob, so):
        @pl.when(i >= 2)
        def _():
            pltpu.make_async_copy(
                ob, out_hbm.at[pl.ds(row0, RC), :], so).wait()

        pltpu.make_async_copy(
            a_hbm.at[pl.ds(row0, RC), :], ab, sa).wait()
        pltpu.make_async_copy(
            b_hbm.at[pl.ds(row0, RC), :], bb, sb).wait()

        def grp(g, _):
            idxv = selbuf[pl.ds(g * L, L)]

            @plsc.parallel_loop(0, RC, step=1, unroll=8)
            def _(r):
                rv = jnp.full((L,), 1, jnp.int32) * r
                ob[r, pl.ds(g * L, L)] = plsc.load_gather(ab, [rv, idxv])

            return 0

        lax.fori_loop(0, TOPK // L, grp, 0)

        def grpb(g, _):
            idxv = selbuf[pl.ds(TOPK + g * L, L)]

            @plsc.parallel_loop(0, RC, step=1, unroll=8)
            def _(r):
                rv = jnp.full((L,), 1, jnp.int32) * r
                ob[r, pl.ds(TOPK + g * L, L)] = plsc.load_gather(
                    bb, [rv, idxv])

            return 0

        lax.fori_loop(0, TOPK // L, grpb, 0)

        pltpu.make_async_copy(
            ob, out_hbm.at[pl.ds(row0 + i * RC, RC), :], so).start()

        @pl.when(i + 2 < NCH_C)
        def _():
            pltpu.make_async_copy(
                a_hbm.at[pl.ds(row0 + (i + 2) * RC, RC), :], ab, sa).start()
            pltpu.make_async_copy(
                b_hbm.at[pl.ds(row0 + (i + 2) * RC, RC), :], bb, sb).start()

    def outer(i2, _):
        chunk(2 * i2, ab0, sa0, bb0, sb0, ob0, so0)
        chunk(2 * i2 + 1, ab1, sa1, bb1, sb1, ob1, so1)
        return 0

    lax.fori_loop(0, NCH_C // 2, outer, 0)

    for b in range(2):
        pltpu.make_async_copy(
            obufs[b][0], out_hbm.at[pl.ds(row0, RC), :],
            obufs[b][1]).wait()


_fuse_call = functools.partial(
    pl.kernel,
    out_type=jax.ShapeDtypeStruct((N, F), jnp.float32),
    mesh=_MESH,
    compiler_params=_NOLAYOUT,
    scratch_types=[
        pltpu.VMEM((2 * TOPK,), jnp.int32),
        pltpu.VMEM((RC, F), jnp.float32),
        pltpu.VMEM((RC, F), jnp.float32),
        pltpu.VMEM((RC, F), jnp.float32),
        pltpu.VMEM((RC, F), jnp.float32),
        pltpu.VMEM((RC, F), jnp.float32),
        pltpu.VMEM((RC, F), jnp.float32),
        pltpu.SemaphoreType.DMA,
        pltpu.SemaphoreType.DMA,
        pltpu.SemaphoreType.DMA,
        pltpu.SemaphoreType.DMA,
        pltpu.SemaphoreType.DMA,
        pltpu.SemaphoreType.DMA,
    ],
)(_fuse_body)


def _thresholds(mn, mx, rng, safe):
    kvals = jnp.arange(1, BINS, dtype=jnp.float32)
    mn3 = mn[:, :, None]
    safe3 = safe[:, :, None]

    def gfun(x):
        norm = (x - mn3) / safe3
        return jnp.floor(norm * jnp.float32(BINS))

    def to_ord(f):
        u = lax.bitcast_convert_type(f, jnp.uint32)
        return jnp.where((u >> 31) != 0, ~u, u | jnp.uint32(0x80000000))

    def from_ord(o):
        u = jnp.where(o >= jnp.uint32(0x80000000),
                      o & jnp.uint32(0x7FFFFFFF), ~o)
        return lax.bitcast_convert_type(u, jnp.float32)

    sh = mn.shape + (BINS - 1,)
    lo = jnp.broadcast_to(to_ord(mn)[:, :, None], sh)
    hi = jnp.broadcast_to(to_ord(mx)[:, :, None], sh)

    def step(_, lh):
        lo, hi = lh
        mid = lo + (hi - lo) // 2
        ok = gfun(from_ord(mid)) >= kvals
        return (jnp.where(ok, lo, mid), jnp.where(ok, mid, hi))

    lo, hi = lax.fori_loop(0, 32, step, (lo, hi))
    t = from_ord(hi)
    t = jnp.where((rng == 0)[:, :, None], jnp.inf, t)
    neg = jnp.full(mn.shape + (1,), -jnp.inf, jnp.float32)
    pos = jnp.full(mn.shape + (1,), jnp.inf, jnp.float32)
    return jnp.concatenate([neg, t, pos], axis=2).reshape(-1)


def _entropy(c, rngv):
    p = c / c.sum(axis=1, keepdims=True)
    ent = -(p * jnp.log(p + 1e-12)).sum(axis=1)
    return jnp.where(rngv == 0, 0.0, ent)


def kernel(a, b):
    mmx = _mm_call(a, b).reshape(NW, 2, 2, F)
    mn = mmx[:, :, 0, :].min(axis=0)
    mx = mmx[:, :, 1, :].max(axis=0)
    rng = mx - mn
    safe = jnp.where(rng == 0, 1.0, rng)
    r30 = (jnp.float32(BINS) / safe) * jnp.float32(1.0 - 2.0 ** -19)
    thr = _thresholds(mn, mx, rng, safe)

    parts = _hist_call(a, b, mn.reshape(-1), r30.reshape(-1), thr)
    counts = parts.reshape(NW, 2, F, BINS).sum(axis=0)

    ha = _entropy(counts[0], rng[0])
    hb = _entropy(counts[1], rng[1])
    idx_a = jnp.argsort(-ha)[:TOPK]
    idx_b = jnp.argsort(-hb)[:TOPK]
    sel = jnp.concatenate([idx_a, idx_b]).astype(jnp.int32)

    return _fuse_call(a, b, sel)

# --- scband reference (transcript-rebuilt; emitter-appended) ---
"""Pipeline reference for scband-serial-based-feature-fusion-18159121727685 (READ-ONLY COPY).

The authoritative reference and input builder live on the scoring server;
editing this copy changes nothing except your own understanding.
"""

import jax, jax.numpy as jnp
import numpy as np

FEATURE_DIM = 1024
BINS = 30
TOP_K_A = 512
TOP_K_B = 512
N = 32768


def setup_inputs(seed: int = 0) -> dict:
    key = jax.random.key(seed)
    ka, kb = jax.random.split(key)
    a = jax.random.normal(ka, (N, FEATURE_DIM), dtype=jnp.float32)
    b = jax.random.normal(kb, (N, FEATURE_DIM), dtype=jnp.float32)
    return {"a": a, "b": b}


def _compute_entropy(x, bins):
    # Vectorized equivalent of the per-column torch.histc loop.
    n, f = x.shape
    mn = x.min(axis=0)
    mx = x.max(axis=0)
    rng = mx - mn
    safe = jnp.where(rng == 0, 1.0, rng)
    norm = (x - mn[None, :]) / safe[None, :]
    # torch.histc over [min, max]: values == max land in the last bin -> clip
    bin_idx = jnp.clip(jnp.floor(norm * bins).astype(jnp.int32), 0, bins - 1)
    flat = (bin_idx + bins * jnp.arange(f, dtype=jnp.int32)[None, :]).reshape(-1)
    counts = jnp.zeros(f * bins, dtype=jnp.float32).at[flat].add(1.0).reshape(f, bins)
    p = counts / counts.sum(axis=1, keepdims=True)
    ent = -(p * jnp.log(p + 1e-12)).sum(axis=1)
    # columns with min == max get entropy 0
    return jnp.where(rng == 0, 0.0, ent)


def reference(a, b):
    H_a = _compute_entropy(a, BINS)
    H_b = _compute_entropy(b, BINS)
    idx_a = jnp.argsort(-H_a)[:TOP_K_A]
    idx_b = jnp.argsort(-H_b)[:TOP_K_B]
    a_sel = jnp.take(a, idx_a, axis=1)
    b_sel = jnp.take(b, idx_b, axis=1)
    return jnp.concatenate([a_sel, b_sel], axis=1)

if __name__ == "__main__":
    import jax
    _d = setup_inputs()
    print(jax.jit(kernel)(*tuple(_d.values())))

</pallas_src>

<mosaic_0001>
#map = affine_map<(d0, d1) -> (0, 0)>
#map1 = affine_map<(d0, d1) -> (0)>
module attributes {stable_mosaic.version = 14 : i64} {
  func.func @_mm_body(%arg0: i32, %arg1: i32, %arg2: memref<32768x1024xf32, #tpu.memory_space<hbm>>, %arg3: memref<32768x1024xf32, #tpu.memory_space<hbm>>, %arg4: memref<131072xf32, #tpu.memory_space<hbm>>, %arg5: memref<32x1024xf32, #tpu.memory_space<vmem>>, %arg6: memref<32x1024xf32, #tpu.memory_space<vmem>>, %arg7: memref<4096xf32, #tpu.memory_space<vmem>>, %arg8: memref<!tpu.dma_semaphore, #tpu.memory_space<semaphore_mem>>, %arg9: memref<!tpu.dma_semaphore, #tpu.memory_space<semaphore_mem>>) attributes {dimension_semantics = [#tpu.dimension_semantics<core_parallel>, #tpu.dimension_semantics<subcore_parallel>], iteration_bounds = array<i64: 2, 16>, scalar_prefetch = 0 : i64, scratch_operands = 5 : i64, tpu.core_type = #tpu.core_type<sc_vector_subcore>, window_params = [{transform_indices = #map}, {transform_indices = #map}, {transform_indices = #map1}]} {
    %mul3A = arith.constant 2 : i32
    %mul3A_0 = arith.muli %arg1, %mul3A : i32
    %add3A = arith.addi %mul3A_0, %arg0 : i32
    %mul3A_1 = arith.constant 1024 : i32
    %mul3A_2 = arith.muli %add3A, %mul3A_1 : i32
    %broadcast_in_dim3A = arith.constant 0x7F800000 : f32
    %broadcast_in_dim3A_3 = vector.broadcast %broadcast_in_dim3A : f32 to vector<16xf32>
    %broadcast_in_dim3A_4 = arith.constant 0xFF800000 : f32
    %broadcast_in_dim3A_5 = vector.broadcast %broadcast_in_dim3A_4 : f32 to vector<16xf32>
    %scan3A = arith.constant 0 : i32
    %scan3A_6 = arith.constant 0 : i32
    %scan3A_7 = arith.constant 64 : i32
    %scan3A_8 = arith.addi %scan3A_6, %scan3A_7 : i32
    %scan3A_9 = arith.constant 1 : i32
    %scan3A_10 = scf.for %scan3A_53 = %scan3A_6 to %scan3A_8 step %scan3A_9 iter_args(%scan3A_54 = %scan3A) -> (i32)  : i32 {
      %mul3A_55 = arith.constant 16 : i32
      %mul3A_56 = arith.muli %scan3A_53, %mul3A_55 : i32
      %add3A_57 = arith.constant 0 : i32
      %add3A_58 = arith.addi %add3A_57, %mul3A_56 : i32
      %swap3A = arith.index_cast %add3A_58 : i32 to index
      %swap3A_59 = tpu.vector_load %arg7[%swap3A] {strides = array<i32>} : memref<4096xf32, #tpu.memory_space<vmem>>, vector<16xf32>,
      %swap3A_60 = vector.shape_cast %swap3A_59 : vector<16xf32> to vector<16xf32>
      %swap3A_61 = vector.shape_cast %broadcast_in_dim3A_3 : vector<16xf32> to vector<16xf32>
      tpu.vector_store %arg7[%swap3A], %swap3A_61 {strides = array<i32>} : memref<4096xf32, #tpu.memory_space<vmem>>, vector<16xf32>,
      %mul3A_62 = arith.constant 16 : i32
      %mul3A_63 = arith.muli %scan3A_53, %mul3A_62 : i32
      %add3A_64 = arith.constant 1024 : i32
      %add3A_65 = arith.addi %add3A_64, %mul3A_63 : i32
      %swap3A_66 = arith.index_cast %add3A_65 : i32 to index
      %swap3A_67 = tpu.vector_load %arg7[%swap3A_66] {strides = array<i32>} : memref<4096xf32, #tpu.memory_space<vmem>>, vector<16xf32>,
      %swap3A_68 = vector.shape_cast %swap3A_67 : vector<16xf32> to vector<16xf32>
      %swap3A_69 = vector.shape_cast %broadcast_in_dim3A_5 : vector<16xf32> to vector<16xf32>
      tpu.vector_store %arg7[%swap3A_66], %swap3A_69 {strides = array<i32>} : memref<4096xf32, #tpu.memory_space<vmem>>, vector<16xf32>,
      %mul3A_70 = arith.constant 16 : i32
      %mul3A_71 = arith.muli %scan3A_53, %mul3A_70 : i32
      %add3A_72 = arith.constant 2048 : i32
      %add3A_73 = arith.addi %add3A_72, %mul3A_71 : i32
      %swap3A_74 = arith.index_cast %add3A_73 : i32 to index
      %swap3A_75 = tpu.vector_load %arg7[%swap3A_74] {strides = array<i32>} : memref<4096xf32, #tpu.memory_space<vmem>>, vector<16xf32>,
      %swap3A_76 = vector.shape_cast %swap3A_75 : vector<16xf32> to vector<16xf32>
      %swap3A_77 = vector.shape_cast %broadcast_in_dim3A_3 : vector<16xf32> to vector<16xf32>
      tpu.vector_store %arg7[%swap3A_74], %swap3A_77 {strides = array<i32>} : memref<4096xf32, #tpu.memory_space<vmem>>, vector<16xf32>,
      %mul3A_78 = arith.constant 16 : i32
      %mul3A_79 = arith.muli %scan3A_53, %mul3A_78 : i32
      %add3A_80 = arith.constant 3072 : i32
      %add3A_81 = arith.addi %add3A_80, %mul3A_79 : i32
      %swap3A_82 = arith.index_cast %add3A_81 : i32 to index
      %swap3A_83 = tpu.vector_load %arg7[%swap3A_82] {strides = array<i32>} : memref<4096xf32, #tpu.memory_space<vmem>>, vector<16xf32>,
      %swap3A_84 = vector.shape_cast %swap3A_83 : vector<16xf32> to vector<16xf32>
      %swap3A_85 = vector.shape_cast %broadcast_in_dim3A_5 : vector<16xf32> to vector<16xf32>
      tpu.vector_store %arg7[%swap3A_82], %swap3A_85 {strides = array<i32>} : memref<4096xf32, #tpu.memory_space<vmem>>, vector<16xf32>,
      %scan3A_86 = arith.constant 0 : i32
      scf.yield %scan3A_86 : i32
    }
    %scan3A_11 = arith.constant 64 : i32
    %add3A_12 = arith.constant 0 : i32
    %add3A_13 = arith.addi %mul3A_2, %add3A_12 : i32
    %dma_start3A = arith.constant 0 : i32
    %dma_start3A_14 = tpu.memref_slice %arg2[%add3A_13, %dma_start3A] : memref<32768x1024xf32, #tpu.memory_space<hbm>> -> memref<32x1024xf32, #tpu.memory_space<hbm>>
    %dma_start3A_15 = arith.constant 0 : i32
    %dma_start3A_16 = tpu.memref_slice %arg2[%add3A_13, %dma_start3A_15] : memref<32768x1024xf32, #tpu.memory_space<hbm>> -> memref<32x1024xf32, #tpu.memory_space<hbm>>
    tpu.enqueue_dma source(%dma_start3A_16 : memref<32x1024xf32, #tpu.memory_space<hbm>>) target(%arg5 : memref<32x1024xf32, #tpu.memory_space<vmem>>) target_semaphore(%arg8 : memref<!tpu.dma_semaphore, #tpu.memory_space<semaphore_mem>>)
    %add3A_17 = arith.constant 32 : i32
    %add3A_18 = arith.addi %mul3A_2, %add3A_17 : i32
    %dma_start3A_19 = arith.constant 0 : i32
    %dma_start3A_20 = tpu.memref_slice %arg2[%add3A_18, %dma_start3A_19] : memref<32768x1024xf32, #tpu.memory_space<hbm>> -> memref<32x1024xf32, #tpu.memory_space<hbm>>
    %dma_start3A_21 = arith.constant 0 : i32
    %dma_start3A_22 = tpu.memref_slice %arg2[%add3A_18, %dma_start3A_21] : memref<32768x1024xf32, #tpu.memory_space<hbm>> -> memref<32x1024xf32, #tpu.memory_space<hbm>>
    tpu.enqueue_dma source(%dma_start3A_22 : memref<32x1024xf32, #tpu.memory_space<hbm>>) target(%arg6 : memref<32x1024xf32, #tpu.memory_space<vmem>>) target_semaphore(%arg9 : memref<!tpu.dma_semaphore, #tpu.memory_space<semaphore_mem>>)
    %scan3A_23 = arith.constant 0 : i32
    %scan3A_24 = arith.constant 0 : i32
    %scan3A_25 = arith.constant 16 : i32
    %scan3A_26 = arith.addi %scan3A_24, %scan3A_25 : i32
    %scan3A_27 = arith.constant 1 : i32
    %scan3A_28 = scf.for %scan3A_53 = %scan3A_24 to %scan3A_26 step %scan3A_27 iter_args(%scan3A_54 = %scan3A_23) -> (i32)  : i32 {
      %mul3A_55 = arith.constant 2 : i32
      %mul3A_56 = arith.muli %mul3A_55, %scan3A_53 : i32
      %dma_wait3A = arith.constant 0 : i32
      %dma_wait3A_57 = tpu.memref_slice %arg2[%mul3A_2, %dma_wait3A] : memref<32768x1024xf32, #tpu.memory_space<hbm>> -> memref<32x1024xf32, #tpu.memory_space<hbm>>
      %dma_wait3A_58 = arith.constant 0 : i32
      %dma_wait3A_59 = tpu.memref_slice %arg2[%mul3A_2, %dma_wait3A_58] : memref<32768x1024xf32, #tpu.memory_space<hbm>> -> memref<32x1024xf32, #tpu.memory_space<hbm>>
      tpu.wait_dma2 semaphore(%arg8 : memref<!tpu.dma_semaphore, #tpu.memory_space<semaphore_mem>>) src(%dma_wait3A_59 : memref<32x1024xf32, #tpu.memory_space<hbm>>) dst(%arg5 : memref<32x1024xf32, #tpu.memory_space<vmem>>)
      %scan3A_60 = arith.constant 0 : i32
      %scan3A_61 = arith.constant 0 : i32
      %scan3A_62 = arith.constant 64 : i32
      %scan3A_63 = arith.addi %scan3A_61, %scan3A_62 : i32
      %scan3A_64 = arith.constant 1 : i32
      %scan3A_65 = scf.for %scan3A_94 = %scan3A_61 to %scan3A_63 step %scan3A_64 iter_args(%scan3A_95 = %scan3A_60) -> (i32)  : i32 {
        %mul3A_96 = arith.constant 16 : i32
        %mul3A_97 = arith.muli %scan3A_94, %mul3A_96 : i32
        %add3A_98 = arith.constant 0 : i32
        %add3A_99 = arith.addi %add3A_98, %mul3A_97 : i32
        %get3A = arith.index_cast %add3A_99 : i32 to index
        %get3A_100 = tpu.vector_load %arg7[%get3A] {strides = array<i32>} : memref<4096xf32, #tpu.memory_space<vmem>>, vector<16xf32>,
        %get3A_101 = vector.shape_cast %get3A_100 : vector<16xf32> to vector<16xf32>
        %add3A_102 = arith.constant 1024 : i32
        %add3A_103 = arith.addi %add3A_102, %mul3A_97 : i32
        %get3A_104 = arith.index_cast %add3A_103 : i32 to index
        %get3A_105 = tpu.vector_load %arg7[%get3A_104] {strides = array<i32>} : memref<4096xf32, #tpu.memory_space<vmem>>, vector<16xf32>,
        %get3A_106 = vector.shape_cast %get3A_105 : vector<16xf32> to vector<16xf32>
        %scan3A_107 = arith.constant 0 : i32
        %scan3A_108 = arith.constant 4 : i32
        %scan3A_109 = arith.addi %scan3A_107, %scan3A_108 : i32
        %scan3A_110 = arith.constant 1 : i32
        %scan3A_111:2 = scf.for %scan3A_125 = %scan3A_107 to %scan3A_109 step %scan3A_110 iter_args(%scan3A_126 = %get3A_101, %scan3A_127 = %get3A_106) -> (vector<16xf32>, vector<16xf32>)  : i32 {
          %mul3A_128 = arith.constant 8 : i32
          %mul3A_129 = arith.muli %scan3A_125, %mul3A_128 : i32
          %add3A_130 = arith.constant 0 : i32
          %add3A_131 = arith.addi %mul3A_129, %add3A_130 : i32
          %get3A_132 = arith.index_cast %add3A_131 : i32 to index
          %get3A_133 = arith.index_cast %mul3A_97 : i32 to index
          %get3A_134 = tpu.vector_load %arg5[%get3A_132, %get3A_133] {strides = array<i32>} : memref<32x1024xf32, #tpu.memory_space<vmem>>, vector<1x16xf32>,
          %get3A_135 = vector.shape_cast %get3A_134 : vector<1x16xf32> to vector<16xf32>
          %min3A = arith.minimumf %scan3A_126, %get3A_135 : vector<16xf32>
          %max3A = arith.maximumf %scan3A_127, %get3A_135 : vector<16xf32>
          %mul3A_136 = arith.constant 8 : i32
          %mul3A_137 = arith.muli %scan3A_125, %mul3A_136 : i32
          %add3A_138 = arith.constant 1 : i32
          %add3A_139 = arith.addi %mul3A_137, %add3A_138 : i32
          %get3A_140 = arith.index_cast %add3A_139 : i32 to index
          %get3A_141 = arith.index_cast %mul3A_97 : i32 to index
          %get3A_142 = tpu.vector_load %arg5[%get3A_140, %get3A_141] {strides = array<i32>} : memref<32x1024xf32, #tpu.memory_space<vmem>>, vector<1x16xf32>,
          %get3A_143 = vector.shape_cast %get3A_142 : vector<1x16xf32> to vector<16xf32>
          %min3A_144 = arith.minimumf %min3A, %get3A_143 : vector<16xf32>
          %max3A_145 = arith.maximumf %max3A, %get3A_143 : vector<16xf32>
          %mul3A_146 = arith.constant 8 : i32
          %mul3A_147 = arith.muli %scan3A_125, %mul3A_146 : i32
          %add3A_148 = arith.constant 2 : i32
          %add3A_149 = arith.addi %mul3A_147, %add3A_148 : i32
          %get3A_150 = arith.index_cast %add3A_149 : i32 to index
          %get3A_151 = arith.index_cast %mul3A_97 : i32 to index
          %get3A_152 = tpu.vector_load %arg5[%get3A_150, %get3A_151] {strides = array<i32>} : memref<32x1024xf32, #tpu.memory_space<vmem>>, vector<1x16xf32>,
          %get3A_153 = vector.shape_cast %get3A_152 : vector<1x16xf32> to vector<16xf32>
          %min3A_154 = arith.minimumf %min3A_144, %get3A_153 : vector<16xf32>
          %max3A_155 = arith.maximumf %max3A_145, %get3A_153 : vector<16xf32>
          %mul3A_156 = arith.constant 8 : i32
          %mul3A_157 = arith.muli %scan3A_125, %mul3A_156 : i32
          %add3A_158 = arith.constant 3 : i32
          %add3A_159 = arith.addi %mul3A_157, %add3A_158 : i32
          %get3A_160 = arith.index_cast %add3A_159 : i32 to index
          %get3A_161 = arith.index_cast %mul3A_97 : i32 to index
          %get3A_162 = tpu.vector_load %arg5[%get3A_160, %get3A_161] {strides = array<i32>} : memref<32x1024xf32, #tpu.memory_space<vmem>>, vector<1x16xf32>,
          %get3A_163 = vector.shape_cast %get3A_162 : vector<1x16xf32> to vector<16xf32>
          %min3A_164 = arith.minimumf %min3A_154, %get3A_163 : vector<16xf32>
          %max3A_165 = arith.maximumf %max3A_155, %get3A_163 : vector<16xf32>
          %mul3A_166 = arith.constant 8 : i32
          %mul3A_167 = arith.muli %scan3A_125, %mul3A_166 : i32
          %add3A_168 = arith.constant 4 : i32
          %add3A_169 = arith.addi %mul3A_167, %add3A_168 : i32
          %get3A_170 = arith.index_cast %add3A_169 : i32 to index
          %get3A_171 = arith.index_cast %mul3A_97 : i32 to index
          %get3A_172 = tpu.vector_load %arg5[%get3A_170, %get3A_171] {strides = array<i32>} : memref<32x1024xf32, #tpu.memory_space<vmem>>, vector<1x16xf32>,
          %get3A_173 = vector.shape_cast %get3A_172 : vector<1x16xf32> to vector<16xf32>
          %min3A_174 = arith.minimumf %min3A_164, %get3A_173 : vector<16xf32>
          %max3A_175 = arith.maximumf %max3A_165, %get3A_173 : vector<16xf32>
          %mul3A_176 = arith.constant 8 : i32
          %mul3A_177 = arith.muli %scan3A_125, %mul3A_176 : i32
          %add3A_178 = arith.constant 5 : i32
          %add3A_179 = arith.addi %mul3A_177, %add3A_178 : i32
          %get3A_180 = arith.index_cast %add3A_179 : i32 to index
          %get3A_181 = arith.index_cast %mul3A_97 : i32 to index
          %get3A_182 = tpu.vector_load %arg5[%get3A_180, %get3A_181] {strides = array<i32>} : memref<32x1024xf32, #tpu.memory_space<vmem>>, vector<1x16xf32>,
          %get3A_183 = vector.shape_cast %get3A_182 : vector<1x16xf32> to vector<16xf32>
          %min3A_184 = arith.minimumf %min3A_174, %get3A_183 : vector<16xf32>
          %max3A_185 = arith.maximumf %max3A_175, %get3A_183 : vector<16xf32>
          %mul3A_186 = arith.constant 8 : i32
          %mul3A_187 = arith.muli %scan3A_125, %mul3A_186 : i32
          %add3A_188 = arith.constant 6 : i32
          %add3A_189 = arith.addi %mul3A_187, %add3A_188 : i32
          %get3A_190 = arith.index_cast %add3A_189 : i32 to index
          %get3A_191 = arith.index_cast %mul3A_97 : i32 to index
          %get3A_192 = tpu.vector_load %arg5[%get3A_190, %get3A_191] {strides = array<i32>} : memref<32x1024xf32, #tpu.memory_space<vmem>>, vector<1x16xf32>,
          %get3A_193 = vector.shape_cast %get3A_192 : vector<1x16xf32> to vector<16xf32>
          %min3A_194 = arith.minimumf %min3A_184, %get3A_193 : vector<16xf32>
          %max3A_195 = arith.maximumf %max3A_185, %get3A_193 : vector<16xf32>
          %mul3A_196 = arith.constant 8 : i32
          %mul3A_197 = arith.muli %scan3A_125, %mul3A_196 : i32
          %add3A_198 = arith.constant 7 : i32
          %add3A_199 = arith.addi %mul3A_197, %add3A_198 : i32
          %get3A_200 = arith.index_cast %add3A_199 : i32 to index
          %get3A_201 = arith.index_cast %mul3A_97 : i32 to index
          %get3A_202 = tpu.vector_load %arg5[%get3A_200, %get3A_201] {strides = array<i32>} : memref<32x1024xf32, #tpu.memory_space<vmem>>, vector<1x16xf32>,
          %get3A_203 = vector.shape_cast %get3A_202 : vector<1x16xf32> to vector<16xf32>
          %min3A_204 = arith.minimumf %min3A_194, %get3A_203 : vector<16xf32>
          %max3A_205 = arith.maximumf %max3A_195, %get3A_203 : vector<16xf32>
          scf.yield %min3A_204, %max3A_205 : vector<16xf32>, vector<16xf32>
        }
        %scan3A_112 = arith.constant 4 : i32
        %add3A_113 = arith.constant 0 : i32
        %add3A_114 = arith.addi %add3A_113, %mul3A_97 : i32
        %swap3A = arith.index_cast %add3A_114 : i32 to index
        %swap3A_115 = tpu.vector_load %arg7[%swap3A] {strides = array<i32>} : memref<4096xf32, #tpu.memory_space<vmem>>, vector<16xf32>,
        %swap3A_116 = vector.shape_cast %swap3A_115 : vector<16xf32> to vector<16xf32>
        %swap3A_117 = vector.shape_cast %scan3A_111#0 : vector<16xf32> to vector<16xf32>
        tpu.vector_store %arg7[%swap3A], %swap3A_117 {strides = array<i32>} : memref<4096xf32, #tpu.memory_space<vmem>>, vector<16xf32>,
        %add3A_118 = arith.constant 1024 : i32
        %add3A_119 = arith.addi %add3A_118, %mul3A_97 : i32
        %swap3A_120 = arith.index_cast %add3A_119 : i32 to index
        %swap3A_121 = tpu.vector_load %arg7[%swap3A_120] {strides = array<i32>} : memref<4096xf32, #tpu.memory_space<vmem>>, vector<16xf32>,
        %swap3A_122 = vector.shape_cast %swap3A_121 : vector<16xf32> to vector<16xf32>
        %swap3A_123 = vector.shape_cast %scan3A_111#1 : vector<16xf32> to vector<16xf32>
        tpu.vector_store %arg7[%swap3A_120], %swap3A_123 {strides = array<i32>} : memref<4096xf32, #tpu.memory_space<vmem>>, vector<16xf32>,
        %scan3A_124 = arith.constant 0 : i32
        scf.yield %scan3A_124 : i32
      }
      %scan3A_66 = arith.constant 64 : i32
      %add3A_67 = arith.constant 2 : i32
      %add3A_68 = arith.addi %mul3A_56, %add3A_67 : i32
      %lt3A = arith.constant 32 : i32
      %lt3A_69 = arith.cmpi slt, %add3A_68, %lt3A : i32
      %convert_element_type3A = arith.extui %lt3A_69 : i1 to i32
      %cond3A = arith.constant 0 : i32
      %cond3A_70 = arith.cmpi ne, %convert_element_type3A, %cond3A : i32
      scf.if %cond3A_70 {
        %add3A_94 = arith.constant 2 : i32
        %add3A_95 = arith.addi %mul3A_56, %add3A_94 : i32
        %mul3A_96 = arith.constant 32 : i32
        %mul3A_97 = arith.muli %add3A_95, %mul3A_96 : i32
        %add3A_98 = arith.addi %mul3A_2, %mul3A_97 : i32
        %dma_start3A_99 = arith.constant 0 : i32
        %dma_start3A_100 = tpu.memref_slice %arg2[%add3A_98, %dma_start3A_99] : memref<32768x1024xf32, #tpu.memory_space<hbm>> -> memref<32x1024xf32, #tpu.memory_space<hbm>>
        %dma_start3A_101 = arith.constant 0 : i32
        %dma_start3A_102 = tpu.memref_slice %arg2[%add3A_98, %dma_start3A_101] : memref<32768x1024xf32, #tpu.memory_space<hbm>> -> memref<32x1024xf32, #tpu.memory_space<hbm>>
        tpu.enqueue_dma source(%dma_start3A_102 : memref<32x1024xf32, #tpu.memory_space<hbm>>) target(%arg5 : memref<32x1024xf32, #tpu.memory_space<vmem>>) target_semaphore(%arg8 : memref<!tpu.dma_semaphore, #tpu.memory_space<semaphore_mem>>)
      } else {
      }
      %mul3A_71 = arith.constant 2 : i32
      %mul3A_72 = arith.muli %mul3A_71, %scan3A_53 : i32
      %add3A_73 = arith.constant 1 : i32
      %add3A_74 = arith.addi %mul3A_72, %add3A_73 : i32
      %dma_wait3A_75 = arith.constant 0 : i32
      %dma_wait3A_76 = tpu.memref_slice %arg2[%mul3A_2, %dma_wait3A_75] : memref<32768x1024xf32, #tpu.memory_space<hbm>> -> memref<32x1024xf32, #tpu.memory_space<hbm>>
      %dma_wait3A_77 = arith.constant 0 : i32
      %dma_wait3A_78 = tpu.memref_slice %arg2[%mul3A_2, %dma_wait3A_77] : memref<32768x1024xf32, #tpu.memory_space<hbm>> -> memref<32x1024xf32, #tpu.memory_space<hbm>>
      tpu.wait_dma2 semaphore(%arg9 : memref<!tpu.dma_semaphore, #tpu.memory_space<semaphore_mem>>) src(%dma_wait3A_78 : memref<32x1024xf32, #tpu.memory_space<hbm>>) dst(%arg6 : memref<32x1024xf32, #tpu.memory_space<vmem>>)
      %scan3A_79 = arith.constant 0 : i32
      %scan3A_80 = arith.constant 0 : i32
      %scan3A_81 = arith.constant 64 : i32
      %scan3A_82 = arith.addi %scan3A_80, %scan3A_81 : i32
      %scan3A_83 = arith.constant 1 : i32
      %scan3A_84 = scf.for %scan3A_94 = %scan3A_80 to %scan3A_82 step %scan3A_83 iter_args(%scan3A_95 = %scan3A_79) -> (i32)  : i32 {
        %mul3A_96 = arith.constant 16 : i32
        %mul3A_97 = arith.muli %scan3A_94, %mul3A_96 : i32
        %add3A_98 = arith.constant 0 : i32
        %add3A_99 = arith.addi %add3A_98, %mul3A_97 : i32
        %get3A = arith.index_cast %add3A_99 : i32 to index
        %get3A_100 = tpu.vector_load %arg7[%get3A] {strides = array<i32>} : memref<4096xf32, #tpu.memory_space<vmem>>, vector<16xf32>,
        %get3A_101 = vector.shape_cast %get3A_100 : vector<16xf32> to vector<16xf32>
        %add3A_102 = arith.constant 1024 : i32
        %add3A_103 = arith.addi %add3A_102, %mul3A_97 : i32
        %get3A_104 = arith.index_cast %add3A_103 : i32 to index
        %get3A_105 = tpu.vector_load %arg7[%get3A_104] {strides = array<i32>} : memref<4096xf32, #tpu.memory_space<vmem>>, vector<16xf32>,
        %get3A_106 = vector.shape_cast %get3A_105 : vector<16xf32> to vector<16xf32>
        %scan3A_107 = arith.constant 0 : i32
        %scan3A_108 = arith.constant 4 : i32
        %scan3A_109 = arith.addi %scan3A_107, %scan3A_108 : i32
        %scan3A_110 = arith.constant 1 : i32
        %scan3A_111:2 = scf.for %scan3A_125 = %scan3A_107 to %scan3A_109 step %scan3A_110 iter_args(%scan3A_126 = %get3A_101, %scan3A_127 = %get3A_106) -> (vector<16xf32>, vector<16xf32>)  : i32 {
          %mul3A_128 = arith.constant 8 : i32
          %mul3A_129 = arith.muli %scan3A_125, %mul3A_128 : i32
          %add3A_130 = arith.constant 0 : i32
          %add3A_131 = arith.addi %mul3A_129, %add3A_130 : i32
          %get3A_132 = arith.index_cast %add3A_131 : i32 to index
          %get3A_133 = arith.index_cast %mul3A_97 : i32 to index
          %get3A_134 = tpu.vector_load %arg6[%get3A_132, %get3A_133] {strides = array<i32>} : memref<32x1024xf32, #tpu.memory_space<vmem>>, vector<1x16xf32>,
          %get3A_135 = vector.shape_cast %get3A_134 : vector<1x16xf32> to vector<16xf32>
          %min3A = arith.minimumf %scan3A_126, %get3A_135 : vector<16xf32>
          %max3A = arith.maximumf %scan3A_127, %get3A_135 : vector<16xf32>
          %mul3A_136 = arith.constant 8 : i32
          %mul3A_137 = arith.muli %scan3A_125, %mul3A_136 : i32
          %add3A_138 = arith.constant 1 : i32
          %add3A_139 = arith.addi %mul3A_137, %add3A_138 : i32
          %get3A_140 = arith.index_cast %add3A_139 : i32 to index
          %get3A_141 = arith.index_cast %mul3A_97 : i32 to index
          %get3A_142 = tpu.vector_load %arg6[%get3A_140, %get3A_141] {strides = array<i32>} : memref<32x1024xf32, #tpu.memory_space<vmem>>, vector<1x16xf32>,
          %get3A_143 = vector.shape_cast %get3A_142 : vector<1x16xf32> to vector<16xf32>
          %min3A_144 = arith.minimumf %min3A, %get3A_143 : vector<16xf32>
          %max3A_145 = arith.maximumf %max3A, %get3A_143 : vector<16xf32>
          %mul3A_146 = arith.constant 8 : i32
          %mul3A_147 = arith.muli %scan3A_125, %mul3A_146 : i32
          %add3A_148 = arith.constant 2 : i32
          %add3A_149 = arith.addi %mul3A_147, %add3A_148 : i32
          %get3A_150 = arith.index_cast %add3A_149 : i32 to index
          %get3A_151 = arith.index_cast %mul3A_97 : i32 to index
          %get3A_152 = tpu.vector_load %arg6[%get3A_150, %get3A_151] {strides = array<i32>} : memref<32x1024xf32, #tpu.memory_space<vmem>>, vector<1x16xf32>,
          %get3A_153 = vector.shape_cast %get3A_152 : vector<1x16xf32> to vector<16xf32>
          %min3A_154 = arith.minimumf %min3A_144, %get3A_153 : vector<16xf32>
          %max3A_155 = arith.maximumf %max3A_145, %get3A_153 : vector<16xf32>
          %mul3A_156 = arith.constant 8 : i32
          %mul3A_157 = arith.muli %scan3A_125, %mul3A_156 : i32
          %add3A_158 = arith.constant 3 : i32
          %add3A_159 = arith.addi %mul3A_157, %add3A_158 : i32
          %get3A_160 = arith.index_cast %add3A_159 : i32 to index
          %get3A_161 = arith.index_cast %mul3A_97 : i32 to index
          %get3A_162 = tpu.vector_load %arg6[%get3A_160, %get3A_161] {strides = array<i32>} : memref<32x1024xf32, #tpu.memory_space<vmem>>, vector<1x16xf32>,
          %get3A_163 = vector.shape_cast %get3A_162 : vector<1x16xf32> to vector<16xf32>
          %min3A_164 = arith.minimumf %min3A_154, %get3A_163 : vector<16xf32>
          %max3A_165 = arith.maximumf %max3A_155, %get3A_163 : vector<16xf32>
          %mul3A_166 = arith.constant 8 : i32
          %mul3A_167 = arith.muli %scan3A_125, %mul3A_166 : i32
          %add3A_168 = arith.constant 4 : i32
          %add3A_169 = arith.addi %mul3A_167, %add3A_168 : i32
          %get3A_170 = arith.index_cast %add3A_169 : i32 to index
          %get3A_171 = arith.index_cast %mul3A_97 : i32 to index
          %get3A_172 = tpu.vector_load %arg6[%get3A_170, %get3A_171] {strides = array<i32>} : memref<32x1024xf32, #tpu.memory_space<vmem>>, vector<1x16xf32>,
          %get3A_173 = vector.shape_cast %get3A_172 : vector<1x16xf32> to vector<16xf32>
          %min3A_174 = arith.minimumf %min3A_164, %get3A_173 : vector<16xf32>
          %max3A_175 = arith.maximumf %max3A_165, %get3A_173 : vector<16xf32>
          %mul3A_176 = arith.constant 8 : i32
          %mul3A_177 = arith.muli %scan3A_125, %mul3A_176 : i32
          %add3A_178 = arith.constant 5 : i32
          %add3A_179 = arith.addi %mul3A_177, %add3A_178 : i32
          %get3A_180 = arith.index_cast %add3A_179 : i32 to index
          %get3A_181 = arith.index_cast %mul3A_97 : i32 to index
          %get3A_182 = tpu.vector_load %arg6[%get3A_180, %get3A_181] {strides = array<i32>} : memref<32x1024xf32, #tpu.memory_space<vmem>>, vector<1x16xf32>,
          %get3A_183 = vector.shape_cast %get3A_182 : vector<1x16xf32> to vector<16xf32>
          %min3A_184 = arith.minimumf %min3A_174, %get3A_183 : vector<16xf32>
          %max3A_185 = arith.maximumf %max3A_175, %get3A_183 : vector<16xf32>
          %mul3A_186 = arith.constant 8 : i32
          %mul3A_187 = arith.muli %scan3A_125, %mul3A_186 : i32
          %add3A_188 = arith.constant 6 : i32
          %add3A_189 = arith.addi %mul3A_187, %add3A_188 : i32
          %get3A_190 = arith.index_cast %add3A_189 : i32 to index
          %get3A_191 = arith.index_cast %mul3A_97 : i32 to index
          %get3A_192 = tpu.vector_load %arg6[%get3A_190, %get3A_191] {strides = array<i32>} : memref<32x1024xf32, #tpu.memory_space<vmem>>, vector<1x16xf32>,
          %get3A_193 = vector.shape_cast %get3A_192 : vector<1x16xf32> to vector<16xf32>
          %min3A_194 = arith.minimumf %min3A_184, %get3A_193 : vector<16xf32>
          %max3A_195 = arith.maximumf %max3A_185, %get3A_193 : vector<16xf32>
          %mul3A_196 = arith.constant 8 : i32
          %mul3A_197 = arith.muli %scan3A_125, %mul3A_196 : i32
          %add3A_198 = arith.constant 7 : i32
          %add3A_199 = arith.addi %mul3A_197, %add3A_198 : i32
          %get3A_200 = arith.index_cast %add3A_199 : i32 to index
          %get3A_201 = arith.index_cast %mul3A_97 : i32 to index
          %get3A_202 = tpu.vector_load %arg6[%get3A_200, %get3A_201] {strides = array<i32>} : memref<32x1024xf32, #tpu.memory_space<vmem>>, vector<1x16xf32>,
          %get3A_203 = vector.shape_cast %get3A_202 : vector<1x16xf32> to vector<16xf32>
          %min3A_204 = arith.minimumf %min3A_194, %get3A_203 : vector<16xf32>
          %max3A_205 = arith.maximumf %max3A_195, %get3A_203 : vector<16xf32>
          scf.yield %min3A_204, %max3A_205 : vector<16xf32>, vector<16xf32>
        }
        %scan3A_112 = arith.constant 4 : i32
        %add3A_113 = arith.constant 0 : i32
        %add3A_114 = arith.addi %add3A_113, %mul3A_97 : i32
        %swap3A = arith.index_cast %add3A_114 : i32 to index
        %swap3A_115 = tpu.vector_load %arg7[%swap3A] {strides = array<i32>} : memref<4096xf32, #tpu.memory_space<vmem>>, vector<16xf32>,
        %swap3A_116 = vector.shape_cast %swap3A_115 : vector<16xf32> to vector<16xf32>
        %swap3A_117 = vector.shape_cast %scan3A_111#0 : vector<16xf32> to vector<16xf32>
        tpu.vector_store %arg7[%swap3A], %swap3A_117 {strides = array<i32>} : memref<4096xf32, #tpu.memory_space<vmem>>, vector<16xf32>,
        %add3A_118 = arith.constant 1024 : i32
        %add3A_119 = arith.addi %add3A_118, %mul3A_97 : i32
        %swap3A_120 = arith.index_cast %add3A_119 : i32 to index
        %swap3A_121 = tpu.vector_load %arg7[%swap3A_120] {strides = array<i32>} : memref<4096xf32, #tpu.memory_space<vmem>>, vector<16xf32>,
        %swap3A_122 = vector.shape_cast %swap3A_121 : vector<16xf32> to vector<16xf32>
        %swap3A_123 = vector.shape_cast %scan3A_111#1 : vector<16xf32> to vector<16xf32>
        tpu.vector_store %arg7[%swap3A_120], %swap3A_123 {strides = array<i32>} : memref<4096xf32, #tpu.memory_space<vmem>>, vector<16xf32>,
        %scan3A_124 = arith.constant 0 : i32
        scf.yield %scan3A_124 : i32
      }
      %scan3A_85 = arith.constant 64 : i32
      %add3A_86 = arith.constant 2 : i32
      %add3A_87 = arith.addi %add3A_74, %add3A_86 : i32
      %lt3A_88 = arith.constant 32 : i32
      %lt3A_89 = arith.cmpi slt, %add3A_87, %lt3A_88 : i32
      %convert_element_type3A_90 = arith.extui %lt3A_89 : i1 to i32
      %cond3A_91 = arith.constant 0 : i32
      %cond3A_92 = arith.cmpi ne, %convert_element_type3A_90, %cond3A_91 : i32
      scf.if %cond3A_92 {
        %add3A_94 = arith.constant 2 : i32
        %add3A_95 = arith.addi %add3A_74, %add3A_94 : i32
        %mul3A_96 = arith.constant 32 : i32
        %mul3A_97 = arith.muli %add3A_95, %mul3A_96 : i32
        %add3A_98 = arith.addi %mul3A_2, %mul3A_97 : i32
        %dma_start3A_99 = arith.constant 0 : i32
        %dma_start3A_100 = tpu.memref_slice %arg2[%add3A_98, %dma_start3A_99] : memref<32768x1024xf32, #tpu.memory_space<hbm>> -> memref<32x1024xf32, #tpu.memory_space<hbm>>
        %dma_start3A_101 = arith.constant 0 : i32
        %dma_start3A_102 = tpu.memref_slice %arg2[%add3A_98, %dma_start3A_101] : memref<32768x1024xf32, #tpu.memory_space<hbm>> -> memref<32x1024xf32, #tpu.memory_space<hbm>>
        tpu.enqueue_dma source(%dma_start3A_102 : memref<32x1024xf32, #tpu.memory_space<hbm>>) target(%arg6 : memref<32x1024xf32, #tpu.memory_space<vmem>>) target_semaphore(%arg9 : memref<!tpu.dma_semaphore, #tpu.memory_space<semaphore_mem>>)
      } else {
      }
      %scan3A_93 = arith.constant 0 : i32
      scf.yield %scan3A_93 : i32
    }
    %scan3A_29 = arith.constant 16 : i32
    %add3A_30 = arith.constant 0 : i32
    %add3A_31 = arith.addi %mul3A_2, %add3A_30 : i32
    %dma_start3A_32 = arith.constant 0 : i32
    %dma_start3A_33 = tpu.memref_slice %arg3[%add3A_31, %dma_start3A_32] : memref<32768x1024xf32, #tpu.memory_space<hbm>> -> memref<32x1024xf32, #tpu.memory_space<hbm>>
    %dma_start3A_34 = arith.constant 0 : i32
    %dma_start3A_35 = tpu.memref_slice %arg3[%add3A_31, %dma_start3A_34] : memref<32768x1024xf32, #tpu.memory_space<hbm>> -> memref<32x1024xf32, #tpu.memory_space<hbm>>
    tpu.enqueue_dma source(%dma_start3A_35 : memref<32x1024xf32, #tpu.memory_space<hbm>>) target(%arg5 : memref<32x1024xf32, #tpu.memory_space<vmem>>) target_semaphore(%arg8 : memref<!tpu.dma_semaphore, #tpu.memory_space<semaphore_mem>>)
    %add3A_36 = arith.constant 32 : i32
    %add3A_37 = arith.addi %mul3A_2, %add3A_36 : i32
    %dma_start3A_38 = arith.constant 0 : i32
    %dma_start3A_39 = tpu.memref_slice %arg3[%add3A_37, %dma_start3A_38] : memref<32768x1024xf32, #tpu.memory_space<hbm>> -> memref<32x1024xf32, #tpu.memory_space<hbm>>
    %dma_start3A_40 = arith.constant 0 : i32
    %dma_start3A_41 = tpu.memref_slice %arg3[%add3A_37, %dma_start3A_40] : memref<32768x1024xf32, #tpu.memory_space<hbm>> -> memref<32x1024xf32, #tpu.memory_space<hbm>>
    tpu.enqueue_dma source(%dma_start3A_41 : memref<32x1024xf32, #tpu.memory_space<hbm>>) target(%arg6 : memref<32x1024xf32, #tpu.memory_space<vmem>>) target_semaphore(%arg9 : memref<!tpu.dma_semaphore, #tpu.memory_space<semaphore_mem>>)
    %scan3A_42 = arith.constant 0 : i32
    %scan3A_43 = arith.constant 0 : i32
    %scan3A_44 = arith.constant 16 : i32
    %scan3A_45 = arith.addi %scan3A_43, %scan3A_44 : i32
    %scan3A_46 = arith.constant 1 : i32
    %scan3A_47 = scf.for %scan3A_53 = %scan3A_43 to %scan3A_45 step %scan3A_46 iter_args(%scan3A_54 = %scan3A_42) -> (i32)  : i32 {
      %mul3A_55 = arith.constant 2 : i32
      %mul3A_56 = arith.muli %mul3A_55, %scan3A_53 : i32
      %dma_wait3A = arith.constant 0 : i32
      %dma_wait3A_57 = tpu.memref_slice %arg3[%mul3A_2, %dma_wait3A] : memref<32768x1024xf32, #tpu.memory_space<hbm>> -> memref<32x1024xf32, #tpu.memory_space<hbm>>
      %dma_wait3A_58 = arith.constant 0 : i32
      %dma_wait3A_59 = tpu.memref_slice %arg3[%mul3A_2, %dma_wait3A_58] : memref<32768x1024xf32, #tpu.memory_space<hbm>> -> memref<32x1024xf32, #tpu.memory_space<hbm>>
      tpu.wait_dma2 semaphore(%arg8 : memref<!tpu.dma_semaphore, #tpu.memory_space<semaphore_mem>>) src(%dma_wait3A_59 : memref<32x1024xf32, #tpu.memory_space<hbm>>) dst(%arg5 : memref<32x1024xf32, #tpu.memory_space<vmem>>)
      %scan3A_60 = arith.constant 0 : i32
      %scan3A_61 = arith.constant 0 : i32
      %scan3A_62 = arith.constant 64 : i32
      %scan3A_63 = arith.addi %scan3A_61, %scan3A_62 : i32
      %scan3A_64 = arith.constant 1 : i32
      %scan3A_65 = scf.for %scan3A_94 = %scan3A_61 to %scan3A_63 step %scan3A_64 iter_args(%scan3A_95 = %scan3A_60) -> (i32)  : i32 {
        %mul3A_96 = arith.constant 16 : i32
        %mul3A_97 = arith.muli %scan3A_94, %mul3A_96 : i32
        %add3A_98 = arith.constant 2048 : i32
        %add3A_99 = arith.addi %add3A_98, %mul3A_97 : i32
        %get3A = arith.index_cast %add3A_99 : i32 to index
        %get3A_100 = tpu.vector_load %arg7[%get3A] {strides = array<i32>} : memref<4096xf32, #tpu.memory_space<vmem>>, vector<16xf32>,
        %get3A_101 = vector.shape_cast %get3A_100 : vector<16xf32> to vector<16xf32>
        %add3A_102 = arith.constant 3072 : i32
        %add3A_103 = arith.addi %add3A_102, %mul3A_97 : i32
        %get3A_104 = arith.index_cast %add3A_103 : i32 to index
        %get3A_105 = tpu.vector_load %arg7[%get3A_104] {strides = array<i32>} : memref<4096xf32, #tpu.memory_space<vmem>>, vector<16xf32>,
        %get3A_106 = vector.shape_cast %get3A_105 : vector<16xf32> to vector<16xf32>
        %scan3A_107 = arith.constant 0 : i32
        %scan3A_108 = arith.constant 4 : i32
        %scan3A_109 = arith.addi %scan3A_107, %scan3A_108 : i32
        %scan3A_110 = arith.constant 1 : i32
        %scan3A_111:2 = scf.for %scan3A_125 = %scan3A_107 to %scan3A_109 step %scan3A_110 iter_args(%scan3A_126 = %get3A_101, %scan3A_127 = %get3A_106) -> (vector<16xf32>, vector<16xf32>)  : i32 {
          %mul3A_128 = arith.constant 8 : i32
          %mul3A_129 = arith.muli %scan3A_125, %mul3A_128 : i32
          %add3A_130 = arith.constant 0 : i32
          %add3A_131 = arith.addi %mul3A_129, %add3A_130 : i32
          %get3A_132 = arith.index_cast %add3A_131 : i32 to index
          %get3A_133 = arith.index_cast %mul3A_97 : i32 to index
          %get3A_134 = tpu.vector_load %arg5[%get3A_132, %get3A_133] {strides = array<i32>} : memref<32x1024xf32, #tpu.memory_space<vmem>>, vector<1x16xf32>,
          %get3A_135 = vector.shape_cast %get3A_134 : vector<1x16xf32> to vector<16xf32>
          %min3A = arith.minimumf %scan3A_126, %get3A_135 : vector<16xf32>
          %max3A = arith.maximumf %scan3A_127, %get3A_135 : vector<16xf32>
          %mul3A_136 = arith.constant 8 : i32
          %mul3A_137 = arith.muli %scan3A_125, %mul3A_136 : i32
          %add3A_138 = arith.constant 1 : i32
          %add3A_139 = arith.addi %mul3A_137, %add3A_138 : i32
          %get3A_140 = arith.index_cast %add3A_139 : i32 to index
          %get3A_141 = arith.index_cast %mul3A_97 : i32 to index
          %get3A_142 = tpu.vector_load %arg5[%get3A_140, %get3A_141] {strides = array<i32>} : memref<32x1024xf32, #tpu.memory_space<vmem>>, vector<1x16xf32>,
          %get3A_143 = vector.shape_cast %get3A_142 : vector<1x16xf32> to vector<16xf32>
          %min3A_144 = arith.minimumf %min3A, %get3A_143 : vector<16xf32>
          %max3A_145 = arith.maximumf %max3A, %get3A_143 : vector<16xf32>
          %mul3A_146 = arith.constant 8 : i32
          %mul3A_147 = arith.muli %scan3A_125, %mul3A_146 : i32
          %add3A_148 = arith.constant 2 : i32
          %add3A_149 = arith.addi %mul3A_147, %add3A_148 : i32
          %get3A_150 = arith.index_cast %add3A_149 : i32 to index
          %get3A_151 = arith.index_cast %mul3A_97 : i32 to index
          %get3A_152 = tpu.vector_load %arg5[%get3A_150, %get3A_151] {strides = array<i32>} : memref<32x1024xf32, #tpu.memory_space<vmem>>, vector<1x16xf32>,
          %get3A_153 = vector.shape_cast %get3A_152 : vector<1x16xf32> to vector<16xf32>
          %min3A_154 = arith.minimumf %min3A_144, %get3A_153 : vector<16xf32>
          %max3A_155 = arith.maximumf %max3A_145, %get3A_153 : vector<16xf32>
          %mul3A_156 = arith.constant 8 : i32
          %mul3A_157 = arith.muli %scan3A_125, %mul3A_156 : i32
          %add3A_158 = arith.constant 3 : i32
          %add3A_159 = arith.addi %mul3A_157, %add3A_158 : i32
          %get3A_160 = arith.index_cast %add3A_159 : i32 to index
          %get3A_161 = arith.index_cast %mul3A_97 : i32 to index
          %get3A_162 = tpu.vector_load %arg5[%get3A_160, %get3A_161] {strides = array<i32>} : memref<32x1024xf32, #tpu.memory_space<vmem>>, vector<1x16xf32>,
          %get3A_163 = vector.shape_cast %get3A_162 : vector<1x16xf32> to vector<16xf32>
          %min3A_164 = arith.minimumf %min3A_154, %get3A_163 : vector<16xf32>
          %max3A_165 = arith.maximumf %max3A_155, %get3A_163 : vector<16xf32>
          %mul3A_166 = arith.constant 8 : i32
          %mul3A_167 = arith.muli %scan3A_125, %mul3A_166 : i32
          %add3A_168 = arith.constant 4 : i32
          %add3A_169 = arith.addi %mul3A_167, %add3A_168 : i32
          %get3A_170 = arith.index_cast %add3A_169 : i32 to index
          %get3A_171 = arith.index_cast %mul3A_97 : i32 to index
          %get3A_172 = tpu.vector_load %arg5[%get3A_170, %get3A_171] {strides = array<i32>} : memref<32x1024xf32, #tpu.memory_space<vmem>>, vector<1x16xf32>,
          %get3A_173 = vector.shape_cast %get3A_172 : vector<1x16xf32> to vector<16xf32>
          %min3A_174 = arith.minimumf %min3A_164, %get3A_173 : vector<16xf32>
          %max3A_175 = arith.maximumf %max3A_165, %get3A_173 : vector<16xf32>
          %mul3A_176 = arith.constant 8 : i32
          %mul3A_177 = arith.muli %scan3A_125, %mul3A_176 : i32
          %add3A_178 = arith.constant 5 : i32
          %add3A_179 = arith.addi %mul3A_177, %add3A_178 : i32
          %get3A_180 = arith.index_cast %add3A_179 : i32 to index
          %get3A_181 = arith.index_cast %mul3A_97 : i32 to index
          %get3A_182 = tpu.vector_load %arg5[%get3A_180, %get3A_181] {strides = array<i32>} : memref<32x1024xf32, #tpu.memory_space<vmem>>, vector<1x16xf32>,
          %get3A_183 = vector.shape_cast %get3A_182 : vector<1x16xf32> to vector<16xf32>
          %min3A_184 = arith.minimumf %min3A_174, %get3A_183 : vector<16xf32>
          %max3A_185 = arith.maximumf %max3A_175, %get3A_183 : vector<16xf32>
          %mul3A_186 = arith.constant 8 : i32
          %mul3A_187 = arith.muli %scan3A_125, %mul3A_186 : i32
          %add3A_188 = arith.constant 6 : i32
          %add3A_189 = arith.addi %mul3A_187, %add3A_188 : i32
          %get3A_190 = arith.index_cast %add3A_189 : i32 to index
          %get3A_191 = arith.index_cast %mul3A_97 : i32 to index
          %get3A_192 = tpu.vector_load %arg5[%get3A_190, %get3A_191] {strides = array<i32>} : memref<32x1024xf32, #tpu.memory_space<vmem>>, vector<1x16xf32>,
          %get3A_193 = vector.shape_cast %get3A_192 : vector<1x16xf32> to vector<16xf32>
          %min3A_194 = arith.minimumf %min3A_184, %get3A_193 : vector<16xf32>
          %max3A_195 = arith.maximumf %max3A_185, %get3A_193 : vector<16xf32>
          %mul3A_196 = arith.constant 8 : i32
          %mul3A_197 = arith.muli %scan3A_125, %mul3A_196 : i32
          %add3A_198 = arith.constant 7 : i32
          %add3A_199 = arith.addi %mul3A_197, %add3A_198 : i32
          %get3A_200 = arith.index_cast %add3A_199 : i32 to index
          %get3A_201 = arith.index_cast %mul3A_97 : i32 to index
          %get3A_202 = tpu.vector_load %arg5[%get3A_200, %get3A_201] {strides = array<i32>} : memref<32x1024xf32, #tpu.memory_space<vmem>>, vector<1x16xf32>,
          %get3A_203 = vector.shape_cast %get3A_202 : vector<1x16xf32> to vector<16xf32>
          %min3A_204 = arith.minimumf %min3A_194, %get3A_203 : vector<16xf32>
          %max3A_205 = arith.maximumf %max3A_195, %get3A_203 : vector<16xf32>
          scf.yield %min3A_204, %max3A_205 : vector<16xf32>, vector<16xf32>
        }
        %scan3A_112 = arith.constant 4 : i32
        %add3A_113 = arith.constant 2048 : i32
        %add3A_114 = arith.addi %add3A_113, %mul3A_97 : i32
        %swap3A = arith.index_cast %add3A_114 : i32 to index
        %swap3A_115 = tpu.vector_load %arg7[%swap3A] {strides = array<i32>} : memref<4096xf32, #tpu.memory_space<vmem>>, vector<16xf32>,
        %swap3A_116 = vector.shape_cast %swap3A_115 : vector<16xf32> to vector<16xf32>
        %swap3A_117 = vector.shape_cast %scan3A_111#0 : vector<16xf32> to vector<16xf32>
        tpu.vector_store %arg7[%swap3A], %swap3A_117 {strides = array<i32>} : memref<4096xf32, #tpu.memory_space<vmem>>, vector<16xf32>,
        %add3A_118 = arith.constant 3072 : i32
        %add3A_119 = arith.addi %add3A_118, %mul3A_97 : i32
        %swap3A_120 = arith.index_cast %add3A_119 : i32 to index
        %swap3A_121 = tpu.vector_load %arg7[%swap3A_120] {strides = array<i32>} : memref<4096xf32, #tpu.memory_space<vmem>>, vector<16xf32>,
        %swap3A_122 = vector.shape_cast %swap3A_121 : vector<16xf32> to vector<16xf32>
        %swap3A_123 = vector.shape_cast %scan3A_111#1 : vector<16xf32> to vector<16xf32>
        tpu.vector_store %arg7[%swap3A_120], %swap3A_123 {strides = array<i32>} : memref<4096xf32, #tpu.memory_space<vmem>>, vector<16xf32>,
        %scan3A_124 = arith.constant 0 : i32
        scf.yield %scan3A_124 : i32
      }
      %scan3A_66 = arith.constant 64 : i32
      %add3A_67 = arith.constant 2 : i32
      %add3A_68 = arith.addi %mul3A_56, %add3A_67 : i32
      %lt3A = arith.constant 32 : i32
      %lt3A_69 = arith.cmpi slt, %add3A_68, %lt3A : i32
      %convert_element_type3A = arith.extui %lt3A_69 : i1 to i32
      %cond3A = arith.constant 0 : i32
      %cond3A_70 = arith.cmpi ne, %convert_element_type3A, %cond3A : i32
      scf.if %cond3A_70 {
        %add3A_94 = arith.constant 2 : i32
        %add3A_95 = arith.addi %mul3A_56, %add3A_94 : i32
        %mul3A_96 = arith.constant 32 : i32
        %mul3A_97 = arith.muli %add3A_95, %mul3A_96 : i32
        %add3A_98 = arith.addi %mul3A_2, %mul3A_97 : i32
        %dma_start3A_99 = arith.constant 0 : i32
        %dma_start3A_100 = tpu.memref_slice %arg3[%add3A_98, %dma_start3A_99] : memref<32768x1024xf32, #tpu.memory_space<hbm>> -> memref<32x1024xf32, #tpu.memory_space<hbm>>
        %dma_start3A_101 = arith.constant 0 : i32
        %dma_start3A_102 = tpu.memref_slice %arg3[%add3A_98, %dma_start3A_101] : memref<32768x1024xf32, #tpu.memory_space<hbm>> -> memref<32x1024xf32, #tpu.memory_space<hbm>>
        tpu.enqueue_dma source(%dma_start3A_102 : memref<32x1024xf32, #tpu.memory_space<hbm>>) target(%arg5 : memref<32x1024xf32, #tpu.memory_space<vmem>>) target_semaphore(%arg8 : memref<!tpu.dma_semaphore, #tpu.memory_space<semaphore_mem>>)
      } else {
      }
      %mul3A_71 = arith.constant 2 : i32
      %mul3A_72 = arith.muli %mul3A_71, %scan3A_53 : i32
      %add3A_73 = arith.constant 1 : i32
      %add3A_74 = arith.addi %mul3A_72, %add3A_73 : i32
      %dma_wait3A_75 = arith.constant 0 : i32
      %dma_wait3A_76 = tpu.memref_slice %arg3[%mul3A_2, %dma_wait3A_75] : memref<32768x1024xf32, #tpu.memory_space<hbm>> -> memref<32x1024xf32, #tpu.memory_space<hbm>>
      %dma_wait3A_77 = arith.constant 0 : i32
      %dma_wait3A_78 = tpu.memref_slice %arg3[%mul3A_2, %dma_wait3A_77] : memref<32768x1024xf32, #tpu.memory_space<hbm>> -> memref<32x1024xf32, #tpu.memory_space<hbm>>
      tpu.wait_dma2 semaphore(%arg9 : memref<!tpu.dma_semaphore, #tpu.memory_space<semaphore_mem>>) src(%dma_wait3A_78 : memref<32x1024xf32, #tpu.memory_space<hbm>>) dst(%arg6 : memref<32x1024xf32, #tpu.memory_space<vmem>>)
      %scan3A_79 = arith.constant 0 : i32
      %scan3A_80 = arith.constant 0 : i32
      %scan3A_81 = arith.constant 64 : i32
      %scan3A_82 = arith.addi %scan3A_80, %scan3A_81 : i32
      %scan3A_83 = arith.constant 1 : i32
      %scan3A_84 = scf.for %scan3A_94 = %scan3A_80 to %scan3A_82 step %scan3A_83 iter_args(%scan3A_95 = %scan3A_79) -> (i32)  : i32 {
        %mul3A_96 = arith.constant 16 : i32
        %mul3A_97 = arith.muli %scan3A_94, %mul3A_96 : i32
        %add3A_98 = arith.constant 2048 : i32
        %add3A_99 = arith.addi %add3A_98, %mul3A_97 : i32
        %get3A = arith.index_cast %add3A_99 : i32 to index
        %get3A_100 = tpu.vector_load %arg7[%get3A] {strides = array<i32>} : memref<4096xf32, #tpu.memory_space<vmem>>, vector<16xf32>,
        %get3A_101 = vector.shape_cast %get3A_100 : vector<16xf32> to vector<16xf32>
        %add3A_102 = arith.constant 3072 : i32
        %add3A_103 = arith.addi %add3A_102, %mul3A_97 : i32
        %get3A_104 = arith.index_cast %add3A_103 : i32 to index
        %get3A_105 = tpu.vector_load %arg7[%get3A_104] {strides = array<i32>} : memref<4096xf32, #tpu.memory_space<vmem>>, vector<16xf32>,
        %get3A_106 = vector.shape_cast %get3A_105 : vector<16xf32> to vector<16xf32>
        %scan3A_107 = arith.constant 0 : i32
        %scan3A_108 = arith.constant 4 : i32
        %scan3A_109 = arith.addi %scan3A_107, %scan3A_108 : i32
        %scan3A_110 = arith.constant 1 : i32
        %scan3A_111:2 = scf.for %scan3A_125 = %scan3A_107 to %scan3A_109 step %scan3A_110 iter_args(%scan3A_126 = %get3A_101, %scan3A_127 = %get3A_106) -> (vector<16xf32>, vector<16xf32>)  : i32 {
          %mul3A_128 = arith.constant 8 : i32
          %mul3A_129 = arith.muli %scan3A_125, %mul3A_128 : i32
          %add3A_130 = arith.constant 0 : i32
          %add3A_131 = arith.addi %mul3A_129, %add3A_130 : i32
          %get3A_132 = arith.index_cast %add3A_131 : i32 to index
          %get3A_133 = arith.index_cast %mul3A_97 : i32 to index
          %get3A_134 = tpu.vector_load %arg6[%get3A_132, %get3A_133] {strides = array<i32>} : memref<32x1024xf32, #tpu.memory_space<vmem>>, vector<1x16xf32>,
          %get3A_135 = vector.shape_cast %get3A_134 : vector<1x16xf32> to vector<16xf32>
          %min3A = arith.minimumf %scan3A_126, %get3A_135 : vector<16xf32>
          %max3A = arith.maximumf %scan3A_127, %get3A_135 : vector<16xf32>
          %mul3A_136 = arith.constant 8 : i32
          %mul3A_137 = arith.muli %scan3A_125, %mul3A_136 : i32
          %add3A_138 = arith.constant 1 : i32
          %add3A_139 = arith.addi %mul3A_137, %add3A_138 : i32
          %get3A_140 = arith.index_cast %add3A_139 : i32 to index
          %get3A_141 = arith.index_cast %mul3A_97 : i32 to index
          %get3A_142 = tpu.vector_load %arg6[%get3A_140, %get3A_141] {strides = array<i32>} : memref<32x1024xf32, #tpu.memory_space<vmem>>, vector<1x16xf32>,
          %get3A_143 = vector.shape_cast %get3A_142 : vector<1x16xf32> to vector<16xf32>
          %min3A_144 = arith.minimumf %min3A, %get3A_143 : vector<16xf32>
          %max3A_145 = arith.maximumf %max3A, %get3A_143 : vector<16xf32>
          %mul3A_146 = arith.constant 8 : i32
          %mul3A_147 = arith.muli %scan3A_125, %mul3A_146 : i32
          %add3A_148 = arith.constant 2 : i32
          %add3A_149 = arith.addi %mul3A_147, %add3A_148 : i32
          %get3A_150 = arith.index_cast %add3A_149 : i32 to index
          %get3A_151 = arith.index_cast %mul3A_97 : i32 to index
          %get3A_152 = tpu.vector_load %arg6[%get3A_150, %get3A_151] {strides = array<i32>} : memref<32x1024xf32, #tpu.memory_space<vmem>>, vector<1x16xf32>,
          %get3A_153 = vector.shape_cast %get3A_152 : vector<1x16xf32> to vector<16xf32>
          %min3A_154 = arith.minimumf %min3A_144, %get3A_153 : vector<16xf32>
          %max3A_155 = arith.maximumf %max3A_145, %get3A_153 : vector<16xf32>
          %mul3A_156 = arith.constant 8 : i32
          %mul3A_157 = arith.muli %scan3A_125, %mul3A_156 : i32
          %add3A_158 = arith.constant 3 : i32
          %add3A_159 = arith.addi %mul3A_157, %add3A_158 : i32
          %get3A_160 = arith.index_cast %add3A_159 : i32 to index
          %get3A_161 = arith.index_cast %mul3A_97 : i32 to index
          %get3A_162 = tpu.vector_load %arg6[%get3A_160, %get3A_161] {strides = array<i32>} : memref<32x1024xf32, #tpu.memory_space<vmem>>, vector<1x16xf32>,
          %get3A_163 = vector.shape_cast %get3A_162 : vector<1x16xf32> to vector<16xf32>
          %min3A_164 = arith.minimumf %min3A_154, %get3A_163 : vector<16xf32>
          %max3A_165 = arith.maximumf %max3A_155, %get3A_163 : vector<16xf32>
          %mul3A_166 = arith.constant 8 : i32
          %mul3A_167 = arith.muli %scan3A_125, %mul3A_166 : i32
          %add3A_168 = arith.constant 4 : i32
          %add3A_169 = arith.addi %mul3A_167, %add3A_168 : i32
          %get3A_170 = arith.index_cast %add3A_169 : i32 to index
          %get3A_171 = arith.index_cast %mul3A_97 : i32 to index
          %get3A_172 = tpu.vector_load %arg6[%get3A_170, %get3A_171] {strides = array<i32>} : memref<32x1024xf32, #tpu.memory_space<vmem>>, vector<1x16xf32>,
          %get3A_173 = vector.shape_cast %get3A_172 : vector<1x16xf32> to vector<16xf32>
          %min3A_174 = arith.minimumf %min3A_164, %get3A_173 : vector<16xf32>
          %max3A_175 = arith.maximumf %max3A_165, %get3A_173 : vector<16xf32>
          %mul3A_176 = arith.constant 8 : i32
          %mul3A_177 = arith.muli %scan3A_125, %mul3A_176 : i32
          %add3A_178 = arith.constant 5 : i32
          %add3A_179 = arith.addi %mul3A_177, %add3A_178 : i32
          %get3A_180 = arith.index_cast %add3A_179 : i32 to index
          %get3A_181 = arith.index_cast %mul3A_97 : i32 to index
          %get3A_182 = tpu.vector_load %arg6[%get3A_180, %get3A_181] {strides = array<i32>} : memref<32x1024xf32, #tpu.memory_space<vmem>>, vector<1x16xf32>,
          %get3A_183 = vector.shape_cast %get3A_182 : vector<1x16xf32> to vector<16xf32>
          %min3A_184 = arith.minimumf %min3A_174, %get3A_183 : vector<16xf32>
          %max3A_185 = arith.maximumf %max3A_175, %get3A_183 : vector<16xf32>
          %mul3A_186 = arith.constant 8 : i32
          %mul3A_187 = arith.muli %scan3A_125, %mul3A_186 : i32
          %add3A_188 = arith.constant 6 : i32
          %add3A_189 = arith.addi %mul3A_187, %add3A_188 : i32
          %get3A_190 = arith.index_cast %add3A_189 : i32 to index
          %get3A_191 = arith.index_cast %mul3A_97 : i32 to index
          %get3A_192 = tpu.vector_load %arg6[%get3A_190, %get3A_191] {strides = array<i32>} : memref<32x1024xf32, #tpu.memory_space<vmem>>, vector<1x16xf32>,
          %get3A_193 = vector.shape_cast %get3A_192 : vector<1x16xf32> to vector<16xf32>
          %min3A_194 = arith.minimumf %min3A_184, %get3A_193 : vector<16xf32>
          %max3A_195 = arith.maximumf %max3A_185, %get3A_193 : vector<16xf32>
          %mul3A_196 = arith.constant 8 : i32
          %mul3A_197 = arith.muli %scan3A_125, %mul3A_196 : i32
          %add3A_198 = arith.constant 7 : i32
          %add3A_199 = arith.addi %mul3A_197, %add3A_198 : i32
          %get3A_200 = arith.index_cast %add3A_199 : i32 to index
          %get3A_201 = arith.index_cast %mul3A_97 : i32 to index
          %get3A_202 = tpu.vector_load %arg6[%get3A_200, %get3A_201] {strides = array<i32>} : memref<32x1024xf32, #tpu.memory_space<vmem>>, vector<1x16xf32>,
          %get3A_203 = vector.shape_cast %get3A_202 : vector<1x16xf32> to vector<16xf32>
          %min3A_204 = arith.minimumf %min3A_194, %get3A_203 : vector<16xf32>
          %max3A_205 = arith.maximumf %max3A_195, %get3A_203 : vector<16xf32>
          scf.yield %min3A_204, %max3A_205 : vector<16xf32>, vector<16xf32>
        }
        %scan3A_112 = arith.constant 4 : i32
        %add3A_113 = arith.constant 2048 : i32
        %add3A_114 = arith.addi %add3A_113, %mul3A_97 : i32
        %swap3A = arith.index_cast %add3A_114 : i32 to index
        %swap3A_115 = tpu.vector_load %arg7[%swap3A] {strides = array<i32>} : memref<4096xf32, #tpu.memory_space<vmem>>, vector<16xf32>,
        %swap3A_116 = vector.shape_cast %swap3A_115 : vector<16xf32> to vector<16xf32>
        %swap3A_117 = vector.shape_cast %scan3A_111#0 : vector<16xf32> to vector<16xf32>
        tpu.vector_store %arg7[%swap3A], %swap3A_117 {strides = array<i32>} : memref<4096xf32, #tpu.memory_space<vmem>>, vector<16xf32>,
        %add3A_118 = arith.constant 3072 : i32
        %add3A_119 = arith.addi %add3A_118, %mul3A_97 : i32
        %swap3A_120 = arith.index_cast %add3A_119 : i32 to index
        %swap3A_121 = tpu.vector_load %arg7[%swap3A_120] {strides = array<i32>} : memref<4096xf32, #tpu.memory_space<vmem>>, vector<16xf32>,
        %swap3A_122 = vector.shape_cast %swap3A_121 : vector<16xf32> to vector<16xf32>
        %swap3A_123 = vector.shape_cast %scan3A_111#1 : vector<16xf32> to vector<16xf32>
        tpu.vector_store %arg7[%swap3A_120], %swap3A_123 {strides = array<i32>} : memref<4096xf32, #tpu.memory_space<vmem>>, vector<16xf32>,
        %scan3A_124 = arith.constant 0 : i32
        scf.yield %scan3A_124 : i32
      }
      %scan3A_85 = arith.constant 64 : i32
      %add3A_86 = arith.constant 2 : i32
      %add3A_87 = arith.addi %add3A_74, %add3A_86 : i32
      %lt3A_88 = arith.constant 32 : i32
      %lt3A_89 = arith.cmpi slt, %add3A_87, %lt3A_88 : i32
      %convert_element_type3A_90 = arith.extui %lt3A_89 : i1 to i32
      %cond3A_91 = arith.constant 0 : i32
      %cond3A_92 = arith.cmpi ne, %convert_element_type3A_90, %cond3A_91 : i32
      scf.if %cond3A_92 {
        %add3A_94 = arith.constant 2 : i32
        %add3A_95 = arith.addi %add3A_74, %add3A_94 : i32
        %mul3A_96 = arith.constant 32 : i32
        %mul3A_97 = arith.muli %add3A_95, %mul3A_96 : i32
        %add3A_98 = arith.addi %mul3A_2, %mul3A_97 : i32
        %dma_start3A_99 = arith.constant 0 : i32
        %dma_start3A_100 = tpu.memref_slice %arg3[%add3A_98, %dma_start3A_99] : memref<32768x1024xf32, #tpu.memory_space<hbm>> -> memref<32x1024xf32, #tpu.memory_space<hbm>>
        %dma_start3A_101 = arith.constant 0 : i32
        %dma_start3A_102 = tpu.memref_slice %arg3[%add3A_98, %dma_start3A_101] : memref<32768x1024xf32, #tpu.memory_space<hbm>> -> memref<32x1024xf32, #tpu.memory_space<hbm>>
        tpu.enqueue_dma source(%dma_start3A_102 : memref<32x1024xf32, #tpu.memory_space<hbm>>) target(%arg6 : memref<32x1024xf32, #tpu.memory_space<vmem>>) target_semaphore(%arg9 : memref<!tpu.dma_semaphore, #tpu.memory_space<semaphore_mem>>)
      } else {
      }
      %scan3A_93 = arith.constant 0 : i32
      scf.yield %scan3A_93 : i32
    }
    %scan3A_48 = arith.constant 16 : i32
    %mul3A_49 = arith.constant 4 : i32
    %mul3A_50 = arith.muli %add3A, %mul3A_49 : i32
    %mul3A_51 = arith.constant 1024 : i32
    %mul3A_52 = arith.muli %mul3A_50, %mul3A_51 : i32
    "tpu.region"() ({
      %run_scoped3A = tpu.sem_alloc : memref<!tpu.dma_semaphore, #tpu.memory_space<semaphore_mem>>
      %dma_start3A_53 = tpu.memref_slice %arg4[%mul3A_52] : memref<131072xf32, #tpu.memory_space<hbm>> -> memref<4096xf32, #tpu.memory_space<hbm>>
      %dma_start3A_54 = tpu.memref_slice %arg4[%mul3A_52] : memref<131072xf32, #tpu.memory_space<hbm>> -> memref<4096xf32, #tpu.memory_space<hbm>>
      tpu.enqueue_dma source(%arg7 : memref<4096xf32, #tpu.memory_space<vmem>>) target(%dma_start3A_54 : memref<4096xf32, #tpu.memory_space<hbm>>) target_semaphore(%run_scoped3A : memref<!tpu.dma_semaphore, #tpu.memory_space<semaphore_mem>>)
      %dma_wait3A = tpu.memref_slice %arg4[%mul3A_52] : memref<131072xf32, #tpu.memory_space<hbm>> -> memref<4096xf32, #tpu.memory_space<hbm>>
      %dma_wait3A_55 = tpu.memref_slice %arg4[%mul3A_52] : memref<131072xf32, #tpu.memory_space<hbm>> -> memref<4096xf32, #tpu.memory_space<hbm>>
      tpu.wait_dma2 semaphore(%run_scoped3A : memref<!tpu.dma_semaphore, #tpu.memory_space<semaphore_mem>>) src(%arg7 : memref<4096xf32, #tpu.memory_space<vmem>>) dst(%dma_wait3A_55 : memref<4096xf32, #tpu.memory_space<hbm>>)
      tpu.yield
    }) : () -> ()
    return
  }
}

#map = affine_map<(d0, d1) -> (0, 0)>
#map1 = affine_map<(d0, d1) -> (0)>
module attributes {stable_mosaic.version = 14 : i64} {
  func.func @_hist_body(%arg0: i32, %arg1: i32, %arg2: memref<32768x1024xf32, #tpu.memory_space<hbm>>, %arg3: memref<32768x1024xf32, #tpu.memory_space<hbm>>, %arg4: memref<2048xf32, #tpu.memory_space<hbm>>, %arg5: memref<2048xf32, #tpu.memory_space<hbm>>, %arg6: memref<63488xf32, #tpu.memory_space<hbm>>, %arg7: memref<1966080xf32, #tpu.memory_space<hbm>>, %arg8: memref<31744xf32, #tpu.memory_space<vmem>>, %arg9: memref<30720xf32, #tpu.memory_space<vmem>>, %arg10: memref<1024xf32, #tpu.memory_space<vmem>>, %arg11: memref<1024xf32, #tpu.memory_space<vmem>>, %arg12: memref<32x1024xf32, #tpu.memory_space<vmem>>, %arg13: memref<32x1024xf32, #tpu.memory_space<vmem>>, %arg14: memref<!tpu.dma_semaphore, #tpu.memory_space<semaphore_mem>>, %arg15: memref<!tpu.dma_semaphore, #tpu.memory_space<semaphore_mem>>) attributes {dimension_semantics = [#tpu.dimension_semantics<core_parallel>, #tpu.dimension_semantics<subcore_parallel>], iteration_bounds = array<i64: 2, 16>, scalar_prefetch = 0 : i64, scratch_operands = 8 : i64, tpu.core_type = #tpu.core_type<sc_vector_subcore>, window_params = [{transform_indices = #map}, {transform_indices = #map}, {transform_indices = #map1}, {transform_indices = #map1}, {transform_indices = #map1}, {transform_indices = #map1}]} {
    %mul3A = arith.constant 2 : i32
    %mul3A_0 = arith.muli %arg1, %mul3A : i32
    %add3A = arith.addi %mul3A_0, %arg0 : i32
    %mul3A_1 = arith.constant 1024 : i32
    %mul3A_2 = arith.muli %add3A, %mul3A_1 : i32
    %iota3A = tpu.iota {dimensions = array<i32: 0>} : vector<16xi32>
    %broadcast_in_dim3A = arith.constant 1.000000e+00 : f32
    %broadcast_in_dim3A_3 = vector.broadcast %broadcast_in_dim3A : f32 to vector<16xf32>
    %broadcast_in_dim3A_4 = arith.constant 0.000000e+00 : f32
    %broadcast_in_dim3A_5 = vector.broadcast %broadcast_in_dim3A_4 : f32 to vector<16xf32>
    "tpu.region"() ({
      %run_scoped3A = tpu.sem_alloc : memref<!tpu.dma_semaphore, #tpu.memory_space<semaphore_mem>>
      %dma_start3A_68 = arith.constant 0 : i32
      %dma_start3A_69 = tpu.memref_slice %arg4[%dma_start3A_68] : memref<2048xf32, #tpu.memory_space<hbm>> -> memref<1024xf32, #tpu.memory_space<hbm>>
      %dma_start3A_70 = arith.constant 0 : i32
      %dma_start3A_71 = tpu.memref_slice %arg4[%dma_start3A_70] : memref<2048xf32, #tpu.memory_space<hbm>> -> memref<1024xf32, #tpu.memory_space<hbm>>
      tpu.enqueue_dma source(%dma_start3A_71 : memref<1024xf32, #tpu.memory_space<hbm>>) target(%arg10 : memref<1024xf32, #tpu.memory_space<vmem>>) target_semaphore(%run_scoped3A : memref<!tpu.dma_semaphore, #tpu.memory_space<semaphore_mem>>)
      %dma_wait3A = arith.constant 0 : i32
      %dma_wait3A_72 = tpu.memref_slice %arg4[%dma_wait3A] : memref<2048xf32, #tpu.memory_space<hbm>> -> memref<1024xf32, #tpu.memory_space<hbm>>
      %dma_wait3A_73 = arith.constant 0 : i32
      %dma_wait3A_74 = tpu.memref_slice %arg4[%dma_wait3A_73] : memref<2048xf32, #tpu.memory_space<hbm>> -> memref<1024xf32, #tpu.memory_space<hbm>>
      tpu.wait_dma2 semaphore(%run_scoped3A : memref<!tpu.dma_semaphore, #tpu.memory_space<semaphore_mem>>) src(%dma_wait3A_74 : memref<1024xf32, #tpu.memory_space<hbm>>) dst(%arg10 : memref<1024xf32, #tpu.memory_space<vmem>>)
      tpu.yield
    }) : () -> ()
    "tpu.region"() ({
      %run_scoped3A = tpu.sem_alloc : memref<!tpu.dma_semaphore, #tpu.memory_space<semaphore_mem>>
      %dma_start3A_68 = arith.constant 0 : i32
      %dma_start3A_69 = tpu.memref_slice %arg5[%dma_start3A_68] : memref<2048xf32, #tpu.memory_space<hbm>> -> memref<1024xf32, #tpu.memory_space<hbm>>
      %dma_start3A_70 = arith.constant 0 : i32
      %dma_start3A_71 = tpu.memref_slice %arg5[%dma_start3A_70] : memref<2048xf32, #tpu.memory_space<hbm>> -> memref<1024xf32, #tpu.memory_space<hbm>>
      tpu.enqueue_dma source(%dma_start3A_71 : memref<1024xf32, #tpu.memory_space<hbm>>) target(%arg11 : memref<1024xf32, #tpu.memory_space<vmem>>) target_semaphore(%run_scoped3A : memref<!tpu.dma_semaphore, #tpu.memory_space<semaphore_mem>>)
      %dma_wait3A = arith.constant 0 : i32
      %dma_wait3A_72 = tpu.memref_slice %arg5[%dma_wait3A] : memref<2048xf32, #tpu.memory_space<hbm>> -> memref<1024xf32, #tpu.memory_space<hbm>>
      %dma_wait3A_73 = arith.constant 0 : i32
      %dma_wait3A_74 = tpu.memref_slice %arg5[%dma_wait3A_73] : memref<2048xf32, #tpu.memory_space<hbm>> -> memref<1024xf32, #tpu.memory_space<hbm>>
      tpu.wait_dma2 semaphore(%run_scoped3A : memref<!tpu.dma_semaphore, #tpu.memory_space<semaphore_mem>>) src(%dma_wait3A_74 : memref<1024xf32, #tpu.memory_space<hbm>>) dst(%arg11 : memref<1024xf32, #tpu.memory_space<vmem>>)
      tpu.yield
    }) : () -> ()
    "tpu.region"() ({
      %run_scoped3A = tpu.sem_alloc : memref<!tpu.dma_semaphore, #tpu.memory_space<semaphore_mem>>
      %dma_start3A_68 = arith.constant 0 : i32
      %dma_start3A_69 = tpu.memref_slice %arg6[%dma_start3A_68] : memref<63488xf32, #tpu.memory_space<hbm>> -> memref<31744xf32, #tpu.memory_space<hbm>>
      %dma_start3A_70 = arith.constant 0 : i32
      %dma_start3A_71 = tpu.memref_slice %arg6[%dma_start3A_70] : memref<63488xf32, #tpu.memory_space<hbm>> -> memref<31744xf32, #tpu.memory_space<hbm>>
      tpu.enqueue_dma source(%dma_start3A_71 : memref<31744xf32, #tpu.memory_space<hbm>>) target(%arg8 : memref<31744xf32, #tpu.memory_space<vmem>>) target_semaphore(%run_scoped3A : memref<!tpu.dma_semaphore, #tpu.memory_space<semaphore_mem>>)
      %dma_wait3A = arith.constant 0 : i32
      %dma_wait3A_72 = tpu.memref_slice %arg6[%dma_wait3A] : memref<63488xf32, #tpu.memory_space<hbm>> -> memref<31744xf32, #tpu.memory_space<hbm>>
      %dma_wait3A_73 = arith.constant 0 : i32
      %dma_wait3A_74 = tpu.memref_slice %arg6[%dma_wait3A_73] : memref<63488xf32, #tpu.memory_space<hbm>> -> memref<31744xf32, #tpu.memory_space<hbm>>
      tpu.wait_dma2 semaphore(%run_scoped3A : memref<!tpu.dma_semaphore, #tpu.memory_space<semaphore_mem>>) src(%dma_wait3A_74 : memref<31744xf32, #tpu.memory_space<hbm>>) dst(%arg8 : memref<31744xf32, #tpu.memory_space<vmem>>)
      tpu.yield
    }) : () -> ()
    %scan3A = arith.constant 0 : i32
    %scan3A_6 = arith.constant 0 : i32
    %scan3A_7 = arith.constant 1920 : i32
    %scan3A_8 = arith.addi %scan3A_6, %scan3A_7 : i32
    %scan3A_9 = arith.constant 1 : i32
    %scan3A_10 = scf.for %scan3A_68 = %scan3A_6 to %scan3A_8 step %scan3A_9 iter_args(%scan3A_69 = %scan3A) -> (i32)  : i32 {
      %mul3A_70 = arith.constant 16 : i32
      %mul3A_71 = arith.muli %scan3A_68, %mul3A_70 : i32
      %swap3A = arith.index_cast %mul3A_71 : i32 to index
      %swap3A_72 = tpu.vector_load %arg9[%swap3A] {strides = array<i32>} : memref<30720xf32, #tpu.memory_space<vmem>>, vector<16xf32>,
      tpu.vector_store %arg9[%swap3A], %broadcast_in_dim3A_5 {strides = array<i32>} : memref<30720xf32, #tpu.memory_space<vmem>>, vector<16xf32>,
      %scan3A_73 = arith.constant 0 : i32
      scf.yield %scan3A_73 : i32
    }
    %scan3A_11 = arith.constant 1920 : i32
    %add3A_12 = arith.constant 0 : i32
    %add3A_13 = arith.addi %mul3A_2, %add3A_12 : i32
    %dma_start3A = arith.constant 0 : i32
    %dma_start3A_14 = tpu.memref_slice %arg2[%add3A_13, %dma_start3A] : memref<32768x1024xf32, #tpu.memory_space<hbm>> -> memref<32x1024xf32, #tpu.memory_space<hbm>>
    %dma_start3A_15 = arith.constant 0 : i32
    %dma_start3A_16 = tpu.memref_slice %arg2[%add3A_13, %dma_start3A_15] : memref<32768x1024xf32, #tpu.memory_space<hbm>> -> memref<32x1024xf32, #tpu.memory_space<hbm>>
    tpu.enqueue_dma source(%dma_start3A_16 : memref<32x1024xf32, #tpu.memory_space<hbm>>) target(%arg12 : memref<32x1024xf32, #tpu.memory_space<vmem>>) target_semaphore(%arg14 : memref<!tpu.dma_semaphore, #tpu.memory_space<semaphore_mem>>)
    %add3A_17 = arith.constant 32 : i32
    %add3A_18 = arith.addi %mul3A_2, %add3A_17 : i32
    %dma_start3A_19 = arith.constant 0 : i32
    %dma_start3A_20 = tpu.memref_slice %arg2[%add3A_18, %dma_start3A_19] : memref<32768x1024xf32, #tpu.memory_space<hbm>> -> memref<32x1024xf32, #tpu.memory_space<hbm>>
    %dma_start3A_21 = arith.constant 0 : i32
    %dma_start3A_22 = tpu.memref_slice %arg2[%add3A_18, %dma_start3A_21] : memref<32768x1024xf32, #tpu.memory_space<hbm>> -> memref<32x1024xf32, #tpu.memory_space<hbm>>
    tpu.enqueue_dma source(%dma_start3A_22 : memref<32x1024xf32, #tpu.memory_space<hbm>>) target(%arg13 : memref<32x1024xf32, #tpu.memory_space<vmem>>) target_semaphore(%arg15 : memref<!tpu.dma_semaphore, #tpu.memory_space<semaphore_mem>>)
    %scan3A_23 = arith.constant 0 : i32
    %scan3A_24 = arith.constant 0 : i32
    %scan3A_25 = arith.constant 16 : i32
    %scan3A_26 = arith.addi %scan3A_24, %scan3A_25 : i32
    %scan3A_27 = arith.constant 1 : i32
    %scan3A_28 = scf.for %scan3A_68 = %scan3A_24 to %scan3A_26 step %scan3A_27 iter_args(%scan3A_69 = %scan3A_23) -> (i32)  : i32 {
      %mul3A_70 = arith.constant 2 : i32
      %mul3A_71 = arith.muli %mul3A_70, %scan3A_68 : i32
      %dma_wait3A = arith.constant 0 : i32
      %dma_wait3A_72 = tpu.memref_slice %arg2[%mul3A_2, %dma_wait3A] : memref<32768x1024xf32, #tpu.memory_space<hbm>> -> memref<32x1024xf32, #tpu.memory_space<hbm>>
      %dma_wait3A_73 = arith.constant 0 : i32
      %dma_wait3A_74 = tpu.memref_slice %arg2[%mul3A_2, %dma_wait3A_73] : memref<32768x1024xf32, #tpu.memory_space<hbm>> -> memref<32x1024xf32, #tpu.memory_space<hbm>>
      tpu.wait_dma2 semaphore(%arg14 : memref<!tpu.dma_semaphore, #tpu.memory_space<semaphore_mem>>) src(%dma_wait3A_74 : memref<32x1024xf32, #tpu.memory_space<hbm>>) dst(%arg12 : memref<32x1024xf32, #tpu.memory_space<vmem>>)
      %parallel_loop3A = arith.constant 0 : i32
      %parallel_loop3A_75 = arith.constant 64 : i32
      %parallel_loop3A_76 = arith.constant 1 : i32
      scf.for %parallel_loop3A_100 = %parallel_loop3A to %parallel_loop3A_75 step %parallel_loop3A_76  : i32 {
        %parallel_loop3A_101 = arith.constant 16 : i32
        %parallel_loop3A_102 = arith.muli %parallel_loop3A_100, %parallel_loop3A_101 : i32
        %parallel_loop3A_103 = arith.index_cast %parallel_loop3A_102 : i32 to index
        %parallel_loop3A_104 = tpu.vector_load %arg10[%parallel_loop3A_103] {strides = array<i32>} : memref<1024xf32, #tpu.memory_space<vmem>>, vector<16xf32>,
        %parallel_loop3A_105 = arith.index_cast %parallel_loop3A_102 : i32 to index
        %parallel_loop3A_106 = tpu.vector_load %arg11[%parallel_loop3A_105] {strides = array<i32>} : memref<1024xf32, #tpu.memory_space<vmem>>, vector<16xf32>,
        %parallel_loop3A_107 = vector.broadcast %parallel_loop3A_102 : i32 to vector<16xi32>
        %parallel_loop3A_108 = arith.addi %iota3A, %parallel_loop3A_107 : vector<16xi32>
        %parallel_loop3A_109 = arith.constant 31 : i32
        %parallel_loop3A_110 = vector.broadcast %parallel_loop3A_109 : i32 to vector<16xi32>
        %parallel_loop3A_111 = arith.muli %parallel_loop3A_108, %parallel_loop3A_110 : vector<16xi32>
        %parallel_loop3A_112 = arith.constant 1 : i32
        %parallel_loop3A_113 = vector.broadcast %parallel_loop3A_112 : i32 to vector<16xi32>
        %parallel_loop3A_114 = arith.addi %parallel_loop3A_111, %parallel_loop3A_113 : vector<16xi32>
        %parallel_loop3A_115 = vector.broadcast %parallel_loop3A_102 : i32 to vector<16xi32>
        %parallel_loop3A_116 = arith.addi %iota3A, %parallel_loop3A_115 : vector<16xi32>
        %parallel_loop3A_117 = arith.constant 30 : i32
        %parallel_loop3A_118 = vector.broadcast %parallel_loop3A_117 : i32 to vector<16xi32>
        %parallel_loop3A_119 = arith.muli %parallel_loop3A_116, %parallel_loop3A_118 : vector<16xi32>
        %parallel_loop3A_120 = arith.constant 0 : i32
        %parallel_loop3A_121 = arith.constant 32 : i32
        %parallel_loop3A_122 = arith.constant 1 : i32
        scf.for %parallel_loop3A_123 = %parallel_loop3A_120 to %parallel_loop3A_121 step %parallel_loop3A_122  : i32 {
          %parallel_loop3A_124 = arith.index_cast %parallel_loop3A_123 : i32 to index
          %parallel_loop3A_125 = arith.index_cast %parallel_loop3A_102 : i32 to index
          %parallel_loop3A_126 = tpu.vector_load %arg12[%parallel_loop3A_124, %parallel_loop3A_125] {strides = array<i32>} : memref<32x1024xf32, #tpu.memory_space<vmem>>, vector<16xf32>,
          %parallel_loop3A_127 = arith.subf %parallel_loop3A_126, %parallel_loop3A_104 : vector<16xf32>
          %parallel_loop3A_128 = arith.mulf %parallel_loop3A_127, %parallel_loop3A_106 : vector<16xf32>
          %parallel_loop3A_129 = arith.fptosi %parallel_loop3A_128 : vector<16xf32> to vector<16xi32>
          %parallel_loop3A_130 = arith.constant 29 : i32
          %parallel_loop3A_131 = vector.broadcast %parallel_loop3A_130 : i32 to vector<16xi32>
          %parallel_loop3A_132 = arith.minsi %parallel_loop3A_129, %parallel_loop3A_131 : vector<16xi32>
          %parallel_loop3A_133 = arith.addi %parallel_loop3A_114, %parallel_loop3A_132 : vector<16xi32>
          %parallel_loop3A_134 = tpu.vector_load_idx %arg8[%parallel_loop3A_133] : memref<31744xf32, #tpu.memory_space<vmem>>[vector<16xi32>], vector<16xf32>,
          %parallel_loop3A_135 = arith.cmpf oge, %parallel_loop3A_126, %parallel_loop3A_134 : vector<16xf32>
          %parallel_loop3A_136 = arith.extui %parallel_loop3A_135 : vector<16xi1> to vector<16xi32>
          %parallel_loop3A_137 = arith.addi %parallel_loop3A_119, %parallel_loop3A_132 : vector<16xi32>
          %parallel_loop3A_138 = arith.addi %parallel_loop3A_137, %parallel_loop3A_136 : vector<16xi32>
          tpu.vector_store_idx %arg9[%parallel_loop3A_138], %broadcast_in_dim3A_3 {add = true} : memref<30720xf32, #tpu.memory_space<vmem>>[vector<16xi32>], vector<16xf32>,
        } {sc.loop_unroll_factor = 16 : i64, sc.parallel_access}
      } {sc.loop_unroll_factor = 2 : i64, sc.parallel_access}
      %add3A_77 = arith.constant 2 : i32
      %add3A_78 = arith.addi %mul3A_71, %add3A_77 : i32
      %lt3A = arith.constant 32 : i32
      %lt3A_79 = arith.cmpi slt, %add3A_78, %lt3A : i32
      %convert_element_type3A = arith.extui %lt3A_79 : i1 to i32
      %cond3A = arith.constant 0 : i32
      %cond3A_80 = arith.cmpi ne, %convert_element_type3A, %cond3A : i32
      scf.if %cond3A_80 {
        %add3A_100 = arith.constant 2 : i32
        %add3A_101 = arith.addi %mul3A_71, %add3A_100 : i32
        %mul3A_102 = arith.constant 32 : i32
        %mul3A_103 = arith.muli %add3A_101, %mul3A_102 : i32
        %add3A_104 = arith.addi %mul3A_2, %mul3A_103 : i32
        %dma_start3A_105 = arith.constant 0 : i32
        %dma_start3A_106 = tpu.memref_slice %arg2[%add3A_104, %dma_start3A_105] : memref<32768x1024xf32, #tpu.memory_space<hbm>> -> memref<32x1024xf32, #tpu.memory_space<hbm>>
        %dma_start3A_107 = arith.constant 0 : i32
        %dma_start3A_108 = tpu.memref_slice %arg2[%add3A_104, %dma_start3A_107] : memref<32768x1024xf32, #tpu.memory_space<hbm>> -> memref<32x1024xf32, #tpu.memory_space<hbm>>
        tpu.enqueue_dma source(%dma_start3A_108 : memref<32x1024xf32, #tpu.memory_space<hbm>>) target(%arg12 : memref<32x1024xf32, #tpu.memory_space<vmem>>) target_semaphore(%arg14 : memref<!tpu.dma_semaphore, #tpu.memory_space<semaphore_mem>>)
      } else {
      }
      %mul3A_81 = arith.constant 2 : i32
      %mul3A_82 = arith.muli %mul3A_81, %scan3A_68 : i32
      %add3A_83 = arith.constant 1 : i32
      %add3A_84 = arith.addi %mul3A_82, %add3A_83 : i32
      %dma_wait3A_85 = arith.constant 0 : i32
      %dma_wait3A_86 = tpu.memref_slice %arg2[%mul3A_2, %dma_wait3A_85] : memref<32768x1024xf32, #tpu.memory_space<hbm>> -> memref<32x1024xf32, #tpu.memory_space<hbm>>
      %dma_wait3A_87 = arith.constant 0 : i32
      %dma_wait3A_88 = tpu.memref_slice %arg2[%mul3A_2, %dma_wait3A_87] : memref<32768x1024xf32, #tpu.memory_space<hbm>> -> memref<32x1024xf32, #tpu.memory_space<hbm>>
      tpu.wait_dma2 semaphore(%arg15 : memref<!tpu.dma_semaphore, #tpu.memory_space<semaphore_mem>>) src(%dma_wait3A_88 : memref<32x1024xf32, #tpu.memory_space<hbm>>) dst(%arg13 : memref<32x1024xf32, #tpu.memory_space<vmem>>)
      %parallel_loop3A_89 = arith.constant 0 : i32
      %parallel_loop3A_90 = arith.constant 64 : i32
      %parallel_loop3A_91 = arith.constant 1 : i32
      scf.for %parallel_loop3A_100 = %parallel_loop3A_89 to %parallel_loop3A_90 step %parallel_loop3A_91  : i32 {
        %parallel_loop3A_101 = arith.constant 16 : i32
        %parallel_loop3A_102 = arith.muli %parallel_loop3A_100, %parallel_loop3A_101 : i32
        %parallel_loop3A_103 = arith.index_cast %parallel_loop3A_102 : i32 to index
        %parallel_loop3A_104 = tpu.vector_load %arg10[%parallel_loop3A_103] {strides = array<i32>} : memref<1024xf32, #tpu.memory_space<vmem>>, vector<16xf32>,
        %parallel_loop3A_105 = arith.index_cast %parallel_loop3A_102 : i32 to index
        %parallel_loop3A_106 = tpu.vector_load %arg11[%parallel_loop3A_105] {strides = array<i32>} : memref<1024xf32, #tpu.memory_space<vmem>>, vector<16xf32>,
        %parallel_loop3A_107 = vector.broadcast %parallel_loop3A_102 : i32 to vector<16xi32>
        %parallel_loop3A_108 = arith.addi %iota3A, %parallel_loop3A_107 : vector<16xi32>
        %parallel_loop3A_109 = arith.constant 31 : i32
        %parallel_loop3A_110 = vector.broadcast %parallel_loop3A_109 : i32 to vector<16xi32>
        %parallel_loop3A_111 = arith.muli %parallel_loop3A_108, %parallel_loop3A_110 : vector<16xi32>
        %parallel_loop3A_112 = arith.constant 1 : i32
        %parallel_loop3A_113 = vector.broadcast %parallel_loop3A_112 : i32 to vector<16xi32>
        %parallel_loop3A_114 = arith.addi %parallel_loop3A_111, %parallel_loop3A_113 : vector<16xi32>
        %parallel_loop3A_115 = vector.broadcast %parallel_loop3A_102 : i32 to vector<16xi32>
        %parallel_loop3A_116 = arith.addi %iota3A, %parallel_loop3A_115 : vector<16xi32>
        %parallel_loop3A_117 = arith.constant 30 : i32
        %parallel_loop3A_118 = vector.broadcast %parallel_loop3A_117 : i32 to vector<16xi32>
        %parallel_loop3A_119 = arith.muli %parallel_loop3A_116, %parallel_loop3A_118 : vector<16xi32>
        %parallel_loop3A_120 = arith.constant 0 : i32
        %parallel_loop3A_121 = arith.constant 32 : i32
        %parallel_loop3A_122 = arith.constant 1 : i32
        scf.for %parallel_loop3A_123 = %parallel_loop3A_120 to %parallel_loop3A_121 step %parallel_loop3A_122  : i32 {
          %parallel_loop3A_124 = arith.index_cast %parallel_loop3A_123 : i32 to index
          %parallel_loop3A_125 = arith.index_cast %parallel_loop3A_102 : i32 to index
          %parallel_loop3A_126 = tpu.vector_load %arg13[%parallel_loop3A_124, %parallel_loop3A_125] {strides = array<i32>} : memref<32x1024xf32, #tpu.memory_space<vmem>>, vector<16xf32>,
          %parallel_loop3A_127 = arith.subf %parallel_loop3A_126, %parallel_loop3A_104 : vector<16xf32>
          %parallel_loop3A_128 = arith.mulf %parallel_loop3A_127, %parallel_loop3A_106 : vector<16xf32>
          %parallel_loop3A_129 = arith.fptosi %parallel_loop3A_128 : vector<16xf32> to vector<16xi32>
          %parallel_loop3A_130 = arith.constant 29 : i32
          %parallel_loop3A_131 = vector.broadcast %parallel_loop3A_130 : i32 to vector<16xi32>
          %parallel_loop3A_132 = arith.minsi %parallel_loop3A_129, %parallel_loop3A_131 : vector<16xi32>
          %parallel_loop3A_133 = arith.addi %parallel_loop3A_114, %parallel_loop3A_132 : vector<16xi32>
          %parallel_loop3A_134 = tpu.vector_load_idx %arg8[%parallel_loop3A_133] : memref<31744xf32, #tpu.memory_space<vmem>>[vector<16xi32>], vector<16xf32>,
          %parallel_loop3A_135 = arith.cmpf oge, %parallel_loop3A_126, %parallel_loop3A_134 : vector<16xf32>
          %parallel_loop3A_136 = arith.extui %parallel_loop3A_135 : vector<16xi1> to vector<16xi32>
          %parallel_loop3A_137 = arith.addi %parallel_loop3A_119, %parallel_loop3A_132 : vector<16xi32>
          %parallel_loop3A_138 = arith.addi %parallel_loop3A_137, %parallel_loop3A_136 : vector<16xi32>
          tpu.vector_store_idx %arg9[%parallel_loop3A_138], %broadcast_in_dim3A_3 {add = true} : memref<30720xf32, #tpu.memory_space<vmem>>[vector<16xi32>], vector<16xf32>,
        } {sc.loop_unroll_factor = 16 : i64, sc.parallel_access}
      } {sc.loop_unroll_factor = 2 : i64, sc.parallel_access}
      %add3A_92 = arith.constant 2 : i32
      %add3A_93 = arith.addi %add3A_84, %add3A_92 : i32
      %lt3A_94 = arith.constant 32 : i32
      %lt3A_95 = arith.cmpi slt, %add3A_93, %lt3A_94 : i32
      %convert_element_type3A_96 = arith.extui %lt3A_95 : i1 to i32
      %cond3A_97 = arith.constant 0 : i32
      %cond3A_98 = arith.cmpi ne, %convert_element_type3A_96, %cond3A_97 : i32
      scf.if %cond3A_98 {
        %add3A_100 = arith.constant 2 : i32
        %add3A_101 = arith.addi %add3A_84, %add3A_100 : i32
        %mul3A_102 = arith.constant 32 : i32
        %mul3A_103 = arith.muli %add3A_101, %mul3A_102 : i32
        %add3A_104 = arith.addi %mul3A_2, %mul3A_103 : i32
        %dma_start3A_105 = arith.constant 0 : i32
        %dma_start3A_106 = tpu.memref_slice %arg2[%add3A_104, %dma_start3A_105] : memref<32768x1024xf32, #tpu.memory_space<hbm>> -> memref<32x1024xf32, #tpu.memory_space<hbm>>
        %dma_start3A_107 = arith.constant 0 : i32
        %dma_start3A_108 = tpu.memref_slice %arg2[%add3A_104, %dma_start3A_107] : memref<32768x1024xf32, #tpu.memory_space<hbm>> -> memref<32x1024xf32, #tpu.memory_space<hbm>>
        tpu.enqueue_dma source(%dma_start3A_108 : memref<32x1024xf32, #tpu.memory_space<hbm>>) target(%arg13 : memref<32x1024xf32, #tpu.memory_space<vmem>>) target_semaphore(%arg15 : memref<!tpu.dma_semaphore, #tpu.memory_space<semaphore_mem>>)
      } else {
      }
      %scan3A_99 = arith.constant 0 : i32
      scf.yield %scan3A_99 : i32
    }
    %scan3A_29 = arith.constant 16 : i32
    %mul3A_30 = arith.constant 2 : i32
    %mul3A_31 = arith.muli %add3A, %mul3A_30 : i32
    %add3A_32 = arith.constant 0 : i32
    %add3A_33 = arith.addi %mul3A_31, %add3A_32 : i32
    %mul3A_34 = arith.constant 30720 : i32
    %mul3A_35 = arith.muli %add3A_33, %mul3A_34 : i32
    "tpu.region"() ({
      %run_scoped3A = tpu.sem_alloc : memref<!tpu.dma_semaphore, #tpu.memory_space<semaphore_mem>>
      %dma_start3A_68 = tpu.memref_slice %arg7[%mul3A_35] : memref<1966080xf32, #tpu.memory_space<hbm>> -> memref<30720xf32, #tpu.memory_space<hbm>>
      %dma_start3A_69 = tpu.memref_slice %arg7[%mul3A_35] : memref<1966080xf32, #tpu.memory_space<hbm>> -> memref<30720xf32, #tpu.memory_space<hbm>>
      tpu.enqueue_dma source(%arg9 : memref<30720xf32, #tpu.memory_space<vmem>>) target(%dma_start3A_69 : memref<30720xf32, #tpu.memory_space<hbm>>) target_semaphore(%run_scoped3A : memref<!tpu.dma_semaphore, #tpu.memory_space<semaphore_mem>>)
      %dma_wait3A = tpu.memref_slice %arg7[%mul3A_35] : memref<1966080xf32, #tpu.memory_space<hbm>> -> memref<30720xf32, #tpu.memory_space<hbm>>
      %dma_wait3A_70 = tpu.memref_slice %arg7[%mul3A_35] : memref<1966080xf32, #tpu.memory_space<hbm>> -> memref<30720xf32, #tpu.memory_space<hbm>>
      tpu.wait_dma2 semaphore(%run_scoped3A : memref<!tpu.dma_semaphore, #tpu.memory_space<semaphore_mem>>) src(%arg9 : memref<30720xf32, #tpu.memory_space<vmem>>) dst(%dma_wait3A_70 : memref<30720xf32, #tpu.memory_space<hbm>>)
      tpu.yield
    }) : () -> ()
    "tpu.region"() ({
      %run_scoped3A = tpu.sem_alloc : memref<!tpu.dma_semaphore, #tpu.memory_space<semaphore_mem>>
      %dma_start3A_68 = arith.constant 1024 : i32
      %dma_start3A_69 = tpu.memref_slice %arg4[%dma_start3A_68] : memref<2048xf32, #tpu.memory_space<hbm>> -> memref<1024xf32, #tpu.memory_space<hbm>>
      %dma_start3A_70 = arith.constant 1024 : i32
      %dma_start3A_71 = tpu.memref_slice %arg4[%dma_start3A_70] : memref<2048xf32, #tpu.memory_space<hbm>> -> memref<1024xf32, #tpu.memory_space<hbm>>
      tpu.enqueue_dma source(%dma_start3A_71 : memref<1024xf32, #tpu.memory_space<hbm>>) target(%arg10 : memref<1024xf32, #tpu.memory_space<vmem>>) target_semaphore(%run_scoped3A : memref<!tpu.dma_semaphore, #tpu.memory_space<semaphore_mem>>)
      %dma_wait3A = arith.constant 1024 : i32
      %dma_wait3A_72 = tpu.memref_slice %arg4[%dma_wait3A] : memref<2048xf32, #tpu.memory_space<hbm>> -> memref<1024xf32, #tpu.memory_space<hbm>>
      %dma_wait3A_73 = arith.constant 1024 : i32
      %dma_wait3A_74 = tpu.memref_slice %arg4[%dma_wait3A_73] : memref<2048xf32, #tpu.memory_space<hbm>> -> memref<1024xf32, #tpu.memory_space<hbm>>
      tpu.wait_dma2 semaphore(%run_scoped3A : memref<!tpu.dma_semaphore, #tpu.memory_space<semaphore_mem>>) src(%dma_wait3A_74 : memref<1024xf32, #tpu.memory_space<hbm>>) dst(%arg10 : memref<1024xf32, #tpu.memory_space<vmem>>)
      tpu.yield
    }) : () -> ()
    "tpu.region"() ({
      %run_scoped3A = tpu.sem_alloc : memref<!tpu.dma_semaphore, #tpu.memory_space<semaphore_mem>>
      %dma_start3A_68 = arith.constant 1024 : i32
      %dma_start3A_69 = tpu.memref_slice %arg5[%dma_start3A_68] : memref<2048xf32, #tpu.memory_space<hbm>> -> memref<1024xf32, #tpu.memory_space<hbm>>
      %dma_start3A_70 = arith.constant 1024 : i32
      %dma_start3A_71 = tpu.memref_slice %arg5[%dma_start3A_70] : memref<2048xf32, #tpu.memory_space<hbm>> -> memref<1024xf32, #tpu.memory_space<hbm>>
      tpu.enqueue_dma source(%dma_start3A_71 : memref<1024xf32, #tpu.memory_space<hbm>>) target(%arg11 : memref<1024xf32, #tpu.memory_space<vmem>>) target_semaphore(%run_scoped3A : memref<!tpu.dma_semaphore, #tpu.memory_space<semaphore_mem>>)
      %dma_wait3A = arith.constant 1024 : i32
      %dma_wait3A_72 = tpu.memref_slice %arg5[%dma_wait3A] : memref<2048xf32, #tpu.memory_space<hbm>> -> memref<1024xf32, #tpu.memory_space<hbm>>
      %dma_wait3A_73 = arith.constant 1024 : i32
      %dma_wait3A_74 = tpu.memref_slice %arg5[%dma_wait3A_73] : memref<2048xf32, #tpu.memory_space<hbm>> -> memref<1024xf32, #tpu.memory_space<hbm>>
      tpu.wait_dma2 semaphore(%run_scoped3A : memref<!tpu.dma_semaphore, #tpu.memory_space<semaphore_mem>>) src(%dma_wait3A_74 : memref<1024xf32, #tpu.memory_space<hbm>>) dst(%arg11 : memref<1024xf32, #tpu.memory_space<vmem>>)
      tpu.yield
    }) : () -> ()
    "tpu.region"() ({
      %run_scoped3A = tpu.sem_alloc : memref<!tpu.dma_semaphore, #tpu.memory_space<semaphore_mem>>
      %dma_start3A_68 = arith.constant 31744 : i32
      %dma_start3A_69 = tpu.memref_slice %arg6[%dma_start3A_68] : memref<63488xf32, #tpu.memory_space<hbm>> -> memref<31744xf32, #tpu.memory_space<hbm>>
      %dma_start3A_70 = arith.constant 31744 : i32
      %dma_start3A_71 = tpu.memref_slice %arg6[%dma_start3A_70] : memref<63488xf32, #tpu.memory_space<hbm>> -> memref<31744xf32, #tpu.memory_space<hbm>>
      tpu.enqueue_dma source(%dma_start3A_71 : memref<31744xf32, #tpu.memory_space<hbm>>) target(%arg8 : memref<31744xf32, #tpu.memory_space<vmem>>) target_semaphore(%run_scoped3A : memref<!tpu.dma_semaphore, #tpu.memory_space<semaphore_mem>>)
      %dma_wait3A = arith.constant 31744 : i32
      %dma_wait3A_72 = tpu.memref_slice %arg6[%dma_wait3A] : memref<63488xf32, #tpu.memory_space<hbm>> -> memref<31744xf32, #tpu.memory_space<hbm>>
      %dma_wait3A_73 = arith.constant 31744 : i32
      %dma_wait3A_74 = tpu.memref_slice %arg6[%dma_wait3A_73] : memref<63488xf32, #tpu.memory_space<hbm>> -> memref<31744xf32, #tpu.memory_space<hbm>>
      tpu.wait_dma2 semaphore(%run_scoped3A : memref<!tpu.dma_semaphore, #tpu.memory_space<semaphore_mem>>) src(%dma_wait3A_74 : memref<31744xf32, #tpu.memory_space<hbm>>) dst(%arg8 : memref<31744xf32, #tpu.memory_space<vmem>>)
      tpu.yield
    }) : () -> ()
    %scan3A_36 = arith.constant 0 : i32
    %scan3A_37 = arith.constant 0 : i32
    %scan3A_38 = arith.constant 1920 : i32
    %scan3A_39 = arith.addi %scan3A_37, %scan3A_38 : i32
    %scan3A_40 = arith.constant 1 : i32
    %scan3A_41 = scf.for %scan3A_68 = %scan3A_37 to %scan3A_39 step %scan3A_40 iter_args(%scan3A_69 = %scan3A_36) -> (i32)  : i32 {
      %mul3A_70 = arith.constant 16 : i32
      %mul3A_71 = arith.muli %scan3A_68, %mul3A_70 : i32
      %swap3A = arith.index_cast %mul3A_71 : i32 to index
      %swap3A_72 = tpu.vector_load %arg9[%swap3A] {strides = array<i32>} : memref<30720xf32, #tpu.memory_space<vmem>>, vector<16xf32>,
      tpu.vector_store %arg9[%swap3A], %broadcast_in_dim3A_5 {strides = array<i32>} : memref<30720xf32, #tpu.memory_space<vmem>>, vector<16xf32>,
      %scan3A_73 = arith.constant 0 : i32
      scf.yield %scan3A_73 : i32
    }
    %scan3A_42 = arith.constant 1920 : i32
    %add3A_43 = arith.constant 0 : i32
    %add3A_44 = arith.addi %mul3A_2, %add3A_43 : i32
    %dma_start3A_45 = arith.constant 0 : i32
    %dma_start3A_46 = tpu.memref_slice %arg3[%add3A_44, %dma_start3A_45] : memref<32768x1024xf32, #tpu.memory_space<hbm>> -> memref<32x1024xf32, #tpu.memory_space<hbm>>
    %dma_start3A_47 = arith.constant 0 : i32
    %dma_start3A_48 = tpu.memref_slice %arg3[%add3A_44, %dma_start3A_47] : memref<32768x1024xf32, #tpu.memory_space<hbm>> -> memref<32x1024xf32, #tpu.memory_space<hbm>>
    tpu.enqueue_dma source(%dma_start3A_48 : memref<32x1024xf32, #tpu.memory_space<hbm>>) target(%arg12 : memref<32x1024xf32, #tpu.memory_space<vmem>>) target_semaphore(%arg14 : memref<!tpu.dma_semaphore, #tpu.memory_space<semaphore_mem>>)
    %add3A_49 = arith.constant 32 : i32
    %add3A_50 = arith.addi %mul3A_2, %add3A_49 : i32
    %dma_start3A_51 = arith.constant 0 : i32
    %dma_start3A_52 = tpu.memref_slice %arg3[%add3A_50, %dma_start3A_51] : memref<32768x1024xf32, #tpu.memory_space<hbm>> -> memref<32x1024xf32, #tpu.memory_space<hbm>>
    %dma_start3A_53 = arith.constant 0 : i32
    %dma_start3A_54 = tpu.memref_slice %arg3[%add3A_50, %dma_start3A_53] : memref<32768x1024xf32, #tpu.memory_space<hbm>> -> memref<32x1024xf32, #tpu.memory_space<hbm>>
    tpu.enqueue_dma source(%dma_start3A_54 : memref<32x1024xf32, #tpu.memory_space<hbm>>) target(%arg13 : memref<32x1024xf32, #tpu.memory_space<vmem>>) target_semaphore(%arg15 : memref<!tpu.dma_semaphore, #tpu.memory_space<semaphore_mem>>)
    %scan3A_55 = arith.constant 0 : i32
    %scan3A_56 = arith.constant 0 : i32
    %scan3A_57 = arith.constant 16 : i32
    %scan3A_58 = arith.addi %scan3A_56, %scan3A_57 : i32
    %scan3A_59 = arith.constant 1 : i32
    %scan3A_60 = scf.for %scan3A_68 = %scan3A_56 to %scan3A_58 step %scan3A_59 iter_args(%scan3A_69 = %scan3A_55) -> (i32)  : i32 {
      %mul3A_70 = arith.constant 2 : i32
      %mul3A_71 = arith.muli %mul3A_70, %scan3A_68 : i32
      %dma_wait3A = arith.constant 0 : i32
      %dma_wait3A_72 = tpu.memref_slice %arg3[%mul3A_2, %dma_wait3A] : memref<32768x1024xf32, #tpu.memory_space<hbm>> -> memref<32x1024xf32, #tpu.memory_space<hbm>>
      %dma_wait3A_73 = arith.constant 0 : i32
      %dma_wait3A_74 = tpu.memref_slice %arg3[%mul3A_2, %dma_wait3A_73] : memref<32768x1024xf32, #tpu.memory_space<hbm>> -> memref<32x1024xf32, #tpu.memory_space<hbm>>
      tpu.wait_dma2 semaphore(%arg14 : memref<!tpu.dma_semaphore, #tpu.memory_space<semaphore_mem>>) src(%dma_wait3A_74 : memref<32x1024xf32, #tpu.memory_space<hbm>>) dst(%arg12 : memref<32x1024xf32, #tpu.memory_space<vmem>>)
      %parallel_loop3A = arith.constant 0 : i32
      %parallel_loop3A_75 = arith.constant 64 : i32
      %parallel_loop3A_76 = arith.constant 1 : i32
      scf.for %parallel_loop3A_100 = %parallel_loop3A to %parallel_loop3A_75 step %parallel_loop3A_76  : i32 {
        %parallel_loop3A_101 = arith.constant 16 : i32
        %parallel_loop3A_102 = arith.muli %parallel_loop3A_100, %parallel_loop3A_101 : i32
        %parallel_loop3A_103 = arith.index_cast %parallel_loop3A_102 : i32 to index
        %parallel_loop3A_104 = tpu.vector_load %arg10[%parallel_loop3A_103] {strides = array<i32>} : memref<1024xf32, #tpu.memory_space<vmem>>, vector<16xf32>,
        %parallel_loop3A_105 = arith.index_cast %parallel_loop3A_102 : i32 to index
        %parallel_loop3A_106 = tpu.vector_load %arg11[%parallel_loop3A_105] {strides = array<i32>} : memref<1024xf32, #tpu.memory_space<vmem>>, vector<16xf32>,
        %parallel_loop3A_107 = vector.broadcast %parallel_loop3A_102 : i32 to vector<16xi32>
        %parallel_loop3A_108 = arith.addi %iota3A, %parallel_loop3A_107 : vector<16xi32>
        %parallel_loop3A_109 = arith.constant 31 : i32
        %parallel_loop3A_110 = vector.broadcast %parallel_loop3A_109 : i32 to vector<16xi32>
        %parallel_loop3A_111 = arith.muli %parallel_loop3A_108, %parallel_loop3A_110 : vector<16xi32>
        %parallel_loop3A_112 = arith.constant 1 : i32
        %parallel_loop3A_113 = vector.broadcast %parallel_loop3A_112 : i32 to vector<16xi32>
        %parallel_loop3A_114 = arith.addi %parallel_loop3A_111, %parallel_loop3A_113 : vector<16xi32>
        %parallel_loop3A_115 = vector.broadcast %parallel_loop3A_102 : i32 to vector<16xi32>
        %parallel_loop3A_116 = arith.addi %iota3A, %parallel_loop3A_115 : vector<16xi32>
        %parallel_loop3A_117 = arith.constant 30 : i32
        %parallel_loop3A_118 = vector.broadcast %parallel_loop3A_117 : i32 to vector<16xi32>
        %parallel_loop3A_119 = arith.muli %parallel_loop3A_116, %parallel_loop3A_118 : vector<16xi32>
        %parallel_loop3A_120 = arith.constant 0 : i32
        %parallel_loop3A_121 = arith.constant 32 : i32
        %parallel_loop3A_122 = arith.constant 1 : i32
        scf.for %parallel_loop3A_123 = %parallel_loop3A_120 to %parallel_loop3A_121 step %parallel_loop3A_122  : i32 {
          %parallel_loop3A_124 = arith.index_cast %parallel_loop3A_123 : i32 to index
          %parallel_loop3A_125 = arith.index_cast %parallel_loop3A_102 : i32 to index
          %parallel_loop3A_126 = tpu.vector_load %arg12[%parallel_loop3A_124, %parallel_loop3A_125] {strides = array<i32>} : memref<32x1024xf32, #tpu.memory_space<vmem>>, vector<16xf32>,
          %parallel_loop3A_127 = arith.subf %parallel_loop3A_126, %parallel_loop3A_104 : vector<16xf32>
          %parallel_loop3A_128 = arith.mulf %parallel_loop3A_127, %parallel_loop3A_106 : vector<16xf32>
          %parallel_loop3A_129 = arith.fptosi %parallel_loop3A_128 : vector<16xf32> to vector<16xi32>
          %parallel_loop3A_130 = arith.constant 29 : i32
          %parallel_loop3A_131 = vector.broadcast %parallel_loop3A_130 : i32 to vector<16xi32>
          %parallel_loop3A_132 = arith.minsi %parallel_loop3A_129, %parallel_loop3A_131 : vector<16xi32>
          %parallel_loop3A_133 = arith.addi %parallel_loop3A_114, %parallel_loop3A_132 : vector<16xi32>
          %parallel_loop3A_134 = tpu.vector_load_idx %arg8[%parallel_loop3A_133] : memref<31744xf32, #tpu.memory_space<vmem>>[vector<16xi32>], vector<16xf32>,
          %parallel_loop3A_135 = arith.cmpf oge, %parallel_loop3A_126, %parallel_loop3A_134 : vector<16xf32>
          %parallel_loop3A_136 = arith.extui %parallel_loop3A_135 : vector<16xi1> to vector<16xi32>
          %parallel_loop3A_137 = arith.addi %parallel_loop3A_119, %parallel_loop3A_132 : vector<16xi32>
          %parallel_loop3A_138 = arith.addi %parallel_loop3A_137, %parallel_loop3A_136 : vector<16xi32>
          tpu.vector_store_idx %arg9[%parallel_loop3A_138], %broadcast_in_dim3A_3 {add = true} : memref<30720xf32, #tpu.memory_space<vmem>>[vector<16xi32>], vector<16xf32>,
        } {sc.loop_unroll_factor = 16 : i64, sc.parallel_access}
      } {sc.loop_unroll_factor = 2 : i64, sc.parallel_access}
      %add3A_77 = arith.constant 2 : i32
      %add3A_78 = arith.addi %mul3A_71, %add3A_77 : i32
      %lt3A = arith.constant 32 : i32
      %lt3A_79 = arith.cmpi slt, %add3A_78, %lt3A : i32
      %convert_element_type3A = arith.extui %lt3A_79 : i1 to i32
      %cond3A = arith.constant 0 : i32
      %cond3A_80 = arith.cmpi ne, %convert_element_type3A, %cond3A : i32
      scf.if %cond3A_80 {
        %add3A_100 = arith.constant 2 : i32
        %add3A_101 = arith.addi %mul3A_71, %add3A_100 : i32
        %mul3A_102 = arith.constant 32 : i32
        %mul3A_103 = arith.muli %add3A_101, %mul3A_102 : i32
        %add3A_104 = arith.addi %mul3A_2, %mul3A_103 : i32
        %dma_start3A_105 = arith.constant 0 : i32
        %dma_start3A_106 = tpu.memref_slice %arg3[%add3A_104, %dma_start3A_105] : memref<32768x1024xf32, #tpu.memory_space<hbm>> -> memref<32x1024xf32, #tpu.memory_space<hbm>>
        %dma_start3A_107 = arith.constant 0 : i32
        %dma_start3A_108 = tpu.memref_slice %arg3[%add3A_104, %dma_start3A_107] : memref<32768x1024xf32, #tpu.memory_space<hbm>> -> memref<32x1024xf32, #tpu.memory_space<hbm>>
        tpu.enqueue_dma source(%dma_start3A_108 : memref<32x1024xf32, #tpu.memory_space<hbm>>) target(%arg12 : memref<32x1024xf32, #tpu.memory_space<vmem>>) target_semaphore(%arg14 : memref<!tpu.dma_semaphore, #tpu.memory_space<semaphore_mem>>)
      } else {
      }
      %mul3A_81 = arith.constant 2 : i32
      %mul3A_82 = arith.muli %mul3A_81, %scan3A_68 : i32
      %add3A_83 = arith.constant 1 : i32
      %add3A_84 = arith.addi %mul3A_82, %add3A_83 : i32
      %dma_wait3A_85 = arith.constant 0 : i32
      %dma_wait3A_86 = tpu.memref_slice %arg3[%mul3A_2, %dma_wait3A_85] : memref<32768x1024xf32, #tpu.memory_space<hbm>> -> memref<32x1024xf32, #tpu.memory_space<hbm>>
      %dma_wait3A_87 = arith.constant 0 : i32
      %dma_wait3A_88 = tpu.memref_slice %arg3[%mul3A_2, %dma_wait3A_87] : memref<32768x1024xf32, #tpu.memory_space<hbm>> -> memref<32x1024xf32, #tpu.memory_space<hbm>>
      tpu.wait_dma2 semaphore(%arg15 : memref<!tpu.dma_semaphore, #tpu.memory_space<semaphore_mem>>) src(%dma_wait3A_88 : memref<32x1024xf32, #tpu.memory_space<hbm>>) dst(%arg13 : memref<32x1024xf32, #tpu.memory_space<vmem>>)
      %parallel_loop3A_89 = arith.constant 0 : i32
      %parallel_loop3A_90 = arith.constant 64 : i32
      %parallel_loop3A_91 = arith.constant 1 : i32
      scf.for %parallel_loop3A_100 = %parallel_loop3A_89 to %parallel_loop3A_90 step %parallel_loop3A_91  : i32 {
        %parallel_loop3A_101 = arith.constant 16 : i32
        %parallel_loop3A_102 = arith.muli %parallel_loop3A_100, %parallel_loop3A_101 : i32
        %parallel_loop3A_103 = arith.index_cast %parallel_loop3A_102 : i32 to index
        %parallel_loop3A_104 = tpu.vector_load %arg10[%parallel_loop3A_103] {strides = array<i32>} : memref<1024xf32, #tpu.memory_space<vmem>>, vector<16xf32>,
        %parallel_loop3A_105 = arith.index_cast %parallel_loop3A_102 : i32 to index
        %parallel_loop3A_106 = tpu.vector_load %arg11[%parallel_loop3A_105] {strides = array<i32>} : memref<1024xf32, #tpu.memory_space<vmem>>, vector<16xf32>,
        %parallel_loop3A_107 = vector.broadcast %parallel_loop3A_102 : i32 to vector<16xi32>
        %parallel_loop3A_108 = arith.addi %iota3A, %parallel_loop3A_107 : vector<16xi32>
        %parallel_loop3A_109 = arith.constant 31 : i32
        %parallel_loop3A_110 = vector.broadcast %parallel_loop3A_109 : i32 to vector<16xi32>
        %parallel_loop3A_111 = arith.muli %parallel_loop3A_108, %parallel_loop3A_110 : vector<16xi32>
        %parallel_loop3A_112 = arith.constant 1 : i32
        %parallel_loop3A_113 = vector.broadcast %parallel_loop3A_112 : i32 to vector<16xi32>
        %parallel_loop3A_114 = arith.addi %parallel_loop3A_111, %parallel_loop3A_113 : vector<16xi32>
        %parallel_loop3A_115 = vector.broadcast %parallel_loop3A_102 : i32 to vector<16xi32>
        %parallel_loop3A_116 = arith.addi %iota3A, %parallel_loop3A_115 : vector<16xi32>
        %parallel_loop3A_117 = arith.constant 30 : i32
        %parallel_loop3A_118 = vector.broadcast %parallel_loop3A_117 : i32 to vector<16xi32>
        %parallel_loop3A_119 = arith.muli %parallel_loop3A_116, %parallel_loop3A_118 : vector<16xi32>
        %parallel_loop3A_120 = arith.constant 0 : i32
        %parallel_loop3A_121 = arith.constant 32 : i32
        %parallel_loop3A_122 = arith.constant 1 : i32
        scf.for %parallel_loop3A_123 = %parallel_loop3A_120 to %parallel_loop3A_121 step %parallel_loop3A_122  : i32 {
          %parallel_loop3A_124 = arith.index_cast %parallel_loop3A_123 : i32 to index
          %parallel_loop3A_125 = arith.index_cast %parallel_loop3A_102 : i32 to index
          %parallel_loop3A_126 = tpu.vector_load %arg13[%parallel_loop3A_124, %parallel_loop3A_125] {strides = array<i32>} : memref<32x1024xf32, #tpu.memory_space<vmem>>, vector<16xf32>,
          %parallel_loop3A_127 = arith.subf %parallel_loop3A_126, %parallel_loop3A_104 : vector<16xf32>
          %parallel_loop3A_128 = arith.mulf %parallel_loop3A_127, %parallel_loop3A_106 : vector<16xf32>
          %parallel_loop3A_129 = arith.fptosi %parallel_loop3A_128 : vector<16xf32> to vector<16xi32>
          %parallel_loop3A_130 = arith.constant 29 : i32
          %parallel_loop3A_131 = vector.broadcast %parallel_loop3A_130 : i32 to vector<16xi32>
          %parallel_loop3A_132 = arith.minsi %parallel_loop3A_129, %parallel_loop3A_131 : vector<16xi32>
          %parallel_loop3A_133 = arith.addi %parallel_loop3A_114, %parallel_loop3A_132 : vector<16xi32>
          %parallel_loop3A_134 = tpu.vector_load_idx %arg8[%parallel_loop3A_133] : memref<31744xf32, #tpu.memory_space<vmem>>[vector<16xi32>], vector<16xf32>,
          %parallel_loop3A_135 = arith.cmpf oge, %parallel_loop3A_126, %parallel_loop3A_134 : vector<16xf32>
          %parallel_loop3A_136 = arith.extui %parallel_loop3A_135 : vector<16xi1> to vector<16xi32>
          %parallel_loop3A_137 = arith.addi %parallel_loop3A_119, %parallel_loop3A_132 : vector<16xi32>
          %parallel_loop3A_138 = arith.addi %parallel_loop3A_137, %parallel_loop3A_136 : vector<16xi32>
          tpu.vector_store_idx %arg9[%parallel_loop3A_138], %broadcast_in_dim3A_3 {add = true} : memref<30720xf32, #tpu.memory_space<vmem>>[vector<16xi32>], vector<16xf32>,
        } {sc.loop_unroll_factor = 16 : i64, sc.parallel_access}
      } {sc.loop_unroll_factor = 2 : i64, sc.parallel_access}
      %add3A_92 = arith.constant 2 : i32
      %add3A_93 = arith.addi %add3A_84, %add3A_92 : i32
      %lt3A_94 = arith.constant 32 : i32
      %lt3A_95 = arith.cmpi slt, %add3A_93, %lt3A_94 : i32
      %convert_element_type3A_96 = arith.extui %lt3A_95 : i1 to i32
      %cond3A_97 = arith.constant 0 : i32
      %cond3A_98 = arith.cmpi ne, %convert_element_type3A_96, %cond3A_97 : i32
      scf.if %cond3A_98 {
        %add3A_100 = arith.constant 2 : i32
        %add3A_101 = arith.addi %add3A_84, %add3A_100 : i32
        %mul3A_102 = arith.constant 32 : i32
        %mul3A_103 = arith.muli %add3A_101, %mul3A_102 : i32
        %add3A_104 = arith.addi %mul3A_2, %mul3A_103 : i32
        %dma_start3A_105 = arith.constant 0 : i32
        %dma_start3A_106 = tpu.memref_slice %arg3[%add3A_104, %dma_start3A_105] : memref<32768x1024xf32, #tpu.memory_space<hbm>> -> memref<32x1024xf32, #tpu.memory_space<hbm>>
        %dma_start3A_107 = arith.constant 0 : i32
        %dma_start3A_108 = tpu.memref_slice %arg3[%add3A_104, %dma_start3A_107] : memref<32768x1024xf32, #tpu.memory_space<hbm>> -> memref<32x1024xf32, #tpu.memory_space<hbm>>
        tpu.enqueue_dma source(%dma_start3A_108 : memref<32x1024xf32, #tpu.memory_space<hbm>>) target(%arg13 : memref<32x1024xf32, #tpu.memory_space<vmem>>) target_semaphore(%arg15 : memref<!tpu.dma_semaphore, #tpu.memory_space<semaphore_mem>>)
      } else {
      }
      %scan3A_99 = arith.constant 0 : i32
      scf.yield %scan3A_99 : i32
    }
    %scan3A_61 = arith.constant 16 : i32
    %mul3A_62 = arith.constant 2 : i32
    %mul3A_63 = arith.muli %add3A, %mul3A_62 : i32
    %add3A_64 = arith.constant 1 : i32
    %add3A_65 = arith.addi %mul3A_63, %add3A_64 : i32
    %mul3A_66 = arith.constant 30720 : i32
    %mul3A_67 = arith.muli %add3A_65, %mul3A_66 : i32
    "tpu.region"() ({
      %run_scoped3A = tpu.sem_alloc : memref<!tpu.dma_semaphore, #tpu.memory_space<semaphore_mem>>
      %dma_start3A_68 = tpu.memref_slice %arg7[%mul3A_67] : memref<1966080xf32, #tpu.memory_space<hbm>> -> memref<30720xf32, #tpu.memory_space<hbm>>
      %dma_start3A_69 = tpu.memref_slice %arg7[%mul3A_67] : memref<1966080xf32, #tpu.memory_space<hbm>> -> memref<30720xf32, #tpu.memory_space<hbm>>
      tpu.enqueue_dma source(%arg9 : memref<30720xf32, #tpu.memory_space<vmem>>) target(%dma_start3A_69 : memref<30720xf32, #tpu.memory_space<hbm>>) target_semaphore(%run_scoped3A : memref<!tpu.dma_semaphore, #tpu.memory_space<semaphore_mem>>)
      %dma_wait3A = tpu.memref_slice %arg7[%mul3A_67] : memref<1966080xf32, #tpu.memory_space<hbm>> -> memref<30720xf32, #tpu.memory_space<hbm>>
      %dma_wait3A_70 = tpu.memref_slice %arg7[%mul3A_67] : memref<1966080xf32, #tpu.memory_space<hbm>> -> memref<30720xf32, #tpu.memory_space<hbm>>
      tpu.wait_dma2 semaphore(%run_scoped3A : memref<!tpu.dma_semaphore, #tpu.memory_space<semaphore_mem>>) src(%arg9 : memref<30720xf32, #tpu.memory_space<vmem>>) dst(%dma_wait3A_70 : memref<30720xf32, #tpu.memory_space<hbm>>)
      tpu.yield
    }) : () -> ()
    return
  }
}

#map = affine_map<(d0, d1) -> (0, 0)>
#map1 = affine_map<(d0, d1) -> (0)>
module attributes {stable_mosaic.version = 14 : i64} {
  func.func @_fuse_body(%arg0: i32, %arg1: i32, %arg2: memref<32768x1024xf32, #tpu.memory_space<hbm>>, %arg3: memref<32768x1024xf32, #tpu.memory_space<hbm>>, %arg4: memref<1024xi32, #tpu.memory_space<hbm>>, %arg5: memref<32768x1024xf32, #tpu.memory_space<hbm>>, %arg6: memref<1024xi32, #tpu.memory_space<vmem>>, %arg7: memref<16x1024xf32, #tpu.memory_space<vmem>>, %arg8: memref<16x1024xf32, #tpu.memory_space<vmem>>, %arg9: memref<16x1024xf32, #tpu.memory_space<vmem>>, %arg10: memref<16x1024xf32, #tpu.memory_space<vmem>>, %arg11: memref<16x1024xf32, #tpu.memory_space<vmem>>, %arg12: memref<16x1024xf32, #tpu.memory_space<vmem>>, %arg13: memref<!tpu.dma_semaphore, #tpu.memory_space<semaphore_mem>>, %arg14: memref<!tpu.dma_semaphore, #tpu.memory_space<semaphore_mem>>, %arg15: memref<!tpu.dma_semaphore, #tpu.memory_space<semaphore_mem>>, %arg16: memref<!tpu.dma_semaphore, #tpu.memory_space<semaphore_mem>>, %arg17: memref<!tpu.dma_semaphore, #tpu.memory_space<semaphore_mem>>, %arg18: memref<!tpu.dma_semaphore, #tpu.memory_space<semaphore_mem>>) attributes {dimension_semantics = [#tpu.dimension_semantics<core_parallel>, #tpu.dimension_semantics<subcore_parallel>], iteration_bounds = array<i64: 2, 16>, scalar_prefetch = 0 : i64, scratch_operands = 13 : i64, tpu.core_type = #tpu.core_type<sc_vector_subcore>, window_params = [{transform_indices = #map}, {transform_indices = #map}, {transform_indices = #map1}, {transform_indices = #map}]} {
    %mul3A = arith.constant 2 : i32
    %mul3A_0 = arith.muli %arg1, %mul3A : i32
    %add3A = arith.addi %mul3A_0, %arg0 : i32
    %mul3A_1 = arith.constant 1024 : i32
    %mul3A_2 = arith.muli %add3A, %mul3A_1 : i32
    "tpu.region"() ({
      %run_scoped3A = tpu.sem_alloc : memref<!tpu.dma_semaphore, #tpu.memory_space<semaphore_mem>>
      tpu.enqueue_dma source(%arg4 : memref<1024xi32, #tpu.memory_space<hbm>>) target(%arg6 : memref<1024xi32, #tpu.memory_space<vmem>>) target_semaphore(%run_scoped3A : memref<!tpu.dma_semaphore, #tpu.memory_space<semaphore_mem>>)
      tpu.wait_dma2 semaphore(%run_scoped3A : memref<!tpu.dma_semaphore, #tpu.memory_space<semaphore_mem>>) src(%arg4 : memref<1024xi32, #tpu.memory_space<hbm>>) dst(%arg6 : memref<1024xi32, #tpu.memory_space<vmem>>)
      tpu.yield
    }) : () -> ()
    %add3A_3 = arith.constant 0 : i32
    %add3A_4 = arith.addi %mul3A_2, %add3A_3 : i32
    %dma_start3A = arith.constant 0 : i32
    %dma_start3A_5 = tpu.memref_slice %arg2[%add3A_4, %dma_start3A] : memref<32768x1024xf32, #tpu.memory_space<hbm>> -> memref<16x1024xf32, #tpu.memory_space<hbm>>
    %dma_start3A_6 = arith.constant 0 : i32
    %dma_start3A_7 = tpu.memref_slice %arg2[%add3A_4, %dma_start3A_6] : memref<32768x1024xf32, #tpu.memory_space<hbm>> -> memref<16x1024xf32, #tpu.memory_space<hbm>>
    tpu.enqueue_dma source(%dma_start3A_7 : memref<16x1024xf32, #tpu.memory_space<hbm>>) target(%arg7 : memref<16x1024xf32, #tpu.memory_space<vmem>>) target_semaphore(%arg13 : memref<!tpu.dma_semaphore, #tpu.memory_space<semaphore_mem>>)
    %add3A_8 = arith.constant 16 : i32
    %add3A_9 = arith.addi %mul3A_2, %add3A_8 : i32
    %dma_start3A_10 = arith.constant 0 : i32
    %dma_start3A_11 = tpu.memref_slice %arg2[%add3A_9, %dma_start3A_10] : memref<32768x1024xf32, #tpu.memory_space<hbm>> -> memref<16x1024xf32, #tpu.memory_space<hbm>>
    %dma_start3A_12 = arith.constant 0 : i32
    %dma_start3A_13 = tpu.memref_slice %arg2[%add3A_9, %dma_start3A_12] : memref<32768x1024xf32, #tpu.memory_space<hbm>> -> memref<16x1024xf32, #tpu.memory_space<hbm>>
    tpu.enqueue_dma source(%dma_start3A_13 : memref<16x1024xf32, #tpu.memory_space<hbm>>) target(%arg8 : memref<16x1024xf32, #tpu.memory_space<vmem>>) target_semaphore(%arg14 : memref<!tpu.dma_semaphore, #tpu.memory_space<semaphore_mem>>)
    %add3A_14 = arith.constant 0 : i32
    %add3A_15 = arith.addi %mul3A_2, %add3A_14 : i32
    %dma_start3A_16 = arith.constant 0 : i32
    %dma_start3A_17 = tpu.memref_slice %arg3[%add3A_15, %dma_start3A_16] : memref<32768x1024xf32, #tpu.memory_space<hbm>> -> memref<16x1024xf32, #tpu.memory_space<hbm>>
    %dma_start3A_18 = arith.constant 0 : i32
    %dma_start3A_19 = tpu.memref_slice %arg3[%add3A_15, %dma_start3A_18] : memref<32768x1024xf32, #tpu.memory_space<hbm>> -> memref<16x1024xf32, #tpu.memory_space<hbm>>
    tpu.enqueue_dma source(%dma_start3A_19 : memref<16x1024xf32, #tpu.memory_space<hbm>>) target(%arg9 : memref<16x1024xf32, #tpu.memory_space<vmem>>) target_semaphore(%arg15 : memref<!tpu.dma_semaphore, #tpu.memory_space<semaphore_mem>>)
    %add3A_20 = arith.constant 16 : i32
    %add3A_21 = arith.addi %mul3A_2, %add3A_20 : i32
    %dma_start3A_22 = arith.constant 0 : i32
    %dma_start3A_23 = tpu.memref_slice %arg3[%add3A_21, %dma_start3A_22] : memref<32768x1024xf32, #tpu.memory_space<hbm>> -> memref<16x1024xf32, #tpu.memory_space<hbm>>
    %dma_start3A_24 = arith.constant 0 : i32
    %dma_start3A_25 = tpu.memref_slice %arg3[%add3A_21, %dma_start3A_24] : memref<32768x1024xf32, #tpu.memory_space<hbm>> -> memref<16x1024xf32, #tpu.memory_space<hbm>>
    tpu.enqueue_dma source(%dma_start3A_25 : memref<16x1024xf32, #tpu.memory_space<hbm>>) target(%arg10 : memref<16x1024xf32, #tpu.memory_space<vmem>>) target_semaphore(%arg16 : memref<!tpu.dma_semaphore, #tpu.memory_space<semaphore_mem>>)
    %scan3A = arith.constant 0 : i32
    %scan3A_26 = arith.constant 0 : i32
    %scan3A_27 = arith.constant 32 : i32
    %scan3A_28 = arith.addi %scan3A_26, %scan3A_27 : i32
    %scan3A_29 = arith.constant 1 : i32
    %scan3A_30 = scf.for %scan3A_39 = %scan3A_26 to %scan3A_28 step %scan3A_29 iter_args(%scan3A_40 = %scan3A) -> (i32)  : i32 {
      %mul3A_41 = arith.constant 2 : i32
      %mul3A_42 = arith.muli %mul3A_41, %scan3A_39 : i32
      %ge3A = arith.constant 2 : i32
      %ge3A_43 = arith.cmpi sge, %mul3A_42, %ge3A : i32
      %convert_element_type3A = arith.extui %ge3A_43 : i1 to i32
      %cond3A = arith.constant 0 : i32
      %cond3A_44 = arith.cmpi ne, %convert_element_type3A, %cond3A : i32
      scf.if %cond3A_44 {
        %dma_wait3A_126 = arith.constant 0 : i32
        %dma_wait3A_127 = tpu.memref_slice %arg5[%mul3A_2, %dma_wait3A_126] : memref<32768x1024xf32, #tpu.memory_space<hbm>> -> memref<16x1024xf32, #tpu.memory_space<hbm>>
        %dma_wait3A_128 = arith.constant 0 : i32
        %dma_wait3A_129 = tpu.memref_slice %arg5[%mul3A_2, %dma_wait3A_128] : memref<32768x1024xf32, #tpu.memory_space<hbm>> -> memref<16x1024xf32, #tpu.memory_space<hbm>>
        tpu.wait_dma2 semaphore(%arg17 : memref<!tpu.dma_semaphore, #tpu.memory_space<semaphore_mem>>) src(%arg11 : memref<16x1024xf32, #tpu.memory_space<vmem>>) dst(%dma_wait3A_129 : memref<16x1024xf32, #tpu.memory_space<hbm>>)
      } else {
      }
      %dma_wait3A_45 = arith.constant 0 : i32
      %dma_wait3A_46 = tpu.memref_slice %arg2[%mul3A_2, %dma_wait3A_45] : memref<32768x1024xf32, #tpu.memory_space<hbm>> -> memref<16x1024xf32, #tpu.memory_space<hbm>>
      %dma_wait3A_47 = arith.constant 0 : i32
      %dma_wait3A_48 = tpu.memref_slice %arg2[%mul3A_2, %dma_wait3A_47] : memref<32768x1024xf32, #tpu.memory_space<hbm>> -> memref<16x1024xf32, #tpu.memory_space<hbm>>
      tpu.wait_dma2 semaphore(%arg13 : memref<!tpu.dma_semaphore, #tpu.memory_space<semaphore_mem>>) src(%dma_wait3A_48 : memref<16x1024xf32, #tpu.memory_space<hbm>>) dst(%arg7 : memref<16x1024xf32, #tpu.memory_space<vmem>>)
      %dma_wait3A_49 = arith.constant 0 : i32
      %dma_wait3A_50 = tpu.memref_slice %arg3[%mul3A_2, %dma_wait3A_49] : memref<32768x1024xf32, #tpu.memory_space<hbm>> -> memref<16x1024xf32, #tpu.memory_space<hbm>>
      %dma_wait3A_51 = arith.constant 0 : i32
      %dma_wait3A_52 = tpu.memref_slice %arg3[%mul3A_2, %dma_wait3A_51] : memref<32768x1024xf32, #tpu.memory_space<hbm>> -> memref<16x1024xf32, #tpu.memory_space<hbm>>
      tpu.wait_dma2 semaphore(%arg15 : memref<!tpu.dma_semaphore, #tpu.memory_space<semaphore_mem>>) src(%dma_wait3A_52 : memref<16x1024xf32, #tpu.memory_space<hbm>>) dst(%arg9 : memref<16x1024xf32, #tpu.memory_space<vmem>>)
      %scan3A_53 = arith.constant 0 : i32
      %scan3A_54 = arith.constant 0 : i32
      %scan3A_55 = arith.constant 32 : i32
      %scan3A_56 = arith.addi %scan3A_54, %scan3A_55 : i32
      %scan3A_57 = arith.constant 1 : i32
      %scan3A_58 = scf.for %scan3A_126 = %scan3A_54 to %scan3A_56 step %scan3A_57 iter_args(%scan3A_127 = %scan3A_53) -> (i32)  : i32 {
        %mul3A_128 = arith.constant 16 : i32
        %mul3A_129 = arith.muli %scan3A_126, %mul3A_128 : i32
        %get3A = arith.index_cast %mul3A_129 : i32 to index
        %get3A_130 = tpu.vector_load %arg6[%get3A] {strides = array<i32>} : memref<1024xi32, #tpu.memory_space<vmem>>, vector<16xi32>,
        %parallel_loop3A = arith.constant 0 : i32
        %parallel_loop3A_131 = arith.constant 16 : i32
        %parallel_loop3A_132 = arith.constant 1 : i32
        scf.for %parallel_loop3A_134 = %parallel_loop3A to %parallel_loop3A_131 step %parallel_loop3A_132  : i32 {
          %parallel_loop3A_135 = arith.constant 1 : i32
          %parallel_loop3A_136 = vector.broadcast %parallel_loop3A_135 : i32 to vector<16xi32>
          %parallel_loop3A_137 = vector.broadcast %parallel_loop3A_134 : i32 to vector<16xi32>
          %parallel_loop3A_138 = arith.muli %parallel_loop3A_136, %parallel_loop3A_137 : vector<16xi32>
          %parallel_loop3A_139 = tpu.vector_load_idx %arg7[%parallel_loop3A_138, %get3A_130] : memref<16x1024xf32, #tpu.memory_space<vmem>>[vector<16xi32>, vector<16xi32>], vector<16xf32>,
          %parallel_loop3A_140 = arith.constant 16 : i32
          %parallel_loop3A_141 = arith.muli %scan3A_126, %parallel_loop3A_140 : i32
          %parallel_loop3A_142 = arith.index_cast %parallel_loop3A_134 : i32 to index
          %parallel_loop3A_143 = arith.index_cast %parallel_loop3A_141 : i32 to index
          %parallel_loop3A_144 = tpu.vector_load %arg11[%parallel_loop3A_142, %parallel_loop3A_143] {strides = array<i32>} : memref<16x1024xf32, #tpu.memory_space<vmem>>, vector<16xf32>,
          tpu.vector_store %arg11[%parallel_loop3A_142, %parallel_loop3A_143], %parallel_loop3A_139 {strides = array<i32>} : memref<16x1024xf32, #tpu.memory_space<vmem>>, vector<16xf32>,
        } {sc.loop_unroll_factor = 8 : i64, sc.parallel_access}
        %scan3A_133 = arith.constant 0 : i32
        scf.yield %scan3A_133 : i32
      }
      %scan3A_59 = arith.constant 32 : i32
      %scan3A_60 = arith.constant 0 : i32
      %scan3A_61 = arith.constant 0 : i32
      %scan3A_62 = arith.constant 32 : i32
      %scan3A_63 = arith.addi %scan3A_61, %scan3A_62 : i32
      %scan3A_64 = arith.constant 1 : i32
      %scan3A_65 = scf.for %scan3A_126 = %scan3A_61 to %scan3A_63 step %scan3A_64 iter_args(%scan3A_127 = %scan3A_60) -> (i32)  : i32 {
        %mul3A_128 = arith.constant 16 : i32
        %mul3A_129 = arith.muli %scan3A_126, %mul3A_128 : i32
        %add3A_130 = arith.constant 512 : i32
        %add3A_131 = arith.addi %add3A_130, %mul3A_129 : i32
        %get3A = arith.index_cast %add3A_131 : i32 to index
        %get3A_132 = tpu.vector_load %arg6[%get3A] {strides = array<i32>} : memref<1024xi32, #tpu.memory_space<vmem>>, vector<16xi32>,
        %parallel_loop3A = arith.constant 0 : i32
        %parallel_loop3A_133 = arith.constant 16 : i32
        %parallel_loop3A_134 = arith.constant 1 : i32
        scf.for %parallel_loop3A_136 = %parallel_loop3A to %parallel_loop3A_133 step %parallel_loop3A_134  : i32 {
          %parallel_loop3A_137 = arith.constant 1 : i32
          %parallel_loop3A_138 = vector.broadcast %parallel_loop3A_137 : i32 to vector<16xi32>
          %parallel_loop3A_139 = vector.broadcast %parallel_loop3A_136 : i32 to vector<16xi32>
          %parallel_loop3A_140 = arith.muli %parallel_loop3A_138, %parallel_loop3A_139 : vector<16xi32>
          %parallel_loop3A_141 = tpu.vector_load_idx %arg9[%parallel_loop3A_140, %get3A_132] : memref<16x1024xf32, #tpu.memory_space<vmem>>[vector<16xi32>, vector<16xi32>], vector<16xf32>,
          %parallel_loop3A_142 = arith.constant 16 : i32
          %parallel_loop3A_143 = arith.muli %scan3A_126, %parallel_loop3A_142 : i32
          %parallel_loop3A_144 = arith.constant 512 : i32
          %parallel_loop3A_145 = arith.addi %parallel_loop3A_144, %parallel_loop3A_143 : i32
          %parallel_loop3A_146 = arith.index_cast %parallel_loop3A_136 : i32 to index
          %parallel_loop3A_147 = arith.index_cast %parallel_loop3A_145 : i32 to index
          %parallel_loop3A_148 = tpu.vector_load %arg11[%parallel_loop3A_146, %parallel_loop3A_147] {strides = array<i32>} : memref<16x1024xf32, #tpu.memory_space<vmem>>, vector<16xf32>,
          tpu.vector_store %arg11[%parallel_loop3A_146, %parallel_loop3A_147], %parallel_loop3A_141 {strides = array<i32>} : memref<16x1024xf32, #tpu.memory_space<vmem>>, vector<16xf32>,
        } {sc.loop_unroll_factor = 8 : i64, sc.parallel_access}
        %scan3A_135 = arith.constant 0 : i32
        scf.yield %scan3A_135 : i32
      }
      %scan3A_66 = arith.constant 32 : i32
      %mul3A_67 = arith.constant 16 : i32
      %mul3A_68 = arith.muli %mul3A_42, %mul3A_67 : i32
      %add3A_69 = arith.addi %mul3A_2, %mul3A_68 : i32
      %dma_start3A_70 = arith.constant 0 : i32
      %dma_start3A_71 = tpu.memref_slice %arg5[%add3A_69, %dma_start3A_70] : memref<32768x1024xf32, #tpu.memory_space<hbm>> -> memref<16x1024xf32, #tpu.memory_space<hbm>>
      %dma_start3A_72 = arith.constant 0 : i32
      %dma_start3A_73 = tpu.memref_slice %arg5[%add3A_69, %dma_start3A_72] : memref<32768x1024xf32, #tpu.memory_space<hbm>> -> memref<16x1024xf32, #tpu.memory_space<hbm>>
      tpu.enqueue_dma source(%arg11 : memref<16x1024xf32, #tpu.memory_space<vmem>>) target(%dma_start3A_73 : memref<16x1024xf32, #tpu.memory_space<hbm>>) target_semaphore(%arg17 : memref<!tpu.dma_semaphore, #tpu.memory_space<semaphore_mem>>)
      %add3A_74 = arith.constant 2 : i32
      %add3A_75 = arith.addi %mul3A_42, %add3A_74 : i32
      %lt3A = arith.constant 64 : i32
      %lt3A_76 = arith.cmpi slt, %add3A_75, %lt3A : i32
      %convert_element_type3A_77 = arith.extui %lt3A_76 : i1 to i32
      %cond3A_78 = arith.constant 0 : i32
      %cond3A_79 = arith.cmpi ne, %convert_element_type3A_77, %cond3A_78 : i32
      scf.if %cond3A_79 {
        %add3A_126 = arith.constant 2 : i32
        %add3A_127 = arith.addi %mul3A_42, %add3A_126 : i32
        %mul3A_128 = arith.constant 16 : i32
        %mul3A_129 = arith.muli %add3A_127, %mul3A_128 : i32
        %add3A_130 = arith.addi %mul3A_2, %mul3A_129 : i32
        %dma_start3A_131 = arith.constant 0 : i32
        %dma_start3A_132 = tpu.memref_slice %arg2[%add3A_130, %dma_start3A_131] : memref<32768x1024xf32, #tpu.memory_space<hbm>> -> memref<16x1024xf32, #tpu.memory_space<hbm>>
        %dma_start3A_133 = arith.constant 0 : i32
        %dma_start3A_134 = tpu.memref_slice %arg2[%add3A_130, %dma_start3A_133] : memref<32768x1024xf32, #tpu.memory_space<hbm>> -> memref<16x1024xf32, #tpu.memory_space<hbm>>
        tpu.enqueue_dma source(%dma_start3A_134 : memref<16x1024xf32, #tpu.memory_space<hbm>>) target(%arg7 : memref<16x1024xf32, #tpu.memory_space<vmem>>) target_semaphore(%arg13 : memref<!tpu.dma_semaphore, #tpu.memory_space<semaphore_mem>>)
        %add3A_135 = arith.constant 2 : i32
        %add3A_136 = arith.addi %mul3A_42, %add3A_135 : i32
        %mul3A_137 = arith.constant 16 : i32
        %mul3A_138 = arith.muli %add3A_136, %mul3A_137 : i32
        %add3A_139 = arith.addi %mul3A_2, %mul3A_138 : i32
        %dma_start3A_140 = arith.constant 0 : i32
        %dma_start3A_141 = tpu.memref_slice %arg3[%add3A_139, %dma_start3A_140] : memref<32768x1024xf32, #tpu.memory_space<hbm>> -> memref<16x1024xf32, #tpu.memory_space<hbm>>
        %dma_start3A_142 = arith.constant 0 : i32
        %dma_start3A_143 = tpu.memref_slice %arg3[%add3A_139, %dma_start3A_142] : memref<32768x1024xf32, #tpu.memory_space<hbm>> -> memref<16x1024xf32, #tpu.memory_space<hbm>>
        tpu.enqueue_dma source(%dma_start3A_143 : memref<16x1024xf32, #tpu.memory_space<hbm>>) target(%arg9 : memref<16x1024xf32, #tpu.memory_space<vmem>>) target_semaphore(%arg15 : memref<!tpu.dma_semaphore, #tpu.memory_space<semaphore_mem>>)
      } else {
      }
      %mul3A_80 = arith.constant 2 : i32
      %mul3A_81 = arith.muli %mul3A_80, %scan3A_39 : i32
      %add3A_82 = arith.constant 1 : i32
      %add3A_83 = arith.addi %mul3A_81, %add3A_82 : i32
      %ge3A_84 = arith.constant 2 : i32
      %ge3A_85 = arith.cmpi sge, %add3A_83, %ge3A_84 : i32
      %convert_element_type3A_86 = arith.extui %ge3A_85 : i1 to i32
      %cond3A_87 = arith.constant 0 : i32
      %cond3A_88 = arith.cmpi ne, %convert_element_type3A_86, %cond3A_87 : i32
      scf.if %cond3A_88 {
        %dma_wait3A_126 = arith.constant 0 : i32
        %dma_wait3A_127 = tpu.memref_slice %arg5[%mul3A_2, %dma_wait3A_126] : memref<32768x1024xf32, #tpu.memory_space<hbm>> -> memref<16x1024xf32, #tpu.memory_space<hbm>>
        %dma_wait3A_128 = arith.constant 0 : i32
        %dma_wait3A_129 = tpu.memref_slice %arg5[%mul3A_2, %dma_wait3A_128] : memref<32768x1024xf32, #tpu.memory_space<hbm>> -> memref<16x1024xf32, #tpu.memory_space<hbm>>
        tpu.wait_dma2 semaphore(%arg18 : memref<!tpu.dma_semaphore, #tpu.memory_space<semaphore_mem>>) src(%arg12 : memref<16x1024xf32, #tpu.memory_space<vmem>>) dst(%dma_wait3A_129 : memref<16x1024xf32, #tpu.memory_space<hbm>>)
      } else {
      }
      %dma_wait3A_89 = arith.constant 0 : i32
      %dma_wait3A_90 = tpu.memref_slice %arg2[%mul3A_2, %dma_wait3A_89] : memref<32768x1024xf32, #tpu.memory_space<hbm>> -> memref<16x1024xf32, #tpu.memory_space<hbm>>
      %dma_wait3A_91 = arith.constant 0 : i32
      %dma_wait3A_92 = tpu.memref_slice %arg2[%mul3A_2, %dma_wait3A_91] : memref<32768x1024xf32, #tpu.memory_space<hbm>> -> memref<16x1024xf32, #tpu.memory_space<hbm>>
      tpu.wait_dma2 semaphore(%arg14 : memref<!tpu.dma_semaphore, #tpu.memory_space<semaphore_mem>>) src(%dma_wait3A_92 : memref<16x1024xf32, #tpu.memory_space<hbm>>) dst(%arg8 : memref<16x1024xf32, #tpu.memory_space<vmem>>)
      %dma_wait3A_93 = arith.constant 0 : i32
      %dma_wait3A_94 = tpu.memref_slice %arg3[%mul3A_2, %dma_wait3A_93] : memref<32768x1024xf32, #tpu.memory_space<hbm>> -> memref<16x1024xf32, #tpu.memory_space<hbm>>
      %dma_wait3A_95 = arith.constant 0 : i32
      %dma_wait3A_96 = tpu.memref_slice %arg3[%mul3A_2, %dma_wait3A_95] : memref<32768x1024xf32, #tpu.memory_space<hbm>> -> memref<16x1024xf32, #tpu.memory_space<hbm>>
      tpu.wait_dma2 semaphore(%arg16 : memref<!tpu.dma_semaphore, #tpu.memory_space<semaphore_mem>>) src(%dma_wait3A_96 : memref<16x1024xf32, #tpu.memory_space<hbm>>) dst(%arg10 : memref<16x1024xf32, #tpu.memory_space<vmem>>)
      %scan3A_97 = arith.constant 0 : i32
      %scan3A_98 = arith.constant 0 : i32
      %scan3A_99 = arith.constant 32 : i32
      %scan3A_100 = arith.addi %scan3A_98, %scan3A_99 : i32
      %scan3A_101 = arith.constant 1 : i32
      %scan3A_102 = scf.for %scan3A_126 = %scan3A_98 to %scan3A_100 step %scan3A_101 iter_args(%scan3A_127 = %scan3A_97) -> (i32)  : i32 {
        %mul3A_128 = arith.constant 16 : i32
        %mul3A_129 = arith.muli %scan3A_126, %mul3A_128 : i32
        %get3A = arith.index_cast %mul3A_129 : i32 to index
        %get3A_130 = tpu.vector_load %arg6[%get3A] {strides = array<i32>} : memref<1024xi32, #tpu.memory_space<vmem>>, vector<16xi32>,
        %parallel_loop3A = arith.constant 0 : i32
        %parallel_loop3A_131 = arith.constant 16 : i32
        %parallel_loop3A_132 = arith.constant 1 : i32
        scf.for %parallel_loop3A_134 = %parallel_loop3A to %parallel_loop3A_131 step %parallel_loop3A_132  : i32 {
          %parallel_loop3A_135 = arith.constant 1 : i32
          %parallel_loop3A_136 = vector.broadcast %parallel_loop3A_135 : i32 to vector<16xi32>
          %parallel_loop3A_137 = vector.broadcast %parallel_loop3A_134 : i32 to vector<16xi32>
          %parallel_loop3A_138 = arith.muli %parallel_loop3A_136, %parallel_loop3A_137 : vector<16xi32>
          %parallel_loop3A_139 = tpu.vector_load_idx %arg8[%parallel_loop3A_138, %get3A_130] : memref<16x1024xf32, #tpu.memory_space<vmem>>[vector<16xi32>, vector<16xi32>], vector<16xf32>,
          %parallel_loop3A_140 = arith.constant 16 : i32
          %parallel_loop3A_141 = arith.muli %scan3A_126, %parallel_loop3A_140 : i32
          %parallel_loop3A_142 = arith.index_cast %parallel_loop3A_134 : i32 to index
          %parallel_loop3A_143 = arith.index_cast %parallel_loop3A_141 : i32 to index
          %parallel_loop3A_144 = tpu.vector_load %arg12[%parallel_loop3A_142, %parallel_loop3A_143] {strides = array<i32>} : memref<16x1024xf32, #tpu.memory_space<vmem>>, vector<16xf32>,
          tpu.vector_store %arg12[%parallel_loop3A_142, %parallel_loop3A_143], %parallel_loop3A_139 {strides = array<i32>} : memref<16x1024xf32, #tpu.memory_space<vmem>>, vector<16xf32>,
        } {sc.loop_unroll_factor = 8 : i64, sc.parallel_access}
        %scan3A_133 = arith.constant 0 : i32
        scf.yield %scan3A_133 : i32
      }
      %scan3A_103 = arith.constant 32 : i32
      %scan3A_104 = arith.constant 0 : i32
      %scan3A_105 = arith.constant 0 : i32
      %scan3A_106 = arith.constant 32 : i32
      %scan3A_107 = arith.addi %scan3A_105, %scan3A_106 : i32
      %scan3A_108 = arith.constant 1 : i32
      %scan3A_109 = scf.for %scan3A_126 = %scan3A_105 to %scan3A_107 step %scan3A_108 iter_args(%scan3A_127 = %scan3A_104) -> (i32)  : i32 {
        %mul3A_128 = arith.constant 16 : i32
        %mul3A_129 = arith.muli %scan3A_126, %mul3A_128 : i32
        %add3A_130 = arith.constant 512 : i32
        %add3A_131 = arith.addi %add3A_130, %mul3A_129 : i32
        %get3A = arith.index_cast %add3A_131 : i32 to index
        %get3A_132 = tpu.vector_load %arg6[%get3A] {strides = array<i32>} : memref<1024xi32, #tpu.memory_space<vmem>>, vector<16xi32>,
        %parallel_loop3A = arith.constant 0 : i32
        %parallel_loop3A_133 = arith.constant 16 : i32
        %parallel_loop3A_134 = arith.constant 1 : i32
        scf.for %parallel_loop3A_136 = %parallel_loop3A to %parallel_loop3A_133 step %parallel_loop3A_134  : i32 {
          %parallel_loop3A_137 = arith.constant 1 : i32
          %parallel_loop3A_138 = vector.broadcast %parallel_loop3A_137 : i32 to vector<16xi32>
          %parallel_loop3A_139 = vector.broadcast %parallel_loop3A_136 : i32 to vector<16xi32>
          %parallel_loop3A_140 = arith.muli %parallel_loop3A_138, %parallel_loop3A_139 : vector<16xi32>
          %parallel_loop3A_141 = tpu.vector_load_idx %arg10[%parallel_loop3A_140, %get3A_132] : memref<16x1024xf32, #tpu.memory_space<vmem>>[vector<16xi32>, vector<16xi32>], vector<16xf32>,
          %parallel_loop3A_142 = arith.constant 16 : i32
          %parallel_loop3A_143 = arith.muli %scan3A_126, %parallel_loop3A_142 : i32
          %parallel_loop3A_144 = arith.constant 512 : i32
          %parallel_loop3A_145 = arith.addi %parallel_loop3A_144, %parallel_loop3A_143 : i32
          %parallel_loop3A_146 = arith.index_cast %parallel_loop3A_136 : i32 to index
          %parallel_loop3A_147 = arith.index_cast %parallel_loop3A_145 : i32 to index
          %parallel_loop3A_148 = tpu.vector_load %arg12[%parallel_loop3A_146, %parallel_loop3A_147] {strides = array<i32>} : memref<16x1024xf32, #tpu.memory_space<vmem>>, vector<16xf32>,
          tpu.vector_store %arg12[%parallel_loop3A_146, %parallel_loop3A_147], %parallel_loop3A_141 {strides = array<i32>} : memref<16x1024xf32, #tpu.memory_space<vmem>>, vector<16xf32>,
        } {sc.loop_unroll_factor = 8 : i64, sc.parallel_access}
        %scan3A_135 = arith.constant 0 : i32
        scf.yield %scan3A_135 : i32
      }
      %scan3A_110 = arith.constant 32 : i32
      %mul3A_111 = arith.constant 16 : i32
      %mul3A_112 = arith.muli %add3A_83, %mul3A_111 : i32
      %add3A_113 = arith.addi %mul3A_2, %mul3A_112 : i32
      %dma_start3A_114 = arith.constant 0 : i32
      %dma_start3A_115 = tpu.memref_slice %arg5[%add3A_113, %dma_start3A_114] : memref<32768x1024xf32, #tpu.memory_space<hbm>> -> memref<16x1024xf32, #tpu.memory_space<hbm>>
      %dma_start3A_116 = arith.constant 0 : i32
      %dma_start3A_117 = tpu.memref_slice %arg5[%add3A_113, %dma_start3A_116] : memref<32768x1024xf32, #tpu.memory_space<hbm>> -> memref<16x1024xf32, #tpu.memory_space<hbm>>
      tpu.enqueue_dma source(%arg12 : memref<16x1024xf32, #tpu.memory_space<vmem>>) target(%dma_start3A_117 : memref<16x1024xf32, #tpu.memory_space<hbm>>) target_semaphore(%arg18 : memref<!tpu.dma_semaphore, #tpu.memory_space<semaphore_mem>>)
      %add3A_118 = arith.constant 2 : i32
      %add3A_119 = arith.addi %add3A_83, %add3A_118 : i32
      %lt3A_120 = arith.constant 64 : i32
      %lt3A_121 = arith.cmpi slt, %add3A_119, %lt3A_120 : i32
      %convert_element_type3A_122 = arith.extui %lt3A_121 : i1 to i32
      %cond3A_123 = arith.constant 0 : i32
      %cond3A_124 = arith.cmpi ne, %convert_element_type3A_122, %cond3A_123 : i32
      scf.if %cond3A_124 {
        %add3A_126 = arith.constant 2 : i32
        %add3A_127 = arith.addi %add3A_83, %add3A_126 : i32
        %mul3A_128 = arith.constant 16 : i32
        %mul3A_129 = arith.muli %add3A_127, %mul3A_128 : i32
        %add3A_130 = arith.addi %mul3A_2, %mul3A_129 : i32
        %dma_start3A_131 = arith.constant 0 : i32
        %dma_start3A_132 = tpu.memref_slice %arg2[%add3A_130, %dma_start3A_131] : memref<32768x1024xf32, #tpu.memory_space<hbm>> -> memref<16x1024xf32, #tpu.memory_space<hbm>>
        %dma_start3A_133 = arith.constant 0 : i32
        %dma_start3A_134 = tpu.memref_slice %arg2[%add3A_130, %dma_start3A_133] : memref<32768x1024xf32, #tpu.memory_space<hbm>> -> memref<16x1024xf32, #tpu.memory_space<hbm>>
        tpu.enqueue_dma source(%dma_start3A_134 : memref<16x1024xf32, #tpu.memory_space<hbm>>) target(%arg8 : memref<16x1024xf32, #tpu.memory_space<vmem>>) target_semaphore(%arg14 : memref<!tpu.dma_semaphore, #tpu.memory_space<semaphore_mem>>)
        %add3A_135 = arith.constant 2 : i32
        %add3A_136 = arith.addi %add3A_83, %add3A_135 : i32
        %mul3A_137 = arith.constant 16 : i32
        %mul3A_138 = arith.muli %add3A_136, %mul3A_137 : i32
        %add3A_139 = arith.addi %mul3A_2, %mul3A_138 : i32
        %dma_start3A_140 = arith.constant 0 : i32
        %dma_start3A_141 = tpu.memref_slice %arg3[%add3A_139, %dma_start3A_140] : memref<32768x1024xf32, #tpu.memory_space<hbm>> -> memref<16x1024xf32, #tpu.memory_space<hbm>>
        %dma_start3A_142 = arith.constant 0 : i32
        %dma_start3A_143 = tpu.memref_slice %arg3[%add3A_139, %dma_start3A_142] : memref<32768x1024xf32, #tpu.memory_space<hbm>> -> memref<16x1024xf32, #tpu.memory_space<hbm>>
        tpu.enqueue_dma source(%dma_start3A_143 : memref<16x1024xf32, #tpu.memory_space<hbm>>) target(%arg10 : memref<16x1024xf32, #tpu.memory_space<vmem>>) target_semaphore(%arg16 : memref<!tpu.dma_semaphore, #tpu.memory_space<semaphore_mem>>)
      } else {
      }
      %scan3A_125 = arith.constant 0 : i32
      scf.yield %scan3A_125 : i32
    }
    %scan3A_31 = arith.constant 32 : i32
    %dma_wait3A = arith.constant 0 : i32
    %dma_wait3A_32 = tpu.memref_slice %arg5[%mul3A_2, %dma_wait3A] : memref<32768x1024xf32, #tpu.memory_space<hbm>> -> memref<16x1024xf32, #tpu.memory_space<hbm>>
    %dma_wait3A_33 = arith.constant 0 : i32
    %dma_wait3A_34 = tpu.memref_slice %arg5[%mul3A_2, %dma_wait3A_33] : memref<32768x1024xf32, #tpu.memory_space<hbm>> -> memref<16x1024xf32, #tpu.memory_space<hbm>>
    tpu.wait_dma2 semaphore(%arg17 : memref<!tpu.dma_semaphore, #tpu.memory_space<semaphore_mem>>) src(%arg11 : memref<16x1024xf32, #tpu.memory_space<vmem>>) dst(%dma_wait3A_34 : memref<16x1024xf32, #tpu.memory_space<hbm>>)
    %dma_wait3A_35 = arith.constant 0 : i32
    %dma_wait3A_36 = tpu.memref_slice %arg5[%mul3A_2, %dma_wait3A_35] : memref<32768x1024xf32, #tpu.memory_space<hbm>> -> memref<16x1024xf32, #tpu.memory_space<hbm>>
    %dma_wait3A_37 = arith.constant 0 : i32
    %dma_wait3A_38 = tpu.memref_slice %arg5[%mul3A_2, %dma_wait3A_37] : memref<32768x1024xf32, #tpu.memory_space<hbm>> -> memref<16x1024xf32, #tpu.memory_space<hbm>>
    tpu.wait_dma2 semaphore(%arg18 : memref<!tpu.dma_semaphore, #tpu.memory_space<semaphore_mem>>) src(%arg12 : memref<16x1024xf32, #tpu.memory_space<vmem>>) dst(%dma_wait3A_38 : memref<16x1024xf32, #tpu.memory_space<hbm>>)
    return
  }
}

</mosaic_0001>

<sc_bundles>
// kernel: kernel.11.cloned.1.call-start
scs
__scs_entry_jumppad:
0x0: {  	(pc) =	sbr.rel $0x88, $3  }
0x1: {  	(tag) =	ssettag $0x0;
	lr =	simm.s32 $0x1  }
0x2: {  	[smem:$0x3F9F] =	sst lr;
	_ =	strace $0xD0000000  }
0x3: {  	_ = 	snop  }
0x4: {  	_ = 	snop  }
0x5: {  	_ = 	snop  }
0x6: {  	_ = 	snop  }
0x7: {  	_ = 	snop  }
__scs_overlays_trampoline_lowered:
0x8: {  	[smem:$0x3FAE] =	sst s0  }
0x9: {  	[smem:$0x3FAF] =	sst s1  }
0xa: {  	[smem:$0x3FB0] =	sst s2  }
0xb: {  	[smem:$0x3FB1] =	sst s3  }
0xc: {  	[smem:$0x3FB2] =	sst s4  }
0xd: {  	[smem:$0x3FB3] =	sst s5  }
0xe: {  	[smem:$0x3FB4] =	sst s6  }
0xf: {  	[smem:$0x3FB5] =	sst s7  }
0x10: {  	[smem:$0x3FB6] =	sst s8  }
0x11: {  	[smem:$0x3FB7] =	sst s9;
	s0 =	simm.s32 @!p0 $0x0  }
0x12: {  	s1 =	sld [smem:$0x3F9D];
	s0 =	simm.s32 @p0 $0x1  }
0x13: {  	[smem:$0x3FB8] =	sst s0;
	s0 =	simm.s32 @!p1 $0x0  }
0x14: {  	s2 =	sld [smem:$0x3F9C];
	s0 =	simm.s32 @p1 $0x1  }
0x15: {  	[smem:$0x3FB9] =	sst s0;
	s0 =	simm.s32 @!p2 $0x0  }
0x16: {  	s3 =	sld [smem:$0x3FDB];
	s0 =	simm.s32 @p2 $0x1  }
0x17: {  	s4 =	simm.s32 $0x1BF5;
	[smem:$0x3FBB] =	sst s0  }
0x18: {  	s0 =	sld [smem:$0x3F9E];
	_ =	swait.ge [sflag:s4], $0x0  }
0x19: {  	s7 =	sld [smem:$0x3F9F]  }
0x1a: {  	s8 =	sadd.s32 $0xFFFFE003, lr  }
0x1b: {  	s9 =	sadd.s32 $0xFFFFFEF7, lr;
	s5 =	simm.s32 $0xFFFFFFFF;
	p2 =	slt.u32 s8, $0xFFFFF086  }
0x1c: {  	p1 =	slt.u32 s9, $0xF7A;
	s5 =	simm.s32 @!p2 $0x0  }
0x1d: {  	s5 =	simm.s32 @p1 $0x1;
	p0 =	seq.s32 s7, s2  }
0x1e: {  	s7 =	smul.u32 @!p0 $0xF7A, s2;
	p2 =	seq.s32 @!p0 s5, $0x0  }
0x1f: {  	s9 =	smul.u32 $0xF7A, s1;
	s8 =	simm.s32 @!p0 $0x1BF5;
	p2 =	por !p2, p0  }
0x20: {  	[sflag:s8] =	ssyncset.s32 @!p0 $0xFFFFF086;
	s6 =	sadd.s32 @!p0 s3, s7;
	s7 =	simm.s32 @!p0 $0x108  }
0x21: {  	s3 =	sadd.s32 s3, s9;
	s6 =	sadd.s32 @!p0 $0x88, s6;
	s7 =	simm.s32 @p2 $0x1082  }
0x22: {  	[simem:s7], [sflag:s8] =	dma.local @!p0 [hbm:s6], $0xF7A  }
0x23: {  	s9 =	sor.u32 $0xD0000000, s2;
	s6 =	simm.s32 $0x108;
	_ =	swait.ge @!p0 [sflag:s8], $0x0  }
0x24: {  	s3 =	sadd.s32 $0x88, s3;
	s6 =	simm.s32 @!p1 $0x1082;
	[sflag:s4] =	ssyncset.s32 $0xFFFFF086  }
0x25: {  	[simem:s6], [sflag:s4] =	dma.local [hbm:s3], $0xF7A  }
0x26: {  	[smem:$0x3F9F] =	sst s1;
	(tag) =	ssettag s2;
	_ =	strace s9  }
0x27: {  	s1 =	sld [smem:$0x3FAF]  }
0x28: {  	s2 =	sld [smem:$0x3FB0]  }
0x29: {  	s4 =	sld [smem:$0x3FB2]  }
0x2a: {  	p0 =	seq.s32 s5, $0x0;
	s5 =	sld [smem:$0x3FB3]  }
0x2b: {  	s6 =	sld [smem:$0x3FB4]  }
0x2c: {  	s7 =	sld [smem:$0x3FB5]  }
0x2d: {  	s3 =	simm.s32 $0x108;
	s8 =	sld [smem:$0x3FB6]  }
0x2e: {  	s3 =	simm.s32 @!p0 $0x1082;
	s9 =	sld [smem:$0x3FB7]  }
0x2f: {  	lr =	sadd.s32 s0, s3;
	s0 =	sld [smem:$0x3FAE]  }
0x30: {  	s3 =	sld [smem:$0x3FB1]  }
0x31: {  	[smem:$0x3FBA] =	sst s10  }
0x32: {  	s10 =	sld [smem:$0x3FB8];
	_ =	sdelay $0x3  }
0x33: {  	p0 =	seq.s32 s10, $0x1;
	s10 =	sld [smem:$0x3FBA];
	_ =	sdelay $0x3  }
0x34: {  	[smem:$0x3FBA] =	sst s10  }
0x35: {  	s10 =	sld [smem:$0x3FB9];
	_ =	sdelay $0x3  }
0x36: {  	p1 =	seq.s32 s10, $0x1;
	s10 =	sld [smem:$0x3FBA];
	_ =	sdelay $0x3  }
0x37: {  	[smem:$0x3FBA] =	sst s10  }
0x38: {  	s10 =	sld [smem:$0x3FBB]  }
0x39: {  	_ = 	snop;
	(pc) =	sbr.ind lr, $3  }
0x3a: {  	_ = 	snop  }
0x3b: {  	_ = 	snop  }
0x3c: {  	p2 =	seq.s32 s10, $0x1;
	s10 =	sld [smem:$0x3FBA]  }
0x3d: {  	_ =	shalt  }
0x3e: {  	_ =	shalt  }
0x3f: {  	_ =	shalt  }
0x40: {  	_ =	shalt  }
0x41: {  	_ =	shalt  }
0x42: {  	_ =	shalt  }
0x43: {  	_ =	shalt  }
0x44: {  	_ =	shalt  }
0x45: {  	_ =	shalt  }
0x46: {  	_ =	shalt  }
0x47: {  	_ =	shalt  }
0x48: {  	_ =	shalt  }
0x49: {  	_ =	shalt  }
0x4a: {  	_ =	shalt  }
0x4b: {  	_ =	shalt  }
0x4c: {  	_ =	shalt  }
0x4d: {  	_ =	shalt  }
0x4e: {  	_ =	shalt  }
0x4f: {  	_ =	shalt  }
0x50: {  	_ =	shalt  }
0x51: {  	_ =	shalt  }
0x52: {  	_ =	shalt  }
0x53: {  	_ =	shalt  }
0x54: {  	_ =	shalt  }
0x55: {  	_ =	shalt  }
0x56: {  	_ =	shalt  }
0x57: {  	_ =	shalt  }
0x58: {  	_ =	shalt  }
0x59: {  	_ =	shalt  }
0x5a: {  	_ =	shalt  }
0x5b: {  	_ =	shalt  }
0x5c: {  	_ =	shalt  }
0x5d: {  	_ =	shalt  }
0x5e: {  	_ =	shalt  }
0x5f: {  	_ =	shalt  }
0x60: {  	_ =	shalt  }
0x61: {  	_ =	shalt  }
0x62: {  	_ =	shalt  }
0x63: {  	_ =	shalt  }
0x64: {  	_ =	shalt  }
0x65: {  	_ =	shalt  }
0x66: {  	_ =	shalt  }
0x67: {  	_ =	shalt  }
0x68: {  	_ =	shalt  }
0x69: {  	_ =	shalt  }
0x6a: {  	_ =	shalt  }
0x6b: {  	_ =	shalt  }
0x6c: {  	_ =	shalt  }
0x6d: {  	_ =	shalt  }
0x6e: {  	_ =	shalt  }
0x6f: {  	_ =	shalt  }
0x70: {  	_ =	shalt  }
0x71: {  	_ =	shalt  }
0x72: {  	_ =	shalt  }
0x73: {  	_ =	shalt  }
0x74: {  	_ =	shalt  }
0x75: {  	_ =	shalt  }
0x76: {  	_ =	shalt  }
0x77: {  	_ =	shalt  }
0x78: {  	_ =	shalt  }
0x79: {  	_ =	shalt  }
0x7a: {  	_ =	shalt  }
0x7b: {  	_ =	shalt  }
0x7c: {  	_ =	shalt  }
0x7d: {  	_ =	shalt  }
0x7e: {  	_ =	shalt  }
0x7f: {  	_ =	shalt  }
0x80: {  	_ =	shalt  }
0x81: {  	_ =	shalt  }
0x82: {  	_ =	shalt  }
0x83: {  	_ =	shalt  }
0x84: {  	_ =	shalt  }
0x85: {  	_ =	shalt  }
0x86: {  	_ =	shalt  }
0x87: {  	_ =	shalt  }
.Lfunc_end0:
.L_simem_size_0:
called_computation.2_lowered:
.L_overlay_start_0:
0x88: {  	s2 =	sld [smem:$0x3FD9]  }
0x89: {  	s3 =	sld [smem:$0x3FFE];
	_ =	sdelay $0x1  }
0x8a: {  	s1 =	srdreg.scid  }
0x8b: {  	s0 =	sand.u32 $0x1, s1  }
0x8c: {  	s17 =	sshll.u32 s0, $0xA;
	s2 =	sadd.s32 s3, s2  }
0x8d: {  	s2 =	sadd.s32 s2, s17  }
0x8e: {  	[smem:$0x3FC6] =	sst s2  }
0x8f: {  	_ = 	snop  }
0x90: {  	s2 =	sld [smem:$0x3FC9]  }
0x91: {  	s18 =	sld [smem:$0x3FC8]  }
0x92: {  	s4 =	sld [smem:$0x3FD0];
	(tm) =	ssettm $0x1  }
0x93: {  	s5 =	sld [smem:$0x3FFB];
	_ =	sdelay $0x3  }
0x94: {  	_ =	strace s5  }
0x95: {  	s5 =	sld [smem:$0x3FFC];
	_ =	sdelay $0x3  }
0x96: {  	_ =	strace s5  }
0x97: {  	s5 =	sld [smem:$0x3FFD];
	_ =	sdelay $0x3  }
0x98: {  	_ =	strace s5  }
0x99: {  	_ =	strace $0x8FFFFFFF  }
0x9a: {  	s19 =	sld [smem:$0x3FDB];
	_ =	sdelay $0x1  }
0x9b: {  	s6 =	simm.s32 $_scs_section_size  }
0x9c: {  	s7 =	simm.s32 $_size__tile_overlayer_lowered;
	s8 =	simm.s32 $_tile_overlayer_lowered  }
0x9d: {  	s22 =	simm.s32 $0x1BFF;
	s21 =	sshll.u32 s8, $0x1;
	s5 =	sadd.s32 s6, s19  }
0x9e: {  	s9 =	simm.s32 $0x0;
	s20 =	sshll.u32 s7, $0x1;
	s7 =	sadd.s32 s21, s5  }
0x9f: {  	[timem:s9], [sflag:s22] =	dma.local [hbm:s7], s20  }
0xa0: {  	_ =	swait.ge [sflag:s22], s20  }
0xa1: {  	s6 =	ssub.s32 $0x0, s20;
	[sflag:s22] =	ssyncset.done $0x0  }
0xa2: {  	[sflag:s22] =	ssyncadd.s32 s6;
	_ =	sdelay $0x1  }
0xa3: {  	s23 =	simm.s32 $0x1B8B  }
0xa4: {  	_ =	swait.ge [sflag:s23], $0x1  }
0xa5: {  	[sflag:s23] =	ssyncset.done $0x0  }
0xa6: {  	s25 =	simm.s32 $0x1B8E;
	s24 =	sld [smem:$0x3FFE];
	[sflag:s23] =	ssyncadd.s32 $0xFFFFFFFF  }
0xa7: {  	s26 =	simm.s32 $execute0_lowered;
	[smem:$0x3FD2] =	sst s25  }
0xa8: {  	s7 =	sshll.u32 s26, $0x1;
	_ =	strace $0x8000004C;
	[dreg:$0x1] =	wrdreg $0xFFFFFFFF  }
0xa9: {  	s28 =	simm.s32 $_size_execute0_lowered;
	s5 =	sadd.s32 s5, s7;
	[dreg:$0x0] =	wrdreg $0x0  }
0xaa: {  	s7 =	sshll.u32 s28, $0x1;
	[dreg:$0x2] =	wrdreg s5  }
0xab: {  	[dreg:$0x3] =	wrdreg s7  }
0xac: {  	[dreg:$0x4] =	wrdreg $0xC0  }
0xad: {  	_ =	task [dreg:s9], $0x5FFFF  }
0xae: {  	[dreg:$0x1] =	wrdreg $0xFFFFFFFF  }
0xaf: {  	[dreg:$0x0] =	wrdreg $0x60  }
0xb0: {  	[dreg:$0x2] =	wrdreg s2  }
0xb1: {  	[dreg:$0x3] =	wrdreg s18  }
0xb2: {  	[dreg:$0x4] =	wrdreg s24  }
0xb3: {  	[dreg:$0x5] =	wrdreg s4  }
0xb4: {  	[dreg:$0x6] =	wrdreg $0x9  }
0xb5: {  	_ =	task.clear_ibuf [dreg:s9], $0x7FFFF;
	_ =	strace $0x9000004C  }
0xb6: {  	s29 =	simm.s32 $0x9;
	_ =	strace $0x8000004E  }
0xb7: {  	_ =	swait.ge [sflag:s29], $0x1  }
0xb8: {  	[sflag:s29] =	ssyncadd.s32 $0xFFFFFFFF  }
0xb9: {  	_ =	strace $0x9000004E  }
0xba: {  	_ =	sfence  }
0xbb: {  	s30 =	sld [smem:$0x0];
	_ =	sdelay $0x2  }
0xbc: {  	s31 =	sshll.u32 s1, $0xD;
	s1 =	sshrl.u32 s1, $0x2  }
0xbd: {  	s3 =	sand.u32 $0x4000, s31;
	s1 =	sadd.s32 s1, s30  }
0xbe: {  	s0 =	sor.u32 s3, s0;
	s1 =	sshll.u32 s1, $0x11  }
0xbf: {  	s0 =	sor.u32 s1, s0  }
0xc0: {  	s0 =	sadd.s32 $0x8F2B, s0  }
0xc1: {  	[sflag:s0] =	ssyncadd.remote.s32 $0x1  }
0xc2: {  	_ =	sfence.sel $0xFFFF  }
0xc3: {  	[dreg:$0x0] =	wrdreg $0xFFFFFFFF;
	(pc) =	sbr.abs _section_cstart, $3  }
0xc4: {  	[dreg:$0x1] =	wrdreg $0xFFFFFFFF  }
0xc5: {  	_ =	task.clear_ibuf [dreg:s9], $0x2FFFF;
	_ =	strace $0x9FFFFFFF  }
0xc6: {  	(tm) =	ssettm $0x7FFFFFFF  }
0xc7: {  	_ =	shalt  }
tec
execute0_lowered:
.L_overlay_start_1:
0x0: {  	(tag) =	ssettag $0x1  }
0x1: {  	s1 =	rddreg [dreg:$0x0]  }
0x2: {  	s2 =	rddreg [dreg:$0x1]  }
0x3: {  	s0 =	rddreg [dreg:$0x3]  }
0x4: {  	s3 =	srdreg.scid;
	s4 =	stileid.u32  }
0x5: {  	s5 =	simm.s32 $0x0;
	s15 =	simm.s32 $0x7;
	s16 =	simm.s32 $0x400  }
0x6: {  	s17 =	simm.s32 $0x4400;
	s18 =	simm.s32 $0x8400;
	s19 =	simm.s32 $0xC400  }
0x7: {  	s20 =	simm.s32 $0x1;
	s21 =	simm.s32 $0x3;
	s22 =	simm.s32 $0x10400  }
0x8: {  	s23 =	simm.s32 $0x2;
	s24 =	simm.s32 $0x4;
	s25 =	simm.s32 $0x14400  }
0x9: {  	s26 =	simm.s32 $0x5;
	s28 =	simm.s32 $0x6;
	s29 =	simm.s32 $0x0  }
0xa: {  	s3 =	sand.u32 $0x1, s3;
	s6 =	sshll.u32 s4, $0x12;
	[smem:$0x7FF] =	sst s5  }
0xb: {  	s7 =	sshll.u32 s3, $0x11;
	s3 =	ssub.s32 $0x2, s3;
	_ =	strace $0x8000004D  }
.Ltmp0:
0xc: {  	s12 =	sor.u32 s7, s6;
	s30 =	sshrl.u32 s3, $0x1;
	(pc) =	sbr.rel .LBB2_1-.Ltmp0, $4  }
0xd: {  	s14 =	sor.u32 $0x800, s12;
	s3 =	ssub.s32 s3, s30;
	s31 =	sadd.s32 s1, s12  }
0xe: {  	s8 =	sadd.s32 s2, s12;
	s10 =	sadd.s32 s0, s12;
	s11 =	sor.u32 $0x1000, s12  }
0xf: {  	s12 =	sor.u32 $0x1800, s12;
	[dreg:$0x5] =	wrdreg s31;
	s7 =	sadd.s32 s1, s14  }
0x10: {  	s9 =	sadd.s32 s2, s14;
	s13 =	smax.u32 s3, $0x1;
	s14 =	sadd.s32 s0, s14  }
.LBB2_18:
0x11: {  	s29 =	sadd.s32 $0x1, s29  }
0x12: {  	_ =	swait.ge [sflag:s26], $0x4000;
	p0 =	sne.s32 s29, s13  }
.Ltmp1:
0x13: {  	[sflag:s26] =	ssyncset.done $0x0;
	(pc) =	sbr.rel @!p0 .LBB2_19-.Ltmp1, $4  }
0x14: {  	[sflag:s26] =	ssyncadd.s32 $0xFFFFC000  }
0x15: {  	_ =	swait.ge [sflag:s28], $0x4000  }
0x16: {  	[sflag:s28] =	ssyncset.done $0x0  }
0x17: {  	[sflag:s28] =	ssyncadd.s32 $0xFFFFC000  }
.LBB2_1:
0x18: {  	s0 =	rddreg [dreg:$0x2]  }
0x19: {  	[tilespmem:s5], [sflag:$0x7] =	stream.linear.gather [hbm4b:s0+s5], $0x400, $0x38;
	[tilespmem:$0x18400] =	vst v63  }
0x1a: {  	_ =	swait.ge [sflag:s15], $0x400  }
0x1b: {  	[sflag:s15] =	ssyncset.done $0x0  }
0x1c: {  	s31 =	rddreg [dreg:$0x5];
	[sflag:s15] =	ssyncadd.s32 $0xFFFFFC00  }
0x1d: {  	[tilespmem:s16], [sflag:$0x1] =	stream.linear.gather [hbm4b:s31+s5], $0x4000, $0x38;
	[tilespmem:$0x18400] =	vst v63  }
0x1e: {  	_ = 	snop  }
0x1f: {  	[tilespmem:s17], [sflag:$0x2] =	stream.linear.gather [hbm4b:s7+s5], $0x4000, $0x38;
	[tilespmem:$0x18400] =	vst v63  }
0x20: {  	_ = 	snop  }
0x21: {  	[tilespmem:s18], [sflag:$0x3] =	stream.linear.gather [hbm4b:s8+s5], $0x4000, $0x38;
	[tilespmem:$0x18400] =	vst v63  }
0x22: {  	s30 =	simm.s32 $0x0  }
0x23: {  	[tilespmem:s19], [sflag:$0x4] =	stream.linear.gather [hbm4b:s9+s5], $0x4000, $0x38;
	[tilespmem:$0x18400] =	vst v63  }
.LBB2_2:
0x24: {  	p0 =	seq.s32 s30, $0x0  }
0x25: {  	s0 =	simm.s32 @!p0 $0x5  }
0x26: {  	_ =	swait.ge @!p0 [sflag:s0], $0x4000  }
0x27: {  	[sflag:s0] =	ssyncset.done @!p0 $0x0  }
0x28: {  	[sflag:s0] =	ssyncadd.s32 @!p0 $0xFFFFC000  }
0x29: {  	_ =	swait.ge [sflag:s20], $0x4000  }
0x2a: {  	[sflag:s20] =	ssyncset.done $0x0  }
0x2b: {  	[sflag:s20] =	ssyncadd.s32 $0xFFFFC000  }
0x2c: {  	_ =	swait.ge [sflag:s21], $0x4000  }
0x2d: {  	[sflag:s21] =	ssyncset.done $0x0  }
0x2e: {  	s31 =	sshll.u32 s30, $0xC;
	s3 =	simm.s32 $0x0;
	[sflag:s21] =	ssyncadd.s32 $0xFFFFC000  }
.LBB2_3:
0x2f: {  	s0 =	sshll.u32 s3, $0x4  }
0x30: {  	v0 =	vld [tilespmem:s0+$0x0];
	_ =	sdelay $0x3  }
0x31: {  	s4 =	sshll.u32 s3, $0x7  }
0x32: {  	s0 =	sand.u32 $0x70, s0;
	s4 =	sand.u32 $0xC00, s4;
	v1 =	vshll.u32 v0, $0x3  }
0x33: {  	s0 =	sor.u32 s0, s4;
	v0 =	vand.u32 $0x7F, v0;
	v1 =	vand.u32 $0xFFFFFC00, v1  }
0x34: {  	s0 =	sadd.s32 $0x10400, s0;
	v0 =	vor.u32 v0, v1  }
0x35: {  	v8 =	vmov s0;
	v1 =	vor.u32 $0x80, v0  }
0x36: {  	v2 =	vor.u32 $0x100, v0;
	v3 =	vor.u32 $0x180, v0;
	v4 =	vor.u32 $0x200, v0  }
0x37: {  	p0 =	por $0x1, $0x1;
	s0 =	simm.s32 $0x0;
	v5 =	vor.u32 $0x280, v0;
	v6 =	vor.u32 $0x300, v0;
	v7 =	vor.u32 $0x380, v0  }
.LBB2_4:
0x38: {  	v9 =	vmov s0  }
0x39: {  	v9 =	vshrl.u32 v9, $0x3  }
0x3a: {  	v9 =	vshll.u32 v9, $0xD  }
0x3b: {  	v9 =	vbroadcast v9, $0x0;
	_ =	sdelay $0x1  }
0x3c: {  	v10 =	vadd.s32 v0, v9  }
0x3d: {  	v11 =	vadd.s32 v1, v9  }
0x3e: {  	v12 =	vadd.s32 v2, v9  }
0x3f: {  	v13 =	vadd.s32 v3, v9  }
0x40: {  	v14 =	vadd.s32 v4, v9  }
0x41: {  	v15 =	vadd.s32 v5, v9;
	v16 =	vadd.s32 v6, v9;
	v9 =	vadd.s32 v7, v9;
	v10 =	vld.idx.msk [tilespmem:v10+s16+$0x0], $0xffff  }
0x42: {  	v11 =	vld.idx.msk [tilespmem:v11+s16+$0x0], $0xffff  }
0x43: {  	v12 =	vld.idx.msk [tilespmem:v12+s16+$0x0], $0xffff  }
0x44: {  	s6 =	sshll.u32 s0, $0xA;
	v13 =	vld.idx.msk [tilespmem:v13+s16+$0x0], $0xffff  }
0x45: {  	s0 =	sand.u32 $0x3FFFFC00, s6;
	v14 =	vld.idx.msk [tilespmem:v14+s16+$0x0], $0xffff  }
0x46: {  	v9 =	vld.idx.msk [tilespmem:v9+s16+$0x0], $0xffff;
	[tilespmem:v8+s0+$0x0 ss:$0x1] =	vst.idx.msk $0xffff, v10  }
0x47: {  	v10 =	vld.idx.msk [tilespmem:v15+s16+$0x0], $0xffff;
	[tilespmem:v8+s0+$0x80 ss:$0x1] =	vst.idx.msk $0xffff, v11  }
0x48: {  	p1 =	por p0, p0;
	v11 =	vld.idx.msk [tilespmem:v16+s16+$0x0], $0xffff;
	[tilespmem:v8+s0+$0x100 ss:$0x1] =	vst.idx.msk $0xffff, v12  }
.Ltmp2:
0x49: {  	[tilespmem:v8+s0+$0x180 ss:$0x1] =	vst.idx.msk $0xffff, v13;
	(pc) =	sbr.rel @p1 .LBB2_4-.Ltmp2, $4  }
0x4a: {  	[tilespmem:v8+s0+$0x200 ss:$0x1] =	vst.idx.msk $0xffff, v14  }
0x4b: {  	[tilespmem:v8+s0+$0x380 ss:$0x1] =	vst.idx.msk $0xffff, v9  }
0x4c: {  	[tilespmem:v8+s0+$0x280 ss:$0x1] =	vst.idx.msk $0xffff, v10  }
0x4d: {  	p0 =	por $0x0, $0x0;
	[tilespmem:v8+s0+$0x300 ss:$0x1] =	vst.idx.msk $0xffff, v11;
	s0 =	simm.s32 $0x8  }
0x4e: {  	s3 =	sadd.s32 $0x1, s3  }
0x4f: {  	p0 =	sne.s32 s3, $0x20  }
.Ltmp3:
0x50: {  	_ = 	snop;
	(pc) =	sbr.rel @p0 .LBB2_3-.Ltmp3, $2  }
0x51: {  	_ =	sdelay $0x2  }
0x52: {  	s0 =	simm.s32 $0x0  }
.LBB2_6:
0x53: {  	s3 =	sshll.u32 s0, $0x4  }
0x54: {  	s4 =	sor.u32 $0x200, s3  }
0x55: {  	s3 =	sand.u32 $0x70, s3;
	s6 =	sand.u32 $0x380, s4  }
0x56: {  	s6 =	sor.u32 s3, s6  }
0x57: {  	v0 =	vld [tilespmem:s6+$0x0];
	_ =	sdelay $0x3  }
0x58: {  	s4 =	sshll.u32 s4, $0x3  }
0x59: {  	s4 =	sand.u32 $0x1C00, s4;
	v1 =	vshll.u32 v0, $0x3  }
0x5a: {  	s3 =	sor.u32 s3, s4;
	v0 =	vand.u32 $0x7F, v0;
	v1 =	vand.u32 $0xFFFFFC00, v1  }
0x5b: {  	s3 =	sadd.s32 $0x10400, s3;
	v0 =	vor.u32 v0, v1  }
0x5c: {  	v8 =	vmov s3;
	v1 =	vor.u32 $0x80, v0  }
0x5d: {  	v2 =	vor.u32 $0x100, v0;
	v3 =	vor.u32 $0x180, v0;
	v4 =	vor.u32 $0x200, v0  }
0x5e: {  	p0 =	por $0x1, $0x1;
	s3 =	simm.s32 $0x0;
	v5 =	vor.u32 $0x280, v0;
	v6 =	vor.u32 $0x300, v0;
	v7 =	vor.u32 $0x380, v0  }
.LBB2_7:
0x5f: {  	v9 =	vmov s3  }
0x60: {  	v9 =	vshrl.u32 v9, $0x3  }
0x61: {  	v9 =	vshll.u32 v9, $0xD  }
0x62: {  	v9 =	vbroadcast v9, $0x0;
	_ =	sdelay $0x1  }
0x63: {  	v10 =	vadd.s32 v0, v9  }
0x64: {  	v11 =	vadd.s32 v1, v9  }
0x65: {  	v12 =	vadd.s32 v2, v9  }
0x66: {  	v13 =	vadd.s32 v3, v9  }
0x67: {  	v14 =	vadd.s32 v4, v9  }
0x68: {  	v15 =	vadd.s32 v5, v9;
	v16 =	vadd.s32 v6, v9;
	v9 =	vadd.s32 v7, v9;
	v10 =	vld.idx.msk [tilespmem:v10+s18+$0x0], $0xffff  }
0x69: {  	v11 =	vld.idx.msk [tilespmem:v11+s18+$0x0], $0xffff  }
0x6a: {  	v12 =	vld.idx.msk [tilespmem:v12+s18+$0x0], $0xffff  }
0x6b: {  	s6 =	sshll.u32 s3, $0xA;
	v13 =	vld.idx.msk [tilespmem:v13+s18+$0x0], $0xffff  }
0x6c: {  	s3 =	sand.u32 $0x3FFFFC00, s6;
	v14 =	vld.idx.msk [tilespmem:v14+s18+$0x0], $0xffff  }
0x6d: {  	v9 =	vld.idx.msk [tilespmem:v9+s18+$0x0], $0xffff;
	[tilespmem:v8+s3+$0x0 ss:$0x1] =	vst.idx.msk $0xffff, v10  }
0x6e: {  	v10 =	vld.idx.msk [tilespmem:v15+s18+$0x0], $0xffff;
	[tilespmem:v8+s3+$0x80 ss:$0x1] =	vst.idx.msk $0xffff, v11  }
0x6f: {  	p1 =	por p0, p0;
	v11 =	vld.idx.msk [tilespmem:v16+s18+$0x0], $0xffff;
	[tilespmem:v8+s3+$0x100 ss:$0x1] =	vst.idx.msk $0xffff, v12  }
.Ltmp4:
0x70: {  	[tilespmem:v8+s3+$0x180 ss:$0x1] =	vst.idx.msk $0xffff, v13;
	(pc) =	sbr.rel @p1 .LBB2_7-.Ltmp4, $4  }
0x71: {  	[tilespmem:v8+s3+$0x200 ss:$0x1] =	vst.idx.msk $0xffff, v14  }
0x72: {  	[tilespmem:v8+s3+$0x380 ss:$0x1] =	vst.idx.msk $0xffff, v9  }
0x73: {  	[tilespmem:v8+s3+$0x280 ss:$0x1] =	vst.idx.msk $0xffff, v10  }
0x74: {  	p0 =	por $0x0, $0x0;
	[tilespmem:v8+s3+$0x300 ss:$0x1] =	vst.idx.msk $0xffff, v11;
	s3 =	simm.s32 $0x8  }
0x75: {  	s0 =	sadd.s32 $0x1, s0  }
0x76: {  	p0 =	sne.s32 s0, $0x20  }
.Ltmp5:
0x77: {  	_ = 	snop;
	(pc) =	sbr.rel @p0 .LBB2_6-.Ltmp5, $1  }
0x78: {  	_ =	sdelay $0x3  }
0x79: {  	s0 =	sadd.s32 s31, s10;
	p0 =	seq.s32 s30, $0x1F  }
0x7a: {  	[hbm4b:s0+s5] =	stream.linear.scatter [tilespmem:s22], [sflag:$0x5], $0x4000, $0x38;
	[tilespmem:$0x18400] =	vst v63  }
0x7b: {  	s0 =	sadd.s32 @!p0 s31, s11;
	s4 =	simm.s32 @!p0 $0x0  }
0x7c: {  	s6 =	simm.s32 @!p0 $0x400;
	p1 =	seq.s32 @!p0 s30, $0x0;
	s3 =	sadd.s32 @!p0 s1, s0  }
0x7d: {  	[tilespmem:s6], [sflag:$0x1] =	stream.linear.gather @!p0 [hbm4b:s3+s4], $0x4000, $0x38;
	[tilespmem:$0x18400] =	vst v63  }
0x7e: {  	s0 =	sadd.s32 @!p0 s2, s0;
	p1 =	por p0, !p1;
	s3 =	simm.s32 @!p0 $0x8400  }
0x7f: {  	[tilespmem:s3], [sflag:$0x3] =	stream.linear.gather @!p0 [hbm4b:s0+s4], $0x4000, $0x38;
	[tilespmem:$0x18400] =	vst v63  }
0x80: {  	_ =	swait.ge @p1 [sflag:s28], $0x4000  }
0x81: {  	[sflag:s28] =	ssyncset.done @p1 $0x0  }
0x82: {  	[sflag:s28] =	ssyncadd.s32 @p1 $0xFFFFC000  }
0x83: {  	_ =	swait.ge [sflag:s23], $0x4000  }
0x84: {  	[sflag:s23] =	ssyncset.done $0x0  }
0x85: {  	[sflag:s23] =	ssyncadd.s32 $0xFFFFC000  }
0x86: {  	_ =	swait.ge [sflag:s24], $0x4000  }
0x87: {  	[sflag:s24] =	ssyncset.done $0x0  }
0x88: {  	s3 =	simm.s32 $0x0;
	[sflag:s24] =	ssyncadd.s32 $0xFFFFC000  }
.LBB2_10:
0x89: {  	s0 =	sshll.u32 s3, $0x4  }
0x8a: {  	v0 =	vld [tilespmem:s0+$0x0];
	_ =	sdelay $0x3  }
0x8b: {  	s4 =	sshll.u32 s3, $0x7  }
0x8c: {  	s0 =	sand.u32 $0x70, s0;
	s4 =	sand.u32 $0xC00, s4;
	v1 =	vshll.u32 v0, $0x3  }
0x8d: {  	s0 =	sor.u32 s0, s4;
	v0 =	vand.u32 $0x7F, v0;
	v1 =	vand.u32 $0xFFFFFC00, v1  }
0x8e: {  	s0 =	sadd.s32 $0x14400, s0;
	v0 =	vor.u32 v0, v1  }
0x8f: {  	v8 =	vmov s0;
	v1 =	vor.u32 $0x80, v0  }
0x90: {  	v2 =	vor.u32 $0x100, v0;
	v3 =	vor.u32 $0x180, v0;
	v4 =	vor.u32 $0x200, v0  }
0x91: {  	p1 =	por $0x1, $0x1;
	s0 =	simm.s32 $0x0;
	v5 =	vor.u32 $0x280, v0;
	v6 =	vor.u32 $0x300, v0;
	v7 =	vor.u32 $0x380, v0  }
.LBB2_11:
0x92: {  	v9 =	vmov s0  }
0x93: {  	v9 =	vshrl.u32 v9, $0x3  }
0x94: {  	v9 =	vshll.u32 v9, $0xD  }
0x95: {  	v9 =	vbroadcast v9, $0x0;
	_ =	sdelay $0x1  }
0x96: {  	v10 =	vadd.s32 v0, v9  }
0x97: {  	v11 =	vadd.s32 v1, v9  }
0x98: {  	v12 =	vadd.s32 v2, v9  }
0x99: {  	v13 =	vadd.s32 v3, v9  }
0x9a: {  	v14 =	vadd.s32 v4, v9  }
0x9b: {  	v15 =	vadd.s32 v5, v9;
	v16 =	vadd.s32 v6, v9;
	v9 =	vadd.s32 v7, v9;
	v10 =	vld.idx.msk [tilespmem:v10+s17+$0x0], $0xffff  }
0x9c: {  	v11 =	vld.idx.msk [tilespmem:v11+s17+$0x0], $0xffff  }
0x9d: {  	v12 =	vld.idx.msk [tilespmem:v12+s17+$0x0], $0xffff  }
0x9e: {  	s6 =	sshll.u32 s0, $0xA;
	v13 =	vld.idx.msk [tilespmem:v13+s17+$0x0], $0xffff  }
0x9f: {  	s0 =	sand.u32 $0x3FFFFC00, s6;
	v14 =	vld.idx.msk [tilespmem:v14+s17+$0x0], $0xffff  }
0xa0: {  	v9 =	vld.idx.msk [tilespmem:v9+s17+$0x0], $0xffff;
	[tilespmem:v8+s0+$0x0 ss:$0x1] =	vst.idx.msk $0xffff, v10  }
0xa1: {  	v10 =	vld.idx.msk [tilespmem:v15+s17+$0x0], $0xffff;
	[tilespmem:v8+s0+$0x80 ss:$0x1] =	vst.idx.msk $0xffff, v11  }
0xa2: {  	p2 =	por p1, p1;
	v11 =	vld.idx.msk [tilespmem:v16+s17+$0x0], $0xffff;
	[tilespmem:v8+s0+$0x100 ss:$0x1] =	vst.idx.msk $0xffff, v12  }
.Ltmp6:
0xa3: {  	[tilespmem:v8+s0+$0x180 ss:$0x1] =	vst.idx.msk $0xffff, v13;
	(pc) =	sbr.rel @p2 .LBB2_11-.Ltmp6, $4  }
0xa4: {  	[tilespmem:v8+s0+$0x200 ss:$0x1] =	vst.idx.msk $0xffff, v14  }
0xa5: {  	[tilespmem:v8+s0+$0x380 ss:$0x1] =	vst.idx.msk $0xffff, v9  }
0xa6: {  	[tilespmem:v8+s0+$0x280 ss:$0x1] =	vst.idx.msk $0xffff, v10  }
0xa7: {  	p1 =	por $0x0, $0x0;
	[tilespmem:v8+s0+$0x300 ss:$0x1] =	vst.idx.msk $0xffff, v11;
	s0 =	simm.s32 $0x8  }
0xa8: {  	s3 =	sadd.s32 $0x1, s3  }
0xa9: {  	p1 =	sne.s32 s3, $0x20  }
.Ltmp7:
0xaa: {  	_ = 	snop;
	(pc) =	sbr.rel @p1 .LBB2_10-.Ltmp7, $2  }
0xab: {  	_ =	sdelay $0x2  }
0xac: {  	s0 =	simm.s32 $0x0  }
.LBB2_13:
0xad: {  	s3 =	sshll.u32 s0, $0x4  }
0xae: {  	s4 =	sor.u32 $0x200, s3  }
0xaf: {  	s3 =	sand.u32 $0x70, s3;
	s6 =	sand.u32 $0x380, s4  }
0xb0: {  	s6 =	sor.u32 s3, s6  }
0xb1: {  	v0 =	vld [tilespmem:s6+$0x0];
	_ =	sdelay $0x3  }
0xb2: {  	s4 =	sshll.u32 s4, $0x3  }
0xb3: {  	s4 =	sand.u32 $0x1C00, s4;
	v1 =	vshll.u32 v0, $0x3  }
0xb4: {  	s3 =	sor.u32 s3, s4;
	v0 =	vand.u32 $0x7F, v0;
	v1 =	vand.u32 $0xFFFFFC00, v1  }
0xb5: {  	s3 =	sadd.s32 $0x14400, s3;
	v0 =	vor.u32 v0, v1  }
0xb6: {  	v8 =	vmov s3;
	v1 =	vor.u32 $0x80, v0  }
0xb7: {  	v2 =	vor.u32 $0x100, v0;
	v3 =	vor.u32 $0x180, v0;
	v4 =	vor.u32 $0x200, v0  }
0xb8: {  	p1 =	por $0x1, $0x1;
	s3 =	simm.s32 $0x0;
	v5 =	vor.u32 $0x280, v0;
	v6 =	vor.u32 $0x300, v0;
	v7 =	vor.u32 $0x380, v0  }
.LBB2_14:
0xb9: {  	v9 =	vmov s3  }
0xba: {  	v9 =	vshrl.u32 v9, $0x3  }
0xbb: {  	v9 =	vshll.u32 v9, $0xD  }
0xbc: {  	v9 =	vbroadcast v9, $0x0;
	_ =	sdelay $0x1  }
0xbd: {  	v10 =	vadd.s32 v0, v9  }
0xbe: {  	v11 =	vadd.s32 v1, v9  }
0xbf: {  	v12 =	vadd.s32 v2, v9  }
0xc0: {  	v13 =	vadd.s32 v3, v9  }
0xc1: {  	v14 =	vadd.s32 v4, v9  }
0xc2: {  	v15 =	vadd.s32 v5, v9;
	v16 =	vadd.s32 v6, v9;
	v9 =	vadd.s32 v7, v9;
	v10 =	vld.idx.msk [tilespmem:v10+s19+$0x0], $0xffff  }
0xc3: {  	v11 =	vld.idx.msk [tilespmem:v11+s19+$0x0], $0xffff  }
0xc4: {  	v12 =	vld.idx.msk [tilespmem:v12+s19+$0x0], $0xffff  }
0xc5: {  	s6 =	sshll.u32 s3, $0xA;
	v13 =	vld.idx.msk [tilespmem:v13+s19+$0x0], $0xffff  }
0xc6: {  	s3 =	sand.u32 $0x3FFFFC00, s6;
	v14 =	vld.idx.msk [tilespmem:v14+s19+$0x0], $0xffff  }
0xc7: {  	v9 =	vld.idx.msk [tilespmem:v9+s19+$0x0], $0xffff;
	[tilespmem:v8+s3+$0x0 ss:$0x1] =	vst.idx.msk $0xffff, v10  }
0xc8: {  	v10 =	vld.idx.msk [tilespmem:v15+s19+$0x0], $0xffff;
	[tilespmem:v8+s3+$0x80 ss:$0x1] =	vst.idx.msk $0xffff, v11  }
0xc9: {  	p2 =	por p1, p1;
	v11 =	vld.idx.msk [tilespmem:v16+s19+$0x0], $0xffff;
	[tilespmem:v8+s3+$0x100 ss:$0x1] =	vst.idx.msk $0xffff, v12  }
.Ltmp8:
0xca: {  	[tilespmem:v8+s3+$0x180 ss:$0x1] =	vst.idx.msk $0xffff, v13;
	(pc) =	sbr.rel @p2 .LBB2_14-.Ltmp8, $4  }
0xcb: {  	[tilespmem:v8+s3+$0x200 ss:$0x1] =	vst.idx.msk $0xffff, v14  }
0xcc: {  	[tilespmem:v8+s3+$0x380 ss:$0x1] =	vst.idx.msk $0xffff, v9  }
0xcd: {  	[tilespmem:v8+s3+$0x280 ss:$0x1] =	vst.idx.msk $0xffff, v10  }
0xce: {  	p1 =	por $0x0, $0x0;
	[tilespmem:v8+s3+$0x300 ss:$0x1] =	vst.idx.msk $0xffff, v11;
	s3 =	simm.s32 $0x8  }
0xcf: {  	s0 =	sadd.s32 $0x1, s0  }
0xd0: {  	p1 =	sne.s32 s0, $0x20  }
.Ltmp9:
0xd1: {  	_ = 	snop;
	(pc) =	sbr.rel @p1 .LBB2_13-.Ltmp9, $1  }
0xd2: {  	_ =	sdelay $0x3  }
.Ltmp10:
0xd3: {  	(pc) =	sbr.rel @p0 .LBB2_18-.Ltmp10, $3  }
0xd4: {  	_ =	sdelay $0x1  }
0xd5: {  	s0 =	sadd.s32 s14, s31  }
0xd6: {  	[hbm4b:s0+s5] =	stream.linear.scatter [tilespmem:s25], [sflag:$0x6], $0x4000, $0x38;
	[tilespmem:$0x18400] =	vst v63  }
.Ltmp11:
0xd7: {  	s0 =	sadd.s32 s31, s12;
	(pc) =	sbr.rel .LBB2_2-.Ltmp11, $4  }
0xd8: {  	s3 =	sadd.s32 s1, s0  }
0xd9: {  	[tilespmem:s17], [sflag:$0x2] =	stream.linear.gather [hbm4b:s3+s5], $0x4000, $0x38;
	[tilespmem:$0x18400] =	vst v63  }
0xda: {  	s30 =	sadd.s32 $0x1, s30;
	s0 =	sadd.s32 s2, s0  }
0xdb: {  	[tilespmem:s19], [sflag:$0x4] =	stream.linear.gather [hbm4b:s0+s5], $0x4000, $0x38;
	[tilespmem:$0x18400] =	vst v63  }
.LBB2_19:
0xdc: {  	_ =	sfence.sel $0x180000  }
0xdd: {  	[bflag:$0x0] =	sbarrier.arrive $0xFFFF  }
0xde: {  	_ =	strace $0x9000004D  }
0xdf: {  	s0 =	stileid.u32;
	[bflag:$0x2] =	sbarrier.arrive $0xFFFF  }
0xe0: {  	p0 =	sne.s32 s0, $0x0;
	s0 =	rddreg [dreg:$0x4]  }
0xe1: {  	s0 =	sadd.s32 @!p0 $0x100000, s0  }
0xe2: {  	[sflag:s0] =	ssyncadd.tile.s32 @!p0 $0x1;
	_ =	shalt  }
.Lfunc_end2:
_tile_overlayer_lowered:
.L_overlay_start_2:
0xe3: {  	(tag) =	ssettag $0x2  }
0xe4: {  	s0 =	rddreg [dreg:$0x0];
	s2 =	stileid.u32  }
0xe5: {  	s1 =	rddreg [dreg:$0x1];
	p0 =	sne.s32 s2, $0x0  }
0xe6: {  	s3 =	rddreg [dreg:$0x2];
	[bflag:$0x3] =	sbarrier.arrive $0xFFFF;
	s2 =	simm.s32 @!p0 $0x1C07  }
0xe7: {  	[timem:s3], [sflag:s2] =	dma.local @!p0 [hbm:s0], s1  }
0xe8: {  	s0 =	simm.s32 @!p0 $0x7  }
0xe9: {  	_ =	swait.ge @!p0 [sflag:s0], s1  }
0xea: {  	s1 =	ssub.s32 @!p0 $0x0, s1;
	[sflag:s0] =	ssyncset.done @!p0 $0x0  }
0xeb: {  	[sflag:s0] =	ssyncadd.s32 @!p0 s1  }
0xec: {  	[bflag:$0x3] =	sbarrier.arrive $0xFFFF  }
0xed: {  	_ =	shalt  }

// kernel: kernel.5.cloned.1.call-start
scs
__scs_entry_jumppad:
0x0: {  	(pc) =	sbr.rel $0x88, $3  }
0x1: {  	(tag) =	ssettag $0x0;
	lr =	simm.s32 $0x1  }
0x2: {  	[smem:$0x3F9F] =	sst lr;
	_ =	strace $0xD0000000  }
0x3: {  	_ = 	snop  }
0x4: {  	_ = 	snop  }
0x5: {  	_ = 	snop  }
0x6: {  	_ = 	snop  }
0x7: {  	_ = 	snop  }
__scs_overlays_trampoline_lowered:
0x8: {  	[smem:$0x3FAE] =	sst s0  }
0x9: {  	[smem:$0x3FAF] =	sst s1  }
0xa: {  	[smem:$0x3FB0] =	sst s2  }
0xb: {  	[smem:$0x3FB1] =	sst s3  }
0xc: {  	[smem:$0x3FB2] =	sst s4  }
0xd: {  	[smem:$0x3FB3] =	sst s5  }
0xe: {  	[smem:$0x3FB4] =	sst s6  }
0xf: {  	[smem:$0x3FB5] =	sst s7  }
0x10: {  	[smem:$0x3FB6] =	sst s8  }
0x11: {  	[smem:$0x3FB7] =	sst s9;
	s0 =	simm.s32 @!p0 $0x0  }
0x12: {  	s1 =	sld [smem:$0x3F9D];
	s0 =	simm.s32 @p0 $0x1  }
0x13: {  	[smem:$0x3FB8] =	sst s0;
	s0 =	simm.s32 @!p1 $0x0  }
0x14: {  	s2 =	sld [smem:$0x3F9C];
	s0 =	simm.s32 @p1 $0x1  }
0x15: {  	[smem:$0x3FB9] =	sst s0;
	s0 =	simm.s32 @!p2 $0x0  }
0x16: {  	s3 =	sld [smem:$0x3FDB];
	s0 =	simm.s32 @p2 $0x1  }
0x17: {  	s4 =	simm.s32 $0x1BF5;
	[smem:$0x3FBB] =	sst s0  }
0x18: {  	s0 =	sld [smem:$0x3F9E];
	_ =	swait.ge [sflag:s4], $0x0  }
0x19: {  	s7 =	sld [smem:$0x3F9F]  }
0x1a: {  	s8 =	sadd.s32 $0xFFFFE003, lr  }
0x1b: {  	s9 =	sadd.s32 $0xFFFFFEF7, lr;
	s5 =	simm.s32 $0xFFFFFFFF;
	p2 =	slt.u32 s8, $0xFFFFF086  }
0x1c: {  	p1 =	slt.u32 s9, $0xF7A;
	s5 =	simm.s32 @!p2 $0x0  }
0x1d: {  	s5 =	simm.s32 @p1 $0x1;
	p0 =	seq.s32 s7, s2  }
0x1e: {  	s7 =	smul.u32 @!p0 $0xF7A, s2;
	p2 =	seq.s32 @!p0 s5, $0x0  }
0x1f: {  	s9 =	smul.u32 $0xF7A, s1;
	s8 =	simm.s32 @!p0 $0x1BF5;
	p2 =	por !p2, p0  }
0x20: {  	[sflag:s8] =	ssyncset.s32 @!p0 $0xFFFFF086;
	s6 =	sadd.s32 @!p0 s3, s7;
	s7 =	simm.s32 @!p0 $0x108  }
0x21: {  	s3 =	sadd.s32 s3, s9;
	s6 =	sadd.s32 @!p0 $0x88, s6;
	s7 =	simm.s32 @p2 $0x1082  }
0x22: {  	[simem:s7], [sflag:s8] =	dma.local @!p0 [hbm:s6], $0xF7A  }
0x23: {  	s9 =	sor.u32 $0xD0000000, s2;
	s6 =	simm.s32 $0x108;
	_ =	swait.ge @!p0 [sflag:s8], $0x0  }
0x24: {  	s3 =	sadd.s32 $0x88, s3;
	s6 =	simm.s32 @!p1 $0x1082;
	[sflag:s4] =	ssyncset.s32 $0xFFFFF086  }
0x25: {  	[simem:s6], [sflag:s4] =	dma.local [hbm:s3], $0xF7A  }
0x26: {  	[smem:$0x3F9F] =	sst s1;
	(tag) =	ssettag s2;
	_ =	strace s9  }
0x27: {  	s1 =	sld [smem:$0x3FAF]  }
0x28: {  	s2 =	sld [smem:$0x3FB0]  }
0x29: {  	s4 =	sld [smem:$0x3FB2]  }
0x2a: {  	p0 =	seq.s32 s5, $0x0;
	s5 =	sld [smem:$0x3FB3]  }
0x2b: {  	s6 =	sld [smem:$0x3FB4]  }
0x2c: {  	s7 =	sld [smem:$0x3FB5]  }
0x2d: {  	s3 =	simm.s32 $0x108;
	s8 =	sld [smem:$0x3FB6]  }
0x2e: {  	s3 =	simm.s32 @!p0 $0x1082;
	s9 =	sld [smem:$0x3FB7]  }
0x2f: {  	lr =	sadd.s32 s0, s3;
	s0 =	sld [smem:$0x3FAE]  }
0x30: {  	s3 =	sld [smem:$0x3FB1]  }
0x31: {  	[smem:$0x3FBA] =	sst s10  }
0x32: {  	s10 =	sld [smem:$0x3FB8];
	_ =	sdelay $0x3  }
0x33: {  	p0 =	seq.s32 s10, $0x1;
	s10 =	sld [smem:$0x3FBA];
	_ =	sdelay $0x3  }
0x34: {  	[smem:$0x3FBA] =	sst s10  }
0x35: {  	s10 =	sld [smem:$0x3FB9];
	_ =	sdelay $0x3  }
0x36: {  	p1 =	seq.s32 s10, $0x1;
	s10 =	sld [smem:$0x3FBA];
	_ =	sdelay $0x3  }
0x37: {  	[smem:$0x3FBA] =	sst s10  }
0x38: {  	s10 =	sld [smem:$0x3FBB]  }
0x39: {  	_ = 	snop;
	(pc) =	sbr.ind lr, $3  }
0x3a: {  	_ = 	snop  }
0x3b: {  	_ = 	snop  }
0x3c: {  	p2 =	seq.s32 s10, $0x1;
	s10 =	sld [smem:$0x3FBA]  }
0x3d: {  	_ =	shalt  }
0x3e: {  	_ =	shalt  }
0x3f: {  	_ =	shalt  }
0x40: {  	_ =	shalt  }
0x41: {  	_ =	shalt  }
0x42: {  	_ =	shalt  }
0x43: {  	_ =	shalt  }
0x44: {  	_ =	shalt  }
0x45: {  	_ =	shalt  }
0x46: {  	_ =	shalt  }
0x47: {  	_ =	shalt  }
0x48: {  	_ =	shalt  }
0x49: {  	_ =	shalt  }
0x4a: {  	_ =	shalt  }
0x4b: {  	_ =	shalt  }
0x4c: {  	_ =	shalt  }
0x4d: {  	_ =	shalt  }
0x4e: {  	_ =	shalt  }
0x4f: {  	_ =	shalt  }
0x50: {  	_ =	shalt  }
0x51: {  	_ =	shalt  }
0x52: {  	_ =	shalt  }
0x53: {  	_ =	shalt  }
0x54: {  	_ =	shalt  }
0x55: {  	_ =	shalt  }
0x56: {  	_ =	shalt  }
0x57: {  	_ =	shalt  }
0x58: {  	_ =	shalt  }
0x59: {  	_ =	shalt  }
0x5a: {  	_ =	shalt  }
0x5b: {  	_ =	shalt  }
0x5c: {  	_ =	shalt  }
0x5d: {  	_ =	shalt  }
0x5e: {  	_ =	shalt  }
0x5f: {  	_ =	shalt  }
0x60: {  	_ =	shalt  }
0x61: {  	_ =	shalt  }
0x62: {  	_ =	shalt  }
0x63: {  	_ =	shalt  }
0x64: {  	_ =	shalt  }
0x65: {  	_ =	shalt  }
0x66: {  	_ =	shalt  }
0x67: {  	_ =	shalt  }
0x68: {  	_ =	shalt  }
0x69: {  	_ =	shalt  }
0x6a: {  	_ =	shalt  }
0x6b: {  	_ =	shalt  }
0x6c: {  	_ =	shalt  }
0x6d: {  	_ =	shalt  }
0x6e: {  	_ =	shalt  }
0x6f: {  	_ =	shalt  }
0x70: {  	_ =	shalt  }
0x71: {  	_ =	shalt  }
0x72: {  	_ =	shalt  }
0x73: {  	_ =	shalt  }
0x74: {  	_ =	shalt  }
0x75: {  	_ =	shalt  }
0x76: {  	_ =	shalt  }
0x77: {  	_ =	shalt  }
0x78: {  	_ =	shalt  }
0x79: {  	_ =	shalt  }
0x7a: {  	_ =	shalt  }
0x7b: {  	_ =	shalt  }
0x7c: {  	_ =	shalt  }
0x7d: {  	_ =	shalt  }
0x7e: {  	_ =	shalt  }
0x7f: {  	_ =	shalt  }
0x80: {  	_ =	shalt  }
0x81: {  	_ =	shalt  }
0x82: {  	_ =	shalt  }
0x83: {  	_ =	shalt  }
0x84: {  	_ =	shalt  }
0x85: {  	_ =	shalt  }
0x86: {  	_ =	shalt  }
0x87: {  	_ =	shalt  }
.Lfunc_end0:
.L_simem_size_0:
called_computation_lowered:
.L_overlay_start_0:
0x88: {  	s2 =	sld [smem:$0x3FD9]  }
0x89: {  	s3 =	sld [smem:$0x3FFE];
	_ =	sdelay $0x1  }
0x8a: {  	s1 =	srdreg.scid  }
0x8b: {  	s0 =	sand.u32 $0x1, s1  }
0x8c: {  	s18 =	sshll.u32 s0, $0xA;
	s2 =	sadd.s32 s3, s2  }
0x8d: {  	s2 =	sadd.s32 s2, s18  }
0x8e: {  	[smem:$0x3FC6] =	sst s2  }
0x8f: {  	_ = 	snop  }
0x90: {  	s2 =	sld [smem:$0x3FC9]  }
0x91: {  	s19 =	sld [smem:$0x3FC8]  }
0x92: {  	s4 =	sld [smem:$0x3FD0];
	(tm) =	ssettm $0x1  }
0x93: {  	s5 =	sld [smem:$0x3FFB];
	_ =	sdelay $0x3  }
0x94: {  	_ =	strace s5  }
0x95: {  	s5 =	sld [smem:$0x3FFC];
	_ =	sdelay $0x3  }
0x96: {  	_ =	strace s5  }
0x97: {  	s5 =	sld [smem:$0x3FFD];
	_ =	sdelay $0x3  }
0x98: {  	_ =	strace s5  }
0x99: {  	_ =	strace $0x8FFFFFFF  }
0x9a: {  	s20 =	sld [smem:$0x3FDB];
	_ =	sdelay $0x1  }
0x9b: {  	s6 =	simm.s32 $_scs_section_size  }
0x9c: {  	s7 =	simm.s32 $_size__tile_overlayer_lowered;
	s8 =	simm.s32 $_tile_overlayer_lowered  }
0x9d: {  	s23 =	simm.s32 $0x1BFF;
	s22 =	sshll.u32 s8, $0x1;
	s5 =	sadd.s32 s6, s20  }
0x9e: {  	s9 =	simm.s32 $0x0;
	s21 =	sshll.u32 s7, $0x1;
	s7 =	sadd.s32 s22, s5  }
0x9f: {  	[timem:s9], [sflag:s23] =	dma.local [hbm:s7], s21  }
0xa0: {  	_ =	swait.ge [sflag:s23], s21  }
0xa1: {  	s6 =	ssub.s32 $0x0, s21;
	[sflag:s23] =	ssyncset.done $0x0  }
0xa2: {  	[sflag:s23] =	ssyncadd.s32 s6;
	_ =	sdelay $0x1  }
0xa3: {  	s24 =	simm.s32 $0x1B8B  }
0xa4: {  	_ =	swait.ge [sflag:s24], $0x1  }
0xa5: {  	[sflag:s24] =	ssyncset.done $0x0  }
0xa6: {  	s25 =	simm.s32 $0x1B8E;
	[sflag:s24] =	ssyncadd.s32 $0xFFFFFFFF  }
0xa7: {  	s26 =	simm.s32 $execute0_lowered;
	[smem:$0x3FD2] =	sst s25  }
0xa8: {  	s6 =	sshll.u32 s26, $0x1;
	_ =	strace $0x80000046;
	[dreg:$0x1] =	wrdreg $0xFFFFFFFF  }
0xa9: {  	s28 =	simm.s32 $_size_execute0_lowered;
	s5 =	sadd.s32 s5, s6;
	[dreg:$0x0] =	wrdreg $0x0  }
0xaa: {  	s6 =	sshll.u32 s28, $0x1;
	[dreg:$0x2] =	wrdreg s5  }
0xab: {  	[dreg:$0x3] =	wrdreg s6  }
0xac: {  	[dreg:$0x4] =	wrdreg $0xC0  }
0xad: {  	_ =	task [dreg:s9], $0x5FFFF  }
0xae: {  	[dreg:$0x1] =	wrdreg $0xFFFFFFFF  }
0xaf: {  	[dreg:$0x0] =	wrdreg $0x60  }
0xb0: {  	[dreg:$0x2] =	wrdreg s2  }
0xb1: {  	[dreg:$0x3] =	wrdreg s19  }
0xb2: {  	[dreg:$0x4] =	wrdreg s4  }
0xb3: {  	[dreg:$0x5] =	wrdreg $0x9  }
0xb4: {  	_ =	task.clear_ibuf [dreg:s9], $0x6FFFF;
	_ =	strace $0x90000046  }
0xb5: {  	s29 =	simm.s32 $0x9;
	_ =	strace $0x80000048  }
0xb6: {  	_ =	swait.ge [sflag:s29], $0x1  }
0xb7: {  	[sflag:s29] =	ssyncadd.s32 $0xFFFFFFFF  }
0xb8: {  	_ =	strace $0x90000048  }
0xb9: {  	_ =	sfence  }
0xba: {  	s30 =	sld [smem:$0x0];
	_ =	sdelay $0x2  }
0xbb: {  	s31 =	sshll.u32 s1, $0xD;
	s1 =	sshrl.u32 s1, $0x2  }
0xbc: {  	s3 =	sand.u32 $0x4000, s31;
	s1 =	sadd.s32 s1, s30  }
0xbd: {  	s0 =	sor.u32 s3, s0;
	s1 =	sshll.u32 s1, $0x11  }
0xbe: {  	s0 =	sor.u32 s1, s0  }
0xbf: {  	s0 =	sadd.s32 $0x8F2B, s0  }
0xc0: {  	[sflag:s0] =	ssyncadd.remote.s32 $0x1  }
0xc1: {  	_ =	sfence.sel $0xFFFF  }
0xc2: {  	[dreg:$0x0] =	wrdreg $0xFFFFFFFF;
	(pc) =	sbr.abs _section_cstart, $3  }
0xc3: {  	[dreg:$0x1] =	wrdreg $0xFFFFFFFF  }
0xc4: {  	_ =	task.clear_ibuf [dreg:s9], $0x2FFFF;
	_ =	strace $0x9FFFFFFF  }
0xc5: {  	(tm) =	ssettm $0x7FFFFFFF  }
tec
execute0_lowered:
.L_overlay_start_1:
0x0: {  	(tag) =	ssettag $0x1  }
0x1: {  	s4 =	rddreg [dreg:$0x0]  }
0x2: {  	s8 =	rddreg [dreg:$0x1];
	s1 =	srdreg.scid  }
0x3: {  	s0 =	stileid.u32;
	s11 =	rddreg [dreg:$0x2]  }
0x4: {  	s2 =	simm.s32 $0x0;
	s14 =	simm.s32 $0x1;
	s15 =	simm.s32 $0x2  }
0x5: {  	s16 =	simm.s32 $0x10000;
	s17 =	simm.s32 $0x3;
	s18 =	simm.s32 $0x0  }
0x6: {  	s3 =	sand.u32 $0x1, s1;
	s5 =	sshll.u32 s0, $0x1;
	s1 =	rddreg [dreg:$0x3]  }
0x7: {  	[smem:$0x7FF] =	sst s2;
	s10 =	sor.u32 s3, s5;
	s3 =	ssub.s32 $0x2, s3  }
0x8: {  	_ =	strace $0x80000047;
	s7 =	sshll.u32 s10, $0x11;
	s31 =	sshrl.u32 s3, $0x1  }
.Ltmp0:
0x9: {  	s13 =	sshll.u32 s10, $0x9;
	s9 =	sor.u32 $0x1000, s7;
	(pc) =	sbr.rel .LBB2_1-.Ltmp0, $4  }
0xa: {  	s12 =	ssub.s32 s3, s31;
	s3 =	sadd.s32 s4, s7;
	s7 =	sadd.s32 s8, s7  }
0xb: {  	s11 =	sadd.s32 s11, s13;
	s13 =	simm.s32 $0x8000;
	s4 =	sadd.s32 s4, s9  }
0xc: {  	s5 =	sadd.s32 $0x2000, s3;
	s6 =	sadd.s32 $0x3000, s3;
	s8 =	sadd.s32 s8, s9  }
0xd: {  	v0 =	vimm.f32 $+Inf;
	v1 =	vimm.f32 $-Inf;
	s9 =	sadd.s32 $0x2000, s7;
	s10 =	sadd.s32 $0x3000, s7;
	s12 =	smax.u32 s12, $0x1  }
.LBB2_17:
0xe: {  	s18 =	sadd.s32 $0x1, s18  }
0xf: {  	p0 =	sne.s32 s18, s12  }
.Ltmp1:
0x10: {  	_ = 	snop;
	(pc) =	sbr.rel @!p0 .LBB2_18-.Ltmp1, $4  }
0x11: {  	[hbm4b:s11+s2] =	stream.linear.scatter [tilespmem:s16], [sflag:$0x3], $0x1000, $0x38;
	[tilespmem:$0x11000] =	vst v63  }
0x12: {  	_ =	swait.ge [sflag:s17], $0x1000  }
0x13: {  	[sflag:s17] =	ssyncset.done $0x0  }
0x14: {  	[sflag:s17] =	ssyncadd.s32 $0xFFFFF000  }
.LBB2_1:
0x15: {  	s19 =	simm.s32 $0x10;
	[tilespmem:s16+$0x0] =	vst v0;
	s21 =	sand.u32 $0x3F0, s2;
	s20 =	simm.s32 $0x10000  }
.LBB2_2:
0x16: {  	p0 =	sne.s32 s19, $0x3F0  }
0x17: {  	[tilespmem:s21+$0x10C00] =	vst v1;
	s20 =	sadd.s32 $0x10, s20;
	s22 =	smov.u32 s19;
	s19 =	sadd.s32 $0x10, s19  }
.Ltmp2:
0x18: {  	[tilespmem:s21+$0x10400] =	vst v1;
	(pc) =	sbr.rel @p0 .LBB2_2-.Ltmp2, $2  }
0x19: {  	[tilespmem:s21+$0x10800] =	vst v0;
	_ =	sdelay $0x2  }
0x1a: {  	s21 =	sand.u32 $0x3F0, s22;
	[tilespmem:s20+$0x0] =	vst v0  }
0x1b: {  	[tilespmem:s21+$0x10C00] =	vst v1  }
0x1c: {  	[tilespmem:s21+$0x10400] =	vst v1  }
0x1d: {  	[tilespmem:s21+$0x10800] =	vst v0;
	s19 =	simm.s32 $0x0  }
0x1e: {  	[tilespmem:s19], [sflag:$0x1] =	stream.linear.gather [hbm4b:s3+s19], $0x8000, $0x38;
	[tilespmem:$0x11000] =	vst v63  }
0x1f: {  	s20 =	simm.s32 $0x0  }
0x20: {  	[tilespmem:s13], [sflag:$0x2] =	stream.linear.gather [hbm4b:s4+s19], $0x8000, $0x38;
	[tilespmem:$0x11000] =	vst v63  }
.LBB2_4:
0x21: {  	_ =	swait.ge [sflag:s14], $0x8000  }
0x22: {  	[sflag:s14] =	ssyncset.done $0x0  }
0x23: {  	s22 =	sand.u32 $0x3F0, s19;
	[sflag:s14] =	ssyncadd.s32 $0xFFFF8000  }
0x24: {  	s21 =	simm.s32 $0x10000;
	s23 =	sand.u32 $0x70, s19;
	s24 =	sand.u32 $0x1C00, s19;
	v2 =	vld [tilespmem:s22+$0x10400]  }
0x25: {  	s25 =	simm.s32 $0x0;
	s23 =	sor.u32 s23, s24;
	s24 =	simm.s32 $0x10;
	v3 =	vld [tilespmem:s21+$0x0]  }
.LBB2_5:
0x26: {  	p0 =	sne.s32 s24, $0x3F0;
	v4 =	vld [tilespmem:s23+$0x0]  }
0x27: {  	v5 =	vld [tilespmem:s23+$0x80]  }
0x28: {  	v6 =	vld [tilespmem:s23+$0x100]  }
0x29: {  	v7 =	vld [tilespmem:s23+$0x180]  }
0x2a: {  	v8 =	vld [tilespmem:s23+$0x200]  }
0x2b: {  	v3 =	vmin.f32 v3, v4;
	v9 =	vld [tilespmem:s23+$0x280]  }
0x2c: {  	v2 =	vmax.f32 v2, v4;
	v3 =	vmin.f32 v3, v5;
	v4 =	vld [tilespmem:s23+$0x300]  }
0x2d: {  	v2 =	vmax.f32 v2, v5;
	v3 =	vmin.f32 v3, v6;
	v5 =	vld [tilespmem:s23+$0x380]  }
0x2e: {  	v2 =	vmax.f32 v2, v6;
	v3 =	vmin.f32 v3, v7;
	v6 =	vld [tilespmem:s23+$0x2000]  }
0x2f: {  	v2 =	vmax.f32 v2, v7;
	v3 =	vmin.f32 v3, v8;
	v7 =	vld [tilespmem:s23+$0x2080]  }
0x30: {  	v2 =	vmax.f32 v2, v8;
	v3 =	vmin.f32 v3, v9;
	v8 =	vld [tilespmem:s23+$0x2100]  }
0x31: {  	v2 =	vmax.f32 v2, v9;
	v3 =	vmin.f32 v3, v4;
	v9 =	vld [tilespmem:s23+$0x2180]  }
0x32: {  	v2 =	vmax.f32 v2, v4;
	v3 =	vmin.f32 v3, v5;
	v4 =	vld [tilespmem:s23+$0x2200]  }
0x33: {  	v2 =	vmax.f32 v2, v5;
	v3 =	vmin.f32 v3, v6;
	v5 =	vld [tilespmem:s23+$0x2280]  }
0x34: {  	v2 =	vmax.f32 v2, v6;
	v3 =	vmin.f32 v3, v7;
	v6 =	vld [tilespmem:s23+$0x2300]  }
0x35: {  	v2 =	vmax.f32 v2, v7;
	v3 =	vmin.f32 v3, v8;
	v7 =	vld [tilespmem:s23+$0x2380]  }
0x36: {  	v2 =	vmax.f32 v2, v8;
	v3 =	vmin.f32 v3, v9;
	v8 =	vld [tilespmem:s23+$0x4000]  }
0x37: {  	v2 =	vmax.f32 v2, v9;
	v3 =	vmin.f32 v3, v4;
	v9 =	vld [tilespmem:s23+$0x4080]  }
0x38: {  	v2 =	vmax.f32 v2, v4;
	v3 =	vmin.f32 v3, v5;
	v4 =	vld [tilespmem:s23+$0x4100]  }
0x39: {  	v2 =	vmax.f32 v2, v5;
	v3 =	vmin.f32 v3, v6;
	v5 =	vld [tilespmem:s23+$0x4180]  }
0x3a: {  	v2 =	vmax.f32 v2, v6;
	v3 =	vmin.f32 v3, v7;
	v6 =	vld [tilespmem:s23+$0x4200]  }
0x3b: {  	v2 =	vmax.f32 v2, v7;
	v3 =	vmin.f32 v3, v8;
	v7 =	vld [tilespmem:s23+$0x4280]  }
0x3c: {  	v2 =	vmax.f32 v2, v8;
	v3 =	vmin.f32 v3, v9;
	v8 =	vld [tilespmem:s23+$0x4300]  }
0x3d: {  	v2 =	vmax.f32 v2, v9;
	v3 =	vmin.f32 v3, v4;
	v9 =	vld [tilespmem:s23+$0x4380]  }
0x3e: {  	v2 =	vmax.f32 v2, v4;
	v3 =	vmin.f32 v3, v5;
	v4 =	vld [tilespmem:s23+$0x6000]  }
0x3f: {  	v2 =	vmax.f32 v2, v5;
	v3 =	vmin.f32 v3, v6;
	v5 =	vld [tilespmem:s23+$0x6080]  }
0x40: {  	v2 =	vmax.f32 v2, v6;
	v3 =	vmin.f32 v3, v7;
	v6 =	vld [tilespmem:s23+$0x6100]  }
0x41: {  	v2 =	vmax.f32 v2, v7;
	v3 =	vmin.f32 v3, v8;
	v7 =	vld [tilespmem:s23+$0x6180]  }
0x42: {  	v2 =	vmax.f32 v2, v8;
	v3 =	vmin.f32 v3, v9;
	v8 =	vld [tilespmem:s23+$0x6200]  }
0x43: {  	v2 =	vmax.f32 v2, v9;
	v3 =	vmin.f32 v3, v4;
	v9 =	vld [tilespmem:s23+$0x6280]  }
0x44: {  	v2 =	vmax.f32 v2, v4;
	v3 =	vmin.f32 v3, v5;
	v4 =	vld [tilespmem:s23+$0x6300]  }
0x45: {  	v2 =	vmax.f32 v2, v5;
	v3 =	vmin.f32 v3, v6;
	v5 =	vld [tilespmem:s23+$0x6380]  }
0x46: {  	v2 =	vmax.f32 v2, v6;
	v3 =	vmin.f32 v3, v7  }
0x47: {  	v2 =	vmax.f32 v2, v7;
	v3 =	vmin.f32 v3, v8  }
0x48: {  	v2 =	vmax.f32 v2, v8;
	v3 =	vmin.f32 v3, v9  }
0x49: {  	v2 =	vmax.f32 v2, v9;
	v3 =	vmin.f32 v3, v4  }
.Ltmp3:
0x4a: {  	v2 =	vmax.f32 v2, v4;
	v3 =	vmin.f32 v3, v5;
	(pc) =	sbr.rel @p0 .LBB2_5-.Ltmp3, $4  }
0x4b: {  	v2 =	vmax.f32 v2, v5;
	[tilespmem:s21+$0x0] =	vst v3  }
0x4c: {  	s25 =	sadd.s32 $0x80, s25;
	[tilespmem:s22+$0x10400] =	vst v2;
	s22 =	sand.u32 $0x3F0, s24  }
0x4d: {  	s26 =	sand.u32 $0x1C00, s25;
	s23 =	sand.u32 $0x70, s24;
	s21 =	sadd.s32 $0x10, s21;
	v2 =	vld [tilespmem:s22+$0x10400]  }
0x4e: {  	s23 =	sor.u32 s23, s26;
	s24 =	sadd.s32 $0x10, s24;
	v3 =	vld [tilespmem:s21+$0x0]  }
0x4f: {  	v4 =	vld [tilespmem:s23+$0x0]  }
0x50: {  	v5 =	vld [tilespmem:s23+$0x80]  }
0x51: {  	v6 =	vld [tilespmem:s23+$0x100]  }
0x52: {  	v7 =	vld [tilespmem:s23+$0x180]  }
0x53: {  	v8 =	vld [tilespmem:s23+$0x200]  }
0x54: {  	v9 =	vld [tilespmem:s23+$0x280];
	v3 =	vmin.f32 v3, v4  }
0x55: {  	v2 =	vmax.f32 v2, v4;
	v4 =	vld [tilespmem:s23+$0x300];
	v3 =	vmin.f32 v3, v5  }
0x56: {  	v2 =	vmax.f32 v2, v5;
	v5 =	vld [tilespmem:s23+$0x380];
	v3 =	vmin.f32 v3, v6  }
0x57: {  	v48 =	vld [tilespmem:s23+$0x2000];
	v2 =	vmax.f32 v2, v6;
	v3 =	vmin.f32 v3, v7  }
0x58: {  	v49 =	vld [tilespmem:s23+$0x2080];
	v2 =	vmax.f32 v2, v7;
	v3 =	vmin.f32 v3, v8  }
0x59: {  	v50 =	vld [tilespmem:s23+$0x2100];
	v2 =	vmax.f32 v2, v8;
	v3 =	vmin.f32 v3, v9  }
0x5a: {  	v51 =	vld [tilespmem:s23+$0x2180];
	v2 =	vmax.f32 v2, v9;
	v3 =	vmin.f32 v3, v4  }
0x5b: {  	v2 =	vmax.f32 v2, v4;
	v4 =	vld [tilespmem:s23+$0x2200];
	v3 =	vmin.f32 v3, v5  }
0x5c: {  	v2 =	vmax.f32 v2, v5;
	v5 =	vld [tilespmem:s23+$0x2280];
	v3 =	vmin.f32 v3, v48  }
0x5d: {  	v52 =	vld [tilespmem:s23+$0x2300];
	v2 =	vmax.f32 v2, v48;
	v3 =	vmin.f32 v3, v49  }
0x5e: {  	v53 =	vld [tilespmem:s23+$0x2380];
	v2 =	vmax.f32 v2, v49;
	v3 =	vmin.f32 v3, v50  }
0x5f: {  	v54 =	vld [tilespmem:s23+$0x4000];
	v2 =	vmax.f32 v2, v50;
	v3 =	vmin.f32 v3, v51  }
0x60: {  	v55 =	vld [tilespmem:s23+$0x4080];
	v2 =	vmax.f32 v2, v51;
	v3 =	vmin.f32 v3, v4  }
0x61: {  	v2 =	vmax.f32 v2, v4;
	v4 =	vld [tilespmem:s23+$0x4100];
	v3 =	vmin.f32 v3, v5  }
0x62: {  	v2 =	vmax.f32 v2, v5;
	v5 =	vld [tilespmem:s23+$0x4180];
	v3 =	vmin.f32 v3, v52  }
0x63: {  	v56 =	vld [tilespmem:s23+$0x4200];
	v2 =	vmax.f32 v2, v52;
	v3 =	vmin.f32 v3, v53  }
0x64: {  	v57 =	vld [tilespmem:s23+$0x4280];
	v2 =	vmax.f32 v2, v53;
	v3 =	vmin.f32 v3, v54  }
0x65: {  	v58 =	vld [tilespmem:s23+$0x4300];
	v2 =	vmax.f32 v2, v54;
	v3 =	vmin.f32 v3, v55  }
0x66: {  	v59 =	vld [tilespmem:s23+$0x4380];
	v2 =	vmax.f32 v2, v55;
	v3 =	vmin.f32 v3, v4  }
0x67: {  	v2 =	vmax.f32 v2, v4;
	v4 =	vld [tilespmem:s23+$0x6000];
	v3 =	vmin.f32 v3, v5  }
0x68: {  	v2 =	vmax.f32 v2, v5;
	v5 =	vld [tilespmem:s23+$0x6080];
	v3 =	vmin.f32 v3, v56  }
0x69: {  	v60 =	vld [tilespmem:s23+$0x6100];
	v2 =	vmax.f32 v2, v56;
	v3 =	vmin.f32 v3, v57  }
0x6a: {  	v61 =	vld [tilespmem:s23+$0x6180];
	v2 =	vmax.f32 v2, v57;
	v3 =	vmin.f32 v3, v58  }
0x6b: {  	v62 =	vld [tilespmem:s23+$0x6200];
	v2 =	vmax.f32 v2, v58;
	v3 =	vmin.f32 v3, v59  }
0x6c: {  	v63 =	vld [tilespmem:s23+$0x6280];
	v2 =	vmax.f32 v2, v59;
	v3 =	vmin.f32 v3, v4  }
0x6d: {  	v2 =	vmax.f32 v2, v4;
	v4 =	vld [tilespmem:s23+$0x6300];
	v3 =	vmin.f32 v3, v5  }
0x6e: {  	v2 =	vmax.f32 v2, v5;
	v5 =	vld [tilespmem:s23+$0x6380];
	v3 =	vmin.f32 v3, v60  }
0x6f: {  	v2 =	vmax.f32 v2, v60;
	v3 =	vmin.f32 v3, v61  }
0x70: {  	v2 =	vmax.f32 v2, v61;
	v3 =	vmin.f32 v3, v62  }
0x71: {  	v2 =	vmax.f32 v2, v62;
	v3 =	vmin.f32 v3, v63  }
0x72: {  	v2 =	vmax.f32 v2, v63;
	v3 =	vmin.f32 v3, v4  }
0x73: {  	v2 =	vmax.f32 v2, v4;
	v3 =	vmin.f32 v3, v5  }
0x74: {  	p0 =	seq.s32 s20, $0xF;
	v2 =	vmax.f32 v2, v5;
	[tilespmem:s21+$0x0] =	vst v3;
	s21 =	sshll.u32 s20, $0xD  }
0x75: {  	s23 =	simm.s32 @!p0 $0x0;
	[tilespmem:s22+$0x10400] =	vst v2;
	s22 =	sadd.s32 @!p0 s21, s5  }
0x76: {  	[tilespmem:s23], [sflag:$0x1] =	stream.linear.gather @!p0 [hbm4b:s22+s23], $0x8000, $0x38;
	[tilespmem:$0x11000] =	vst v63  }
0x77: {  	_ =	swait.ge [sflag:s15], $0x8000  }
0x78: {  	s25 =	simm.s32 $0x0;
	[sflag:s15] =	ssyncset.done $0x0  }
0x79: {  	s22 =	sand.u32 $0x3F0, s25;
	[sflag:s15] =	ssyncadd.s32 $0xFFFF8000  }
0x7a: {  	s24 =	sand.u32 $0x70, s25;
	s26 =	sand.u32 $0x1C00, s25;
	s23 =	simm.s32 $0x10000;
	v2 =	vld [tilespmem:s22+$0x10400]  }
0x7b: {  	s24 =	sor.u32 s24, s26;
	s26 =	simm.s32 $0x10;
	v3 =	vld [tilespmem:s23+$0x0]  }
.LBB2_7:
0x7c: {  	p1 =	sne.s32 s26, $0x3F0;
	v4 =	vld [tilespmem:s24+$0x8000]  }
0x7d: {  	v5 =	vld [tilespmem:s24+$0x8080]  }
0x7e: {  	v6 =	vld [tilespmem:s24+$0x8100]  }
0x7f: {  	v7 =	vld [tilespmem:s24+$0x8180]  }
0x80: {  	v8 =	vld [tilespmem:s24+$0x8200]  }
0x81: {  	v3 =	vmin.f32 v3, v4;
	v9 =	vld [tilespmem:s24+$0x8280]  }
0x82: {  	v2 =	vmax.f32 v2, v4;
	v3 =	vmin.f32 v3, v5;
	v4 =	vld [tilespmem:s24+$0x8300]  }
0x83: {  	v2 =	vmax.f32 v2, v5;
	v3 =	vmin.f32 v3, v6;
	v5 =	vld [tilespmem:s24+$0x8380]  }
0x84: {  	v2 =	vmax.f32 v2, v6;
	v3 =	vmin.f32 v3, v7;
	v6 =	vld [tilespmem:s24+$0xA000]  }
0x85: {  	v2 =	vmax.f32 v2, v7;
	v3 =	vmin.f32 v3, v8;
	v7 =	vld [tilespmem:s24+$0xA080]  }
0x86: {  	v2 =	vmax.f32 v2, v8;
	v3 =	vmin.f32 v3, v9;
	v8 =	vld [tilespmem:s24+$0xA100]  }
0x87: {  	v2 =	vmax.f32 v2, v9;
	v3 =	vmin.f32 v3, v4;
	v9 =	vld [tilespmem:s24+$0xA180]  }
0x88: {  	v2 =	vmax.f32 v2, v4;
	v3 =	vmin.f32 v3, v5;
	v4 =	vld [tilespmem:s24+$0xA200]  }
0x89: {  	v2 =	vmax.f32 v2, v5;
	v3 =	vmin.f32 v3, v6;
	v5 =	vld [tilespmem:s24+$0xA280]  }
0x8a: {  	v2 =	vmax.f32 v2, v6;
	v3 =	vmin.f32 v3, v7;
	v6 =	vld [tilespmem:s24+$0xA300]  }
0x8b: {  	v2 =	vmax.f32 v2, v7;
	v3 =	vmin.f32 v3, v8;
	v7 =	vld [tilespmem:s24+$0xA380]  }
0x8c: {  	v2 =	vmax.f32 v2, v8;
	v3 =	vmin.f32 v3, v9;
	v8 =	vld [tilespmem:s24+$0xC000]  }
0x8d: {  	v2 =	vmax.f32 v2, v9;
	v3 =	vmin.f32 v3, v4;
	v9 =	vld [tilespmem:s24+$0xC080]  }
0x8e: {  	v2 =	vmax.f32 v2, v4;
	v3 =	vmin.f32 v3, v5;
	v4 =	vld [tilespmem:s24+$0xC100]  }
0x8f: {  	v2 =	vmax.f32 v2, v5;
	v3 =	vmin.f32 v3, v6;
	v5 =	vld [tilespmem:s24+$0xC180]  }
0x90: {  	v2 =	vmax.f32 v2, v6;
	v3 =	vmin.f32 v3, v7;
	v6 =	vld [tilespmem:s24+$0xC200]  }
0x91: {  	v2 =	vmax.f32 v2, v7;
	v3 =	vmin.f32 v3, v8;
	v7 =	vld [tilespmem:s24+$0xC280]  }
0x92: {  	v2 =	vmax.f32 v2, v8;
	v3 =	vmin.f32 v3, v9;
	v8 =	vld [tilespmem:s24+$0xC300]  }
0x93: {  	v2 =	vmax.f32 v2, v9;
	v3 =	vmin.f32 v3, v4;
	v9 =	vld [tilespmem:s24+$0xC380]  }
0x94: {  	v2 =	vmax.f32 v2, v4;
	v3 =	vmin.f32 v3, v5;
	v4 =	vld [tilespmem:s24+$0xE000]  }
0x95: {  	v2 =	vmax.f32 v2, v5;
	v3 =	vmin.f32 v3, v6;
	v5 =	vld [tilespmem:s24+$0xE080]  }
0x96: {  	v2 =	vmax.f32 v2, v6;
	v3 =	vmin.f32 v3, v7;
	v6 =	vld [tilespmem:s24+$0xE100]  }
0x97: {  	v2 =	vmax.f32 v2, v7;
	v3 =	vmin.f32 v3, v8;
	v7 =	vld [tilespmem:s24+$0xE180]  }
0x98: {  	v2 =	vmax.f32 v2, v8;
	v3 =	vmin.f32 v3, v9;
	v8 =	vld [tilespmem:s24+$0xE200]  }
0x99: {  	v2 =	vmax.f32 v2, v9;
	v3 =	vmin.f32 v3, v4;
	v9 =	vld [tilespmem:s24+$0xE280]  }
0x9a: {  	v2 =	vmax.f32 v2, v4;
	v3 =	vmin.f32 v3, v5;
	v4 =	vld [tilespmem:s24+$0xE300]  }
0x9b: {  	v2 =	vmax.f32 v2, v5;
	v3 =	vmin.f32 v3, v6;
	v5 =	vld [tilespmem:s24+$0xE380]  }
0x9c: {  	v2 =	vmax.f32 v2, v6;
	v3 =	vmin.f32 v3, v7  }
0x9d: {  	v2 =	vmax.f32 v2, v7;
	v3 =	vmin.f32 v3, v8  }
0x9e: {  	v2 =	vmax.f32 v2, v8;
	v3 =	vmin.f32 v3, v9  }
0x9f: {  	v2 =	vmax.f32 v2, v9;
	v3 =	vmin.f32 v3, v4  }
.Ltmp4:
0xa0: {  	v2 =	vmax.f32 v2, v4;
	v3 =	vmin.f32 v3, v5;
	(pc) =	sbr.rel @p1 .LBB2_7-.Ltmp4, $4  }
0xa1: {  	v2 =	vmax.f32 v2, v5;
	[tilespmem:s23+$0x0] =	vst v3  }
0xa2: {  	s25 =	sadd.s32 $0x80, s25;
	[tilespmem:s22+$0x10400] =	vst v2;
	s22 =	sand.u32 $0x3F0, s26  }
0xa3: {  	s28 =	sand.u32 $0x1C00, s25;
	s24 =	sand.u32 $0x70, s26;
	s23 =	sadd.s32 $0x10, s23;
	v2 =	vld [tilespmem:s22+$0x10400]  }
0xa4: {  	s24 =	sor.u32 s24, s28;
	s26 =	sadd.s32 $0x10, s26;
	v3 =	vld [tilespmem:s23+$0x0]  }
0xa5: {  	v4 =	vld [tilespmem:s24+$0x8000]  }
0xa6: {  	v5 =	vld [tilespmem:s24+$0x8080]  }
0xa7: {  	v6 =	vld [tilespmem:s24+$0x8100]  }
0xa8: {  	v7 =	vld [tilespmem:s24+$0x8180]  }
0xa9: {  	v8 =	vld [tilespmem:s24+$0x8200]  }
0xaa: {  	v9 =	vld [tilespmem:s24+$0x8280];
	v3 =	vmin.f32 v3, v4  }
0xab: {  	v38 =	vld [tilespmem:s24+$0x8300];
	v2 =	vmax.f32 v2, v4;
	v3 =	vmin.f32 v3, v5  }
0xac: {  	v39 =	vld [tilespmem:s24+$0x8380];
	v2 =	vmax.f32 v2, v5;
	v3 =	vmin.f32 v3, v6  }
0xad: {  	v40 =	vld [tilespmem:s24+$0xA000];
	v2 =	vmax.f32 v2, v6;
	v3 =	vmin.f32 v3, v7  }
0xae: {  	v41 =	vld [tilespmem:s24+$0xA080];
	v2 =	vmax.f32 v2, v7;
	v3 =	vmin.f32 v3, v8  }
0xaf: {  	v42 =	vld [tilespmem:s24+$0xA100];
	v2 =	vmax.f32 v2, v8;
	v3 =	vmin.f32 v3, v9  }
0xb0: {  	v43 =	vld [tilespmem:s24+$0xA180];
	v2 =	vmax.f32 v2, v9;
	v3 =	vmin.f32 v3, v38  }
0xb1: {  	v44 =	vld [tilespmem:s24+$0xA200];
	v2 =	vmax.f32 v2, v38;
	v3 =	vmin.f32 v3, v39  }
0xb2: {  	v45 =	vld [tilespmem:s24+$0xA280];
	v2 =	vmax.f32 v2, v39;
	v3 =	vmin.f32 v3, v40  }
0xb3: {  	v46 =	vld [tilespmem:s24+$0xA300];
	v2 =	vmax.f32 v2, v40;
	v3 =	vmin.f32 v3, v41  }
0xb4: {  	v47 =	vld [tilespmem:s24+$0xA380];
	v2 =	vmax.f32 v2, v41;
	v3 =	vmin.f32 v3, v42  }
0xb5: {  	v48 =	vld [tilespmem:s24+$0xC000];
	v2 =	vmax.f32 v2, v42;
	v3 =	vmin.f32 v3, v43  }
0xb6: {  	v49 =	vld [tilespmem:s24+$0xC080];
	v2 =	vmax.f32 v2, v43;
	v3 =	vmin.f32 v3, v44  }
0xb7: {  	v50 =	vld [tilespmem:s24+$0xC100];
	v2 =	vmax.f32 v2, v44;
	v3 =	vmin.f32 v3, v45  }
0xb8: {  	v51 =	vld [tilespmem:s24+$0xC180];
	v2 =	vmax.f32 v2, v45;
	v3 =	vmin.f32 v3, v46  }
0xb9: {  	v52 =	vld [tilespmem:s24+$0xC200];
	v2 =	vmax.f32 v2, v46;
	v3 =	vmin.f32 v3, v47  }
0xba: {  	v53 =	vld [tilespmem:s24+$0xC280];
	v2 =	vmax.f32 v2, v47;
	v3 =	vmin.f32 v3, v48  }
0xbb: {  	v54 =	vld [tilespmem:s24+$0xC300];
	v2 =	vmax.f32 v2, v48;
	v3 =	vmin.f32 v3, v49  }
0xbc: {  	v55 =	vld [tilespmem:s24+$0xC380];
	v2 =	vmax.f32 v2, v49;
	v3 =	vmin.f32 v3, v50  }
0xbd: {  	v56 =	vld [tilespmem:s24+$0xE000];
	v2 =	vmax.f32 v2, v50;
	v3 =	vmin.f32 v3, v51  }
0xbe: {  	v57 =	vld [tilespmem:s24+$0xE080];
	v2 =	vmax.f32 v2, v51;
	v3 =	vmin.f32 v3, v52  }
0xbf: {  	v58 =	vld [tilespmem:s24+$0xE100];
	v2 =	vmax.f32 v2, v52;
	v3 =	vmin.f32 v3, v53  }
0xc0: {  	v59 =	vld [tilespmem:s24+$0xE180];
	v2 =	vmax.f32 v2, v53;
	v3 =	vmin.f32 v3, v54  }
0xc1: {  	v60 =	vld [tilespmem:s24+$0xE200];
	v2 =	vmax.f32 v2, v54;
	v3 =	vmin.f32 v3, v55  }
0xc2: {  	v61 =	vld [tilespmem:s24+$0xE280];
	v2 =	vmax.f32 v2, v55;
	v3 =	vmin.f32 v3, v56  }
0xc3: {  	v62 =	vld [tilespmem:s24+$0xE300];
	v2 =	vmax.f32 v2, v56;
	v3 =	vmin.f32 v3, v57  }
0xc4: {  	v63 =	vld [tilespmem:s24+$0xE380];
	v2 =	vmax.f32 v2, v57;
	v3 =	vmin.f32 v3, v58  }
0xc5: {  	v2 =	vmax.f32 v2, v58;
	v3 =	vmin.f32 v3, v59  }
0xc6: {  	v2 =	vmax.f32 v2, v59;
	v3 =	vmin.f32 v3, v60  }
.Ltmp5:
0xc7: {  	v2 =	vmax.f32 v2, v60;
	v3 =	vmin.f32 v3, v61;
	(pc) =	sbr.rel @p0 .LBB2_10-.Ltmp5, $4  }
0xc8: {  	v2 =	vmax.f32 v2, v61;
	v3 =	vmin.f32 v3, v62  }
0xc9: {  	v2 =	vmax.f32 v2, v62;
	v3 =	vmin.f32 v3, v63  }
0xca: {  	v2 =	vmax.f32 v2, v63;
	[tilespmem:s23+$0x0] =	vst v3  }
0xcb: {  	[tilespmem:s22+$0x10400] =	vst v2  }
.Ltmp6:
0xcc: {  	(pc) =	sbr.rel .LBB2_4-.Ltmp6, $3  }
0xcd: {  	_ =	sdelay $0x1  }
0xce: {  	s21 =	sadd.s32 s21, s6;
	s20 =	sadd.s32 $0x1, s20  }
0xcf: {  	[tilespmem:s13], [sflag:$0x2] =	stream.linear.gather [hbm4b:s21+s2], $0x8000, $0x38;
	[tilespmem:$0x11000] =	vst v63  }
.LBB2_10:
0xd0: {  	s19 =	simm.s32 $0x0  }
0xd1: {  	[tilespmem:s19], [sflag:$0x1] =	stream.linear.gather [hbm4b:s7+s19], $0x8000, $0x38;
	[tilespmem:$0x11000] =	vst v63  }
0xd2: {  	s20 =	simm.s32 $0x0  }
0xd3: {  	[tilespmem:s13], [sflag:$0x2] =	stream.linear.gather [hbm4b:s8+s19], $0x8000, $0x38;
	[tilespmem:$0x11000] =	vst v63  }
.LBB2_11:
0xd4: {  	_ =	swait.ge [sflag:s14], $0x8000  }
0xd5: {  	[sflag:s14] =	ssyncset.done $0x0  }
0xd6: {  	s22 =	sand.u32 $0x3F0, s19;
	[sflag:s14] =	ssyncadd.s32 $0xFFFF8000  }
0xd7: {  	s21 =	sand.u32 $0x70, s19;
	s23 =	sand.u32 $0x1C00, s19;
	v2 =	vld [tilespmem:s22+$0x10800]  }
0xd8: {  	s23 =	sor.u32 s21, s23;
	v3 =	vld [tilespmem:s22+$0x10C00]  }
0xd9: {  	v4 =	vld [tilespmem:s23+$0x0]  }
0xda: {  	v5 =	vld [tilespmem:s23+$0x80]  }
0xdb: {  	v6 =	vld [tilespmem:s23+$0x100]  }
0xdc: {  	v7 =	vld [tilespmem:s23+$0x180]  }
0xdd: {  	v8 =	vld [tilespmem:s23+$0x200]  }
0xde: {  	v2 =	vmin.f32 v2, v4;
	v3 =	vmax.f32 v3, v4;
	v4 =	vld [tilespmem:s23+$0x280]  }
0xdf: {  	v2 =	vmin.f32 v2, v5;
	v3 =	vmax.f32 v3, v5;
	v5 =	vld [tilespmem:s23+$0x300]  }
0xe0: {  	v2 =	vmin.f32 v2, v6;
	v3 =	vmax.f32 v3, v6;
	v6 =	vld [tilespmem:s23+$0x380]  }
0xe1: {  	v2 =	vmin.f32 v2, v7;
	v3 =	vmax.f32 v3, v7;
	v7 =	vld [tilespmem:s23+$0x2000]  }
0xe2: {  	v59 =	vld [tilespmem:s23+$0x2080];
	v2 =	vmin.f32 v2, v8;
	v3 =	vmax.f32 v3, v8  }
0xe3: {  	v2 =	vmin.f32 v2, v4;
	v3 =	vmax.f32 v3, v4;
	v4 =	vld [tilespmem:s23+$0x2100]  }
0xe4: {  	v2 =	vmin.f32 v2, v5;
	v3 =	vmax.f32 v3, v5;
	v5 =	vld [tilespmem:s23+$0x2180]  }
0xe5: {  	v2 =	vmin.f32 v2, v6;
	v3 =	vmax.f32 v3, v6;
	v6 =	vld [tilespmem:s23+$0x2200]  }
0xe6: {  	v2 =	vmin.f32 v2, v7;
	v3 =	vmax.f32 v3, v7;
	v7 =	vld [tilespmem:s23+$0x2280]  }
0xe7: {  	v60 =	vld [tilespmem:s23+$0x2300];
	v2 =	vmin.f32 v2, v59;
	v3 =	vmax.f32 v3, v59  }
0xe8: {  	v2 =	vmin.f32 v2, v4;
	v3 =	vmax.f32 v3, v4;
	v4 =	vld [tilespmem:s23+$0x2380]  }
0xe9: {  	v2 =	vmin.f32 v2, v5;
	v3 =	vmax.f32 v3, v5;
	v5 =	vld [tilespmem:s23+$0x4000]  }
0xea: {  	v2 =	vmin.f32 v2, v6;
	v3 =	vmax.f32 v3, v6;
	v6 =	vld [tilespmem:s23+$0x4080]  }
0xeb: {  	v2 =	vmin.f32 v2, v7;
	v3 =	vmax.f32 v3, v7;
	v7 =	vld [tilespmem:s23+$0x4100]  }
0xec: {  	v61 =	vld [tilespmem:s23+$0x4180];
	v2 =	vmin.f32 v2, v60;
	v3 =	vmax.f32 v3, v60  }
0xed: {  	v2 =	vmin.f32 v2, v4;
	v3 =	vmax.f32 v3, v4;
	v4 =	vld [tilespmem:s23+$0x4200]  }
0xee: {  	v2 =	vmin.f32 v2, v5;
	v3 =	vmax.f32 v3, v5;
	v5 =	vld [tilespmem:s23+$0x4280]  }
0xef: {  	v2 =	vmin.f32 v2, v6;
	v3 =	vmax.f32 v3, v6;
	v6 =	vld [tilespmem:s23+$0x4300]  }
0xf0: {  	v2 =	vmin.f32 v2, v7;
	v3 =	vmax.f32 v3, v7;
	v7 =	vld [tilespmem:s23+$0x4380]  }
0xf1: {  	v62 =	vld [tilespmem:s23+$0x6000];
	v2 =	vmin.f32 v2, v61;
	v3 =	vmax.f32 v3, v61  }
0xf2: {  	v2 =	vmin.f32 v2, v4;
	v3 =	vmax.f32 v3, v4;
	v4 =	vld [tilespmem:s23+$0x6080]  }
0xf3: {  	v2 =	vmin.f32 v2, v5;
	v3 =	vmax.f32 v3, v5;
	v5 =	vld [tilespmem:s23+$0x6100]  }
0xf4: {  	v2 =	vmin.f32 v2, v6;
	v3 =	vmax.f32 v3, v6;
	v6 =	vld [tilespmem:s23+$0x6180]  }
0xf5: {  	v2 =	vmin.f32 v2, v7;
	v3 =	vmax.f32 v3, v7;
	v7 =	vld [tilespmem:s23+$0x6200]  }
0xf6: {  	v63 =	vld [tilespmem:s23+$0x6280];
	v2 =	vmin.f32 v2, v62  }
0xf7: {  	v2 =	vmin.f32 v2, v4  }
0xf8: {  	v3 =	vmax.f32 v3, v62;
	v2 =	vmin.f32 v2, v5  }
0xf9: {  	v3 =	vmax.f32 v3, v4;
	v4 =	vld [tilespmem:s23+$0x6300];
	v2 =	vmin.f32 v2, v6  }
0xfa: {  	v3 =	vmax.f32 v3, v5;
	v2 =	vmin.f32 v2, v7  }
0xfb: {  	v3 =	vmax.f32 v3, v6;
	v5 =	vmin.f32 v2, v63;
	v2 =	vld [tilespmem:s23+$0x6380]  }
0xfc: {  	v3 =	vmax.f32 v3, v7  }
0xfd: {  	v6 =	vmax.f32 v3, v63  }
0xfe: {  	s21 =	simm.s32 $0x10;
	s23 =	simm.s32 $0x0;
	v3 =	vmin.f32 v5, v4;
	v4 =	vmax.f32 v6, v4  }
.LBB2_12:
0xff: {  	p0 =	sne.s32 s21, $0x3F0  }
0x100: {  	v3 =	vmin.f32 v3, v2;
	v2 =	vmax.f32 v4, v2;
	s23 =	sadd.s32 $0x80, s23;
	s24 =	smov.u32 s21;
	s21 =	sadd.s32 $0x10, s21  }
0x101: {  	s25 =	sand.u32 $0x70, s24;
	s26 =	sand.u32 $0x3F0, s24;
	s24 =	sand.u32 $0x1C00, s23;
	[tilespmem:s22+$0x10800] =	vst v3  }
0x102: {  	v3 =	vld [tilespmem:s26+$0x10800];
	s24 =	sor.u32 s25, s24;
	[tilespmem:s22+$0x10C00] =	vst v2;
	s22 =	smov.u32 s26  }
0x103: {  	v2 =	vld [tilespmem:s22+$0x10C00]  }
0x104: {  	v4 =	vld [tilespmem:s24+$0x0]  }
0x105: {  	v5 =	vld [tilespmem:s24+$0x80]  }
0x106: {  	v6 =	vld [tilespmem:s24+$0x100]  }
0x107: {  	v7 =	vld [tilespmem:s24+$0x180]  }
0x108: {  	v8 =	vld [tilespmem:s24+$0x200]  }
0x109: {  	v3 =	vmin.f32 v3, v4;
	v2 =	vmax.f32 v2, v4;
	v4 =	vld [tilespmem:s24+$0x280]  }
0x10a: {  	v3 =	vmin.f32 v3, v5;
	v2 =	vmax.f32 v2, v5;
	v5 =	vld [tilespmem:s24+$0x300]  }
0x10b: {  	v3 =	vmin.f32 v3, v6;
	v2 =	vmax.f32 v2, v6;
	v6 =	vld [tilespmem:s24+$0x380]  }
0x10c: {  	v3 =	vmin.f32 v3, v7;
	v2 =	vmax.f32 v2, v7;
	v7 =	vld [tilespmem:s24+$0x2000]  }
0x10d: {  	v3 =	vmin.f32 v3, v8;
	v2 =	vmax.f32 v2, v8;
	v8 =	vld [tilespmem:s24+$0x2080]  }
0x10e: {  	v3 =	vmin.f32 v3, v4;
	v2 =	vmax.f32 v2, v4;
	v4 =	vld [tilespmem:s24+$0x2100]  }
0x10f: {  	v3 =	vmin.f32 v3, v5;
	v2 =	vmax.f32 v2, v5;
	v5 =	vld [tilespmem:s24+$0x2180]  }
0x110: {  	v3 =	vmin.f32 v3, v6;
	v2 =	vmax.f32 v2, v6;
	v6 =	vld [tilespmem:s24+$0x2200]  }
0x111: {  	v3 =	vmin.f32 v3, v7;
	v2 =	vmax.f32 v2, v7;
	v7 =	vld [tilespmem:s24+$0x2280]  }
0x112: {  	v3 =	vmin.f32 v3, v8;
	v2 =	vmax.f32 v2, v8;
	v8 =	vld [tilespmem:s24+$0x2300]  }
0x113: {  	v3 =	vmin.f32 v3, v4;
	v2 =	vmax.f32 v2, v4;
	v4 =	vld [tilespmem:s24+$0x2380]  }
0x114: {  	v3 =	vmin.f32 v3, v5;
	v2 =	vmax.f32 v2, v5;
	v5 =	vld [tilespmem:s24+$0x4000]  }
0x115: {  	v3 =	vmin.f32 v3, v6;
	v2 =	vmax.f32 v2, v6;
	v6 =	vld [tilespmem:s24+$0x4080]  }
0x116: {  	v3 =	vmin.f32 v3, v7;
	v2 =	vmax.f32 v2, v7;
	v7 =	vld [tilespmem:s24+$0x4100]  }
0x117: {  	v3 =	vmin.f32 v3, v8;
	v2 =	vmax.f32 v2, v8;
	v8 =	vld [tilespmem:s24+$0x4180]  }
0x118: {  	v3 =	vmin.f32 v3, v4;
	v2 =	vmax.f32 v2, v4;
	v4 =	vld [tilespmem:s24+$0x4200]  }
0x119: {  	v3 =	vmin.f32 v3, v5;
	v2 =	vmax.f32 v2, v5;
	v5 =	vld [tilespmem:s24+$0x4280]  }
0x11a: {  	v3 =	vmin.f32 v3, v6;
	v2 =	vmax.f32 v2, v6;
	v6 =	vld [tilespmem:s24+$0x4300]  }
0x11b: {  	v3 =	vmin.f32 v3, v7;
	v2 =	vmax.f32 v2, v7;
	v7 =	vld [tilespmem:s24+$0x4380]  }
0x11c: {  	v3 =	vmin.f32 v3, v8;
	v2 =	vmax.f32 v2, v8;
	v8 =	vld [tilespmem:s24+$0x6000]  }
0x11d: {  	v3 =	vmin.f32 v3, v4;
	v2 =	vmax.f32 v2, v4;
	v4 =	vld [tilespmem:s24+$0x6080]  }
0x11e: {  	v3 =	vmin.f32 v3, v5;
	v2 =	vmax.f32 v2, v5;
	v5 =	vld [tilespmem:s24+$0x6100]  }
0x11f: {  	v3 =	vmin.f32 v3, v6;
	v2 =	vmax.f32 v2, v6;
	v6 =	vld [tilespmem:s24+$0x6180]  }
0x120: {  	v3 =	vmin.f32 v3, v7;
	v2 =	vmax.f32 v2, v7;
	v7 =	vld [tilespmem:s24+$0x6200]  }
0x121: {  	v3 =	vmin.f32 v3, v8;
	v2 =	vmax.f32 v2, v8;
	v8 =	vld [tilespmem:s24+$0x6280]  }
0x122: {  	v3 =	vmin.f32 v3, v4;
	v2 =	vmax.f32 v2, v4;
	v4 =	vld [tilespmem:s24+$0x6300]  }
.Ltmp7:
0x123: {  	v3 =	vmin.f32 v3, v5;
	v5 =	vmax.f32 v2, v5;
	v2 =	vld [tilespmem:s24+$0x6380];
	(pc) =	sbr.rel @p0 .LBB2_12-.Ltmp7, $4  }
0x124: {  	v3 =	vmin.f32 v3, v6;
	v5 =	vmax.f32 v5, v6  }
0x125: {  	v3 =	vmin.f32 v3, v7;
	v5 =	vmax.f32 v5, v7  }
0x126: {  	v3 =	vmin.f32 v3, v8;
	v5 =	vmax.f32 v5, v8  }
0x127: {  	v3 =	vmin.f32 v3, v4;
	v4 =	vmax.f32 v5, v4  }
0x128: {  	v3 =	vmin.f32 v3, v2  }
0x129: {  	v2 =	vmax.f32 v4, v2;
	s21 =	sshll.u32 s20, $0xD;
	p0 =	seq.s32 s20, $0xF;
	[tilespmem:s22+$0x10800] =	vst v3  }
0x12a: {  	[tilespmem:s22+$0x10C00] =	vst v2;
	s22 =	sadd.s32 @!p0 s21, s9;
	s23 =	simm.s32 @!p0 $0x0  }
0x12b: {  	[tilespmem:s23], [sflag:$0x1] =	stream.linear.gather @!p0 [hbm4b:s22+s23], $0x8000, $0x38;
	[tilespmem:$0x11000] =	vst v63  }
0x12c: {  	_ =	swait.ge [sflag:s15], $0x8000  }
0x12d: {  	s23 =	simm.s32 $0x0;
	[sflag:s15] =	ssyncset.done $0x0  }
0x12e: {  	s22 =	sand.u32 $0x3F0, s23;
	[sflag:s15] =	ssyncadd.s32 $0xFFFF8000  }
0x12f: {  	s24 =	sand.u32 $0x70, s23;
	s25 =	sand.u32 $0x1C00, s23;
	v2 =	vld [tilespmem:s22+$0x10800]  }
0x130: {  	s25 =	sor.u32 s24, s25;
	v3 =	vld [tilespmem:s22+$0x10C00]  }
0x131: {  	v4 =	vld [tilespmem:s25+$0x8000]  }
0x132: {  	v5 =	vld [tilespmem:s25+$0x8080]  }
0x133: {  	v6 =	vld [tilespmem:s25+$0x8100]  }
0x134: {  	v7 =	vld [tilespmem:s25+$0x8180]  }
0x135: {  	v8 =	vld [tilespmem:s25+$0x8200]  }
0x136: {  	v2 =	vmin.f32 v2, v4;
	v3 =	vmax.f32 v3, v4;
	v4 =	vld [tilespmem:s25+$0x8280]  }
0x137: {  	v2 =	vmin.f32 v2, v5;
	v3 =	vmax.f32 v3, v5;
	v5 =	vld [tilespmem:s25+$0x8300]  }
0x138: {  	v2 =	vmin.f32 v2, v6;
	v3 =	vmax.f32 v3, v6;
	v6 =	vld [tilespmem:s25+$0x8380]  }
0x139: {  	v2 =	vmin.f32 v2, v7;
	v3 =	vmax.f32 v3, v7;
	v7 =	vld [tilespmem:s25+$0xA000]  }
0x13a: {  	v59 =	vld [tilespmem:s25+$0xA080];
	v2 =	vmin.f32 v2, v8;
	v3 =	vmax.f32 v3, v8  }
0x13b: {  	v2 =	vmin.f32 v2, v4;
	v3 =	vmax.f32 v3, v4;
	v4 =	vld [tilespmem:s25+$0xA100]  }
0x13c: {  	v2 =	vmin.f32 v2, v5;
	v3 =	vmax.f32 v3, v5;
	v5 =	vld [tilespmem:s25+$0xA180]  }
0x13d: {  	v2 =	vmin.f32 v2, v6;
	v3 =	vmax.f32 v3, v6;
	v6 =	vld [tilespmem:s25+$0xA200]  }
0x13e: {  	v2 =	vmin.f32 v2, v7;
	v3 =	vmax.f32 v3, v7;
	v7 =	vld [tilespmem:s25+$0xA280]  }
0x13f: {  	v60 =	vld [tilespmem:s25+$0xA300];
	v2 =	vmin.f32 v2, v59;
	v3 =	vmax.f32 v3, v59  }
0x140: {  	v2 =	vmin.f32 v2, v4;
	v3 =	vmax.f32 v3, v4;
	v4 =	vld [tilespmem:s25+$0xA380]  }
0x141: {  	v2 =	vmin.f32 v2, v5;
	v3 =	vmax.f32 v3, v5;
	v5 =	vld [tilespmem:s25+$0xC000]  }
0x142: {  	v2 =	vmin.f32 v2, v6;
	v3 =	vmax.f32 v3, v6;
	v6 =	vld [tilespmem:s25+$0xC080]  }
0x143: {  	v2 =	vmin.f32 v2, v7;
	v3 =	vmax.f32 v3, v7;
	v7 =	vld [tilespmem:s25+$0xC100]  }
0x144: {  	v61 =	vld [tilespmem:s25+$0xC180];
	v2 =	vmin.f32 v2, v60;
	v3 =	vmax.f32 v3, v60  }
0x145: {  	v2 =	vmin.f32 v2, v4;
	v3 =	vmax.f32 v3, v4;
	v4 =	vld [tilespmem:s25+$0xC200]  }
0x146: {  	v2 =	vmin.f32 v2, v5;
	v3 =	vmax.f32 v3, v5;
	v5 =	vld [tilespmem:s25+$0xC280]  }
0x147: {  	v2 =	vmin.f32 v2, v6;
	v3 =	vmax.f32 v3, v6;
	v6 =	vld [tilespmem:s25+$0xC300]  }
0x148: {  	v2 =	vmin.f32 v2, v7;
	v3 =	vmax.f32 v3, v7;
	v7 =	vld [tilespmem:s25+$0xC380]  }
0x149: {  	v62 =	vld [tilespmem:s25+$0xE000];
	v2 =	vmin.f32 v2, v61;
	v3 =	vmax.f32 v3, v61  }
0x14a: {  	v2 =	vmin.f32 v2, v4;
	v3 =	vmax.f32 v3, v4;
	v4 =	vld [tilespmem:s25+$0xE080]  }
0x14b: {  	v2 =	vmin.f32 v2, v5;
	v3 =	vmax.f32 v3, v5;
	v5 =	vld [tilespmem:s25+$0xE100]  }
0x14c: {  	v2 =	vmin.f32 v2, v6;
	v3 =	vmax.f32 v3, v6;
	v6 =	vld [tilespmem:s25+$0xE180]  }
0x14d: {  	v2 =	vmin.f32 v2, v7;
	v3 =	vmax.f32 v3, v7;
	v7 =	vld [tilespmem:s25+$0xE200]  }
0x14e: {  	v63 =	vld [tilespmem:s25+$0xE280];
	v2 =	vmin.f32 v2, v62  }
0x14f: {  	v2 =	vmin.f32 v2, v4  }
0x150: {  	v3 =	vmax.f32 v3, v62;
	v2 =	vmin.f32 v2, v5  }
0x151: {  	v3 =	vmax.f32 v3, v4;
	v4 =	vld [tilespmem:s25+$0xE300];
	v2 =	vmin.f32 v2, v6  }
0x152: {  	v3 =	vmax.f32 v3, v5;
	v2 =	vmin.f32 v2, v7  }
0x153: {  	v3 =	vmax.f32 v3, v6;
	v5 =	vmin.f32 v2, v63;
	v2 =	vld [tilespmem:s25+$0xE380]  }
0x154: {  	v3 =	vmax.f32 v3, v7  }
0x155: {  	v6 =	vmax.f32 v3, v63  }
0x156: {  	s24 =	simm.s32 $0x10;
	v3 =	vmin.f32 v5, v4;
	v4 =	vmax.f32 v6, v4  }
.LBB2_14:
0x157: {  	p1 =	sne.s32 s24, $0x3F0  }
0x158: {  	v3 =	vmin.f32 v3, v2;
	v2 =	vmax.f32 v4, v2;
	s23 =	sadd.s32 $0x80, s23;
	s25 =	smov.u32 s24;
	s24 =	sadd.s32 $0x10, s24  }
0x159: {  	s26 =	sand.u32 $0x70, s25;
	s28 =	sand.u32 $0x3F0, s25;
	s25 =	sand.u32 $0x1C00, s23;
	[tilespmem:s22+$0x10800] =	vst v3  }
0x15a: {  	v3 =	vld [tilespmem:s28+$0x10800];
	s25 =	sor.u32 s26, s25;
	[tilespmem:s22+$0x10C00] =	vst v2;
	s22 =	smov.u32 s28  }
0x15b: {  	v2 =	vld [tilespmem:s22+$0x10C00]  }
0x15c: {  	v4 =	vld [tilespmem:s25+$0x8000]  }
0x15d: {  	v5 =	vld [tilespmem:s25+$0x8080]  }
0x15e: {  	v6 =	vld [tilespmem:s25+$0x8100]  }
0x15f: {  	v7 =	vld [tilespmem:s25+$0x8180]  }
0x160: {  	v8 =	vld [tilespmem:s25+$0x8200]  }
0x161: {  	v3 =	vmin.f32 v3, v4;
	v2 =	vmax.f32 v2, v4;
	v4 =	vld [tilespmem:s25+$0x8280]  }
0x162: {  	v3 =	vmin.f32 v3, v5;
	v2 =	vmax.f32 v2, v5;
	v5 =	vld [tilespmem:s25+$0x8300]  }
0x163: {  	v3 =	vmin.f32 v3, v6;
	v2 =	vmax.f32 v2, v6;
	v6 =	vld [tilespmem:s25+$0x8380]  }
0x164: {  	v3 =	vmin.f32 v3, v7;
	v2 =	vmax.f32 v2, v7;
	v7 =	vld [tilespmem:s25+$0xA000]  }
0x165: {  	v3 =	vmin.f32 v3, v8;
	v2 =	vmax.f32 v2, v8;
	v8 =	vld [tilespmem:s25+$0xA080]  }
0x166: {  	v3 =	vmin.f32 v3, v4;
	v2 =	vmax.f32 v2, v4;
	v4 =	vld [tilespmem:s25+$0xA100]  }
0x167: {  	v3 =	vmin.f32 v3, v5;
	v2 =	vmax.f32 v2, v5;
	v5 =	vld [tilespmem:s25+$0xA180]  }
0x168: {  	v3 =	vmin.f32 v3, v6;
	v2 =	vmax.f32 v2, v6;
	v6 =	vld [tilespmem:s25+$0xA200]  }
0x169: {  	v3 =	vmin.f32 v3, v7;
	v2 =	vmax.f32 v2, v7;
	v7 =	vld [tilespmem:s25+$0xA280]  }
0x16a: {  	v3 =	vmin.f32 v3, v8;
	v2 =	vmax.f32 v2, v8;
	v8 =	vld [tilespmem:s25+$0xA300]  }
0x16b: {  	v3 =	vmin.f32 v3, v4;
	v2 =	vmax.f32 v2, v4;
	v4 =	vld [tilespmem:s25+$0xA380]  }
0x16c: {  	v3 =	vmin.f32 v3, v5;
	v2 =	vmax.f32 v2, v5;
	v5 =	vld [tilespmem:s25+$0xC000]  }
0x16d: {  	v3 =	vmin.f32 v3, v6;
	v2 =	vmax.f32 v2, v6;
	v6 =	vld [tilespmem:s25+$0xC080]  }
0x16e: {  	v3 =	vmin.f32 v3, v7;
	v2 =	vmax.f32 v2, v7;
	v7 =	vld [tilespmem:s25+$0xC100]  }
0x16f: {  	v3 =	vmin.f32 v3, v8;
	v2 =	vmax.f32 v2, v8;
	v8 =	vld [tilespmem:s25+$0xC180]  }
0x170: {  	v3 =	vmin.f32 v3, v4;
	v2 =	vmax.f32 v2, v4;
	v4 =	vld [tilespmem:s25+$0xC200]  }
0x171: {  	v3 =	vmin.f32 v3, v5;
	v2 =	vmax.f32 v2, v5;
	v5 =	vld [tilespmem:s25+$0xC280]  }
0x172: {  	v3 =	vmin.f32 v3, v6;
	v2 =	vmax.f32 v2, v6;
	v6 =	vld [tilespmem:s25+$0xC300]  }
0x173: {  	v3 =	vmin.f32 v3, v7;
	v2 =	vmax.f32 v2, v7;
	v7 =	vld [tilespmem:s25+$0xC380]  }
0x174: {  	v3 =	vmin.f32 v3, v8;
	v2 =	vmax.f32 v2, v8;
	v8 =	vld [tilespmem:s25+$0xE000]  }
0x175: {  	v3 =	vmin.f32 v3, v4;
	v2 =	vmax.f32 v2, v4;
	v4 =	vld [tilespmem:s25+$0xE080]  }
0x176: {  	v3 =	vmin.f32 v3, v5;
	v2 =	vmax.f32 v2, v5;
	v5 =	vld [tilespmem:s25+$0xE100]  }
0x177: {  	v3 =	vmin.f32 v3, v6;
	v2 =	vmax.f32 v2, v6;
	v6 =	vld [tilespmem:s25+$0xE180]  }
0x178: {  	v3 =	vmin.f32 v3, v7;
	v2 =	vmax.f32 v2, v7;
	v7 =	vld [tilespmem:s25+$0xE200]  }
0x179: {  	v3 =	vmin.f32 v3, v8;
	v2 =	vmax.f32 v2, v8;
	v8 =	vld [tilespmem:s25+$0xE280]  }
0x17a: {  	v3 =	vmin.f32 v3, v4;
	v2 =	vmax.f32 v2, v4;
	v4 =	vld [tilespmem:s25+$0xE300]  }
.Ltmp8:
0x17b: {  	v3 =	vmin.f32 v3, v5;
	v5 =	vmax.f32 v2, v5;
	v2 =	vld [tilespmem:s25+$0xE380];
	(pc) =	sbr.rel @p1 .LBB2_14-.Ltmp8, $4  }
0x17c: {  	v3 =	vmin.f32 v3, v6;
	v5 =	vmax.f32 v5, v6  }
0x17d: {  	v3 =	vmin.f32 v3, v7;
	v5 =	vmax.f32 v5, v7  }
0x17e: {  	v3 =	vmin.f32 v3, v8;
	v5 =	vmax.f32 v5, v8  }
0x17f: {  	v3 =	vmin.f32 v3, v4;
	v4 =	vmax.f32 v5, v4  }
.Ltmp9:
0x180: {  	(pc) =	sbr.rel @p0 .LBB2_17-.Ltmp9, $4  }
0x181: {  	_ = 	snop  }
0x182: {  	v3 =	vmin.f32 v3, v2  }
0x183: {  	v2 =	vmax.f32 v4, v2;
	[tilespmem:s22+$0x10800] =	vst v3  }
0x184: {  	[tilespmem:s22+$0x10C00] =	vst v2  }
.Ltmp10:
0x185: {  	(pc) =	sbr.rel .LBB2_11-.Ltmp10, $3  }
0x186: {  	_ =	sdelay $0x1  }
0x187: {  	s21 =	sadd.s32 s21, s10;
	s20 =	sadd.s32 $0x1, s20  }
0x188: {  	[tilespmem:s13], [sflag:$0x2] =	stream.linear.gather [hbm4b:s21+s2], $0x8000, $0x38;
	[tilespmem:$0x11000] =	vst v63  }
.LBB2_18:
0x189: {  	_ =	sfence.sel $0x180000  }
0x18a: {  	[bflag:$0x0] =	sbarrier.arrive $0xFFFF  }
0x18b: {  	p0 =	sne.s32 s0, $0x0;
	_ =	strace $0x90000047  }
0x18c: {  	s0 =	sadd.s32 @!p0 $0x100000, s1;
	[bflag:$0x2] =	sbarrier.arrive $0xFFFF  }
0x18d: {  	[sflag:s0] =	ssyncadd.tile.s32 @!p0 $0x1;
	_ =	shalt  }
.Lfunc_end2:
_tile_overlayer_lowered:
.L_overlay_start_2:
0x18e: {  	(tag) =	ssettag $0x2  }
0x18f: {  	s0 =	rddreg [dreg:$0x0];
	s2 =	stileid.u32  }
0x190: {  	s1 =	rddreg [dreg:$0x1];
	p0 =	sne.s32 s2, $0x0  }
0x191: {  	s3 =	rddreg [dreg:$0x2];
	[bflag:$0x3] =	sbarrier.arrive $0xFFFF;
	s2 =	simm.s32 @!p0 $0x1C03  }
0x192: {  	[timem:s3], [sflag:s2] =	dma.local @!p0 [hbm:s0], s1  }
0x193: {  	s0 =	simm.s32 @!p0 $0x3  }
0x194: {  	_ =	swait.ge @!p0 [sflag:s0], s1  }
0x195: {  	s1 =	ssub.s32 @!p0 $0x0, s1;
	[sflag:s0] =	ssyncset.done @!p0 $0x0  }
0x196: {  	[sflag:s0] =	ssyncadd.s32 @!p0 s1  }
0x197: {  	[bflag:$0x3] =	sbarrier.arrive $0xFFFF  }
0x198: {  	_ =	shalt  }

// kernel: kernel.8.cloned.1.call-start
scs
__scs_entry_jumppad:
0x0: {  	(pc) =	sbr.rel $0x88, $3  }
0x1: {  	(tag) =	ssettag $0x0;
	lr =	simm.s32 $0x1  }
0x2: {  	[smem:$0x3F9F] =	sst lr;
	_ =	strace $0xD0000000  }
0x3: {  	_ = 	snop  }
0x4: {  	_ = 	snop  }
0x5: {  	_ = 	snop  }
0x6: {  	_ = 	snop  }
0x7: {  	_ = 	snop  }
__scs_overlays_trampoline_lowered:
0x8: {  	[smem:$0x3FAE] =	sst s0  }
0x9: {  	[smem:$0x3FAF] =	sst s1  }
0xa: {  	[smem:$0x3FB0] =	sst s2  }
0xb: {  	[smem:$0x3FB1] =	sst s3  }
0xc: {  	[smem:$0x3FB2] =	sst s4  }
0xd: {  	[smem:$0x3FB3] =	sst s5  }
0xe: {  	[smem:$0x3FB4] =	sst s6  }
0xf: {  	[smem:$0x3FB5] =	sst s7  }
0x10: {  	[smem:$0x3FB6] =	sst s8  }
0x11: {  	[smem:$0x3FB7] =	sst s9;
	s0 =	simm.s32 @!p0 $0x0  }
0x12: {  	s1 =	sld [smem:$0x3F9D];
	s0 =	simm.s32 @p0 $0x1  }
0x13: {  	[smem:$0x3FB8] =	sst s0;
	s0 =	simm.s32 @!p1 $0x0  }
0x14: {  	s2 =	sld [smem:$0x3F9C];
	s0 =	simm.s32 @p1 $0x1  }
0x15: {  	[smem:$0x3FB9] =	sst s0;
	s0 =	simm.s32 @!p2 $0x0  }
0x16: {  	s3 =	sld [smem:$0x3FDB];
	s0 =	simm.s32 @p2 $0x1  }
0x17: {  	s4 =	simm.s32 $0x1BF5;
	[smem:$0x3FBB] =	sst s0  }
0x18: {  	s0 =	sld [smem:$0x3F9E];
	_ =	swait.ge [sflag:s4], $0x0  }
0x19: {  	s7 =	sld [smem:$0x3F9F]  }
0x1a: {  	s8 =	sadd.s32 $0xFFFFE003, lr  }
0x1b: {  	s9 =	sadd.s32 $0xFFFFFEF7, lr;
	s5 =	simm.s32 $0xFFFFFFFF;
	p2 =	slt.u32 s8, $0xFFFFF086  }
0x1c: {  	p1 =	slt.u32 s9, $0xF7A;
	s5 =	simm.s32 @!p2 $0x0  }
0x1d: {  	s5 =	simm.s32 @p1 $0x1;
	p0 =	seq.s32 s7, s2  }
0x1e: {  	s7 =	smul.u32 @!p0 $0xF7A, s2;
	p2 =	seq.s32 @!p0 s5, $0x0  }
0x1f: {  	s9 =	smul.u32 $0xF7A, s1;
	s8 =	simm.s32 @!p0 $0x1BF5;
	p2 =	por !p2, p0  }
0x20: {  	[sflag:s8] =	ssyncset.s32 @!p0 $0xFFFFF086;
	s6 =	sadd.s32 @!p0 s3, s7;
	s7 =	simm.s32 @!p0 $0x108  }
0x21: {  	s3 =	sadd.s32 s3, s9;
	s6 =	sadd.s32 @!p0 $0x88, s6;
	s7 =	simm.s32 @p2 $0x1082  }
0x22: {  	[simem:s7], [sflag:s8] =	dma.local @!p0 [hbm:s6], $0xF7A  }
0x23: {  	s9 =	sor.u32 $0xD0000000, s2;
	s6 =	simm.s32 $0x108;
	_ =	swait.ge @!p0 [sflag:s8], $0x0  }
0x24: {  	s3 =	sadd.s32 $0x88, s3;
	s6 =	simm.s32 @!p1 $0x1082;
	[sflag:s4] =	ssyncset.s32 $0xFFFFF086  }
0x25: {  	[simem:s6], [sflag:s4] =	dma.local [hbm:s3], $0xF7A  }
0x26: {  	[smem:$0x3F9F] =	sst s1;
	(tag) =	ssettag s2;
	_ =	strace s9  }
0x27: {  	s1 =	sld [smem:$0x3FAF]  }
0x28: {  	s2 =	sld [smem:$0x3FB0]  }
0x29: {  	s4 =	sld [smem:$0x3FB2]  }
0x2a: {  	p0 =	seq.s32 s5, $0x0;
	s5 =	sld [smem:$0x3FB3]  }
0x2b: {  	s6 =	sld [smem:$0x3FB4]  }
0x2c: {  	s7 =	sld [smem:$0x3FB5]  }
0x2d: {  	s3 =	simm.s32 $0x108;
	s8 =	sld [smem:$0x3FB6]  }
0x2e: {  	s3 =	simm.s32 @!p0 $0x1082;
	s9 =	sld [smem:$0x3FB7]  }
0x2f: {  	lr =	sadd.s32 s0, s3;
	s0 =	sld [smem:$0x3FAE]  }
0x30: {  	s3 =	sld [smem:$0x3FB1]  }
0x31: {  	[smem:$0x3FBA] =	sst s10  }
0x32: {  	s10 =	sld [smem:$0x3FB8];
	_ =	sdelay $0x3  }
0x33: {  	p0 =	seq.s32 s10, $0x1;
	s10 =	sld [smem:$0x3FBA];
	_ =	sdelay $0x3  }
0x34: {  	[smem:$0x3FBA] =	sst s10  }
0x35: {  	s10 =	sld [smem:$0x3FB9];
	_ =	sdelay $0x3  }
0x36: {  	p1 =	seq.s32 s10, $0x1;
	s10 =	sld [smem:$0x3FBA];
	_ =	sdelay $0x3  }
0x37: {  	[smem:$0x3FBA] =	sst s10  }
0x38: {  	s10 =	sld [smem:$0x3FBB]  }
0x39: {  	_ = 	snop;
	(pc) =	sbr.ind lr, $3  }
0x3a: {  	_ = 	snop  }
0x3b: {  	_ = 	snop  }
0x3c: {  	p2 =	seq.s32 s10, $0x1;
	s10 =	sld [smem:$0x3FBA]  }
0x3d: {  	_ =	shalt  }
0x3e: {  	_ =	shalt  }
0x3f: {  	_ =	shalt  }
0x40: {  	_ =	shalt  }
0x41: {  	_ =	shalt  }
0x42: {  	_ =	shalt  }
0x43: {  	_ =	shalt  }
0x44: {  	_ =	shalt  }
0x45: {  	_ =	shalt  }
0x46: {  	_ =	shalt  }
0x47: {  	_ =	shalt  }
0x48: {  	_ =	shalt  }
0x49: {  	_ =	shalt  }
0x4a: {  	_ =	shalt  }
0x4b: {  	_ =	shalt  }
0x4c: {  	_ =	shalt  }
0x4d: {  	_ =	shalt  }
0x4e: {  	_ =	shalt  }
0x4f: {  	_ =	shalt  }
0x50: {  	_ =	shalt  }
0x51: {  	_ =	shalt  }
0x52: {  	_ =	shalt  }
0x53: {  	_ =	shalt  }
0x54: {  	_ =	shalt  }
0x55: {  	_ =	shalt  }
0x56: {  	_ =	shalt  }
0x57: {  	_ =	shalt  }
0x58: {  	_ =	shalt  }
0x59: {  	_ =	shalt  }
0x5a: {  	_ =	shalt  }
0x5b: {  	_ =	shalt  }
0x5c: {  	_ =	shalt  }
0x5d: {  	_ =	shalt  }
0x5e: {  	_ =	shalt  }
0x5f: {  	_ =	shalt  }
0x60: {  	_ =	shalt  }
0x61: {  	_ =	shalt  }
0x62: {  	_ =	shalt  }
0x63: {  	_ =	shalt  }
0x64: {  	_ =	shalt  }
0x65: {  	_ =	shalt  }
0x66: {  	_ =	shalt  }
0x67: {  	_ =	shalt  }
0x68: {  	_ =	shalt  }
0x69: {  	_ =	shalt  }
0x6a: {  	_ =	shalt  }
0x6b: {  	_ =	shalt  }
0x6c: {  	_ =	shalt  }
0x6d: {  	_ =	shalt  }
0x6e: {  	_ =	shalt  }
0x6f: {  	_ =	shalt  }
0x70: {  	_ =	shalt  }
0x71: {  	_ =	shalt  }
0x72: {  	_ =	shalt  }
0x73: {  	_ =	shalt  }
0x74: {  	_ =	shalt  }
0x75: {  	_ =	shalt  }
0x76: {  	_ =	shalt  }
0x77: {  	_ =	shalt  }
0x78: {  	_ =	shalt  }
0x79: {  	_ =	shalt  }
0x7a: {  	_ =	shalt  }
0x7b: {  	_ =	shalt  }
0x7c: {  	_ =	shalt  }
0x7d: {  	_ =	shalt  }
0x7e: {  	_ =	shalt  }
0x7f: {  	_ =	shalt  }
0x80: {  	_ =	shalt  }
0x81: {  	_ =	shalt  }
0x82: {  	_ =	shalt  }
0x83: {  	_ =	shalt  }
0x84: {  	_ =	shalt  }
0x85: {  	_ =	shalt  }
0x86: {  	_ =	shalt  }
0x87: {  	_ =	shalt  }
.Lfunc_end0:
.L_simem_size_0:
called_computation.1_lowered:
.L_overlay_start_0:
0x88: {  	s2 =	sld [smem:$0x3FD9]  }
0x89: {  	s3 =	sld [smem:$0x3FFE];
	_ =	sdelay $0x1  }
0x8a: {  	s1 =	srdreg.scid  }
0x8b: {  	s0 =	sand.u32 $0x1, s1  }
0x8c: {  	s17 =	sshll.u32 s0, $0xA;
	s2 =	sadd.s32 s3, s2  }
0x8d: {  	s2 =	sadd.s32 s2, s17  }
0x8e: {  	[smem:$0x3FC6] =	sst s2  }
0x8f: {  	_ = 	snop  }
0x90: {  	s2 =	sld [smem:$0x3FC9]  }
0x91: {  	s18 =	sld [smem:$0x3FC8]  }
0x92: {  	s4 =	sld [smem:$0x3FD0];
	(tm) =	ssettm $0x1  }
0x93: {  	s5 =	sld [smem:$0x3FFB];
	_ =	sdelay $0x3  }
0x94: {  	_ =	strace s5  }
0x95: {  	s5 =	sld [smem:$0x3FFC];
	_ =	sdelay $0x3  }
0x96: {  	_ =	strace s5  }
0x97: {  	s5 =	sld [smem:$0x3FFD];
	_ =	sdelay $0x3  }
0x98: {  	_ =	strace s5  }
0x99: {  	_ =	strace $0x8FFFFFFF  }
0x9a: {  	s19 =	sld [smem:$0x3FDB];
	_ =	sdelay $0x1  }
0x9b: {  	s6 =	simm.s32 $_scs_section_size  }
0x9c: {  	s7 =	simm.s32 $_size__tile_overlayer_lowered;
	s8 =	simm.s32 $_tile_overlayer_lowered  }
0x9d: {  	s22 =	simm.s32 $0x1BFF;
	s21 =	sshll.u32 s8, $0x1;
	s5 =	sadd.s32 s6, s19  }
0x9e: {  	s9 =	simm.s32 $0x0;
	s20 =	sshll.u32 s7, $0x1;
	s7 =	sadd.s32 s21, s5  }
0x9f: {  	[timem:s9], [sflag:s22] =	dma.local [hbm:s7], s20  }
0xa0: {  	_ =	swait.ge [sflag:s22], s20  }
0xa1: {  	s6 =	ssub.s32 $0x0, s20;
	[sflag:s22] =	ssyncset.done $0x0  }
0xa2: {  	[sflag:s22] =	ssyncadd.s32 s6;
	_ =	sdelay $0x1  }
0xa3: {  	s23 =	simm.s32 $0x1B8B  }
0xa4: {  	_ =	swait.ge [sflag:s23], $0x1  }
0xa5: {  	[sflag:s23] =	ssyncset.done $0x0  }
0xa6: {  	s25 =	simm.s32 $0x1B8E;
	s24 =	sld [smem:$0x3FFE];
	[sflag:s23] =	ssyncadd.s32 $0xFFFFFFFF  }
0xa7: {  	s26 =	simm.s32 $execute0_lowered;
	[smem:$0x3FD2] =	sst s25  }
0xa8: {  	s7 =	sshll.u32 s26, $0x1;
	_ =	strace $0x80000049;
	[dreg:$0x1] =	wrdreg $0xFFFFFFFF  }
0xa9: {  	s28 =	simm.s32 $_size_execute0_lowered;
	s5 =	sadd.s32 s5, s7;
	[dreg:$0x0] =	wrdreg $0x0  }
0xaa: {  	s7 =	sshll.u32 s28, $0x1;
	[dreg:$0x2] =	wrdreg s5  }
0xab: {  	[dreg:$0x3] =	wrdreg s7  }
0xac: {  	[dreg:$0x4] =	wrdreg $0xC0  }
0xad: {  	_ =	task [dreg:s9], $0x5FFFF  }
0xae: {  	[dreg:$0x1] =	wrdreg $0xFFFFFFFF  }
0xaf: {  	[dreg:$0x0] =	wrdreg $0x60  }
0xb0: {  	[dreg:$0x2] =	wrdreg s2  }
0xb1: {  	[dreg:$0x3] =	wrdreg s18  }
0xb2: {  	[dreg:$0x4] =	wrdreg s24  }
0xb3: {  	[dreg:$0x5] =	wrdreg s4  }
0xb4: {  	[dreg:$0x6] =	wrdreg $0x9  }
0xb5: {  	_ =	task.clear_ibuf [dreg:s9], $0x7FFFF;
	_ =	strace $0x90000049  }
0xb6: {  	s29 =	simm.s32 $0x9;
	_ =	strace $0x8000004B  }
0xb7: {  	_ =	swait.ge [sflag:s29], $0x1  }
0xb8: {  	[sflag:s29] =	ssyncadd.s32 $0xFFFFFFFF  }
0xb9: {  	_ =	strace $0x9000004B  }
0xba: {  	_ =	sfence  }
0xbb: {  	s30 =	sld [smem:$0x0];
	_ =	sdelay $0x2  }
0xbc: {  	s31 =	sshll.u32 s1, $0xD;
	s1 =	sshrl.u32 s1, $0x2  }
0xbd: {  	s3 =	sand.u32 $0x4000, s31;
	s1 =	sadd.s32 s1, s30  }
0xbe: {  	s0 =	sor.u32 s3, s0;
	s1 =	sshll.u32 s1, $0x11  }
0xbf: {  	s0 =	sor.u32 s1, s0  }
0xc0: {  	s0 =	sadd.s32 $0x8F2B, s0  }
0xc1: {  	[sflag:s0] =	ssyncadd.remote.s32 $0x1  }
0xc2: {  	_ =	sfence.sel $0xFFFF  }
0xc3: {  	[dreg:$0x0] =	wrdreg $0xFFFFFFFF;
	(pc) =	sbr.abs _section_cstart, $3  }
0xc4: {  	[dreg:$0x1] =	wrdreg $0xFFFFFFFF  }
0xc5: {  	_ =	task.clear_ibuf [dreg:s9], $0x2FFFF;
	_ =	strace $0x9FFFFFFF  }
0xc6: {  	(tm) =	ssettm $0x7FFFFFFF  }
0xc7: {  	_ =	shalt  }
tec
execute0_lowered:
.L_overlay_start_1:
0x0: {  	(tag) =	ssettag $0x1  }
0x1: {  	s0 =	rddreg [dreg:$0x0]  }
0x2: {  	s1 =	rddreg [dreg:$0x1]  }
0x3: {  	s2 =	rddreg [dreg:$0x2]  }
0x4: {  	s13 =	rddreg [dreg:$0x3];
	s3 =	simm.s32 $0x0;
	s4 =	srdreg.scid  }
0x5: {  	s6 =	stileid.u32;
	s21 =	simm.s32 $0x3;
	s24 =	simm.s32 $0x17C00  }
0x6: {  	s25 =	simm.s32 $0x1;
	s28 =	simm.s32 $0x2;
	s29 =	simm.s32 $0x0  }
0x7: {  	[smem:$0x7FF] =	sst s3;
	s5 =	sand.u32 $0x1, s4;
	s6 =	sshll.u32 s6, $0x1  }
0x8: {  	s4 =	sadd.s32 $0x400, s2;
	s17 =	sadd.s32 $0x800, s2;
	s11 =	sadd.s32 $0x480, s2  }
0x9: {  	s12 =	sadd.s32 $0x680, s2;
	s13 =	sadd.s32 $0xF80, s13;
	_ =	strace $0x8000004A  }
0xa: {  	s7 =	ssub.s32 $0x2, s5;
	s10 =	sor.u32 s5, s6;
	s5 =	sadd.s32 $0x600, s2  }
0xb: {  	s26 =	sshrl.u32 s7, $0x1;
	s14 =	sshll.u32 s10, $0x11;
	s30 =	smul.u32 $0x1E00, s10  }
0xc: {  	s16 =	smul.u32 $0xF000, s10;
	s19 =	ssub.s32 s7, s26;
	s15 =	sor.u32 $0x1000, s14  }
.Ltmp0:
0xd: {  	s6 =	sadd.s32 s0, s14;
	s14 =	sadd.s32 s1, s14;
	(pc) =	sbr.rel .LBB2_1-.Ltmp0, $4  }
0xe: {  	s26 =	simm.s32 $0x7C00;
	s7 =	sadd.s32 s0, s15;
	s8 =	sadd.s32 $0x2000, s6  }
0xf: {  	s9 =	sadd.s32 $0x3000, s6;
	s10 =	sadd.s32 s17, s30;
	s31 =	sshrl.u32 s16, $0x3  }
0x10: {  	v0 =	vimm.f32 $0.0e+00;
	s15 =	sadd.s32 s1, s15;
	s16 =	sadd.s32 $0x2000, s14;
	s0 =	sadd.s32 s17, s31  }
0x11: {  	v1 =	vlaneseq.u32;
	v2 =	vimm.s32 $0x0;
	v3 =	vimm.f32 $1.000000000e+00;
	s19 =	smax.u32 s19, $0x1;
	s17 =	sadd.s32 $0x3000, s14;
	s18 =	sadd.s32 $0xF00, s0  }
.LBB2_35:
0x12: {  	s29 =	sadd.s32 $0x1, s29  }
0x13: {  	p0 =	sne.s32 s29, s19  }
.Ltmp1:
0x14: {  	_ = 	snop;
	(pc) =	sbr.rel @!p0 .LBB2_36-.Ltmp1, $4  }
0x15: {  	[hbm4b:s18+s3] =	stream.linear.scatter [tilespmem:s26], [sflag:$0x3], $0x7800, $0x38;
	[tilespmem:$0x1FC00] =	vst v63  }
0x16: {  	_ =	swait.ge [sflag:s21], $0x7800  }
0x17: {  	[sflag:s21] =	ssyncset.done $0x0  }
0x18: {  	[sflag:s21] =	ssyncadd.s32 $0xFFFF8800  }
.LBB2_1:
0x19: {  	s0 =	simm.s32 $0xF400  }
0x1a: {  	[tilespmem:s0], [sflag:$0x3] =	stream.linear.gather [hbm4b:s4+s3], $0x400, $0x38;
	[tilespmem:$0x1FC00] =	vst v63  }
0x1b: {  	_ =	swait.ge [sflag:s21], $0x400  }
0x1c: {  	[sflag:s21] =	ssyncset.done $0x0  }
0x1d: {  	s30 =	simm.s32 $0xF800;
	[sflag:s21] =	ssyncadd.s32 $0xFFFFFC00  }
0x1e: {  	[tilespmem:s30], [sflag:$0x3] =	stream.linear.gather [hbm4b:s5+s3], $0x400, $0x38;
	[tilespmem:$0x1FC00] =	vst v63  }
0x1f: {  	_ =	swait.ge [sflag:s21], $0x400  }
0x20: {  	[sflag:s21] =	ssyncset.done $0x0  }
0x21: {  	[sflag:s21] =	ssyncadd.s32 $0xFFFFFC00  }
0x22: {  	s31 =	rddreg [dreg:$0x3]  }
0x23: {  	[tilespmem:s3], [sflag:$0x3] =	stream.linear.gather [hbm4b:s31+s3], $0x7C00, $0x38;
	[tilespmem:$0x1FC00] =	vst v63  }
0x24: {  	_ =	swait.ge [sflag:s21], $0x7C00  }
0x25: {  	[sflag:s21] =	ssyncset.done $0x0  }
0x26: {  	s1 =	simm.s32 $0x0;
	s0 =	simm.s32 $0x40;
	[sflag:s21] =	ssyncadd.s32 $0xFFFF8400  }
.LBB2_2:
0x27: {  	p0 =	sne.s32 s0, $0x1DFC0;
	[tilespmem:s1+$0x7C00] =	vst v0;
	s1 =	smov.u32 s0;
	s0 =	sadd.s32 $0x40, s0  }
.Ltmp2:
0x28: {  	(pc) =	sbr.rel @p0 .LBB2_2-.Ltmp2, $2  }
0x29: {  	_ =	sdelay $0x2  }
0x2a: {  	s1 =	sshra.s32 s1, $0x2  }
0x2b: {  	[tilespmem:s1+$0x7C00] =	vst v0;
	s30 =	simm.s32 $0x0;
	s0 =	simm.s32 $0xFC00  }
0x2c: {  	[tilespmem:s0], [sflag:$0x1] =	stream.linear.gather [hbm4b:s6+s30], $0x8000, $0x38;
	[tilespmem:$0x1FC00] =	vst v63  }
0x2d: {  	_ = 	snop  }
0x2e: {  	[tilespmem:s24], [sflag:$0x2] =	stream.linear.gather [hbm4b:s7+s30], $0x8000, $0x38;
	[tilespmem:$0x1FC00] =	vst v63  }
.LBB2_4:
0x2f: {  	_ =	swait.ge [sflag:s25], $0x8000  }
0x30: {  	[sflag:s25] =	ssyncset.done $0x0  }
0x31: {  	s31 =	simm.s32 $0x0;
	[sflag:s25] =	ssyncadd.s32 $0xFFFF8000  }
.LBB2_5:
0x32: {  	s2 =	sshll.u32 s31, $0x4  }
0x33: {  	v7 =	vor.u32 s2, v1;
	s1 =	sand.u32 $0x60, s2  }
0x34: {  	v6 =	vmul.u32 $0x1F, v7;
	v8 =	vmov s1  }
0x35: {  	s0 =	sshll.u32 s31, $0x7;
	v4 =	vld [tilespmem:s2+$0xF400]  }
0x36: {  	s20 =	simm.s32 $0x0;
	p0 =	por $0x1, $0x1;
	v5 =	vld [tilespmem:s2+$0xF800];
	s0 =	sand.u32 $0x1C00, s0;
	v7 =	vmul.u32 $0x1E, v7;
	v6 =	vadd.s32 $0x1, v6  }
.LBB2_6:
0x37: {  	s20 =	sshra.s32 s20, $0x2  }
0x38: {  	s20 =	sadd.s32 s0, s20  }
0x39: {  	v12 =	vld.idx.msk [tilespmem:v8+s20+$0xFC00 ss:$0x1], $0xffff  }
0x3a: {  	v13 =	vld.idx.msk [tilespmem:v8+s20+$0xFC80 ss:$0x1], $0xffff  }
0x3b: {  	v11 =	vld.idx.msk [tilespmem:v8+s20+$0xFD00 ss:$0x1], $0xffff  }
0x3c: {  	v15 =	vld.idx.msk [tilespmem:v8+s20+$0xFD80 ss:$0x1], $0xffff  }
0x3d: {  	v16 =	vld.idx.msk [tilespmem:v8+s20+$0xFE00 ss:$0x1], $0xffff  }
0x3e: {  	v17 =	vld.idx.msk [tilespmem:v8+s20+$0xFE80 ss:$0x1], $0xffff  }
0x3f: {  	v20 =	vld.idx.msk [tilespmem:v8+s20+$0xFF00 ss:$0x1], $0xffff  }
0x40: {  	v24 =	vld.idx.msk [tilespmem:v8+s20+$0xFF80 ss:$0x1], $0xffff  }
0x41: {  	v25 =	vld.idx.msk [tilespmem:v8+s20+$0x11C00 ss:$0x1], $0xffff;
	s20 =	sadd.s32 s1, s20;
	v9 =	vsub.f32 v12, v4;
	v10 =	vsub.f32 v13, v4  }
0x42: {  	s20 =	sadd.s32 $0xFC00, s20;
	v14 =	vsub.f32 v11, v4;
	v18 =	vsub.f32 v15, v4  }
0x43: {  	v28 =	vld [tilespmem:s20+$0x2080];
	v19 =	vsub.f32 v16, v4;
	v22 =	vsub.f32 v17, v4  }
0x44: {  	v32 =	vld [tilespmem:s20+$0x2100];
	v26 =	vsub.f32 v20, v4;
	v9 =	vmul.f32 v9, v5;
	v10 =	vmul.f32 v10, v5  }
0x45: {  	v33 =	vld [tilespmem:s20+$0x2180];
	v30 =	vsub.f32 v24, v4;
	v14 =	vmul.f32 v14, v5;
	v18 =	vmul.f32 v18, v5  }
0x46: {  	v38 =	vld [tilespmem:s20+$0x2200];
	v31 =	vsub.f32 v25, v4;
	v19 =	vmul.f32 v19, v5;
	v22 =	vmul.f32 v22, v5  }
0x47: {  	v41 =	vld [tilespmem:s20+$0x2280];
	v26 =	vmul.f32 v26, v5;
	v30 =	vmul.f32 v30, v5  }
0x48: {  	v44 =	vld [tilespmem:s20+$0x2300];
	v31 =	vmul.f32 v31, v5;
	v36 =	vsub.f32 v28, v4;
	v9 =	vtrunc.f32 v9  }
0x49: {  	v46 =	vld [tilespmem:s20+$0x2380];
	v39 =	vsub.f32 v32, v4;
	v10 =	vtrunc.f32 v10;
	v14 =	vtrunc.f32 v14  }
0x4a: {  	v40 =	vsub.f32 v33, v4;
	v18 =	vtrunc.f32 v18;
	v19 =	vtrunc.f32 v19  }
0x4b: {  	v45 =	vsub.f32 v38, v4;
	v22 =	vtrunc.f32 v22;
	v26 =	vtrunc.f32 v26  }
0x4c: {  	v47 =	vsub.f32 v41, v4;
	v30 =	vtrunc.f32 v30;
	v31 =	vtrunc.f32 v31  }
0x4d: {  	v49 =	vsub.f32 v44, v4;
	v36 =	vmul.f32 v36, v5;
	v39 =	vmul.f32 v39, v5  }
0x4e: {  	v50 =	vsub.f32 v46, v4;
	v40 =	vmul.f32 v40, v5;
	v45 =	vmul.f32 v45, v5  }
0x4f: {  	v47 =	vmul.f32 v47, v5;
	v49 =	vmul.f32 v49, v5  }
0x50: {  	v50 =	vmul.f32 v50, v5;
	v9 =	vcvt.f32.s32 v9  }
0x51: {  	v10 =	vcvt.f32.s32 v10;
	v14 =	vcvt.f32.s32 v14  }
0x52: {  	v18 =	vcvt.f32.s32 v18;
	v19 =	vcvt.f32.s32 v19  }
0x53: {  	v22 =	vcvt.f32.s32 v22;
	v26 =	vcvt.f32.s32 v26  }
0x54: {  	v30 =	vcvt.f32.s32 v30;
	v31 =	vcvt.f32.s32 v31  }
0x55: {  	v36 =	vtrunc.f32 v36;
	v39 =	vtrunc.f32 v39  }
0x56: {  	v40 =	vtrunc.f32 v40;
	v45 =	vtrunc.f32 v45  }
0x57: {  	v47 =	vtrunc.f32 v47;
	v49 =	vtrunc.f32 v49  }
0x58: {  	v50 =	vtrunc.f32 v50;
	vm0 =	vlt.s32 v9, $0x1D;
	vm12 =	vlt.s32 v10, $0x1D  }
0x59: {  	vm13 =	vlt.s32 v14, $0x1D;
	vm14 =	vlt.s32 v18, $0x1D;
	vm15 =	vlt.s32 v19, $0x1D  }
0x5a: {  	vm4 =	vlt.s32 v22, $0x1D;
	vm5 =	vlt.s32 v26, $0x1D;
	v9 =	vnsel vm0, $0x1D, v9  }
0x5b: {  	vm6 =	vlt.s32 v30, $0x1D;
	v10 =	vnsel vm12, $0x1D, v10;
	v21 =	vadd.s32 v6, v9  }
0x5c: {  	vm7 =	vlt.s32 v31, $0x1D;
	v14 =	vnsel vm13, $0x1D, v14;
	v23 =	vadd.s32 v6, v10  }
0x5d: {  	v36 =	vcvt.f32.s32 v36;
	v18 =	vnsel vm14, $0x1D, v18;
	v27 =	vadd.s32 v6, v14  }
0x5e: {  	v39 =	vcvt.f32.s32 v39;
	v19 =	vnsel vm15, $0x1D, v19;
	v29 =	vadd.s32 v6, v18  }
0x5f: {  	v40 =	vcvt.f32.s32 v40;
	v22 =	vnsel vm4, $0x1D, v22;
	v34 =	vadd.s32 v6, v19  }
0x60: {  	v45 =	vcvt.f32.s32 v45;
	v26 =	vnsel vm5, $0x1D, v26;
	v35 =	vadd.s32 v6, v22;
	v21 =	vld.idx.msk [tilespmem:v21+s3+$0x0], $0xffff  }
0x61: {  	v47 =	vcvt.f32.s32 v47;
	v30 =	vnsel vm6, $0x1D, v30;
	v37 =	vadd.s32 v6, v26;
	v23 =	vld.idx.msk [tilespmem:v23+s3+$0x0], $0xffff  }
0x62: {  	v31 =	vnsel vm7, $0x1D, v31;
	v42 =	vadd.s32 v6, v30;
	vm8 =	vlt.s32 v36, $0x1D;
	v27 =	vld.idx.msk [tilespmem:v27+s3+$0x0], $0xffff  }
0x63: {  	v43 =	vadd.s32 v6, v31;
	vm9 =	vlt.s32 v39, $0x1D;
	v36 =	vnsel vm8, $0x1D, v36;
	v29 =	vld.idx.msk [tilespmem:v29+s3+$0x0], $0xffff  }
0x64: {  	vm1 =	vlt.s32 v40, $0x1D;
	v39 =	vnsel vm9, $0x1D, v39;
	v48 =	vadd.s32 v6, v36;
	v34 =	vld.idx.msk [tilespmem:v34+s3+$0x0], $0xffff  }
0x65: {  	vm10 =	vlt.s32 v45, $0x1D;
	v40 =	vnsel vm1, $0x1D, v40;
	v51 =	vadd.s32 v6, v39;
	v35 =	vld.idx.msk [tilespmem:v35+s3+$0x0], $0xffff  }
0x66: {  	v49 =	vcvt.f32.s32 v49;
	v45 =	vnsel vm10, $0x1D, v45;
	v52 =	vadd.s32 v6, v40;
	v37 =	vld.idx.msk [tilespmem:v37+s3+$0x0], $0xffff  }
0x67: {  	v50 =	vcvt.f32.s32 v50;
	vm11 =	vlt.s32 v47, $0x1D;
	v53 =	vadd.s32 v6, v45;
	v42 =	vld.idx.msk [tilespmem:v42+s3+$0x0], $0xffff  }
0x68: {  	vm12 =	vlt.s32 v49, $0x1D;
	v47 =	vnsel vm11, $0x1D, v47;
	v43 =	vld.idx.msk [tilespmem:v43+s3+$0x0], $0xffff  }
0x69: {  	vm13 =	vlt.s32 v50, $0x1D;
	v49 =	vnsel vm12, $0x1D, v49;
	v54 =	vadd.s32 v6, v47;
	v48 =	vld.idx.msk [tilespmem:v48+s3+$0x0], $0xffff  }
0x6a: {  	v55 =	vadd.s32 v6, v49;
	v51 =	vld.idx.msk [tilespmem:v51+s3+$0x0], $0xffff;
	vm14 =	vge.f32 v12, v21;
	vm2 =	vge.f32 v13, v23  }
0x6b: {  	v59 =	vld.idx.msk [tilespmem:v52+s3+$0x0], $0xffff;
	v12 =	vnsel vm13, $0x1D, v50;
	vm15 =	vge.f32 v11, v27;
	vm4 =	vge.f32 v15, v29  }
0x6c: {  	v11 =	vld.idx.msk [tilespmem:v53+s3+$0x0], $0xffff;
	vm7 =	vge.f32 v16, v34;
	vm8 =	vge.f32 v17, v35;
	vm9 =	vge.f32 v20, v37  }
0x6d: {  	vm10 =	vge.f32 v24, v42;
	vm11 =	vge.f32 v25, v43;
	v60 =	vadd.s32 v6, v12  }
0x6e: {  	v61 =	vld.idx.msk [tilespmem:v54+s3+$0x0], $0xffff;
	v62 =	vsel vm14, $0x1, v2;
	v63 =	vsel vm2, $0x1, v2;
	v25 =	vsel vm15, $0x1, v2  }
0x6f: {  	v27 =	vsel vm4, $0x1, v2;
	v29 =	vsel vm8, $0x1, v2;
	v35 =	vsel vm10, $0x1, v2  }
0x70: {  	vm6 =	vge.f32 v28, v48;
	vm5 =	vge.f32 v32, v51;
	vm3 =	vge.f32 v33, v59  }
0x71: {  	v28 =	vsel vm7, $0x1, v2;
	vm12 =	vge.f32 v38, v11;
	v11 =	vor.u32 v62, v7  }
0x72: {  	v13 =	vor.u32 v27, v7;
	v42 =	vsel vm6, $0x1, v2;
	v9 =	vadd.s32 v9, v11  }
0x73: {  	vm13 =	vge.f32 v41, v61;
	v13 =	vadd.s32 v18, v13;
	v48 =	vor.u32 v42, v7  }
0x74: {  	v34 =	vor.u32 v29, v7;
	v51 =	vadd.s32 v36, v48;
	v11 =	vor.u32 v63, v7  }
0x75: {  	v24 =	vld.idx.msk [tilespmem:v55+s3+$0x0], $0xffff;
	v41 =	vor.u32 v35, v7;
	v10 =	vadd.s32 v10, v11;
	v11 =	vor.u32 v25, v7  }
0x76: {  	v32 =	vor.u32 v28, v7;
	v55 =	vsel vm13, $0x1, v2;
	v15 =	vld.idx.msk [tilespmem:v60+s3+$0x0], $0xffff;
	v11 =	vadd.s32 v14, v11  }
0x77: {  	v33 =	vsel vm9, $0x1, v2;
	v58 =	vor.u32 v55, v7;
	[tilespmem:v9+s26+$0x0] =	vst.idx.add.f32.msk $0xffff, v3;
	v9 =	vadd.s32 v22, v34  }
0x78: {  	v37 =	vor.u32 v33, v7;
	v50 =	vsel vm3, $0x1, v2;
	v59 =	vadd.s32 v47, v58;
	[tilespmem:v13+s26+$0x0] =	vst.idx.add.f32.msk $0xffff, v3  }
0x79: {  	v54 =	vor.u32 v50, v7;
	v14 =	vadd.s32 v19, v32;
	[tilespmem:v51+s26+$0x0] =	vst.idx.add.f32.msk $0xffff, v3  }
0x7a: {  	vm14 =	vge.f32 v44, v24;
	v44 =	vsel vm5, $0x1, v2;
	[tilespmem:v10+s26+$0x0] =	vst.idx.add.f32.msk $0xffff, v3;
	v10 =	vadd.s32 v26, v37  }
0x7b: {  	v52 =	vor.u32 v44, v7;
	v57 =	vsel vm14, $0x1, v2;
	[tilespmem:v11+s26+$0x0] =	vst.idx.add.f32.msk $0xffff, v3;
	v11 =	vadd.s32 v30, v41  }
0x7c: {  	v38 =	vsel vm11, $0x1, v2;
	v60 =	vor.u32 v57, v7;
	[tilespmem:v9+s26+$0x0] =	vst.idx.add.f32.msk $0xffff, v3;
	v9 =	vadd.s32 v39, v52  }
0x7d: {  	v43 =	vor.u32 v38, v7;
	v62 =	vadd.s32 v49, v60;
	[tilespmem:v59+s26+$0x0] =	vst.idx.add.f32.msk $0xffff, v3  }
0x7e: {  	v53 =	vsel vm12, $0x1, v2;
	vm15 =	vge.f32 v46, v15;
	v46 =	vadd.s32 v31, v43;
	[tilespmem:v14+s26+$0x0] =	vst.idx.add.f32.msk $0xffff, v3  }
0x7f: {  	v56 =	vor.u32 v53, v7;
	v61 =	vsel vm15, $0x1, v2;
	[tilespmem:v10+s26+$0x0] =	vst.idx.add.f32.msk $0xffff, v3;
	v10 =	vadd.s32 v40, v54  }
0x80: {  	v63 =	vor.u32 v61, v7;
	[tilespmem:v11+s26+$0x0] =	vst.idx.add.f32.msk $0xffff, v3;
	v11 =	vadd.s32 v45, v56  }
0x81: {  	p1 =	por p0, p0;
	[tilespmem:v9+s26+$0x0] =	vst.idx.add.f32.msk $0xffff, v3;
	v9 =	vadd.s32 v12, v63  }
.Ltmp3:
0x82: {  	[tilespmem:v62+s26+$0x0] =	vst.idx.add.f32.msk $0xffff, v3;
	(pc) =	sbr.rel @p1 .LBB2_6-.Ltmp3, $4  }
0x83: {  	[tilespmem:v46+s26+$0x0] =	vst.idx.add.f32.msk $0xffff, v3  }
0x84: {  	[tilespmem:v10+s26+$0x0] =	vst.idx.add.f32.msk $0xffff, v3  }
0x85: {  	[tilespmem:v11+s26+$0x0] =	vst.idx.add.f32.msk $0xffff, v3  }
0x86: {  	p0 =	por $0x0, $0x0;
	s20 =	simm.s32 $0x10000;
	[tilespmem:v9+s26+$0x0] =	vst.idx.add.f32.msk $0xffff, v3  }
0x87: {  	s1 =	sor.u32 $0x10, s2  }
0x88: {  	v7 =	vor.u32 s1, v1;
	s1 =	sand.u32 $0x70, s1  }
0x89: {  	v6 =	vmul.u32 $0x1F, v7;
	v8 =	vmov s1  }
0x8a: {  	v4 =	vld [tilespmem:s2+$0xF410]  }
0x8b: {  	v5 =	vld [tilespmem:s2+$0xF810];
	s2 =	simm.s32 $0x0;
	p0 =	por $0x1, $0x1;
	v7 =	vmul.u32 $0x1E, v7;
	v6 =	vadd.s32 $0x1, v6  }
.LBB2_8:
0x8c: {  	s2 =	sshra.s32 s2, $0x2  }
0x8d: {  	s2 =	sadd.s32 s0, s2  }
0x8e: {  	v12 =	vld.idx.msk [tilespmem:v8+s2+$0xFC00 ss:$0x1], $0xffff  }
0x8f: {  	v13 =	vld.idx.msk [tilespmem:v8+s2+$0xFC80 ss:$0x1], $0xffff  }
0x90: {  	v11 =	vld.idx.msk [tilespmem:v8+s2+$0xFD00 ss:$0x1], $0xffff  }
0x91: {  	v15 =	vld.idx.msk [tilespmem:v8+s2+$0xFD80 ss:$0x1], $0xffff  }
0x92: {  	v16 =	vld.idx.msk [tilespmem:v8+s2+$0xFE00 ss:$0x1], $0xffff  }
0x93: {  	v17 =	vld.idx.msk [tilespmem:v8+s2+$0xFE80 ss:$0x1], $0xffff  }
0x94: {  	v20 =	vld.idx.msk [tilespmem:v8+s2+$0xFF00 ss:$0x1], $0xffff  }
0x95: {  	v24 =	vld.idx.msk [tilespmem:v8+s2+$0xFF80 ss:$0x1], $0xffff  }
0x96: {  	v25 =	vld.idx.msk [tilespmem:v8+s2+$0x11C00 ss:$0x1], $0xffff;
	s2 =	sadd.s32 s1, s2;
	v9 =	vsub.f32 v12, v4;
	v10 =	vsub.f32 v13, v4  }
0x97: {  	s2 =	sadd.s32 $0xFC00, s2;
	v14 =	vsub.f32 v11, v4;
	v18 =	vsub.f32 v15, v4  }
0x98: {  	v28 =	vld [tilespmem:s2+$0x2080];
	v19 =	vsub.f32 v16, v4;
	v22 =	vsub.f32 v17, v4  }
0x99: {  	v32 =	vld [tilespmem:s2+$0x2100];
	v26 =	vsub.f32 v20, v4;
	v9 =	vmul.f32 v9, v5;
	v10 =	vmul.f32 v10, v5  }
0x9a: {  	v33 =	vld [tilespmem:s2+$0x2180];
	v30 =	vsub.f32 v24, v4;
	v14 =	vmul.f32 v14, v5;
	v18 =	vmul.f32 v18, v5  }
0x9b: {  	v38 =	vld [tilespmem:s2+$0x2200];
	v31 =	vsub.f32 v25, v4;
	v19 =	vmul.f32 v19, v5;
	v22 =	vmul.f32 v22, v5  }
0x9c: {  	v41 =	vld [tilespmem:s2+$0x2280];
	v26 =	vmul.f32 v26, v5;
	v30 =	vmul.f32 v30, v5  }
0x9d: {  	v44 =	vld [tilespmem:s2+$0x2300];
	v31 =	vmul.f32 v31, v5;
	v36 =	vsub.f32 v28, v4;
	v9 =	vtrunc.f32 v9  }
0x9e: {  	v46 =	vld [tilespmem:s2+$0x2380];
	v39 =	vsub.f32 v32, v4;
	v10 =	vtrunc.f32 v10;
	v14 =	vtrunc.f32 v14  }
0x9f: {  	v40 =	vsub.f32 v33, v4;
	v18 =	vtrunc.f32 v18;
	v19 =	vtrunc.f32 v19  }
0xa0: {  	v45 =	vsub.f32 v38, v4;
	v22 =	vtrunc.f32 v22;
	v26 =	vtrunc.f32 v26  }
0xa1: {  	v47 =	vsub.f32 v41, v4;
	v30 =	vtrunc.f32 v30;
	v31 =	vtrunc.f32 v31  }
0xa2: {  	v49 =	vsub.f32 v44, v4;
	v36 =	vmul.f32 v36, v5;
	v39 =	vmul.f32 v39, v5  }
0xa3: {  	v50 =	vsub.f32 v46, v4;
	v40 =	vmul.f32 v40, v5;
	v45 =	vmul.f32 v45, v5  }
0xa4: {  	v47 =	vmul.f32 v47, v5;
	v49 =	vmul.f32 v49, v5  }
0xa5: {  	v50 =	vmul.f32 v50, v5;
	v9 =	vcvt.f32.s32 v9  }
0xa6: {  	v10 =	vcvt.f32.s32 v10;
	v14 =	vcvt.f32.s32 v14  }
0xa7: {  	v18 =	vcvt.f32.s32 v18;
	v19 =	vcvt.f32.s32 v19  }
0xa8: {  	v22 =	vcvt.f32.s32 v22;
	v26 =	vcvt.f32.s32 v26  }
0xa9: {  	v30 =	vcvt.f32.s32 v30;
	v31 =	vcvt.f32.s32 v31  }
0xaa: {  	v36 =	vtrunc.f32 v36;
	v39 =	vtrunc.f32 v39  }
0xab: {  	v40 =	vtrunc.f32 v40;
	v45 =	vtrunc.f32 v45  }
0xac: {  	v47 =	vtrunc.f32 v47;
	v49 =	vtrunc.f32 v49  }
0xad: {  	v50 =	vtrunc.f32 v50;
	vm0 =	vlt.s32 v9, $0x1D;
	vm12 =	vlt.s32 v10, $0x1D  }
0xae: {  	vm13 =	vlt.s32 v14, $0x1D;
	vm14 =	vlt.s32 v18, $0x1D;
	vm15 =	vlt.s32 v19, $0x1D  }
0xaf: {  	vm4 =	vlt.s32 v22, $0x1D;
	vm5 =	vlt.s32 v26, $0x1D;
	v9 =	vnsel vm0, $0x1D, v9  }
0xb0: {  	vm6 =	vlt.s32 v30, $0x1D;
	v10 =	vnsel vm12, $0x1D, v10;
	v21 =	vadd.s32 v6, v9  }
0xb1: {  	vm7 =	vlt.s32 v31, $0x1D;
	v14 =	vnsel vm13, $0x1D, v14;
	v23 =	vadd.s32 v6, v10  }
0xb2: {  	v36 =	vcvt.f32.s32 v36;
	v18 =	vnsel vm14, $0x1D, v18;
	v27 =	vadd.s32 v6, v14  }
0xb3: {  	v39 =	vcvt.f32.s32 v39;
	v19 =	vnsel vm15, $0x1D, v19;
	v29 =	vadd.s32 v6, v18  }
0xb4: {  	v40 =	vcvt.f32.s32 v40;
	v22 =	vnsel vm4, $0x1D, v22;
	v34 =	vadd.s32 v6, v19  }
0xb5: {  	v45 =	vcvt.f32.s32 v45;
	v26 =	vnsel vm5, $0x1D, v26;
	v35 =	vadd.s32 v6, v22;
	v21 =	vld.idx.msk [tilespmem:v21+s3+$0x0], $0xffff  }
0xb6: {  	v47 =	vcvt.f32.s32 v47;
	v30 =	vnsel vm6, $0x1D, v30;
	v37 =	vadd.s32 v6, v26;
	v23 =	vld.idx.msk [tilespmem:v23+s3+$0x0], $0xffff  }
0xb7: {  	v31 =	vnsel vm7, $0x1D, v31;
	v42 =	vadd.s32 v6, v30;
	vm8 =	vlt.s32 v36, $0x1D;
	v27 =	vld.idx.msk [tilespmem:v27+s3+$0x0], $0xffff  }
0xb8: {  	v43 =	vadd.s32 v6, v31;
	vm9 =	vlt.s32 v39, $0x1D;
	v36 =	vnsel vm8, $0x1D, v36;
	v29 =	vld.idx.msk [tilespmem:v29+s3+$0x0], $0xffff  }
0xb9: {  	vm1 =	vlt.s32 v40, $0x1D;
	v39 =	vnsel vm9, $0x1D, v39;
	v48 =	vadd.s32 v6, v36;
	v34 =	vld.idx.msk [tilespmem:v34+s3+$0x0], $0xffff  }
0xba: {  	vm10 =	vlt.s32 v45, $0x1D;
	v40 =	vnsel vm1, $0x1D, v40;
	v51 =	vadd.s32 v6, v39;
	v35 =	vld.idx.msk [tilespmem:v35+s3+$0x0], $0xffff  }
0xbb: {  	v49 =	vcvt.f32.s32 v49;
	v45 =	vnsel vm10, $0x1D, v45;
	v52 =	vadd.s32 v6, v40;
	v37 =	vld.idx.msk [tilespmem:v37+s3+$0x0], $0xffff  }
0xbc: {  	v50 =	vcvt.f32.s32 v50;
	vm11 =	vlt.s32 v47, $0x1D;
	v53 =	vadd.s32 v6, v45;
	v42 =	vld.idx.msk [tilespmem:v42+s3+$0x0], $0xffff  }
0xbd: {  	vm12 =	vlt.s32 v49, $0x1D;
	v47 =	vnsel vm11, $0x1D, v47;
	v43 =	vld.idx.msk [tilespmem:v43+s3+$0x0], $0xffff  }
0xbe: {  	vm13 =	vlt.s32 v50, $0x1D;
	v49 =	vnsel vm12, $0x1D, v49;
	v54 =	vadd.s32 v6, v47;
	v48 =	vld.idx.msk [tilespmem:v48+s3+$0x0], $0xffff  }
0xbf: {  	v55 =	vadd.s32 v6, v49;
	v51 =	vld.idx.msk [tilespmem:v51+s3+$0x0], $0xffff;
	vm14 =	vge.f32 v12, v21;
	vm2 =	vge.f32 v13, v23  }
0xc0: {  	v59 =	vld.idx.msk [tilespmem:v52+s3+$0x0], $0xffff;
	v12 =	vnsel vm13, $0x1D, v50;
	vm15 =	vge.f32 v11, v27;
	vm4 =	vge.f32 v15, v29  }
0xc1: {  	v11 =	vld.idx.msk [tilespmem:v53+s3+$0x0], $0xffff;
	vm7 =	vge.f32 v16, v34;
	vm8 =	vge.f32 v17, v35;
	vm9 =	vge.f32 v20, v37  }
0xc2: {  	vm10 =	vge.f32 v24, v42;
	vm11 =	vge.f32 v25, v43;
	v60 =	vadd.s32 v6, v12  }
0xc3: {  	v61 =	vld.idx.msk [tilespmem:v54+s3+$0x0], $0xffff;
	v62 =	vsel vm14, $0x1, v2;
	v63 =	vsel vm2, $0x1, v2;
	v25 =	vsel vm15, $0x1, v2  }
0xc4: {  	v27 =	vsel vm4, $0x1, v2;
	v29 =	vsel vm8, $0x1, v2;
	v35 =	vsel vm10, $0x1, v2  }
0xc5: {  	vm6 =	vge.f32 v28, v48;
	vm5 =	vge.f32 v32, v51;
	vm3 =	vge.f32 v33, v59  }
0xc6: {  	v28 =	vsel vm7, $0x1, v2;
	vm12 =	vge.f32 v38, v11;
	v11 =	vor.u32 v62, v7  }
0xc7: {  	v13 =	vor.u32 v27, v7;
	v42 =	vsel vm6, $0x1, v2;
	v9 =	vadd.s32 v9, v11  }
0xc8: {  	vm13 =	vge.f32 v41, v61;
	v13 =	vadd.s32 v18, v13;
	v48 =	vor.u32 v42, v7  }
0xc9: {  	v34 =	vor.u32 v29, v7;
	v51 =	vadd.s32 v36, v48;
	v11 =	vor.u32 v63, v7  }
0xca: {  	v24 =	vld.idx.msk [tilespmem:v55+s3+$0x0], $0xffff;
	v41 =	vor.u32 v35, v7;
	v10 =	vadd.s32 v10, v11;
	v11 =	vor.u32 v25, v7  }
0xcb: {  	v32 =	vor.u32 v28, v7;
	v55 =	vsel vm13, $0x1, v2;
	v15 =	vld.idx.msk [tilespmem:v60+s3+$0x0], $0xffff;
	v11 =	vadd.s32 v14, v11  }
0xcc: {  	v33 =	vsel vm9, $0x1, v2;
	v58 =	vor.u32 v55, v7;
	[tilespmem:v9+s26+$0x0] =	vst.idx.add.f32.msk $0xffff, v3;
	v9 =	vadd.s32 v22, v34  }
0xcd: {  	v37 =	vor.u32 v33, v7;
	v50 =	vsel vm3, $0x1, v2;
	v59 =	vadd.s32 v47, v58;
	[tilespmem:v13+s26+$0x0] =	vst.idx.add.f32.msk $0xffff, v3  }
0xce: {  	v54 =	vor.u32 v50, v7;
	v14 =	vadd.s32 v19, v32;
	[tilespmem:v51+s26+$0x0] =	vst.idx.add.f32.msk $0xffff, v3  }
0xcf: {  	vm14 =	vge.f32 v44, v24;
	v44 =	vsel vm5, $0x1, v2;
	[tilespmem:v10+s26+$0x0] =	vst.idx.add.f32.msk $0xffff, v3;
	v10 =	vadd.s32 v26, v37  }
0xd0: {  	v52 =	vor.u32 v44, v7;
	v57 =	vsel vm14, $0x1, v2;
	[tilespmem:v11+s26+$0x0] =	vst.idx.add.f32.msk $0xffff, v3;
	v11 =	vadd.s32 v30, v41  }
0xd1: {  	v38 =	vsel vm11, $0x1, v2;
	v60 =	vor.u32 v57, v7;
	[tilespmem:v9+s26+$0x0] =	vst.idx.add.f32.msk $0xffff, v3;
	v9 =	vadd.s32 v39, v52  }
0xd2: {  	v43 =	vor.u32 v38, v7;
	v62 =	vadd.s32 v49, v60;
	[tilespmem:v59+s26+$0x0] =	vst.idx.add.f32.msk $0xffff, v3  }
0xd3: {  	v53 =	vsel vm12, $0x1, v2;
	vm15 =	vge.f32 v46, v15;
	v46 =	vadd.s32 v31, v43;
	[tilespmem:v14+s26+$0x0] =	vst.idx.add.f32.msk $0xffff, v3  }
0xd4: {  	v56 =	vor.u32 v53, v7;
	v61 =	vsel vm15, $0x1, v2;
	[tilespmem:v10+s26+$0x0] =	vst.idx.add.f32.msk $0xffff, v3;
	v10 =	vadd.s32 v40, v54  }
0xd5: {  	v63 =	vor.u32 v61, v7;
	[tilespmem:v11+s26+$0x0] =	vst.idx.add.f32.msk $0xffff, v3;
	v11 =	vadd.s32 v45, v56  }
0xd6: {  	p1 =	por p0, p0;
	[tilespmem:v9+s26+$0x0] =	vst.idx.add.f32.msk $0xffff, v3;
	v9 =	vadd.s32 v12, v63  }
.Ltmp4:
0xd7: {  	[tilespmem:v62+s26+$0x0] =	vst.idx.add.f32.msk $0xffff, v3;
	(pc) =	sbr.rel @p1 .LBB2_8-.Ltmp4, $4  }
0xd8: {  	[tilespmem:v46+s26+$0x0] =	vst.idx.add.f32.msk $0xffff, v3  }
0xd9: {  	[tilespmem:v10+s26+$0x0] =	vst.idx.add.f32.msk $0xffff, v3  }
0xda: {  	[tilespmem:v11+s26+$0x0] =	vst.idx.add.f32.msk $0xffff, v3  }
0xdb: {  	p0 =	por $0x0, $0x0;
	s2 =	simm.s32 $0x10000;
	[tilespmem:v9+s26+$0x0] =	vst.idx.add.f32.msk $0xffff, v3  }
0xdc: {  	p0 =	slt.u32 s31, $0x3E  }
.Ltmp5:
0xdd: {  	_ = 	snop;
	(pc) =	sbr.rel @p0 .LBB2_5-.Ltmp5, $3  }
0xde: {  	_ =	sdelay $0x1  }
0xdf: {  	s0 =	sadd.s32 $0x2, s31  }
0xe0: {  	s31 =	smov.u32 s0  }
0xe1: {  	s31 =	sshll.u32 s30, $0xD;
	p0 =	seq.s32 s30, $0xF  }
0xe2: {  	s0 =	sadd.s32 @!p0 s31, s8;
	s1 =	simm.s32 @!p0 $0x0;
	s2 =	simm.s32 @!p0 $0xFC00  }
0xe3: {  	[tilespmem:s2], [sflag:$0x1] =	stream.linear.gather @!p0 [hbm4b:s0+s1], $0x8000, $0x38;
	[tilespmem:$0x1FC00] =	vst v63  }
0xe4: {  	_ =	swait.ge [sflag:s28], $0x8000  }
0xe5: {  	[sflag:s28] =	ssyncset.done $0x0  }
0xe6: {  	s0 =	simm.s32 $0x0;
	[sflag:s28] =	ssyncadd.s32 $0xFFFF8000  }
.LBB2_11:
0xe7: {  	s1 =	sshll.u32 s0, $0x4  }
0xe8: {  	v7 =	vor.u32 s1, v1;
	s20 =	sand.u32 $0x60, s1  }
0xe9: {  	v6 =	vmul.u32 $0x1F, v7;
	v8 =	vmov s20  }
0xea: {  	s2 =	sshll.u32 s0, $0x7;
	v4 =	vld [tilespmem:s1+$0xF400]  }
0xeb: {  	p1 =	por $0x1, $0x1;
	s22 =	simm.s32 $0x0;
	v5 =	vld [tilespmem:s1+$0xF800];
	s2 =	sand.u32 $0x1C00, s2;
	v7 =	vmul.u32 $0x1E, v7;
	v6 =	vadd.s32 $0x1, v6  }
.LBB2_12:
0xec: {  	s22 =	sshra.s32 s22, $0x2  }
0xed: {  	s23 =	sadd.s32 s2, s22  }
0xee: {  	s22 =	sadd.s32 s20, s23;
	v12 =	vld.idx.msk [tilespmem:v8+s23+$0x17C00 ss:$0x1], $0xffff  }
0xef: {  	v25 =	vld.idx.msk [tilespmem:v8+s23+$0x19C00 ss:$0x1], $0xffff;
	s22 =	sadd.s32 $0x17C00, s22  }
0xf0: {  	v13 =	vld [tilespmem:s22+$0x80]  }
0xf1: {  	v11 =	vld [tilespmem:s22+$0x100]  }
0xf2: {  	v15 =	vld [tilespmem:s22+$0x180]  }
0xf3: {  	v16 =	vld [tilespmem:s22+$0x200]  }
0xf4: {  	v17 =	vld [tilespmem:s22+$0x280]  }
0xf5: {  	v20 =	vld [tilespmem:s22+$0x300]  }
0xf6: {  	v24 =	vld [tilespmem:s22+$0x380]  }
0xf7: {  	v28 =	vld [tilespmem:s22+$0x2080];
	v9 =	vsub.f32 v12, v4  }
0xf8: {  	v32 =	vld [tilespmem:s22+$0x2100];
	v31 =	vsub.f32 v25, v4;
	v10 =	vsub.f32 v13, v4  }
0xf9: {  	v33 =	vld [tilespmem:s22+$0x2180];
	v14 =	vsub.f32 v11, v4;
	v18 =	vsub.f32 v15, v4  }
0xfa: {  	v38 =	vld [tilespmem:s22+$0x2200];
	v19 =	vsub.f32 v16, v4;
	v22 =	vsub.f32 v17, v4  }
0xfb: {  	v41 =	vld [tilespmem:s22+$0x2280];
	v9 =	vmul.f32 v9, v5;
	v26 =	vsub.f32 v20, v4;
	v30 =	vsub.f32 v24, v4  }
0xfc: {  	v44 =	vld [tilespmem:s22+$0x2300];
	v31 =	vmul.f32 v31, v5;
	v36 =	vsub.f32 v28, v4;
	v10 =	vmul.f32 v10, v5  }
0xfd: {  	v39 =	vsub.f32 v32, v4;
	v9 =	vtrunc.f32 v9;
	v14 =	vmul.f32 v14, v5  }
0xfe: {  	v40 =	vsub.f32 v33, v4;
	v18 =	vmul.f32 v18, v5;
	v19 =	vmul.f32 v19, v5  }
0xff: {  	v45 =	vsub.f32 v38, v4;
	v22 =	vmul.f32 v22, v5;
	v26 =	vmul.f32 v26, v5  }
0x100: {  	v47 =	vsub.f32 v41, v4;
	v30 =	vmul.f32 v30, v5;
	v31 =	vtrunc.f32 v31  }
0x101: {  	v49 =	vsub.f32 v44, v4;
	v36 =	vmul.f32 v36, v5;
	v39 =	vmul.f32 v39, v5  }
0x102: {  	v40 =	vmul.f32 v40, v5;
	v45 =	vmul.f32 v45, v5  }
0x103: {  	v47 =	vmul.f32 v47, v5;
	v49 =	vmul.f32 v49, v5  }
0x104: {  	v9 =	vcvt.f32.s32 v9;
	v31 =	vcvt.f32.s32 v31  }
0x105: {  	v10 =	vtrunc.f32 v10;
	v14 =	vtrunc.f32 v14  }
0x106: {  	v18 =	vtrunc.f32 v18;
	v19 =	vtrunc.f32 v19  }
0x107: {  	v22 =	vtrunc.f32 v22;
	v26 =	vtrunc.f32 v26  }
0x108: {  	v46 =	vld [tilespmem:s22+$0x2380];
	v30 =	vtrunc.f32 v30;
	v36 =	vtrunc.f32 v36  }
0x109: {  	v39 =	vtrunc.f32 v39;
	v40 =	vtrunc.f32 v40  }
0x10a: {  	v45 =	vtrunc.f32 v45;
	v47 =	vtrunc.f32 v47  }
0x10b: {  	v10 =	vcvt.f32.s32 v10;
	v14 =	vcvt.f32.s32 v14  }
0x10c: {  	v18 =	vcvt.f32.s32 v18;
	v19 =	vcvt.f32.s32 v19  }
0x10d: {  	v50 =	vsub.f32 v46, v4;
	v22 =	vcvt.f32.s32 v22;
	v26 =	vcvt.f32.s32 v26  }
0x10e: {  	vm0 =	vlt.s32 v9, $0x1D;
	v30 =	vcvt.f32.s32 v30;
	v36 =	vcvt.f32.s32 v36  }
0x10f: {  	vm7 =	vlt.s32 v31, $0x1D;
	v39 =	vcvt.f32.s32 v39;
	v40 =	vcvt.f32.s32 v40  }
0x110: {  	v45 =	vcvt.f32.s32 v45;
	v47 =	vcvt.f32.s32 v47;
	v9 =	vnsel vm0, $0x1D, v9  }
0x111: {  	v31 =	vnsel vm7, $0x1D, v31;
	vm12 =	vlt.s32 v10, $0x1D;
	v21 =	vadd.s32 v6, v9  }
0x112: {  	vm13 =	vlt.s32 v14, $0x1D;
	v43 =	vadd.s32 v6, v31;
	v10 =	vnsel vm12, $0x1D, v10  }
0x113: {  	vm14 =	vlt.s32 v18, $0x1D;
	v14 =	vnsel vm13, $0x1D, v14;
	v23 =	vadd.s32 v6, v10  }
0x114: {  	vm15 =	vlt.s32 v19, $0x1D;
	v18 =	vnsel vm14, $0x1D, v18;
	v27 =	vadd.s32 v6, v14  }
0x115: {  	vm4 =	vlt.s32 v22, $0x1D;
	v19 =	vnsel vm15, $0x1D, v19;
	v29 =	vadd.s32 v6, v18  }
0x116: {  	vm5 =	vlt.s32 v26, $0x1D;
	v22 =	vnsel vm4, $0x1D, v22;
	v34 =	vadd.s32 v6, v19;
	v21 =	vld.idx.msk [tilespmem:v21+s3+$0x0], $0xffff  }
0x117: {  	vm6 =	vlt.s32 v30, $0x1D;
	v26 =	vnsel vm5, $0x1D, v26;
	v35 =	vadd.s32 v6, v22;
	v43 =	vld.idx.msk [tilespmem:v43+s3+$0x0], $0xffff  }
0x118: {  	vm8 =	vlt.s32 v36, $0x1D;
	v30 =	vnsel vm6, $0x1D, v30;
	v37 =	vadd.s32 v6, v26;
	v23 =	vld.idx.msk [tilespmem:v23+s3+$0x0], $0xffff  }
0x119: {  	vm9 =	vlt.s32 v39, $0x1D;
	v36 =	vnsel vm8, $0x1D, v36;
	v42 =	vadd.s32 v6, v30;
	v27 =	vld.idx.msk [tilespmem:v27+s3+$0x0], $0xffff  }
0x11a: {  	vm1 =	vlt.s32 v40, $0x1D;
	v39 =	vnsel vm9, $0x1D, v39;
	v48 =	vadd.s32 v6, v36;
	v29 =	vld.idx.msk [tilespmem:v29+s3+$0x0], $0xffff  }
0x11b: {  	vm11 =	vlt.s32 v47, $0x1D;
	v40 =	vnsel vm1, $0x1D, v40;
	v51 =	vadd.s32 v6, v39;
	v34 =	vld.idx.msk [tilespmem:v34+s3+$0x0], $0xffff  }
0x11c: {  	v50 =	vmul.f32 v50, v5;
	v47 =	vnsel vm11, $0x1D, v47;
	v52 =	vadd.s32 v6, v40;
	v35 =	vld.idx.msk [tilespmem:v35+s3+$0x0], $0xffff  }
0x11d: {  	v49 =	vtrunc.f32 v49;
	vm10 =	vlt.s32 v45, $0x1D;
	v54 =	vadd.s32 v6, v47;
	v37 =	vld.idx.msk [tilespmem:v37+s3+$0x0], $0xffff  }
0x11e: {  	v50 =	vtrunc.f32 v50;
	v49 =	vcvt.f32.s32 v49;
	v45 =	vnsel vm10, $0x1D, v45;
	v42 =	vld.idx.msk [tilespmem:v42+s3+$0x0], $0xffff  }
0x11f: {  	v50 =	vcvt.f32.s32 v50;
	v53 =	vadd.s32 v6, v45;
	v48 =	vld.idx.msk [tilespmem:v48+s3+$0x0], $0xffff  }
0x120: {  	vm12 =	vlt.s32 v49, $0x1D;
	v51 =	vld.idx.msk [tilespmem:v51+s3+$0x0], $0xffff  }
0x121: {  	vm13 =	vlt.s32 v50, $0x1D;
	v49 =	vnsel vm12, $0x1D, v49;
	v59 =	vld.idx.msk [tilespmem:v52+s3+$0x0], $0xffff  }
0x122: {  	v55 =	vadd.s32 v6, v49;
	v61 =	vld.idx.msk [tilespmem:v54+s3+$0x0], $0xffff;
	vm14 =	vge.f32 v12, v21;
	v12 =	vnsel vm13, $0x1D, v50  }
0x123: {  	vm11 =	vge.f32 v25, v43;
	v60 =	vadd.s32 v6, v12;
	v62 =	vsel vm14, $0x1, v2  }
0x124: {  	vm2 =	vge.f32 v13, v23;
	vm15 =	vge.f32 v11, v27;
	vm4 =	vge.f32 v15, v29;
	v11 =	vld.idx.msk [tilespmem:v53+s3+$0x0], $0xffff  }
0x125: {  	vm7 =	vge.f32 v16, v34;
	vm8 =	vge.f32 v17, v35;
	vm9 =	vge.f32 v20, v37  }
0x126: {  	vm10 =	vge.f32 v24, v42;
	vm6 =	vge.f32 v28, v48;
	vm5 =	vge.f32 v32, v51  }
0x127: {  	vm3 =	vge.f32 v33, v59;
	vm13 =	vge.f32 v41, v61;
	v63 =	vsel vm2, $0x1, v2  }
0x128: {  	v25 =	vsel vm15, $0x1, v2;
	v27 =	vsel vm4, $0x1, v2;
	v28 =	vsel vm7, $0x1, v2  }
0x129: {  	v29 =	vsel vm8, $0x1, v2;
	vm12 =	vge.f32 v38, v11;
	v11 =	vor.u32 v62, v7  }
0x12a: {  	v42 =	vsel vm6, $0x1, v2;
	v13 =	vor.u32 v27, v7;
	v9 =	vadd.s32 v9, v11  }
0x12b: {  	v33 =	vsel vm9, $0x1, v2;
	v48 =	vor.u32 v42, v7;
	v13 =	vadd.s32 v18, v13  }
0x12c: {  	v24 =	vld.idx.msk [tilespmem:v55+s3+$0x0], $0xffff;
	v55 =	vsel vm13, $0x1, v2;
	v51 =	vadd.s32 v36, v48;
	v11 =	vor.u32 v63, v7  }
0x12d: {  	v32 =	vor.u32 v28, v7;
	v10 =	vadd.s32 v10, v11;
	v11 =	vor.u32 v25, v7  }
0x12e: {  	v34 =	vor.u32 v29, v7;
	v37 =	vor.u32 v33, v7;
	v15 =	vld.idx.msk [tilespmem:v60+s3+$0x0], $0xffff;
	v11 =	vadd.s32 v14, v11  }
0x12f: {  	v35 =	vsel vm10, $0x1, v2;
	v58 =	vor.u32 v55, v7;
	[tilespmem:v9+s26+$0x0] =	vst.idx.add.f32.msk $0xffff, v3;
	v9 =	vadd.s32 v22, v34  }
0x130: {  	v50 =	vsel vm3, $0x1, v2;
	v41 =	vor.u32 v35, v7;
	v59 =	vadd.s32 v47, v58;
	[tilespmem:v13+s26+$0x0] =	vst.idx.add.f32.msk $0xffff, v3  }
0x131: {  	v54 =	vor.u32 v50, v7;
	v14 =	vadd.s32 v19, v32;
	[tilespmem:v51+s26+$0x0] =	vst.idx.add.f32.msk $0xffff, v3  }
0x132: {  	vm14 =	vge.f32 v44, v24;
	v44 =	vsel vm5, $0x1, v2;
	[tilespmem:v10+s26+$0x0] =	vst.idx.add.f32.msk $0xffff, v3;
	v10 =	vadd.s32 v26, v37  }
0x133: {  	v52 =	vor.u32 v44, v7;
	v57 =	vsel vm14, $0x1, v2;
	[tilespmem:v11+s26+$0x0] =	vst.idx.add.f32.msk $0xffff, v3;
	v11 =	vadd.s32 v30, v41  }
0x134: {  	v38 =	vsel vm11, $0x1, v2;
	v60 =	vor.u32 v57, v7;
	[tilespmem:v9+s26+$0x0] =	vst.idx.add.f32.msk $0xffff, v3;
	v9 =	vadd.s32 v39, v52  }
0x135: {  	v43 =	vor.u32 v38, v7;
	v62 =	vadd.s32 v49, v60;
	[tilespmem:v59+s26+$0x0] =	vst.idx.add.f32.msk $0xffff, v3  }
0x136: {  	v53 =	vsel vm12, $0x1, v2;
	vm15 =	vge.f32 v46, v15;
	v46 =	vadd.s32 v31, v43;
	[tilespmem:v14+s26+$0x0] =	vst.idx.add.f32.msk $0xffff, v3  }
0x137: {  	v56 =	vor.u32 v53, v7;
	v61 =	vsel vm15, $0x1, v2;
	[tilespmem:v10+s26+$0x0] =	vst.idx.add.f32.msk $0xffff, v3;
	v10 =	vadd.s32 v40, v54  }
0x138: {  	v63 =	vor.u32 v61, v7;
	[tilespmem:v11+s26+$0x0] =	vst.idx.add.f32.msk $0xffff, v3;
	v11 =	vadd.s32 v45, v56  }
0x139: {  	p2 =	por p1, p1;
	[tilespmem:v9+s26+$0x0] =	vst.idx.add.f32.msk $0xffff, v3;
	v9 =	vadd.s32 v12, v63  }
.Ltmp6:
0x13a: {  	[tilespmem:v62+s26+$0x0] =	vst.idx.add.f32.msk $0xffff, v3;
	(pc) =	sbr.rel @p2 .LBB2_12-.Ltmp6, $4  }
0x13b: {  	[tilespmem:v46+s26+$0x0] =	vst.idx.add.f32.msk $0xffff, v3  }
0x13c: {  	[tilespmem:v10+s26+$0x0] =	vst.idx.add.f32.msk $0xffff, v3  }
0x13d: {  	[tilespmem:v11+s26+$0x0] =	vst.idx.add.f32.msk $0xffff, v3  }
0x13e: {  	p1 =	por $0x0, $0x0;
	s22 =	simm.s32 $0x10000;
	[tilespmem:v9+s26+$0x0] =	vst.idx.add.f32.msk $0xffff, v3  }
0x13f: {  	s20 =	sor.u32 $0x10, s1  }
0x140: {  	v7 =	vor.u32 s20, v1;
	s20 =	sand.u32 $0x70, s20  }
0x141: {  	v6 =	vmul.u32 $0x1F, v7;
	v8 =	vmov s20  }
0x142: {  	v4 =	vld [tilespmem:s1+$0xF410]  }
0x143: {  	v5 =	vld [tilespmem:s1+$0xF810];
	s1 =	simm.s32 $0x0;
	p1 =	por $0x1, $0x1;
	v7 =	vmul.u32 $0x1E, v7;
	v6 =	vadd.s32 $0x1, v6  }
.LBB2_14:
0x144: {  	s1 =	sshra.s32 s1, $0x2  }
0x145: {  	s22 =	sadd.s32 s2, s1  }
0x146: {  	s1 =	sadd.s32 s20, s22;
	v12 =	vld.idx.msk [tilespmem:v8+s22+$0x17C00 ss:$0x1], $0xffff  }
0x147: {  	v25 =	vld.idx.msk [tilespmem:v8+s22+$0x19C00 ss:$0x1], $0xffff;
	s1 =	sadd.s32 $0x17C00, s1  }
0x148: {  	v13 =	vld [tilespmem:s1+$0x80]  }
0x149: {  	v11 =	vld [tilespmem:s1+$0x100]  }
0x14a: {  	v15 =	vld [tilespmem:s1+$0x180]  }
0x14b: {  	v16 =	vld [tilespmem:s1+$0x200]  }
0x14c: {  	v17 =	vld [tilespmem:s1+$0x280]  }
0x14d: {  	v20 =	vld [tilespmem:s1+$0x300]  }
0x14e: {  	v24 =	vld [tilespmem:s1+$0x380]  }
0x14f: {  	v28 =	vld [tilespmem:s1+$0x2080];
	v9 =	vsub.f32 v12, v4  }
0x150: {  	v32 =	vld [tilespmem:s1+$0x2100];
	v31 =	vsub.f32 v25, v4;
	v10 =	vsub.f32 v13, v4  }
0x151: {  	v33 =	vld [tilespmem:s1+$0x2180];
	v14 =	vsub.f32 v11, v4;
	v18 =	vsub.f32 v15, v4  }
0x152: {  	v38 =	vld [tilespmem:s1+$0x2200];
	v19 =	vsub.f32 v16, v4;
	v22 =	vsub.f32 v17, v4  }
0x153: {  	v41 =	vld [tilespmem:s1+$0x2280];
	v9 =	vmul.f32 v9, v5;
	v26 =	vsub.f32 v20, v4;
	v30 =	vsub.f32 v24, v4  }
0x154: {  	v44 =	vld [tilespmem:s1+$0x2300];
	v31 =	vmul.f32 v31, v5;
	v36 =	vsub.f32 v28, v4;
	v10 =	vmul.f32 v10, v5  }
0x155: {  	v39 =	vsub.f32 v32, v4;
	v9 =	vtrunc.f32 v9;
	v14 =	vmul.f32 v14, v5  }
0x156: {  	v40 =	vsub.f32 v33, v4;
	v18 =	vmul.f32 v18, v5;
	v19 =	vmul.f32 v19, v5  }
0x157: {  	v45 =	vsub.f32 v38, v4;
	v22 =	vmul.f32 v22, v5;
	v26 =	vmul.f32 v26, v5  }
0x158: {  	v47 =	vsub.f32 v41, v4;
	v30 =	vmul.f32 v30, v5;
	v31 =	vtrunc.f32 v31  }
0x159: {  	v49 =	vsub.f32 v44, v4;
	v36 =	vmul.f32 v36, v5;
	v39 =	vmul.f32 v39, v5  }
0x15a: {  	v40 =	vmul.f32 v40, v5;
	v45 =	vmul.f32 v45, v5  }
0x15b: {  	v47 =	vmul.f32 v47, v5;
	v49 =	vmul.f32 v49, v5  }
0x15c: {  	v9 =	vcvt.f32.s32 v9;
	v31 =	vcvt.f32.s32 v31  }
0x15d: {  	v10 =	vtrunc.f32 v10;
	v14 =	vtrunc.f32 v14  }
0x15e: {  	v18 =	vtrunc.f32 v18;
	v19 =	vtrunc.f32 v19  }
0x15f: {  	v22 =	vtrunc.f32 v22;
	v26 =	vtrunc.f32 v26  }
0x160: {  	v46 =	vld [tilespmem:s1+$0x2380];
	v30 =	vtrunc.f32 v30;
	v36 =	vtrunc.f32 v36  }
0x161: {  	v39 =	vtrunc.f32 v39;
	v40 =	vtrunc.f32 v40  }
0x162: {  	v45 =	vtrunc.f32 v45;
	v47 =	vtrunc.f32 v47  }
0x163: {  	v10 =	vcvt.f32.s32 v10;
	v14 =	vcvt.f32.s32 v14  }
0x164: {  	v18 =	vcvt.f32.s32 v18;
	v19 =	vcvt.f32.s32 v19  }
0x165: {  	v50 =	vsub.f32 v46, v4;
	v22 =	vcvt.f32.s32 v22;
	v26 =	vcvt.f32.s32 v26  }
0x166: {  	vm0 =	vlt.s32 v9, $0x1D;
	v30 =	vcvt.f32.s32 v30;
	v36 =	vcvt.f32.s32 v36  }
0x167: {  	vm7 =	vlt.s32 v31, $0x1D;
	v39 =	vcvt.f32.s32 v39;
	v40 =	vcvt.f32.s32 v40  }
0x168: {  	v45 =	vcvt.f32.s32 v45;
	v47 =	vcvt.f32.s32 v47;
	v9 =	vnsel vm0, $0x1D, v9  }
0x169: {  	v31 =	vnsel vm7, $0x1D, v31;
	vm12 =	vlt.s32 v10, $0x1D;
	v21 =	vadd.s32 v6, v9  }
0x16a: {  	vm13 =	vlt.s32 v14, $0x1D;
	v43 =	vadd.s32 v6, v31;
	v10 =	vnsel vm12, $0x1D, v10  }
0x16b: {  	vm14 =	vlt.s32 v18, $0x1D;
	v14 =	vnsel vm13, $0x1D, v14;
	v23 =	vadd.s32 v6, v10  }
0x16c: {  	vm15 =	vlt.s32 v19, $0x1D;
	v18 =	vnsel vm14, $0x1D, v18;
	v27 =	vadd.s32 v6, v14  }
0x16d: {  	vm4 =	vlt.s32 v22, $0x1D;
	v19 =	vnsel vm15, $0x1D, v19;
	v29 =	vadd.s32 v6, v18  }
0x16e: {  	vm5 =	vlt.s32 v26, $0x1D;
	v22 =	vnsel vm4, $0x1D, v22;
	v34 =	vadd.s32 v6, v19;
	v21 =	vld.idx.msk [tilespmem:v21+s3+$0x0], $0xffff  }
0x16f: {  	vm6 =	vlt.s32 v30, $0x1D;
	v26 =	vnsel vm5, $0x1D, v26;
	v35 =	vadd.s32 v6, v22;
	v43 =	vld.idx.msk [tilespmem:v43+s3+$0x0], $0xffff  }
0x170: {  	vm8 =	vlt.s32 v36, $0x1D;
	v30 =	vnsel vm6, $0x1D, v30;
	v37 =	vadd.s32 v6, v26;
	v23 =	vld.idx.msk [tilespmem:v23+s3+$0x0], $0xffff  }
0x171: {  	vm9 =	vlt.s32 v39, $0x1D;
	v36 =	vnsel vm8, $0x1D, v36;
	v42 =	vadd.s32 v6, v30;
	v27 =	vld.idx.msk [tilespmem:v27+s3+$0x0], $0xffff  }
0x172: {  	vm1 =	vlt.s32 v40, $0x1D;
	v39 =	vnsel vm9, $0x1D, v39;
	v48 =	vadd.s32 v6, v36;
	v29 =	vld.idx.msk [tilespmem:v29+s3+$0x0], $0xffff  }
0x173: {  	vm11 =	vlt.s32 v47, $0x1D;
	v40 =	vnsel vm1, $0x1D, v40;
	v51 =	vadd.s32 v6, v39;
	v34 =	vld.idx.msk [tilespmem:v34+s3+$0x0], $0xffff  }
0x174: {  	v50 =	vmul.f32 v50, v5;
	v47 =	vnsel vm11, $0x1D, v47;
	v52 =	vadd.s32 v6, v40;
	v35 =	vld.idx.msk [tilespmem:v35+s3+$0x0], $0xffff  }
0x175: {  	v49 =	vtrunc.f32 v49;
	vm10 =	vlt.s32 v45, $0x1D;
	v54 =	vadd.s32 v6, v47;
	v37 =	vld.idx.msk [tilespmem:v37+s3+$0x0], $0xffff  }
0x176: {  	v50 =	vtrunc.f32 v50;
	v49 =	vcvt.f32.s32 v49;
	v45 =	vnsel vm10, $0x1D, v45;
	v42 =	vld.idx.msk [tilespmem:v42+s3+$0x0], $0xffff  }
0x177: {  	v50 =	vcvt.f32.s32 v50;
	v53 =	vadd.s32 v6, v45;
	v48 =	vld.idx.msk [tilespmem:v48+s3+$0x0], $0xffff  }
0x178: {  	vm12 =	vlt.s32 v49, $0x1D;
	v51 =	vld.idx.msk [tilespmem:v51+s3+$0x0], $0xffff  }
0x179: {  	vm13 =	vlt.s32 v50, $0x1D;
	v49 =	vnsel vm12, $0x1D, v49;
	v59 =	vld.idx.msk [tilespmem:v52+s3+$0x0], $0xffff  }
0x17a: {  	v55 =	vadd.s32 v6, v49;
	v61 =	vld.idx.msk [tilespmem:v54+s3+$0x0], $0xffff;
	vm14 =	vge.f32 v12, v21;
	v12 =	vnsel vm13, $0x1D, v50  }
0x17b: {  	vm11 =	vge.f32 v25, v43;
	v60 =	vadd.s32 v6, v12;
	v62 =	vsel vm14, $0x1, v2  }
0x17c: {  	vm2 =	vge.f32 v13, v23;
	vm15 =	vge.f32 v11, v27;
	vm4 =	vge.f32 v15, v29;
	v11 =	vld.idx.msk [tilespmem:v53+s3+$0x0], $0xffff  }
0x17d: {  	vm7 =	vge.f32 v16, v34;
	vm8 =	vge.f32 v17, v35;
	vm9 =	vge.f32 v20, v37  }
0x17e: {  	vm10 =	vge.f32 v24, v42;
	vm6 =	vge.f32 v28, v48;
	vm5 =	vge.f32 v32, v51  }
0x17f: {  	vm3 =	vge.f32 v33, v59;
	vm13 =	vge.f32 v41, v61;
	v63 =	vsel vm2, $0x1, v2  }
0x180: {  	v25 =	vsel vm15, $0x1, v2;
	v27 =	vsel vm4, $0x1, v2;
	v28 =	vsel vm7, $0x1, v2  }
0x181: {  	v29 =	vsel vm8, $0x1, v2;
	vm12 =	vge.f32 v38, v11;
	v11 =	vor.u32 v62, v7  }
0x182: {  	v42 =	vsel vm6, $0x1, v2;
	v13 =	vor.u32 v27, v7;
	v9 =	vadd.s32 v9, v11  }
0x183: {  	v33 =	vsel vm9, $0x1, v2;
	v48 =	vor.u32 v42, v7;
	v13 =	vadd.s32 v18, v13  }
0x184: {  	v24 =	vld.idx.msk [tilespmem:v55+s3+$0x0], $0xffff;
	v55 =	vsel vm13, $0x1, v2;
	v51 =	vadd.s32 v36, v48;
	v11 =	vor.u32 v63, v7  }
0x185: {  	v32 =	vor.u32 v28, v7;
	v10 =	vadd.s32 v10, v11;
	v11 =	vor.u32 v25, v7  }
0x186: {  	v34 =	vor.u32 v29, v7;
	v37 =	vor.u32 v33, v7;
	v15 =	vld.idx.msk [tilespmem:v60+s3+$0x0], $0xffff;
	v11 =	vadd.s32 v14, v11  }
0x187: {  	v35 =	vsel vm10, $0x1, v2;
	v58 =	vor.u32 v55, v7;
	[tilespmem:v9+s26+$0x0] =	vst.idx.add.f32.msk $0xffff, v3;
	v9 =	vadd.s32 v22, v34  }
0x188: {  	v50 =	vsel vm3, $0x1, v2;
	v41 =	vor.u32 v35, v7;
	v59 =	vadd.s32 v47, v58;
	[tilespmem:v13+s26+$0x0] =	vst.idx.add.f32.msk $0xffff, v3  }
0x189: {  	v54 =	vor.u32 v50, v7;
	v14 =	vadd.s32 v19, v32;
	[tilespmem:v51+s26+$0x0] =	vst.idx.add.f32.msk $0xffff, v3  }
0x18a: {  	vm14 =	vge.f32 v44, v24;
	v44 =	vsel vm5, $0x1, v2;
	[tilespmem:v10+s26+$0x0] =	vst.idx.add.f32.msk $0xffff, v3;
	v10 =	vadd.s32 v26, v37  }
0x18b: {  	v52 =	vor.u32 v44, v7;
	v57 =	vsel vm14, $0x1, v2;
	[tilespmem:v11+s26+$0x0] =	vst.idx.add.f32.msk $0xffff, v3;
	v11 =	vadd.s32 v30, v41  }
0x18c: {  	v38 =	vsel vm11, $0x1, v2;
	v60 =	vor.u32 v57, v7;
	[tilespmem:v9+s26+$0x0] =	vst.idx.add.f32.msk $0xffff, v3;
	v9 =	vadd.s32 v39, v52  }
0x18d: {  	v43 =	vor.u32 v38, v7;
	v62 =	vadd.s32 v49, v60;
	[tilespmem:v59+s26+$0x0] =	vst.idx.add.f32.msk $0xffff, v3  }
0x18e: {  	v53 =	vsel vm12, $0x1, v2;
	vm15 =	vge.f32 v46, v15;
	v46 =	vadd.s32 v31, v43;
	[tilespmem:v14+s26+$0x0] =	vst.idx.add.f32.msk $0xffff, v3  }
0x18f: {  	v56 =	vor.u32 v53, v7;
	v61 =	vsel vm15, $0x1, v2;
	[tilespmem:v10+s26+$0x0] =	vst.idx.add.f32.msk $0xffff, v3;
	v10 =	vadd.s32 v40, v54  }
0x190: {  	v63 =	vor.u32 v61, v7;
	[tilespmem:v11+s26+$0x0] =	vst.idx.add.f32.msk $0xffff, v3;
	v11 =	vadd.s32 v45, v56  }
0x191: {  	p2 =	por p1, p1;
	[tilespmem:v9+s26+$0x0] =	vst.idx.add.f32.msk $0xffff, v3;
	v9 =	vadd.s32 v12, v63  }
.Ltmp7:
0x192: {  	[tilespmem:v62+s26+$0x0] =	vst.idx.add.f32.msk $0xffff, v3;
	(pc) =	sbr.rel @p2 .LBB2_14-.Ltmp7, $4  }
0x193: {  	[tilespmem:v46+s26+$0x0] =	vst.idx.add.f32.msk $0xffff, v3  }
0x194: {  	[tilespmem:v10+s26+$0x0] =	vst.idx.add.f32.msk $0xffff, v3  }
0x195: {  	[tilespmem:v11+s26+$0x0] =	vst.idx.add.f32.msk $0xffff, v3  }
0x196: {  	p1 =	por $0x0, $0x0;
	s1 =	simm.s32 $0x10000;
	[tilespmem:v9+s26+$0x0] =	vst.idx.add.f32.msk $0xffff, v3  }
0x197: {  	p1 =	slt.u32 s0, $0x3E  }
.Ltmp8:
0x198: {  	_ = 	snop;
	(pc) =	sbr.rel @p1 .LBB2_11-.Ltmp8, $3  }
0x199: {  	_ =	sdelay $0x1  }
0x19a: {  	s1 =	sadd.s32 $0x2, s0  }
0x19b: {  	s0 =	smov.u32 s1  }
.Ltmp9:
0x19c: {  	(pc) =	sbr.rel @p0 .LBB2_18-.Ltmp9, $1  }
0x19d: {  	_ =	sdelay $0x3  }
.Ltmp10:
0x19e: {  	(pc) =	sbr.rel .LBB2_4-.Ltmp10, $3  }
0x19f: {  	_ =	sdelay $0x1  }
0x1a0: {  	s0 =	sadd.s32 s31, s9;
	s30 =	sadd.s32 $0x1, s30  }
0x1a1: {  	[tilespmem:s24], [sflag:$0x2] =	stream.linear.gather [hbm4b:s0+s3], $0x8000, $0x38;
	[tilespmem:$0x1FC00] =	vst v63  }
.LBB2_18:
0x1a2: {  	s0 =	simm.s32 $0x0  }
0x1a3: {  	[hbm4b:s10+s0] =	stream.linear.scatter [tilespmem:s26], [sflag:$0x3], $0x7800, $0x38;
	[tilespmem:$0x1FC00] =	vst v63  }
0x1a4: {  	_ =	swait.ge [sflag:s21], $0x7800  }
0x1a5: {  	[sflag:s21] =	ssyncset.done $0x0  }
0x1a6: {  	s1 =	simm.s32 $0xF400;
	[sflag:s21] =	ssyncadd.s32 $0xFFFF8800  }
0x1a7: {  	[tilespmem:s1], [sflag:$0x3] =	stream.linear.gather [hbm4b:s11+s0], $0x400, $0x38;
	[tilespmem:$0x1FC00] =	vst v63  }
0x1a8: {  	_ =	swait.ge [sflag:s21], $0x400  }
0x1a9: {  	[sflag:s21] =	ssyncset.done $0x0  }
0x1aa: {  	s31 =	simm.s32 $0xF800;
	[sflag:s21] =	ssyncadd.s32 $0xFFFFFC00  }
0x1ab: {  	[tilespmem:s31], [sflag:$0x3] =	stream.linear.gather [hbm4b:s12+s0], $0x400, $0x38;
	[tilespmem:$0x1FC00] =	vst v63  }
0x1ac: {  	_ =	swait.ge [sflag:s21], $0x400  }
0x1ad: {  	[sflag:s21] =	ssyncset.done $0x0  }
0x1ae: {  	[sflag:s21] =	ssyncadd.s32 $0xFFFFFC00  }
0x1af: {  	[tilespmem:s0], [sflag:$0x3] =	stream.linear.gather [hbm4b:s13+s0], $0x7C00, $0x38;
	[tilespmem:$0x1FC00] =	vst v63  }
0x1b0: {  	_ =	swait.ge [sflag:s21], $0x7C00  }
0x1b1: {  	[sflag:s21] =	ssyncset.done $0x0  }
0x1b2: {  	s1 =	simm.s32 $0x0;
	s0 =	simm.s32 $0x40;
	[sflag:s21] =	ssyncadd.s32 $0xFFFF8400  }
.LBB2_19:
0x1b3: {  	p0 =	sne.s32 s0, $0x1DFC0;
	[tilespmem:s1+$0x7C00] =	vst v0;
	s1 =	smov.u32 s0;
	s0 =	sadd.s32 $0x40, s0  }
.Ltmp11:
0x1b4: {  	(pc) =	sbr.rel @p0 .LBB2_19-.Ltmp11, $2  }
0x1b5: {  	_ =	sdelay $0x2  }
0x1b6: {  	s1 =	sshra.s32 s1, $0x2  }
0x1b7: {  	[tilespmem:s1+$0x7C00] =	vst v0;
	s30 =	simm.s32 $0x0;
	s0 =	simm.s32 $0xFC00  }
0x1b8: {  	[tilespmem:s0], [sflag:$0x1] =	stream.linear.gather [hbm4b:s14+s30], $0x8000, $0x38;
	[tilespmem:$0x1FC00] =	vst v63  }
0x1b9: {  	_ = 	snop  }
0x1ba: {  	[tilespmem:s24], [sflag:$0x2] =	stream.linear.gather [hbm4b:s15+s30], $0x8000, $0x38;
	[tilespmem:$0x1FC00] =	vst v63  }
.LBB2_21:
0x1bb: {  	_ =	swait.ge [sflag:s25], $0x8000  }
0x1bc: {  	[sflag:s25] =	ssyncset.done $0x0  }
0x1bd: {  	s0 =	simm.s32 $0x0;
	[sflag:s25] =	ssyncadd.s32 $0xFFFF8000  }
.LBB2_22:
0x1be: {  	s1 =	sshll.u32 s0, $0x4  }
0x1bf: {  	v7 =	vor.u32 s1, v1;
	s20 =	sand.u32 $0x60, s1  }
0x1c0: {  	v6 =	vmul.u32 $0x1F, v7;
	v8 =	vmov s20  }
0x1c1: {  	s2 =	sshll.u32 s0, $0x7;
	v4 =	vld [tilespmem:s1+$0xF400]  }
0x1c2: {  	s22 =	simm.s32 $0x0;
	p0 =	por $0x1, $0x1;
	v5 =	vld [tilespmem:s1+$0xF800];
	s2 =	sand.u32 $0x1C00, s2;
	v7 =	vmul.u32 $0x1E, v7;
	v6 =	vadd.s32 $0x1, v6  }
.LBB2_23:
0x1c3: {  	s22 =	sshra.s32 s22, $0x2  }
0x1c4: {  	s22 =	sadd.s32 s2, s22  }
0x1c5: {  	v12 =	vld.idx.msk [tilespmem:v8+s22+$0xFC00 ss:$0x1], $0xffff  }
0x1c6: {  	v13 =	vld.idx.msk [tilespmem:v8+s22+$0xFC80 ss:$0x1], $0xffff  }
0x1c7: {  	v11 =	vld.idx.msk [tilespmem:v8+s22+$0xFD00 ss:$0x1], $0xffff  }
0x1c8: {  	v15 =	vld.idx.msk [tilespmem:v8+s22+$0xFD80 ss:$0x1], $0xffff  }
0x1c9: {  	v16 =	vld.idx.msk [tilespmem:v8+s22+$0xFE00 ss:$0x1], $0xffff  }
0x1ca: {  	v17 =	vld.idx.msk [tilespmem:v8+s22+$0xFE80 ss:$0x1], $0xffff  }
0x1cb: {  	v20 =	vld.idx.msk [tilespmem:v8+s22+$0xFF00 ss:$0x1], $0xffff  }
0x1cc: {  	v24 =	vld.idx.msk [tilespmem:v8+s22+$0xFF80 ss:$0x1], $0xffff  }
0x1cd: {  	v25 =	vld.idx.msk [tilespmem:v8+s22+$0x11C00 ss:$0x1], $0xffff;
	s22 =	sadd.s32 s20, s22;
	v9 =	vsub.f32 v12, v4;
	v10 =	vsub.f32 v13, v4  }
0x1ce: {  	s22 =	sadd.s32 $0xFC00, s22;
	v14 =	vsub.f32 v11, v4;
	v18 =	vsub.f32 v15, v4  }
0x1cf: {  	v28 =	vld [tilespmem:s22+$0x2080];
	v19 =	vsub.f32 v16, v4;
	v22 =	vsub.f32 v17, v4  }
0x1d0: {  	v32 =	vld [tilespmem:s22+$0x2100];
	v26 =	vsub.f32 v20, v4;
	v9 =	vmul.f32 v9, v5;
	v10 =	vmul.f32 v10, v5  }
0x1d1: {  	v33 =	vld [tilespmem:s22+$0x2180];
	v30 =	vsub.f32 v24, v4;
	v14 =	vmul.f32 v14, v5;
	v18 =	vmul.f32 v18, v5  }
0x1d2: {  	v38 =	vld [tilespmem:s22+$0x2200];
	v31 =	vsub.f32 v25, v4;
	v19 =	vmul.f32 v19, v5;
	v22 =	vmul.f32 v22, v5  }
0x1d3: {  	v41 =	vld [tilespmem:s22+$0x2280];
	v26 =	vmul.f32 v26, v5;
	v30 =	vmul.f32 v30, v5  }
0x1d4: {  	v44 =	vld [tilespmem:s22+$0x2300];
	v31 =	vmul.f32 v31, v5;
	v36 =	vsub.f32 v28, v4;
	v9 =	vtrunc.f32 v9  }
0x1d5: {  	v46 =	vld [tilespmem:s22+$0x2380];
	v39 =	vsub.f32 v32, v4;
	v10 =	vtrunc.f32 v10;
	v14 =	vtrunc.f32 v14  }
0x1d6: {  	v40 =	vsub.f32 v33, v4;
	v18 =	vtrunc.f32 v18;
	v19 =	vtrunc.f32 v19  }
0x1d7: {  	v45 =	vsub.f32 v38, v4;
	v22 =	vtrunc.f32 v22;
	v26 =	vtrunc.f32 v26  }
0x1d8: {  	v47 =	vsub.f32 v41, v4;
	v30 =	vtrunc.f32 v30;
	v31 =	vtrunc.f32 v31  }
0x1d9: {  	v49 =	vsub.f32 v44, v4;
	v36 =	vmul.f32 v36, v5;
	v39 =	vmul.f32 v39, v5  }
0x1da: {  	v50 =	vsub.f32 v46, v4;
	v40 =	vmul.f32 v40, v5;
	v45 =	vmul.f32 v45, v5  }
0x1db: {  	v47 =	vmul.f32 v47, v5;
	v49 =	vmul.f32 v49, v5  }
0x1dc: {  	v50 =	vmul.f32 v50, v5;
	v9 =	vcvt.f32.s32 v9  }
0x1dd: {  	v10 =	vcvt.f32.s32 v10;
	v14 =	vcvt.f32.s32 v14  }
0x1de: {  	v18 =	vcvt.f32.s32 v18;
	v19 =	vcvt.f32.s32 v19  }
0x1df: {  	v22 =	vcvt.f32.s32 v22;
	v26 =	vcvt.f32.s32 v26  }
0x1e0: {  	v30 =	vcvt.f32.s32 v30;
	v31 =	vcvt.f32.s32 v31  }
0x1e1: {  	v36 =	vtrunc.f32 v36;
	v39 =	vtrunc.f32 v39  }
0x1e2: {  	v40 =	vtrunc.f32 v40;
	v45 =	vtrunc.f32 v45  }
0x1e3: {  	v47 =	vtrunc.f32 v47;
	v49 =	vtrunc.f32 v49  }
0x1e4: {  	v50 =	vtrunc.f32 v50;
	vm0 =	vlt.s32 v9, $0x1D;
	vm12 =	vlt.s32 v10, $0x1D  }
0x1e5: {  	vm13 =	vlt.s32 v14, $0x1D;
	vm14 =	vlt.s32 v18, $0x1D;
	vm15 =	vlt.s32 v19, $0x1D  }
0x1e6: {  	vm4 =	vlt.s32 v22, $0x1D;
	vm5 =	vlt.s32 v26, $0x1D;
	v9 =	vnsel vm0, $0x1D, v9  }
0x1e7: {  	vm6 =	vlt.s32 v30, $0x1D;
	v10 =	vnsel vm12, $0x1D, v10;
	v21 =	vadd.s32 v6, v9  }
0x1e8: {  	vm7 =	vlt.s32 v31, $0x1D;
	v14 =	vnsel vm13, $0x1D, v14;
	v23 =	vadd.s32 v6, v10  }
0x1e9: {  	v36 =	vcvt.f32.s32 v36;
	v18 =	vnsel vm14, $0x1D, v18;
	v27 =	vadd.s32 v6, v14  }
0x1ea: {  	v39 =	vcvt.f32.s32 v39;
	v19 =	vnsel vm15, $0x1D, v19;
	v29 =	vadd.s32 v6, v18  }
0x1eb: {  	v40 =	vcvt.f32.s32 v40;
	v22 =	vnsel vm4, $0x1D, v22;
	v34 =	vadd.s32 v6, v19  }
0x1ec: {  	v45 =	vcvt.f32.s32 v45;
	v26 =	vnsel vm5, $0x1D, v26;
	v35 =	vadd.s32 v6, v22;
	v21 =	vld.idx.msk [tilespmem:v21+s3+$0x0], $0xffff  }
0x1ed: {  	v47 =	vcvt.f32.s32 v47;
	v30 =	vnsel vm6, $0x1D, v30;
	v37 =	vadd.s32 v6, v26;
	v23 =	vld.idx.msk [tilespmem:v23+s3+$0x0], $0xffff  }
0x1ee: {  	v31 =	vnsel vm7, $0x1D, v31;
	v42 =	vadd.s32 v6, v30;
	vm8 =	vlt.s32 v36, $0x1D;
	v27 =	vld.idx.msk [tilespmem:v27+s3+$0x0], $0xffff  }
0x1ef: {  	v43 =	vadd.s32 v6, v31;
	vm9 =	vlt.s32 v39, $0x1D;
	v36 =	vnsel vm8, $0x1D, v36;
	v29 =	vld.idx.msk [tilespmem:v29+s3+$0x0], $0xffff  }
0x1f0: {  	vm1 =	vlt.s32 v40, $0x1D;
	v39 =	vnsel vm9, $0x1D, v39;
	v48 =	vadd.s32 v6, v36;
	v34 =	vld.idx.msk [tilespmem:v34+s3+$0x0], $0xffff  }
0x1f1: {  	vm10 =	vlt.s32 v45, $0x1D;
	v40 =	vnsel vm1, $0x1D, v40;
	v51 =	vadd.s32 v6, v39;
	v35 =	vld.idx.msk [tilespmem:v35+s3+$0x0], $0xffff  }
0x1f2: {  	v49 =	vcvt.f32.s32 v49;
	v45 =	vnsel vm10, $0x1D, v45;
	v52 =	vadd.s32 v6, v40;
	v37 =	vld.idx.msk [tilespmem:v37+s3+$0x0], $0xffff  }
0x1f3: {  	v50 =	vcvt.f32.s32 v50;
	vm11 =	vlt.s32 v47, $0x1D;
	v53 =	vadd.s32 v6, v45;
	v42 =	vld.idx.msk [tilespmem:v42+s3+$0x0], $0xffff  }
0x1f4: {  	vm12 =	vlt.s32 v49, $0x1D;
	v47 =	vnsel vm11, $0x1D, v47;
	v43 =	vld.idx.msk [tilespmem:v43+s3+$0x0], $0xffff  }
0x1f5: {  	vm13 =	vlt.s32 v50, $0x1D;
	v49 =	vnsel vm12, $0x1D, v49;
	v54 =	vadd.s32 v6, v47;
	v48 =	vld.idx.msk [tilespmem:v48+s3+$0x0], $0xffff  }
0x1f6: {  	v55 =	vadd.s32 v6, v49;
	v51 =	vld.idx.msk [tilespmem:v51+s3+$0x0], $0xffff;
	vm14 =	vge.f32 v12, v21;
	vm2 =	vge.f32 v13, v23  }
0x1f7: {  	v59 =	vld.idx.msk [tilespmem:v52+s3+$0x0], $0xffff;
	v12 =	vnsel vm13, $0x1D, v50;
	vm15 =	vge.f32 v11, v27;
	vm4 =	vge.f32 v15, v29  }
0x1f8: {  	v11 =	vld.idx.msk [tilespmem:v53+s3+$0x0], $0xffff;
	vm7 =	vge.f32 v16, v34;
	vm8 =	vge.f32 v17, v35;
	vm9 =	vge.f32 v20, v37  }
0x1f9: {  	vm10 =	vge.f32 v24, v42;
	vm11 =	vge.f32 v25, v43;
	v60 =	vadd.s32 v6, v12  }
0x1fa: {  	v61 =	vld.idx.msk [tilespmem:v54+s3+$0x0], $0xffff;
	v62 =	vsel vm14, $0x1, v2;
	v63 =	vsel vm2, $0x1, v2;
	v25 =	vsel vm15, $0x1, v2  }
0x1fb: {  	v27 =	vsel vm4, $0x1, v2;
	v29 =	vsel vm8, $0x1, v2;
	v35 =	vsel vm10, $0x1, v2  }
0x1fc: {  	vm6 =	vge.f32 v28, v48;
	vm5 =	vge.f32 v32, v51;
	vm3 =	vge.f32 v33, v59  }
0x1fd: {  	v28 =	vsel vm7, $0x1, v2;
	vm12 =	vge.f32 v38, v11;
	v11 =	vor.u32 v62, v7  }
0x1fe: {  	v13 =	vor.u32 v27, v7;
	v42 =	vsel vm6, $0x1, v2;
	v9 =	vadd.s32 v9, v11  }
0x1ff: {  	vm13 =	vge.f32 v41, v61;
	v13 =	vadd.s32 v18, v13;
	v48 =	vor.u32 v42, v7  }
0x200: {  	v34 =	vor.u32 v29, v7;
	v51 =	vadd.s32 v36, v48;
	v11 =	vor.u32 v63, v7  }
0x201: {  	v24 =	vld.idx.msk [tilespmem:v55+s3+$0x0], $0xffff;
	v41 =	vor.u32 v35, v7;
	v10 =	vadd.s32 v10, v11;
	v11 =	vor.u32 v25, v7  }
0x202: {  	v32 =	vor.u32 v28, v7;
	v55 =	vsel vm13, $0x1, v2;
	v15 =	vld.idx.msk [tilespmem:v60+s3+$0x0], $0xffff;
	v11 =	vadd.s32 v14, v11  }
0x203: {  	v33 =	vsel vm9, $0x1, v2;
	v58 =	vor.u32 v55, v7;
	[tilespmem:v9+s26+$0x0] =	vst.idx.add.f32.msk $0xffff, v3;
	v9 =	vadd.s32 v22, v34  }
0x204: {  	v37 =	vor.u32 v33, v7;
	v50 =	vsel vm3, $0x1, v2;
	v59 =	vadd.s32 v47, v58;
	[tilespmem:v13+s26+$0x0] =	vst.idx.add.f32.msk $0xffff, v3  }
0x205: {  	v54 =	vor.u32 v50, v7;
	v14 =	vadd.s32 v19, v32;
	[tilespmem:v51+s26+$0x0] =	vst.idx.add.f32.msk $0xffff, v3  }
0x206: {  	vm14 =	vge.f32 v44, v24;
	v44 =	vsel vm5, $0x1, v2;
	[tilespmem:v10+s26+$0x0] =	vst.idx.add.f32.msk $0xffff, v3;
	v10 =	vadd.s32 v26, v37  }
0x207: {  	v52 =	vor.u32 v44, v7;
	v57 =	vsel vm14, $0x1, v2;
	[tilespmem:v11+s26+$0x0] =	vst.idx.add.f32.msk $0xffff, v3;
	v11 =	vadd.s32 v30, v41  }
0x208: {  	v38 =	vsel vm11, $0x1, v2;
	v60 =	vor.u32 v57, v7;
	[tilespmem:v9+s26+$0x0] =	vst.idx.add.f32.msk $0xffff, v3;
	v9 =	vadd.s32 v39, v52  }
0x209: {  	v43 =	vor.u32 v38, v7;
	v62 =	vadd.s32 v49, v60;
	[tilespmem:v59+s26+$0x0] =	vst.idx.add.f32.msk $0xffff, v3  }
0x20a: {  	v53 =	vsel vm12, $0x1, v2;
	vm15 =	vge.f32 v46, v15;
	v46 =	vadd.s32 v31, v43;
	[tilespmem:v14+s26+$0x0] =	vst.idx.add.f32.msk $0xffff, v3  }
0x20b: {  	v56 =	vor.u32 v53, v7;
	v61 =	vsel vm15, $0x1, v2;
	[tilespmem:v10+s26+$0x0] =	vst.idx.add.f32.msk $0xffff, v3;
	v10 =	vadd.s32 v40, v54  }
0x20c: {  	v63 =	vor.u32 v61, v7;
	[tilespmem:v11+s26+$0x0] =	vst.idx.add.f32.msk $0xffff, v3;
	v11 =	vadd.s32 v45, v56  }
0x20d: {  	p1 =	por p0, p0;
	[tilespmem:v9+s26+$0x0] =	vst.idx.add.f32.msk $0xffff, v3;
	v9 =	vadd.s32 v12, v63  }
.Ltmp12:
0x20e: {  	[tilespmem:v62+s26+$0x0] =	vst.idx.add.f32.msk $0xffff, v3;
	(pc) =	sbr.rel @p1 .LBB2_23-.Ltmp12, $4  }
0x20f: {  	[tilespmem:v46+s26+$0x0] =	vst.idx.add.f32.msk $0xffff, v3  }
0x210: {  	[tilespmem:v10+s26+$0x0] =	vst.idx.add.f32.msk $0xffff, v3  }
0x211: {  	[tilespmem:v11+s26+$0x0] =	vst.idx.add.f32.msk $0xffff, v3  }
0x212: {  	p0 =	por $0x0, $0x0;
	s22 =	simm.s32 $0x10000;
	[tilespmem:v9+s26+$0x0] =	vst.idx.add.f32.msk $0xffff, v3  }
0x213: {  	s20 =	sor.u32 $0x10, s1  }
0x214: {  	v7 =	vor.u32 s20, v1;
	s20 =	sand.u32 $0x70, s20  }
0x215: {  	v6 =	vmul.u32 $0x1F, v7;
	v8 =	vmov s20  }
0x216: {  	v4 =	vld [tilespmem:s1+$0xF410]  }
0x217: {  	v5 =	vld [tilespmem:s1+$0xF810];
	s1 =	simm.s32 $0x0;
	p0 =	por $0x1, $0x1;
	v7 =	vmul.u32 $0x1E, v7;
	v6 =	vadd.s32 $0x1, v6  }
.LBB2_25:
0x218: {  	s1 =	sshra.s32 s1, $0x2  }
0x219: {  	s1 =	sadd.s32 s2, s1  }
0x21a: {  	v12 =	vld.idx.msk [tilespmem:v8+s1+$0xFC00 ss:$0x1], $0xffff  }
0x21b: {  	v13 =	vld.idx.msk [tilespmem:v8+s1+$0xFC80 ss:$0x1], $0xffff  }
0x21c: {  	v11 =	vld.idx.msk [tilespmem:v8+s1+$0xFD00 ss:$0x1], $0xffff  }
0x21d: {  	v15 =	vld.idx.msk [tilespmem:v8+s1+$0xFD80 ss:$0x1], $0xffff  }
0x21e: {  	v16 =	vld.idx.msk [tilespmem:v8+s1+$0xFE00 ss:$0x1], $0xffff  }
0x21f: {  	v17 =	vld.idx.msk [tilespmem:v8+s1+$0xFE80 ss:$0x1], $0xffff  }
0x220: {  	v20 =	vld.idx.msk [tilespmem:v8+s1+$0xFF00 ss:$0x1], $0xffff  }
0x221: {  	v24 =	vld.idx.msk [tilespmem:v8+s1+$0xFF80 ss:$0x1], $0xffff  }
0x222: {  	v25 =	vld.idx.msk [tilespmem:v8+s1+$0x11C00 ss:$0x1], $0xffff;
	s1 =	sadd.s32 s20, s1;
	v9 =	vsub.f32 v12, v4;
	v10 =	vsub.f32 v13, v4  }
0x223: {  	s1 =	sadd.s32 $0xFC00, s1;
	v14 =	vsub.f32 v11, v4;
	v18 =	vsub.f32 v15, v4  }
0x224: {  	v28 =	vld [tilespmem:s1+$0x2080];
	v19 =	vsub.f32 v16, v4;
	v22 =	vsub.f32 v17, v4  }
0x225: {  	v32 =	vld [tilespmem:s1+$0x2100];
	v26 =	vsub.f32 v20, v4;
	v9 =	vmul.f32 v9, v5;
	v10 =	vmul.f32 v10, v5  }
0x226: {  	v33 =	vld [tilespmem:s1+$0x2180];
	v30 =	vsub.f32 v24, v4;
	v14 =	vmul.f32 v14, v5;
	v18 =	vmul.f32 v18, v5  }
0x227: {  	v38 =	vld [tilespmem:s1+$0x2200];
	v31 =	vsub.f32 v25, v4;
	v19 =	vmul.f32 v19, v5;
	v22 =	vmul.f32 v22, v5  }
0x228: {  	v41 =	vld [tilespmem:s1+$0x2280];
	v26 =	vmul.f32 v26, v5;
	v30 =	vmul.f32 v30, v5  }
0x229: {  	v44 =	vld [tilespmem:s1+$0x2300];
	v31 =	vmul.f32 v31, v5;
	v36 =	vsub.f32 v28, v4;
	v9 =	vtrunc.f32 v9  }
0x22a: {  	v46 =	vld [tilespmem:s1+$0x2380];
	v39 =	vsub.f32 v32, v4;
	v10 =	vtrunc.f32 v10;
	v14 =	vtrunc.f32 v14  }
0x22b: {  	v40 =	vsub.f32 v33, v4;
	v18 =	vtrunc.f32 v18;
	v19 =	vtrunc.f32 v19  }
0x22c: {  	v45 =	vsub.f32 v38, v4;
	v22 =	vtrunc.f32 v22;
	v26 =	vtrunc.f32 v26  }
0x22d: {  	v47 =	vsub.f32 v41, v4;
	v30 =	vtrunc.f32 v30;
	v31 =	vtrunc.f32 v31  }
0x22e: {  	v49 =	vsub.f32 v44, v4;
	v36 =	vmul.f32 v36, v5;
	v39 =	vmul.f32 v39, v5  }
0x22f: {  	v50 =	vsub.f32 v46, v4;
	v40 =	vmul.f32 v40, v5;
	v45 =	vmul.f32 v45, v5  }
0x230: {  	v47 =	vmul.f32 v47, v5;
	v49 =	vmul.f32 v49, v5  }
0x231: {  	v50 =	vmul.f32 v50, v5;
	v9 =	vcvt.f32.s32 v9  }
0x232: {  	v10 =	vcvt.f32.s32 v10;
	v14 =	vcvt.f32.s32 v14  }
0x233: {  	v18 =	vcvt.f32.s32 v18;
	v19 =	vcvt.f32.s32 v19  }
0x234: {  	v22 =	vcvt.f32.s32 v22;
	v26 =	vcvt.f32.s32 v26  }
0x235: {  	v30 =	vcvt.f32.s32 v30;
	v31 =	vcvt.f32.s32 v31  }
0x236: {  	v36 =	vtrunc.f32 v36;
	v39 =	vtrunc.f32 v39  }
0x237: {  	v40 =	vtrunc.f32 v40;
	v45 =	vtrunc.f32 v45  }
0x238: {  	v47 =	vtrunc.f32 v47;
	v49 =	vtrunc.f32 v49  }
0x239: {  	v50 =	vtrunc.f32 v50;
	vm0 =	vlt.s32 v9, $0x1D;
	vm12 =	vlt.s32 v10, $0x1D  }
0x23a: {  	vm13 =	vlt.s32 v14, $0x1D;
	vm14 =	vlt.s32 v18, $0x1D;
	vm15 =	vlt.s32 v19, $0x1D  }
0x23b: {  	vm4 =	vlt.s32 v22, $0x1D;
	vm5 =	vlt.s32 v26, $0x1D;
	v9 =	vnsel vm0, $0x1D, v9  }
0x23c: {  	vm6 =	vlt.s32 v30, $0x1D;
	v10 =	vnsel vm12, $0x1D, v10;
	v21 =	vadd.s32 v6, v9  }
0x23d: {  	vm7 =	vlt.s32 v31, $0x1D;
	v14 =	vnsel vm13, $0x1D, v14;
	v23 =	vadd.s32 v6, v10  }
0x23e: {  	v36 =	vcvt.f32.s32 v36;
	v18 =	vnsel vm14, $0x1D, v18;
	v27 =	vadd.s32 v6, v14  }
0x23f: {  	v39 =	vcvt.f32.s32 v39;
	v19 =	vnsel vm15, $0x1D, v19;
	v29 =	vadd.s32 v6, v18  }
0x240: {  	v40 =	vcvt.f32.s32 v40;
	v22 =	vnsel vm4, $0x1D, v22;
	v34 =	vadd.s32 v6, v19  }
0x241: {  	v45 =	vcvt.f32.s32 v45;
	v26 =	vnsel vm5, $0x1D, v26;
	v35 =	vadd.s32 v6, v22;
	v21 =	vld.idx.msk [tilespmem:v21+s3+$0x0], $0xffff  }
0x242: {  	v47 =	vcvt.f32.s32 v47;
	v30 =	vnsel vm6, $0x1D, v30;
	v37 =	vadd.s32 v6, v26;
	v23 =	vld.idx.msk [tilespmem:v23+s3+$0x0], $0xffff  }
0x243: {  	v31 =	vnsel vm7, $0x1D, v31;
	v42 =	vadd.s32 v6, v30;
	vm8 =	vlt.s32 v36, $0x1D;
	v27 =	vld.idx.msk [tilespmem:v27+s3+$0x0], $0xffff  }
0x244: {  	v43 =	vadd.s32 v6, v31;
	vm9 =	vlt.s32 v39, $0x1D;
	v36 =	vnsel vm8, $0x1D, v36;
	v29 =	vld.idx.msk [tilespmem:v29+s3+$0x0], $0xffff  }
0x245: {  	vm1 =	vlt.s32 v40, $0x1D;
	v39 =	vnsel vm9, $0x1D, v39;
	v48 =	vadd.s32 v6, v36;
	v34 =	vld.idx.msk [tilespmem:v34+s3+$0x0], $0xffff  }
0x246: {  	vm10 =	vlt.s32 v45, $0x1D;
	v40 =	vnsel vm1, $0x1D, v40;
	v51 =	vadd.s32 v6, v39;
	v35 =	vld.idx.msk [tilespmem:v35+s3+$0x0], $0xffff  }
0x247: {  	v49 =	vcvt.f32.s32 v49;
	v45 =	vnsel vm10, $0x1D, v45;
	v52 =	vadd.s32 v6, v40;
	v37 =	vld.idx.msk [tilespmem:v37+s3+$0x0], $0xffff  }
0x248: {  	v50 =	vcvt.f32.s32 v50;
	vm11 =	vlt.s32 v47, $0x1D;
	v53 =	vadd.s32 v6, v45;
	v42 =	vld.idx.msk [tilespmem:v42+s3+$0x0], $0xffff  }
0x249: {  	vm12 =	vlt.s32 v49, $0x1D;
	v47 =	vnsel vm11, $0x1D, v47;
	v43 =	vld.idx.msk [tilespmem:v43+s3+$0x0], $0xffff  }
0x24a: {  	vm13 =	vlt.s32 v50, $0x1D;
	v49 =	vnsel vm12, $0x1D, v49;
	v54 =	vadd.s32 v6, v47;
	v48 =	vld.idx.msk [tilespmem:v48+s3+$0x0], $0xffff  }
0x24b: {  	v55 =	vadd.s32 v6, v49;
	v51 =	vld.idx.msk [tilespmem:v51+s3+$0x0], $0xffff;
	vm14 =	vge.f32 v12, v21;
	vm2 =	vge.f32 v13, v23  }
0x24c: {  	v59 =	vld.idx.msk [tilespmem:v52+s3+$0x0], $0xffff;
	v12 =	vnsel vm13, $0x1D, v50;
	vm15 =	vge.f32 v11, v27;
	vm4 =	vge.f32 v15, v29  }
0x24d: {  	v11 =	vld.idx.msk [tilespmem:v53+s3+$0x0], $0xffff;
	vm7 =	vge.f32 v16, v34;
	vm8 =	vge.f32 v17, v35;
	vm9 =	vge.f32 v20, v37  }
0x24e: {  	vm10 =	vge.f32 v24, v42;
	vm11 =	vge.f32 v25, v43;
	v60 =	vadd.s32 v6, v12  }
0x24f: {  	v61 =	vld.idx.msk [tilespmem:v54+s3+$0x0], $0xffff;
	v62 =	vsel vm14, $0x1, v2;
	v63 =	vsel vm2, $0x1, v2;
	v25 =	vsel vm15, $0x1, v2  }
0x250: {  	v27 =	vsel vm4, $0x1, v2;
	v29 =	vsel vm8, $0x1, v2;
	v35 =	vsel vm10, $0x1, v2  }
0x251: {  	vm6 =	vge.f32 v28, v48;
	vm5 =	vge.f32 v32, v51;
	vm3 =	vge.f32 v33, v59  }
0x252: {  	v28 =	vsel vm7, $0x1, v2;
	vm12 =	vge.f32 v38, v11;
	v11 =	vor.u32 v62, v7  }
0x253: {  	v13 =	vor.u32 v27, v7;
	v42 =	vsel vm6, $0x1, v2;
	v9 =	vadd.s32 v9, v11  }
0x254: {  	vm13 =	vge.f32 v41, v61;
	v13 =	vadd.s32 v18, v13;
	v48 =	vor.u32 v42, v7  }
0x255: {  	v34 =	vor.u32 v29, v7;
	v51 =	vadd.s32 v36, v48;
	v11 =	vor.u32 v63, v7  }
0x256: {  	v24 =	vld.idx.msk [tilespmem:v55+s3+$0x0], $0xffff;
	v41 =	vor.u32 v35, v7;
	v10 =	vadd.s32 v10, v11;
	v11 =	vor.u32 v25, v7  }
0x257: {  	v32 =	vor.u32 v28, v7;
	v55 =	vsel vm13, $0x1, v2;
	v15 =	vld.idx.msk [tilespmem:v60+s3+$0x0], $0xffff;
	v11 =	vadd.s32 v14, v11  }
0x258: {  	v33 =	vsel vm9, $0x1, v2;
	v58 =	vor.u32 v55, v7;
	[tilespmem:v9+s26+$0x0] =	vst.idx.add.f32.msk $0xffff, v3;
	v9 =	vadd.s32 v22, v34  }
0x259: {  	v37 =	vor.u32 v33, v7;
	v50 =	vsel vm3, $0x1, v2;
	v59 =	vadd.s32 v47, v58;
	[tilespmem:v13+s26+$0x0] =	vst.idx.add.f32.msk $0xffff, v3  }
0x25a: {  	v54 =	vor.u32 v50, v7;
	v14 =	vadd.s32 v19, v32;
	[tilespmem:v51+s26+$0x0] =	vst.idx.add.f32.msk $0xffff, v3  }
0x25b: {  	vm14 =	vge.f32 v44, v24;
	v44 =	vsel vm5, $0x1, v2;
	[tilespmem:v10+s26+$0x0] =	vst.idx.add.f32.msk $0xffff, v3;
	v10 =	vadd.s32 v26, v37  }
0x25c: {  	v52 =	vor.u32 v44, v7;
	v57 =	vsel vm14, $0x1, v2;
	[tilespmem:v11+s26+$0x0] =	vst.idx.add.f32.msk $0xffff, v3;
	v11 =	vadd.s32 v30, v41  }
0x25d: {  	v38 =	vsel vm11, $0x1, v2;
	v60 =	vor.u32 v57, v7;
	[tilespmem:v9+s26+$0x0] =	vst.idx.add.f32.msk $0xffff, v3;
	v9 =	vadd.s32 v39, v52  }
0x25e: {  	v43 =	vor.u32 v38, v7;
	v62 =	vadd.s32 v49, v60;
	[tilespmem:v59+s26+$0x0] =	vst.idx.add.f32.msk $0xffff, v3  }
0x25f: {  	v53 =	vsel vm12, $0x1, v2;
	vm15 =	vge.f32 v46, v15;
	v46 =	vadd.s32 v31, v43;
	[tilespmem:v14+s26+$0x0] =	vst.idx.add.f32.msk $0xffff, v3  }
0x260: {  	v56 =	vor.u32 v53, v7;
	v61 =	vsel vm15, $0x1, v2;
	[tilespmem:v10+s26+$0x0] =	vst.idx.add.f32.msk $0xffff, v3;
	v10 =	vadd.s32 v40, v54  }
0x261: {  	v63 =	vor.u32 v61, v7;
	[tilespmem:v11+s26+$0x0] =	vst.idx.add.f32.msk $0xffff, v3;
	v11 =	vadd.s32 v45, v56  }
0x262: {  	p1 =	por p0, p0;
	[tilespmem:v9+s26+$0x0] =	vst.idx.add.f32.msk $0xffff, v3;
	v9 =	vadd.s32 v12, v63  }
.Ltmp13:
0x263: {  	[tilespmem:v62+s26+$0x0] =	vst.idx.add.f32.msk $0xffff, v3;
	(pc) =	sbr.rel @p1 .LBB2_25-.Ltmp13, $4  }
0x264: {  	[tilespmem:v46+s26+$0x0] =	vst.idx.add.f32.msk $0xffff, v3  }
0x265: {  	[tilespmem:v10+s26+$0x0] =	vst.idx.add.f32.msk $0xffff, v3  }
0x266: {  	[tilespmem:v11+s26+$0x0] =	vst.idx.add.f32.msk $0xffff, v3  }
0x267: {  	p0 =	por $0x0, $0x0;
	s1 =	simm.s32 $0x10000;
	[tilespmem:v9+s26+$0x0] =	vst.idx.add.f32.msk $0xffff, v3  }
0x268: {  	p0 =	slt.u32 s0, $0x3E  }
.Ltmp14:
0x269: {  	_ = 	snop;
	(pc) =	sbr.rel @p0 .LBB2_22-.Ltmp14, $3  }
0x26a: {  	_ =	sdelay $0x1  }
0x26b: {  	s1 =	sadd.s32 $0x2, s0  }
0x26c: {  	s0 =	smov.u32 s1  }
0x26d: {  	s31 =	sshll.u32 s30, $0xD;
	p0 =	seq.s32 s30, $0xF  }
0x26e: {  	s0 =	sadd.s32 @!p0 s31, s16;
	s1 =	simm.s32 @!p0 $0x0;
	s2 =	simm.s32 @!p0 $0xFC00  }
0x26f: {  	[tilespmem:s2], [sflag:$0x1] =	stream.linear.gather @!p0 [hbm4b:s0+s1], $0x8000, $0x38;
	[tilespmem:$0x1FC00] =	vst v63  }
0x270: {  	_ =	swait.ge [sflag:s28], $0x8000  }
0x271: {  	[sflag:s28] =	ssyncset.done $0x0  }
0x272: {  	s0 =	simm.s32 $0x0;
	[sflag:s28] =	ssyncadd.s32 $0xFFFF8000  }
.LBB2_28:
0x273: {  	s1 =	sshll.u32 s0, $0x4  }
0x274: {  	v7 =	vor.u32 s1, v1;
	s20 =	sand.u32 $0x60, s1  }
0x275: {  	v6 =	vmul.u32 $0x1F, v7;
	v8 =	vmov s20  }
0x276: {  	s2 =	sshll.u32 s0, $0x7;
	v4 =	vld [tilespmem:s1+$0xF400]  }
0x277: {  	p1 =	por $0x1, $0x1;
	s22 =	simm.s32 $0x0;
	v5 =	vld [tilespmem:s1+$0xF800];
	s2 =	sand.u32 $0x1C00, s2;
	v7 =	vmul.u32 $0x1E, v7;
	v6 =	vadd.s32 $0x1, v6  }
.LBB2_29:
0x278: {  	s22 =	sshra.s32 s22, $0x2  }
0x279: {  	s23 =	sadd.s32 s2, s22  }
0x27a: {  	s22 =	sadd.s32 s20, s23;
	v12 =	vld.idx.msk [tilespmem:v8+s23+$0x17C00 ss:$0x1], $0xffff  }
0x27b: {  	v25 =	vld.idx.msk [tilespmem:v8+s23+$0x19C00 ss:$0x1], $0xffff;
	s22 =	sadd.s32 $0x17C00, s22  }
0x27c: {  	v13 =	vld [tilespmem:s22+$0x80]  }
0x27d: {  	v11 =	vld [tilespmem:s22+$0x100]  }
0x27e: {  	v15 =	vld [tilespmem:s22+$0x180]  }
0x27f: {  	v16 =	vld [tilespmem:s22+$0x200]  }
0x280: {  	v17 =	vld [tilespmem:s22+$0x280]  }
0x281: {  	v20 =	vld [tilespmem:s22+$0x300]  }
0x282: {  	v24 =	vld [tilespmem:s22+$0x380]  }
0x283: {  	v28 =	vld [tilespmem:s22+$0x2080];
	v9 =	vsub.f32 v12, v4  }
0x284: {  	v32 =	vld [tilespmem:s22+$0x2100];
	v31 =	vsub.f32 v25, v4;
	v10 =	vsub.f32 v13, v4  }
0x285: {  	v33 =	vld [tilespmem:s22+$0x2180];
	v14 =	vsub.f32 v11, v4;
	v18 =	vsub.f32 v15, v4  }
0x286: {  	v38 =	vld [tilespmem:s22+$0x2200];
	v19 =	vsub.f32 v16, v4;
	v22 =	vsub.f32 v17, v4  }
0x287: {  	v41 =	vld [tilespmem:s22+$0x2280];
	v9 =	vmul.f32 v9, v5;
	v26 =	vsub.f32 v20, v4;
	v30 =	vsub.f32 v24, v4  }
0x288: {  	v44 =	vld [tilespmem:s22+$0x2300];
	v31 =	vmul.f32 v31, v5;
	v36 =	vsub.f32 v28, v4;
	v10 =	vmul.f32 v10, v5  }
0x289: {  	v39 =	vsub.f32 v32, v4;
	v9 =	vtrunc.f32 v9;
	v14 =	vmul.f32 v14, v5  }
0x28a: {  	v40 =	vsub.f32 v33, v4;
	v18 =	vmul.f32 v18, v5;
	v19 =	vmul.f32 v19, v5  }
0x28b: {  	v45 =	vsub.f32 v38, v4;
	v22 =	vmul.f32 v22, v5;
	v26 =	vmul.f32 v26, v5  }
0x28c: {  	v47 =	vsub.f32 v41, v4;
	v30 =	vmul.f32 v30, v5;
	v31 =	vtrunc.f32 v31  }
0x28d: {  	v49 =	vsub.f32 v44, v4;
	v36 =	vmul.f32 v36, v5;
	v39 =	vmul.f32 v39, v5  }
0x28e: {  	v40 =	vmul.f32 v40, v5;
	v45 =	vmul.f32 v45, v5  }
0x28f: {  	v47 =	vmul.f32 v47, v5;
	v49 =	vmul.f32 v49, v5  }
0x290: {  	v9 =	vcvt.f32.s32 v9;
	v31 =	vcvt.f32.s32 v31  }
0x291: {  	v10 =	vtrunc.f32 v10;
	v14 =	vtrunc.f32 v14  }
0x292: {  	v18 =	vtrunc.f32 v18;
	v19 =	vtrunc.f32 v19  }
0x293: {  	v22 =	vtrunc.f32 v22;
	v26 =	vtrunc.f32 v26  }
0x294: {  	v46 =	vld [tilespmem:s22+$0x2380];
	v30 =	vtrunc.f32 v30;
	v36 =	vtrunc.f32 v36  }
0x295: {  	v39 =	vtrunc.f32 v39;
	v40 =	vtrunc.f32 v40  }
0x296: {  	v45 =	vtrunc.f32 v45;
	v47 =	vtrunc.f32 v47  }
0x297: {  	v10 =	vcvt.f32.s32 v10;
	v14 =	vcvt.f32.s32 v14  }
0x298: {  	v18 =	vcvt.f32.s32 v18;
	v19 =	vcvt.f32.s32 v19  }
0x299: {  	v50 =	vsub.f32 v46, v4;
	v22 =	vcvt.f32.s32 v22;
	v26 =	vcvt.f32.s32 v26  }
0x29a: {  	vm0 =	vlt.s32 v9, $0x1D;
	v30 =	vcvt.f32.s32 v30;
	v36 =	vcvt.f32.s32 v36  }
0x29b: {  	vm7 =	vlt.s32 v31, $0x1D;
	v39 =	vcvt.f32.s32 v39;
	v40 =	vcvt.f32.s32 v40  }
0x29c: {  	v45 =	vcvt.f32.s32 v45;
	v47 =	vcvt.f32.s32 v47;
	v9 =	vnsel vm0, $0x1D, v9  }
0x29d: {  	v31 =	vnsel vm7, $0x1D, v31;
	vm12 =	vlt.s32 v10, $0x1D;
	v21 =	vadd.s32 v6, v9  }
0x29e: {  	vm13 =	vlt.s32 v14, $0x1D;
	v43 =	vadd.s32 v6, v31;
	v10 =	vnsel vm12, $0x1D, v10  }
0x29f: {  	vm14 =	vlt.s32 v18, $0x1D;
	v14 =	vnsel vm13, $0x1D, v14;
	v23 =	vadd.s32 v6, v10  }
0x2a0: {  	vm15 =	vlt.s32 v19, $0x1D;
	v18 =	vnsel vm14, $0x1D, v18;
	v27 =	vadd.s32 v6, v14  }
0x2a1: {  	vm4 =	vlt.s32 v22, $0x1D;
	v19 =	vnsel vm15, $0x1D, v19;
	v29 =	vadd.s32 v6, v18  }
0x2a2: {  	vm5 =	vlt.s32 v26, $0x1D;
	v22 =	vnsel vm4, $0x1D, v22;
	v34 =	vadd.s32 v6, v19;
	v21 =	vld.idx.msk [tilespmem:v21+s3+$0x0], $0xffff  }
0x2a3: {  	vm6 =	vlt.s32 v30, $0x1D;
	v26 =	vnsel vm5, $0x1D, v26;
	v35 =	vadd.s32 v6, v22;
	v43 =	vld.idx.msk [tilespmem:v43+s3+$0x0], $0xffff  }
0x2a4: {  	vm8 =	vlt.s32 v36, $0x1D;
	v30 =	vnsel vm6, $0x1D, v30;
	v37 =	vadd.s32 v6, v26;
	v23 =	vld.idx.msk [tilespmem:v23+s3+$0x0], $0xffff  }
0x2a5: {  	vm9 =	vlt.s32 v39, $0x1D;
	v36 =	vnsel vm8, $0x1D, v36;
	v42 =	vadd.s32 v6, v30;
	v27 =	vld.idx.msk [tilespmem:v27+s3+$0x0], $0xffff  }
0x2a6: {  	vm1 =	vlt.s32 v40, $0x1D;
	v39 =	vnsel vm9, $0x1D, v39;
	v48 =	vadd.s32 v6, v36;
	v29 =	vld.idx.msk [tilespmem:v29+s3+$0x0], $0xffff  }
0x2a7: {  	vm11 =	vlt.s32 v47, $0x1D;
	v40 =	vnsel vm1, $0x1D, v40;
	v51 =	vadd.s32 v6, v39;
	v34 =	vld.idx.msk [tilespmem:v34+s3+$0x0], $0xffff  }
0x2a8: {  	v50 =	vmul.f32 v50, v5;
	v47 =	vnsel vm11, $0x1D, v47;
	v52 =	vadd.s32 v6, v40;
	v35 =	vld.idx.msk [tilespmem:v35+s3+$0x0], $0xffff  }
0x2a9: {  	v49 =	vtrunc.f32 v49;
	vm10 =	vlt.s32 v45, $0x1D;
	v54 =	vadd.s32 v6, v47;
	v37 =	vld.idx.msk [tilespmem:v37+s3+$0x0], $0xffff  }
0x2aa: {  	v50 =	vtrunc.f32 v50;
	v49 =	vcvt.f32.s32 v49;
	v45 =	vnsel vm10, $0x1D, v45;
	v42 =	vld.idx.msk [tilespmem:v42+s3+$0x0], $0xffff  }
0x2ab: {  	v50 =	vcvt.f32.s32 v50;
	v53 =	vadd.s32 v6, v45;
	v48 =	vld.idx.msk [tilespmem:v48+s3+$0x0], $0xffff  }
0x2ac: {  	vm12 =	vlt.s32 v49, $0x1D;
	v51 =	vld.idx.msk [tilespmem:v51+s3+$0x0], $0xffff  }
0x2ad: {  	vm13 =	vlt.s32 v50, $0x1D;
	v49 =	vnsel vm12, $0x1D, v49;
	v59 =	vld.idx.msk [tilespmem:v52+s3+$0x0], $0xffff  }
0x2ae: {  	v55 =	vadd.s32 v6, v49;
	v61 =	vld.idx.msk [tilespmem:v54+s3+$0x0], $0xffff;
	vm14 =	vge.f32 v12, v21;
	v12 =	vnsel vm13, $0x1D, v50  }
0x2af: {  	vm11 =	vge.f32 v25, v43;
	v60 =	vadd.s32 v6, v12;
	v62 =	vsel vm14, $0x1, v2  }
0x2b0: {  	vm2 =	vge.f32 v13, v23;
	vm15 =	vge.f32 v11, v27;
	vm4 =	vge.f32 v15, v29;
	v11 =	vld.idx.msk [tilespmem:v53+s3+$0x0], $0xffff  }
0x2b1: {  	vm7 =	vge.f32 v16, v34;
	vm8 =	vge.f32 v17, v35;
	vm9 =	vge.f32 v20, v37  }
0x2b2: {  	vm10 =	vge.f32 v24, v42;
	vm6 =	vge.f32 v28, v48;
	vm5 =	vge.f32 v32, v51  }
0x2b3: {  	vm3 =	vge.f32 v33, v59;
	vm13 =	vge.f32 v41, v61;
	v63 =	vsel vm2, $0x1, v2  }
0x2b4: {  	v25 =	vsel vm15, $0x1, v2;
	v27 =	vsel vm4, $0x1, v2;
	v28 =	vsel vm7, $0x1, v2  }
0x2b5: {  	v29 =	vsel vm8, $0x1, v2;
	vm12 =	vge.f32 v38, v11;
	v11 =	vor.u32 v62, v7  }
0x2b6: {  	v42 =	vsel vm6, $0x1, v2;
	v13 =	vor.u32 v27, v7;
	v9 =	vadd.s32 v9, v11  }
0x2b7: {  	v33 =	vsel vm9, $0x1, v2;
	v48 =	vor.u32 v42, v7;
	v13 =	vadd.s32 v18, v13  }
0x2b8: {  	v24 =	vld.idx.msk [tilespmem:v55+s3+$0x0], $0xffff;
	v55 =	vsel vm13, $0x1, v2;
	v51 =	vadd.s32 v36, v48;
	v11 =	vor.u32 v63, v7  }
0x2b9: {  	v32 =	vor.u32 v28, v7;
	v10 =	vadd.s32 v10, v11;
	v11 =	vor.u32 v25, v7  }
0x2ba: {  	v34 =	vor.u32 v29, v7;
	v37 =	vor.u32 v33, v7;
	v15 =	vld.idx.msk [tilespmem:v60+s3+$0x0], $0xffff;
	v11 =	vadd.s32 v14, v11  }
0x2bb: {  	v35 =	vsel vm10, $0x1, v2;
	v58 =	vor.u32 v55, v7;
	[tilespmem:v9+s26+$0x0] =	vst.idx.add.f32.msk $0xffff, v3;
	v9 =	vadd.s32 v22, v34  }
0x2bc: {  	v50 =	vsel vm3, $0x1, v2;
	v41 =	vor.u32 v35, v7;
	v59 =	vadd.s32 v47, v58;
	[tilespmem:v13+s26+$0x0] =	vst.idx.add.f32.msk $0xffff, v3  }
0x2bd: {  	v54 =	vor.u32 v50, v7;
	v14 =	vadd.s32 v19, v32;
	[tilespmem:v51+s26+$0x0] =	vst.idx.add.f32.msk $0xffff, v3  }
0x2be: {  	vm14 =	vge.f32 v44, v24;
	v44 =	vsel vm5, $0x1, v2;
	[tilespmem:v10+s26+$0x0] =	vst.idx.add.f32.msk $0xffff, v3;
	v10 =	vadd.s32 v26, v37  }
0x2bf: {  	v52 =	vor.u32 v44, v7;
	v57 =	vsel vm14, $0x1, v2;
	[tilespmem:v11+s26+$0x0] =	vst.idx.add.f32.msk $0xffff, v3;
	v11 =	vadd.s32 v30, v41  }
0x2c0: {  	v38 =	vsel vm11, $0x1, v2;
	v60 =	vor.u32 v57, v7;
	[tilespmem:v9+s26+$0x0] =	vst.idx.add.f32.msk $0xffff, v3;
	v9 =	vadd.s32 v39, v52  }
0x2c1: {  	v43 =	vor.u32 v38, v7;
	v62 =	vadd.s32 v49, v60;
	[tilespmem:v59+s26+$0x0] =	vst.idx.add.f32.msk $0xffff, v3  }
0x2c2: {  	v53 =	vsel vm12, $0x1, v2;
	vm15 =	vge.f32 v46, v15;
	v46 =	vadd.s32 v31, v43;
	[tilespmem:v14+s26+$0x0] =	vst.idx.add.f32.msk $0xffff, v3  }
0x2c3: {  	v56 =	vor.u32 v53, v7;
	v61 =	vsel vm15, $0x1, v2;
	[tilespmem:v10+s26+$0x0] =	vst.idx.add.f32.msk $0xffff, v3;
	v10 =	vadd.s32 v40, v54  }
0x2c4: {  	v63 =	vor.u32 v61, v7;
	[tilespmem:v11+s26+$0x0] =	vst.idx.add.f32.msk $0xffff, v3;
	v11 =	vadd.s32 v45, v56  }
0x2c5: {  	p2 =	por p1, p1;
	[tilespmem:v9+s26+$0x0] =	vst.idx.add.f32.msk $0xffff, v3;
	v9 =	vadd.s32 v12, v63  }
.Ltmp15:
0x2c6: {  	[tilespmem:v62+s26+$0x0] =	vst.idx.add.f32.msk $0xffff, v3;
	(pc) =	sbr.rel @p2 .LBB2_29-.Ltmp15, $4  }
0x2c7: {  	[tilespmem:v46+s26+$0x0] =	vst.idx.add.f32.msk $0xffff, v3  }
0x2c8: {  	[tilespmem:v10+s26+$0x0] =	vst.idx.add.f32.msk $0xffff, v3  }
0x2c9: {  	[tilespmem:v11+s26+$0x0] =	vst.idx.add.f32.msk $0xffff, v3  }
0x2ca: {  	p1 =	por $0x0, $0x0;
	s22 =	simm.s32 $0x10000;
	[tilespmem:v9+s26+$0x0] =	vst.idx.add.f32.msk $0xffff, v3  }
0x2cb: {  	s20 =	sor.u32 $0x10, s1  }
0x2cc: {  	v7 =	vor.u32 s20, v1;
	s20 =	sand.u32 $0x70, s20  }
0x2cd: {  	v6 =	vmul.u32 $0x1F, v7;
	v8 =	vmov s20  }
0x2ce: {  	v4 =	vld [tilespmem:s1+$0xF410]  }
0x2cf: {  	v5 =	vld [tilespmem:s1+$0xF810];
	s1 =	simm.s32 $0x0;
	p1 =	por $0x1, $0x1;
	v7 =	vmul.u32 $0x1E, v7;
	v6 =	vadd.s32 $0x1, v6  }
.LBB2_31:
0x2d0: {  	s1 =	sshra.s32 s1, $0x2  }
0x2d1: {  	s22 =	sadd.s32 s2, s1  }
0x2d2: {  	s1 =	sadd.s32 s20, s22;
	v12 =	vld.idx.msk [tilespmem:v8+s22+$0x17C00 ss:$0x1], $0xffff  }
0x2d3: {  	v25 =	vld.idx.msk [tilespmem:v8+s22+$0x19C00 ss:$0x1], $0xffff;
	s1 =	sadd.s32 $0x17C00, s1  }
0x2d4: {  	v13 =	vld [tilespmem:s1+$0x80]  }
0x2d5: {  	v11 =	vld [tilespmem:s1+$0x100]  }
0x2d6: {  	v15 =	vld [tilespmem:s1+$0x180]  }
0x2d7: {  	v16 =	vld [tilespmem:s1+$0x200]  }
0x2d8: {  	v17 =	vld [tilespmem:s1+$0x280]  }
0x2d9: {  	v20 =	vld [tilespmem:s1+$0x300]  }
0x2da: {  	v24 =	vld [tilespmem:s1+$0x380]  }
0x2db: {  	v28 =	vld [tilespmem:s1+$0x2080];
	v9 =	vsub.f32 v12, v4  }
0x2dc: {  	v32 =	vld [tilespmem:s1+$0x2100];
	v31 =	vsub.f32 v25, v4;
	v10 =	vsub.f32 v13, v4  }
0x2dd: {  	v33 =	vld [tilespmem:s1+$0x2180];
	v14 =	vsub.f32 v11, v4;
	v18 =	vsub.f32 v15, v4  }
0x2de: {  	v38 =	vld [tilespmem:s1+$0x2200];
	v19 =	vsub.f32 v16, v4;
	v22 =	vsub.f32 v17, v4  }
0x2df: {  	v41 =	vld [tilespmem:s1+$0x2280];
	v9 =	vmul.f32 v9, v5;
	v26 =	vsub.f32 v20, v4;
	v30 =	vsub.f32 v24, v4  }
0x2e0: {  	v44 =	vld [tilespmem:s1+$0x2300];
	v31 =	vmul.f32 v31, v5;
	v36 =	vsub.f32 v28, v4;
	v10 =	vmul.f32 v10, v5  }
0x2e1: {  	v39 =	vsub.f32 v32, v4;
	v9 =	vtrunc.f32 v9;
	v14 =	vmul.f32 v14, v5  }
0x2e2: {  	v40 =	vsub.f32 v33, v4;
	v18 =	vmul.f32 v18, v5;
	v19 =	vmul.f32 v19, v5  }
0x2e3: {  	v45 =	vsub.f32 v38, v4;
	v22 =	vmul.f32 v22, v5;
	v26 =	vmul.f32 v26, v5  }
0x2e4: {  	v47 =	vsub.f32 v41, v4;
	v30 =	vmul.f32 v30, v5;
	v31 =	vtrunc.f32 v31  }
0x2e5: {  	v49 =	vsub.f32 v44, v4;
	v36 =	vmul.f32 v36, v5;
	v39 =	vmul.f32 v39, v5  }
0x2e6: {  	v40 =	vmul.f32 v40, v5;
	v45 =	vmul.f32 v45, v5  }
0x2e7: {  	v47 =	vmul.f32 v47, v5;
	v49 =	vmul.f32 v49, v5  }
0x2e8: {  	v9 =	vcvt.f32.s32 v9;
	v31 =	vcvt.f32.s32 v31  }
0x2e9: {  	v10 =	vtrunc.f32 v10;
	v14 =	vtrunc.f32 v14  }
0x2ea: {  	v18 =	vtrunc.f32 v18;
	v19 =	vtrunc.f32 v19  }
0x2eb: {  	v22 =	vtrunc.f32 v22;
	v26 =	vtrunc.f32 v26  }
0x2ec: {  	v46 =	vld [tilespmem:s1+$0x2380];
	v30 =	vtrunc.f32 v30;
	v36 =	vtrunc.f32 v36  }
0x2ed: {  	v39 =	vtrunc.f32 v39;
	v40 =	vtrunc.f32 v40  }
0x2ee: {  	v45 =	vtrunc.f32 v45;
	v47 =	vtrunc.f32 v47  }
0x2ef: {  	v10 =	vcvt.f32.s32 v10;
	v14 =	vcvt.f32.s32 v14  }
0x2f0: {  	v18 =	vcvt.f32.s32 v18;
	v19 =	vcvt.f32.s32 v19  }
0x2f1: {  	v50 =	vsub.f32 v46, v4;
	v22 =	vcvt.f32.s32 v22;
	v26 =	vcvt.f32.s32 v26  }
0x2f2: {  	vm0 =	vlt.s32 v9, $0x1D;
	v30 =	vcvt.f32.s32 v30;
	v36 =	vcvt.f32.s32 v36  }
0x2f3: {  	vm7 =	vlt.s32 v31, $0x1D;
	v39 =	vcvt.f32.s32 v39;
	v40 =	vcvt.f32.s32 v40  }
0x2f4: {  	v45 =	vcvt.f32.s32 v45;
	v47 =	vcvt.f32.s32 v47;
	v9 =	vnsel vm0, $0x1D, v9  }
0x2f5: {  	v31 =	vnsel vm7, $0x1D, v31;
	vm12 =	vlt.s32 v10, $0x1D;
	v21 =	vadd.s32 v6, v9  }
0x2f6: {  	vm13 =	vlt.s32 v14, $0x1D;
	v43 =	vadd.s32 v6, v31;
	v10 =	vnsel vm12, $0x1D, v10  }
0x2f7: {  	vm14 =	vlt.s32 v18, $0x1D;
	v14 =	vnsel vm13, $0x1D, v14;
	v23 =	vadd.s32 v6, v10  }
0x2f8: {  	vm15 =	vlt.s32 v19, $0x1D;
	v18 =	vnsel vm14, $0x1D, v18;
	v27 =	vadd.s32 v6, v14  }
0x2f9: {  	vm4 =	vlt.s32 v22, $0x1D;
	v19 =	vnsel vm15, $0x1D, v19;
	v29 =	vadd.s32 v6, v18  }
0x2fa: {  	vm5 =	vlt.s32 v26, $0x1D;
	v22 =	vnsel vm4, $0x1D, v22;
	v34 =	vadd.s32 v6, v19;
	v21 =	vld.idx.msk [tilespmem:v21+s3+$0x0], $0xffff  }
0x2fb: {  	vm6 =	vlt.s32 v30, $0x1D;
	v26 =	vnsel vm5, $0x1D, v26;
	v35 =	vadd.s32 v6, v22;
	v43 =	vld.idx.msk [tilespmem:v43+s3+$0x0], $0xffff  }
0x2fc: {  	vm8 =	vlt.s32 v36, $0x1D;
	v30 =	vnsel vm6, $0x1D, v30;
	v37 =	vadd.s32 v6, v26;
	v23 =	vld.idx.msk [tilespmem:v23+s3+$0x0], $0xffff  }
0x2fd: {  	vm9 =	vlt.s32 v39, $0x1D;
	v36 =	vnsel vm8, $0x1D, v36;
	v42 =	vadd.s32 v6, v30;
	v27 =	vld.idx.msk [tilespmem:v27+s3+$0x0], $0xffff  }
0x2fe: {  	vm1 =	vlt.s32 v40, $0x1D;
	v39 =	vnsel vm9, $0x1D, v39;
	v48 =	vadd.s32 v6, v36;
	v29 =	vld.idx.msk [tilespmem:v29+s3+$0x0], $0xffff  }
0x2ff: {  	vm11 =	vlt.s32 v47, $0x1D;
	v40 =	vnsel vm1, $0x1D, v40;
	v51 =	vadd.s32 v6, v39;
	v34 =	vld.idx.msk [tilespmem:v34+s3+$0x0], $0xffff  }
0x300: {  	v50 =	vmul.f32 v50, v5;
	v47 =	vnsel vm11, $0x1D, v47;
	v52 =	vadd.s32 v6, v40;
	v35 =	vld.idx.msk [tilespmem:v35+s3+$0x0], $0xffff  }
0x301: {  	v49 =	vtrunc.f32 v49;
	vm10 =	vlt.s32 v45, $0x1D;
	v54 =	vadd.s32 v6, v47;
	v37 =	vld.idx.msk [tilespmem:v37+s3+$0x0], $0xffff  }
0x302: {  	v50 =	vtrunc.f32 v50;
	v49 =	vcvt.f32.s32 v49;
	v45 =	vnsel vm10, $0x1D, v45;
	v42 =	vld.idx.msk [tilespmem:v42+s3+$0x0], $0xffff  }
0x303: {  	v50 =	vcvt.f32.s32 v50;
	v53 =	vadd.s32 v6, v45;
	v48 =	vld.idx.msk [tilespmem:v48+s3+$0x0], $0xffff  }
0x304: {  	vm12 =	vlt.s32 v49, $0x1D;
	v51 =	vld.idx.msk [tilespmem:v51+s3+$0x0], $0xffff  }
0x305: {  	vm13 =	vlt.s32 v50, $0x1D;
	v49 =	vnsel vm12, $0x1D, v49;
	v59 =	vld.idx.msk [tilespmem:v52+s3+$0x0], $0xffff  }
0x306: {  	v55 =	vadd.s32 v6, v49;
	v61 =	vld.idx.msk [tilespmem:v54+s3+$0x0], $0xffff;
	vm14 =	vge.f32 v12, v21;
	v12 =	vnsel vm13, $0x1D, v50  }
0x307: {  	vm11 =	vge.f32 v25, v43;
	v60 =	vadd.s32 v6, v12;
	v62 =	vsel vm14, $0x1, v2  }
0x308: {  	vm2 =	vge.f32 v13, v23;
	vm15 =	vge.f32 v11, v27;
	vm4 =	vge.f32 v15, v29;
	v11 =	vld.idx.msk [tilespmem:v53+s3+$0x0], $0xffff  }
0x309: {  	vm7 =	vge.f32 v16, v34;
	vm8 =	vge.f32 v17, v35;
	vm9 =	vge.f32 v20, v37  }
0x30a: {  	vm10 =	vge.f32 v24, v42;
	vm6 =	vge.f32 v28, v48;
	vm5 =	vge.f32 v32, v51  }
0x30b: {  	vm3 =	vge.f32 v33, v59;
	vm13 =	vge.f32 v41, v61;
	v63 =	vsel vm2, $0x1, v2  }
0x30c: {  	v25 =	vsel vm15, $0x1, v2;
	v27 =	vsel vm4, $0x1, v2;
	v28 =	vsel vm7, $0x1, v2  }
0x30d: {  	v29 =	vsel vm8, $0x1, v2;
	vm12 =	vge.f32 v38, v11;
	v11 =	vor.u32 v62, v7  }
0x30e: {  	v42 =	vsel vm6, $0x1, v2;
	v13 =	vor.u32 v27, v7;
	v9 =	vadd.s32 v9, v11  }
0x30f: {  	v33 =	vsel vm9, $0x1, v2;
	v48 =	vor.u32 v42, v7;
	v13 =	vadd.s32 v18, v13  }
0x310: {  	v24 =	vld.idx.msk [tilespmem:v55+s3+$0x0], $0xffff;
	v55 =	vsel vm13, $0x1, v2;
	v51 =	vadd.s32 v36, v48;
	v11 =	vor.u32 v63, v7  }
0x311: {  	v32 =	vor.u32 v28, v7;
	v10 =	vadd.s32 v10, v11;
	v11 =	vor.u32 v25, v7  }
0x312: {  	v34 =	vor.u32 v29, v7;
	v37 =	vor.u32 v33, v7;
	v15 =	vld.idx.msk [tilespmem:v60+s3+$0x0], $0xffff;
	v11 =	vadd.s32 v14, v11  }
0x313: {  	v35 =	vsel vm10, $0x1, v2;
	v58 =	vor.u32 v55, v7;
	[tilespmem:v9+s26+$0x0] =	vst.idx.add.f32.msk $0xffff, v3;
	v9 =	vadd.s32 v22, v34  }
0x314: {  	v50 =	vsel vm3, $0x1, v2;
	v41 =	vor.u32 v35, v7;
	v59 =	vadd.s32 v47, v58;
	[tilespmem:v13+s26+$0x0] =	vst.idx.add.f32.msk $0xffff, v3  }
0x315: {  	v54 =	vor.u32 v50, v7;
	v14 =	vadd.s32 v19, v32;
	[tilespmem:v51+s26+$0x0] =	vst.idx.add.f32.msk $0xffff, v3  }
0x316: {  	vm14 =	vge.f32 v44, v24;
	v44 =	vsel vm5, $0x1, v2;
	[tilespmem:v10+s26+$0x0] =	vst.idx.add.f32.msk $0xffff, v3;
	v10 =	vadd.s32 v26, v37  }
0x317: {  	v52 =	vor.u32 v44, v7;
	v57 =	vsel vm14, $0x1, v2;
	[tilespmem:v11+s26+$0x0] =	vst.idx.add.f32.msk $0xffff, v3;
	v11 =	vadd.s32 v30, v41  }
0x318: {  	v38 =	vsel vm11, $0x1, v2;
	v60 =	vor.u32 v57, v7;
	[tilespmem:v9+s26+$0x0] =	vst.idx.add.f32.msk $0xffff, v3;
	v9 =	vadd.s32 v39, v52  }
0x319: {  	v43 =	vor.u32 v38, v7;
	v62 =	vadd.s32 v49, v60;
	[tilespmem:v59+s26+$0x0] =	vst.idx.add.f32.msk $0xffff, v3  }
0x31a: {  	v53 =	vsel vm12, $0x1, v2;
	vm15 =	vge.f32 v46, v15;
	v46 =	vadd.s32 v31, v43;
	[tilespmem:v14+s26+$0x0] =	vst.idx.add.f32.msk $0xffff, v3  }
0x31b: {  	v56 =	vor.u32 v53, v7;
	v61 =	vsel vm15, $0x1, v2;
	[tilespmem:v10+s26+$0x0] =	vst.idx.add.f32.msk $0xffff, v3;
	v10 =	vadd.s32 v40, v54  }
0x31c: {  	v63 =	vor.u32 v61, v7;
	[tilespmem:v11+s26+$0x0] =	vst.idx.add.f32.msk $0xffff, v3;
	v11 =	vadd.s32 v45, v56  }
0x31d: {  	p2 =	por p1, p1;
	[tilespmem:v9+s26+$0x0] =	vst.idx.add.f32.msk $0xffff, v3;
	v9 =	vadd.s32 v12, v63  }
.Ltmp16:
0x31e: {  	[tilespmem:v62+s26+$0x0] =	vst.idx.add.f32.msk $0xffff, v3;
	(pc) =	sbr.rel @p2 .LBB2_31-.Ltmp16, $4  }
0x31f: {  	[tilespmem:v46+s26+$0x0] =	vst.idx.add.f32.msk $0xffff, v3  }
0x320: {  	[tilespmem:v10+s26+$0x0] =	vst.idx.add.f32.msk $0xffff, v3  }
0x321: {  	[tilespmem:v11+s26+$0x0] =	vst.idx.add.f32.msk $0xffff, v3  }
0x322: {  	p1 =	por $0x0, $0x0;
	s1 =	simm.s32 $0x10000;
	[tilespmem:v9+s26+$0x0] =	vst.idx.add.f32.msk $0xffff, v3  }
0x323: {  	p1 =	slt.u32 s0, $0x3E  }
.Ltmp17:
0x324: {  	_ = 	snop;
	(pc) =	sbr.rel @p1 .LBB2_28-.Ltmp17, $3  }
0x325: {  	_ =	sdelay $0x1  }
0x326: {  	s1 =	sadd.s32 $0x2, s0  }
0x327: {  	s0 =	smov.u32 s1  }
.Ltmp18:
0x328: {  	(pc) =	sbr.rel @p0 .LBB2_35-.Ltmp18, $1  }
0x329: {  	_ =	sdelay $0x3  }
.Ltmp19:
0x32a: {  	(pc) =	sbr.rel .LBB2_21-.Ltmp19, $3  }
0x32b: {  	_ =	sdelay $0x1  }
0x32c: {  	s0 =	sadd.s32 s31, s17;
	s30 =	sadd.s32 $0x1, s30  }
0x32d: {  	[tilespmem:s24], [sflag:$0x2] =	stream.linear.gather [hbm4b:s0+s3], $0x8000, $0x38;
	[tilespmem:$0x1FC00] =	vst v63  }
.LBB2_36:
0x32e: {  	_ =	sfence.sel $0x180000  }
0x32f: {  	[bflag:$0x0] =	sbarrier.arrive $0xFFFF  }
0x330: {  	_ =	strace $0x9000004A  }
0x331: {  	s0 =	stileid.u32;
	[bflag:$0x2] =	sbarrier.arrive $0xFFFF  }
0x332: {  	p0 =	sne.s32 s0, $0x0;
	s0 =	rddreg [dreg:$0x4]  }
0x333: {  	s0 =	sadd.s32 @!p0 $0x100000, s0  }
0x334: {  	[sflag:s0] =	ssyncadd.tile.s32 @!p0 $0x1;
	_ =	shalt  }
.Lfunc_end2:
_tile_overlayer_lowered:
.L_overlay_start_2:
0x335: {  	(tag) =	ssettag $0x2  }
0x336: {  	s0 =	rddreg [dreg:$0x0];
	s2 =	stileid.u32  }
0x337: {  	s1 =	rddreg [dreg:$0x1];
	p0 =	sne.s32 s2, $0x0  }
0x338: {  	s3 =	rddreg [dreg:$0x2];
	[bflag:$0x3] =	sbarrier.arrive $0xFFFF;
	s2 =	simm.s32 @!p0 $0x1C03  }
0x339: {  	[timem:s3], [sflag:s2] =	dma.local @!p0 [hbm:s0], s1  }
0x33a: {  	s0 =	simm.s32 @!p0 $0x3  }
0x33b: {  	_ =	swait.ge @!p0 [sflag:s0], s1  }
0x33c: {  	s1 =	ssub.s32 @!p0 $0x0, s1;
	[sflag:s0] =	ssyncset.done @!p0 $0x0  }
0x33d: {  	[sflag:s0] =	ssyncadd.s32 @!p0 s1  }
0x33e: {  	[bflag:$0x3] =	sbarrier.arrive $0xFFFF  }
0x33f: {  	_ =	shalt  }

</sc_bundles>
